<compile_context>
chip_gen: v7x
topology: tpu7x:2x2x1
jax: 0.10.2.dev20260603
libtpu: 0.0.44.dev20260713+nightly
codegen_flags: <defaults>
</compile_context>

<pallas_src>
import jax
import jax.numpy as jnp
from jax import lax
from jax.experimental import pallas as pl
from jax.experimental.pallas import tpu as pltpu
from jax.experimental.pallas import tpu_sc as plsc

_PROJ = 64
_DEPTH = 20
_L = 16
_PAD = 32
_TILE = 128
_SPLIT = 8
_MAXFETCH = 1 + (_DEPTH - _SPLIT)


def _bf16_trunc(v):
    b = plsc.bitcast(v, jnp.uint32)
    r = b + jnp.uint32(0x7FFF) + ((b >> jnp.uint32(16)) & jnp.uint32(1))
    return plsc.bitcast(r & jnp.uint32(0xFFFF0000), jnp.float32)


def _sc_body(x_idx_hbm, dir_hbm, label_hbm, e1t_hbm, e2t_hbm,
             out_hbm, tgt_hbm,
             xs, dsm, lv, blocks, outv, tgtv,
             sem0, sem1, sem2):
    cid = lax.axis_index("c")
    sid = lax.axis_index("s")

    def half(lo, hi):
        cp_x = pltpu.async_copy(x_idx_hbm, xs.at[pl.ds(0, 1)], sem0)
        cp_d = pltpu.async_copy(dir_hbm, dsm.at[pl.ds(0, _DEPTH)], sem1)
        cp_l = pltpu.async_copy(label_hbm.at[0], lv.at[pl.ds(0, _DEPTH)], sem2)
        cp_x.wait()
        cp_d.wait()

        x0 = xs[pl.ds(0, _L)][0]
        d_off, d_col = {}, {}
        for c in range(_PAD // _L):
            if not any(lo <= i < hi for i in range(c * _L, (c + 1) * _L)):
                continue
            dvec = dsm[pl.ds(c * _L, _L)]
            ovec = (dvec >> jnp.int32(7)) << jnp.int32(7)
            cvec = dvec & jnp.int32(_TILE - 1)
            for j in range(_L):
                i = c * _L + j
                if lo <= i < hi:
                    d_off[i] = ovec[j]
                    d_col[i] = cvec[j]

        fetches = [(e1t_hbm, (x0 >> jnp.int32(7)) << jnp.int32(7),
                    x0 & jnp.int32(_TILE - 1))]
        fetches += [(e2t_hbm, d_off[i], d_col[i]) for i in range(lo, hi)]

        cps = [
            pltpu.async_copy(src.at[:, pl.ds(pl.multiple_of(off, _TILE),
                                             _TILE)],
                             blocks.at[slot], sem1)
            for slot, (src, off, _) in enumerate(fetches)
        ]
        for cp in cps:
            cp.wait()

        rows = [lax.iota(jnp.int32, _L) + jnp.int32(k * _L)
                for k in range(_PROJ // _L)]
        lanes = lax.iota(jnp.int32, _L)

        def extract_column(slot, col):
            cvec = jnp.full((_L,), col, jnp.int32)
            svec = jnp.full((_L,), slot, jnp.int32)
            return [_bf16_trunc(plsc.load_gather(blocks, [svec, rows[k], cvec]))
                    for k in range(_PROJ // _L)]

        proj = extract_column(0, fetches[0][2])
        acc = [jnp.zeros((_L,), jnp.float32) for _ in range(_PAD // _L)]
        for slot, i in enumerate(range(lo, hi), start=1):
            chunks = extract_column(slot, fetches[slot][2])
            d = proj[0] * chunks[0]
            for k in range(1, _PROJ // _L):
                d = d + proj[k] * chunks[k]
            s = jnp.sum(d)
            acc[i // _L] = jnp.where(lanes == (i % _L), s, acc[i // _L])

        cp_l.wait()
        for c in range(_PAD // _L):
            if not any(lo <= i < hi for i in range(c * _L, (c + 1) * _L)):
                continue
            out = 1.0 / (1.0 + jnp.exp(-acc[c]))
            mask = jnp.where(out >= 0.5, 1, 0)
            lab = lv[pl.ds(c * _L, _L)]
            tgt = jnp.where(mask == lab, 1, 0)
            outv[pl.ds(c * _L, _L)] = out
            tgtv[pl.ds(c * _L, _L)] = tgt

        n = hi - lo
        cp_o = pltpu.async_copy(outv.at[pl.ds(lo, n)],
                                out_hbm.at[0].at[pl.ds(lo, n)], sem0)
        cp_t = pltpu.async_copy(tgtv.at[pl.ds(lo, n)],
                                tgt_hbm.at[0].at[pl.ds(lo, n)], sem2)
        cp_o.wait()
        cp_t.wait()

    @pl.when(jnp.logical_and(cid == 0, sid == 0))
    def _():
        half(0, _SPLIT)

    @pl.when(jnp.logical_and(cid == 1, sid == 0))
    def _():
        half(_SPLIT, _DEPTH)


def _compiler_params():
    return pltpu.CompilerParams(needs_layout_passes=False,
                                disable_bounds_checks=True,
                                disable_semaphore_checks=True)


def _run(x_idx, dir_path, label, emb1_t, emb2_t):
    call = pl.kernel(
        _sc_body,
        compiler_params=_compiler_params(),
        out_type=(jax.ShapeDtypeStruct((1, _DEPTH), jnp.float32),
                  jax.ShapeDtypeStruct((1, _DEPTH), jnp.int32)),
        mesh=plsc.VectorSubcoreMesh(core_axis_name="c", subcore_axis_name="s",
                                    num_cores=2, num_subcores=16),
        scratch_types=[
            pltpu.VMEM((_L,), jnp.int32),
            pltpu.VMEM((_PAD,), jnp.int32),
            pltpu.VMEM((_PAD,), jnp.int32),
            pltpu.VMEM((_MAXFETCH, _PROJ, _TILE), jnp.float32),
            pltpu.VMEM((_PAD,), jnp.float32),
            pltpu.VMEM((_PAD,), jnp.int32),
            pltpu.SemaphoreType.DMA,
            pltpu.SemaphoreType.DMA,
            pltpu.SemaphoreType.DMA,
        ],
    )
    return call(x_idx, dir_path, label, emb1_t, emb2_t)


def kernel(x_idx, dir_path, label, emb1, emb2):
    out, tgt = _run(x_idx.astype(jnp.int32), dir_path.astype(jnp.int32),
                    label.astype(jnp.int32), emb1.T, emb2.T)
    return (out, tgt.astype(label.dtype))

# --- scband reference (transcript-rebuilt; emitter-appended) ---
"""Pipeline reference for scband-skip-gram-with-hierarchy-1417339208124 (READ-ONLY COPY).

The authoritative reference and input builder live on the scoring server;
editing this copy changes nothing except your own understanding.
"""

import jax, jax.numpy as jnp
import numpy as np

VOCAB = 1000000
PROJ = 64
DEPTH = 20

def setup_inputs(seed: int = 0) -> dict:
    key = jax.random.key(seed)
    k1, k2, k3, k4, k5 = jax.random.split(key, 5)
    x_idx = jax.random.randint(k1, (1,), 0, VOCAB)
    dir_path = jax.random.randint(k2, (DEPTH,), 0, VOCAB - 1)
    label = jax.random.randint(k3, (1, DEPTH), 0, 2)
    # embedding_1: (vocab_size + 1, projection_layer), padding_idx = vocab_size (zero row)
    emb1 = jax.random.normal(k4, (VOCAB + 1, PROJ), dtype=jnp.float32)
    emb1 = emb1.at[VOCAB].set(0.0)
    # embedding_2: (vocab_size - 1, projection_layer) -- inner-node vectors of the hierarchy tree
    emb2 = jax.random.normal(k5, (VOCAB - 1, PROJ), dtype=jnp.float32)
    return {"x_idx": x_idx, "dir_path": dir_path, "label": label, "emb1": emb1, "emb2": emb2}

def reference(x_idx, dir_path, label, emb1, emb2):
    # forward_step: gather center-word vector and hierarchy node vectors
    proj = jnp.take(emb1, x_idx, axis=0)            # [1, PROJ]
    hierarchy_vectors = jnp.take(emb2, dir_path, axis=0)  # [DEPTH, PROJ]
    output = jnp.matmul(proj, hierarchy_vectors.T)  # [1, DEPTH]
    output = jax.nn.sigmoid(output)
    # forward: build target via mask == label
    mask = jnp.where(output >= 0.5, 1.0, 0.0)       # [1, DEPTH] float
    target = jnp.where(mask == label.astype(mask.dtype), 1, 0).astype(label.dtype)  # [1, DEPTH]
    return (output, target)

if __name__ == "__main__":
    import jax
    _d = setup_inputs()
    print(jax.jit(kernel)(*tuple(_d.values())))

</pallas_src>

<mosaic_0001>
#map = affine_map<(d0, d1) -> (0)>
#map1 = affine_map<(d0, d1) -> (0, 0)>
module attributes {stable_mosaic.version = 14 : i64} {
  func.func @_sc_body(%arg0: i32, %arg1: i32, %arg2: memref<1xi32, #tpu.memory_space<hbm>>, %arg3: memref<20xi32, #tpu.memory_space<hbm>>, %arg4: memref<1x20xi32, #tpu.memory_space<hbm>>, %arg5: memref<64x1000001xf32, #tpu.memory_space<hbm>>, %arg6: memref<64x999999xf32, #tpu.memory_space<hbm>>, %arg7: memref<1x20xf32, #tpu.memory_space<hbm>>, %arg8: memref<1x20xi32, #tpu.memory_space<hbm>>, %arg9: memref<16xi32, #tpu.memory_space<vmem>>, %arg10: memref<32xi32, #tpu.memory_space<vmem>>, %arg11: memref<32xi32, #tpu.memory_space<vmem>>, %arg12: memref<13x64x128xf32, #tpu.memory_space<vmem>>, %arg13: memref<32xf32, #tpu.memory_space<vmem>>, %arg14: memref<32xi32, #tpu.memory_space<vmem>>, %arg15: memref<!tpu.dma_semaphore, #tpu.memory_space<semaphore_mem>>, %arg16: memref<!tpu.dma_semaphore, #tpu.memory_space<semaphore_mem>>, %arg17: memref<!tpu.dma_semaphore, #tpu.memory_space<semaphore_mem>>) attributes {dimension_semantics = [#tpu.dimension_semantics<core_parallel>, #tpu.dimension_semantics<subcore_parallel>], iteration_bounds = array<i64: 2, 16>, scalar_prefetch = 0 : i64, scratch_operands = 9 : i64, tpu.core_type = #tpu.core_type<sc_vector_subcore>, window_params = [{transform_indices = #map}, {transform_indices = #map}, {transform_indices = #map1}, {transform_indices = #map1}, {transform_indices = #map1}, {transform_indices = #map1}, {transform_indices = #map1}]} {
    %eq3A = arith.constant 0 : i32
    %eq3A_0 = arith.cmpi eq, %arg0, %eq3A : i32
    %eq3A_1 = arith.constant 0 : i32
    %eq3A_2 = arith.cmpi eq, %arg1, %eq3A_1 : i32
    %and3A = arith.andi %eq3A_0, %eq3A_2 : i1
    %convert_element_type3A = arith.extui %and3A : i1 to i32
    %cond3A = arith.constant 0 : i32
    %cond3A_3 = arith.cmpi ne, %convert_element_type3A, %cond3A : i32
    scf.if %cond3A_3 {
      %dma_start3A = arith.constant 0 : i32
      %dma_start3A_12 = tpu.memref_slice %arg9[%dma_start3A] : memref<16xi32, #tpu.memory_space<vmem>> -> memref<1xi32, #tpu.memory_space<vmem>>
      %dma_start3A_13 = arith.constant 0 : i32
      %dma_start3A_14 = tpu.memref_slice %arg9[%dma_start3A_13] : memref<16xi32, #tpu.memory_space<vmem>> -> memref<1xi32, #tpu.memory_space<vmem>>
      tpu.enqueue_dma source(%arg2 : memref<1xi32, #tpu.memory_space<hbm>>) target(%dma_start3A_14 : memref<1xi32, #tpu.memory_space<vmem>>) target_semaphore(%arg15 : memref<!tpu.dma_semaphore, #tpu.memory_space<semaphore_mem>>)
      %dma_start3A_15 = arith.constant 0 : i32
      %dma_start3A_16 = tpu.memref_slice %arg10[%dma_start3A_15] : memref<32xi32, #tpu.memory_space<vmem>> -> memref<20xi32, #tpu.memory_space<vmem>>
      %dma_start3A_17 = arith.constant 0 : i32
      %dma_start3A_18 = tpu.memref_slice %arg10[%dma_start3A_17] : memref<32xi32, #tpu.memory_space<vmem>> -> memref<20xi32, #tpu.memory_space<vmem>>
      tpu.enqueue_dma source(%arg3 : memref<20xi32, #tpu.memory_space<hbm>>) target(%dma_start3A_18 : memref<20xi32, #tpu.memory_space<vmem>>) target_semaphore(%arg16 : memref<!tpu.dma_semaphore, #tpu.memory_space<semaphore_mem>>)
      %dma_start3A_19 = arith.constant 0 : i32
      %dma_start3A_20 = arith.constant 0 : i32
      %dma_start3A_21 = tpu.memref_slice %arg11[%dma_start3A_20] : memref<32xi32, #tpu.memory_space<vmem>> -> memref<20xi32, #tpu.memory_space<vmem>>
      %dma_start3A_22 = arith.constant 0 : i32
      %dma_start3A_23 = tpu.memref_slice %arg4[%dma_start3A_19, %dma_start3A_22] : memref<1x20xi32, #tpu.memory_space<hbm>> -> memref<1x20xi32, #tpu.memory_space<hbm>>
      %dma_start3A_24 = tpu.memref_squeeze %dma_start3A_23 : memref<1x20xi32, #tpu.memory_space<hbm>> -> memref<20xi32, #tpu.memory_space<hbm>>
      %dma_start3A_25 = arith.constant 0 : i32
      %dma_start3A_26 = tpu.memref_slice %arg11[%dma_start3A_25] : memref<32xi32, #tpu.memory_space<vmem>> -> memref<20xi32, #tpu.memory_space<vmem>>
      %dma_start3A_27 = arith.constant 0 : i32
      %dma_start3A_28 = tpu.memref_slice %arg4[%dma_start3A_19, %dma_start3A_27] : memref<1x20xi32, #tpu.memory_space<hbm>> -> memref<1x20xi32, #tpu.memory_space<hbm>>
      %dma_start3A_29 = tpu.memref_squeeze %dma_start3A_28 : memref<1x20xi32, #tpu.memory_space<hbm>> -> memref<20xi32, #tpu.memory_space<hbm>>
      tpu.enqueue_dma source(%dma_start3A_29 : memref<20xi32, #tpu.memory_space<hbm>>) target(%dma_start3A_26 : memref<20xi32, #tpu.memory_space<vmem>>) target_semaphore(%arg17 : memref<!tpu.dma_semaphore, #tpu.memory_space<semaphore_mem>>)
      %dma_wait3A = arith.constant 0 : i32
      %dma_wait3A_30 = tpu.memref_slice %arg9[%dma_wait3A] : memref<16xi32, #tpu.memory_space<vmem>> -> memref<1xi32, #tpu.memory_space<vmem>>
      %dma_wait3A_31 = arith.constant 0 : i32
      %dma_wait3A_32 = tpu.memref_slice %arg9[%dma_wait3A_31] : memref<16xi32, #tpu.memory_space<vmem>> -> memref<1xi32, #tpu.memory_space<vmem>>
      tpu.wait_dma2 semaphore(%arg15 : memref<!tpu.dma_semaphore, #tpu.memory_space<semaphore_mem>>) src(%arg2 : memref<1xi32, #tpu.memory_space<hbm>>) dst(%dma_wait3A_32 : memref<1xi32, #tpu.memory_space<vmem>>)
      %dma_wait3A_33 = arith.constant 0 : i32
      %dma_wait3A_34 = tpu.memref_slice %arg10[%dma_wait3A_33] : memref<32xi32, #tpu.memory_space<vmem>> -> memref<20xi32, #tpu.memory_space<vmem>>
      %dma_wait3A_35 = arith.constant 0 : i32
      %dma_wait3A_36 = tpu.memref_slice %arg10[%dma_wait3A_35] : memref<32xi32, #tpu.memory_space<vmem>> -> memref<20xi32, #tpu.memory_space<vmem>>
      tpu.wait_dma2 semaphore(%arg16 : memref<!tpu.dma_semaphore, #tpu.memory_space<semaphore_mem>>) src(%arg3 : memref<20xi32, #tpu.memory_space<hbm>>) dst(%dma_wait3A_36 : memref<20xi32, #tpu.memory_space<vmem>>)
      %get3A = arith.constant 0 : index
      %get3A_37 = tpu.vector_load %arg9[%get3A] {strides = array<i32>} : memref<16xi32, #tpu.memory_space<vmem>>, vector<16xi32>,
      %slice3A = vector.extract_strided_slice %get3A_37 {offsets = [0], sizes = [1], strides = [1]} : vector<16xi32> to vector<1xi32>
      %squeeze3A = vector.extract %slice3A[0] : i32 from vector<1xi32>
      %get3A_38 = arith.constant 0 : index
      %get3A_39 = tpu.vector_load %arg10[%get3A_38] {strides = array<i32>} : memref<32xi32, #tpu.memory_space<vmem>>, vector<16xi32>,
      %shift_right_arithmetic3A = arith.constant 7 : i32
      %shift_right_arithmetic3A_40 = vector.broadcast %shift_right_arithmetic3A : i32 to vector<16xi32>
      %shift_right_arithmetic3A_41 = arith.shrsi %get3A_39, %shift_right_arithmetic3A_40 : vector<16xi32>
      %shift_left3A = arith.constant 7 : i32
      %shift_left3A_42 = vector.broadcast %shift_left3A : i32 to vector<16xi32>
      %shift_left3A_43 = arith.shli %shift_right_arithmetic3A_41, %shift_left3A_42 : vector<16xi32>
      %and3A_44 = arith.constant 127 : i32
      %and3A_45 = vector.broadcast %and3A_44 : i32 to vector<16xi32>
      %and3A_46 = arith.andi %get3A_39, %and3A_45 : vector<16xi32>
      %slice3A_47 = vector.extract_strided_slice %shift_left3A_43 {offsets = [0], sizes = [1], strides = [1]} : vector<16xi32> to vector<1xi32>
      %squeeze3A_48 = vector.extract %slice3A_47[0] : i32 from vector<1xi32>
      %slice3A_49 = vector.extract_strided_slice %and3A_46 {offsets = [0], sizes = [1], strides = [1]} : vector<16xi32> to vector<1xi32>
      %squeeze3A_50 = vector.extract %slice3A_49[0] : i32 from vector<1xi32>
      %slice3A_51 = vector.extract_strided_slice %shift_left3A_43 {offsets = [1], sizes = [1], strides = [1]} : vector<16xi32> to vector<1xi32>
      %squeeze3A_52 = vector.extract %slice3A_51[0] : i32 from vector<1xi32>
      %slice3A_53 = vector.extract_strided_slice %and3A_46 {offsets = [1], sizes = [1], strides = [1]} : vector<16xi32> to vector<1xi32>
      %squeeze3A_54 = vector.extract %slice3A_53[0] : i32 from vector<1xi32>
      %slice3A_55 = vector.extract_strided_slice %shift_left3A_43 {offsets = [2], sizes = [1], strides = [1]} : vector<16xi32> to vector<1xi32>
      %squeeze3A_56 = vector.extract %slice3A_55[0] : i32 from vector<1xi32>
      %slice3A_57 = vector.extract_strided_slice %and3A_46 {offsets = [2], sizes = [1], strides = [1]} : vector<16xi32> to vector<1xi32>
      %squeeze3A_58 = vector.extract %slice3A_57[0] : i32 from vector<1xi32>
      %slice3A_59 = vector.extract_strided_slice %shift_left3A_43 {offsets = [3], sizes = [1], strides = [1]} : vector<16xi32> to vector<1xi32>
      %squeeze3A_60 = vector.extract %slice3A_59[0] : i32 from vector<1xi32>
      %slice3A_61 = vector.extract_strided_slice %and3A_46 {offsets = [3], sizes = [1], strides = [1]} : vector<16xi32> to vector<1xi32>
      %squeeze3A_62 = vector.extract %slice3A_61[0] : i32 from vector<1xi32>
      %slice3A_63 = vector.extract_strided_slice %shift_left3A_43 {offsets = [4], sizes = [1], strides = [1]} : vector<16xi32> to vector<1xi32>
      %squeeze3A_64 = vector.extract %slice3A_63[0] : i32 from vector<1xi32>
      %slice3A_65 = vector.extract_strided_slice %and3A_46 {offsets = [4], sizes = [1], strides = [1]} : vector<16xi32> to vector<1xi32>
      %squeeze3A_66 = vector.extract %slice3A_65[0] : i32 from vector<1xi32>
      %slice3A_67 = vector.extract_strided_slice %shift_left3A_43 {offsets = [5], sizes = [1], strides = [1]} : vector<16xi32> to vector<1xi32>
      %squeeze3A_68 = vector.extract %slice3A_67[0] : i32 from vector<1xi32>
      %slice3A_69 = vector.extract_strided_slice %and3A_46 {offsets = [5], sizes = [1], strides = [1]} : vector<16xi32> to vector<1xi32>
      %squeeze3A_70 = vector.extract %slice3A_69[0] : i32 from vector<1xi32>
      %slice3A_71 = vector.extract_strided_slice %shift_left3A_43 {offsets = [6], sizes = [1], strides = [1]} : vector<16xi32> to vector<1xi32>
      %squeeze3A_72 = vector.extract %slice3A_71[0] : i32 from vector<1xi32>
      %slice3A_73 = vector.extract_strided_slice %and3A_46 {offsets = [6], sizes = [1], strides = [1]} : vector<16xi32> to vector<1xi32>
      %squeeze3A_74 = vector.extract %slice3A_73[0] : i32 from vector<1xi32>
      %slice3A_75 = vector.extract_strided_slice %shift_left3A_43 {offsets = [7], sizes = [1], strides = [1]} : vector<16xi32> to vector<1xi32>
      %squeeze3A_76 = vector.extract %slice3A_75[0] : i32 from vector<1xi32>
      %slice3A_77 = vector.extract_strided_slice %and3A_46 {offsets = [7], sizes = [1], strides = [1]} : vector<16xi32> to vector<1xi32>
      %squeeze3A_78 = vector.extract %slice3A_77[0] : i32 from vector<1xi32>
      %shift_right_arithmetic3A_79 = arith.constant 7 : i32
      %shift_right_arithmetic3A_80 = arith.shrsi %squeeze3A, %shift_right_arithmetic3A_79 : i32
      %shift_left3A_81 = arith.constant 7 : i32
      %shift_left3A_82 = arith.shli %shift_right_arithmetic3A_80, %shift_left3A_81 : i32
      %and3A_83 = arith.constant 127 : i32
      %and3A_84 = arith.andi %squeeze3A, %and3A_83 : i32
      %multiple_of3A = tpu.assume_multiple %shift_left3A_82, 128 : i32
      %dma_start3A_85 = arith.constant 0 : i32
      %dma_start3A_86 = arith.constant 0 : i32
      %dma_start3A_87 = arith.constant 0 : i32
      %dma_start3A_88 = tpu.memref_slice %arg12[%dma_start3A_85, %dma_start3A_86, %dma_start3A_87] : memref<13x64x128xf32, #tpu.memory_space<vmem>> -> memref<1x64x128xf32, #tpu.memory_space<vmem>>
      %dma_start3A_89 = tpu.memref_squeeze %dma_start3A_88 : memref<1x64x128xf32, #tpu.memory_space<vmem>> -> memref<64x128xf32, #tpu.memory_space<vmem>>
      %dma_start3A_90 = arith.constant 0 : i32
      %dma_start3A_91 = tpu.memref_slice %arg5[%dma_start3A_90, %multiple_of3A] : memref<64x1000001xf32, #tpu.memory_space<hbm>> -> memref<64x128xf32, #tpu.memory_space<hbm>>
      %dma_start3A_92 = arith.constant 0 : i32
      %dma_start3A_93 = arith.constant 0 : i32
      %dma_start3A_94 = tpu.memref_slice %arg12[%dma_start3A_85, %dma_start3A_92, %dma_start3A_93] : memref<13x64x128xf32, #tpu.memory_space<vmem>> -> memref<1x64x128xf32, #tpu.memory_space<vmem>>
      %dma_start3A_95 = tpu.memref_squeeze %dma_start3A_94 : memref<1x64x128xf32, #tpu.memory_space<vmem>> -> memref<64x128xf32, #tpu.memory_space<vmem>>
      %dma_start3A_96 = arith.constant 0 : i32
      %dma_start3A_97 = tpu.memref_slice %arg5[%dma_start3A_96, %multiple_of3A] : memref<64x1000001xf32, #tpu.memory_space<hbm>> -> memref<64x128xf32, #tpu.memory_space<hbm>>
      tpu.enqueue_dma source(%dma_start3A_97 : memref<64x128xf32, #tpu.memory_space<hbm>>) target(%dma_start3A_95 : memref<64x128xf32, #tpu.memory_space<vmem>>) target_semaphore(%arg16 : memref<!tpu.dma_semaphore, #tpu.memory_space<semaphore_mem>>)
      %multiple_of3A_98 = tpu.assume_multiple %squeeze3A_48, 128 : i32
      %dma_start3A_99 = arith.constant 1 : i32
      %dma_start3A_100 = arith.constant 0 : i32
      %dma_start3A_101 = arith.constant 0 : i32
      %dma_start3A_102 = tpu.memref_slice %arg12[%dma_start3A_99, %dma_start3A_100, %dma_start3A_101] : memref<13x64x128xf32, #tpu.memory_space<vmem>> -> memref<1x64x128xf32, #tpu.memory_space<vmem>>
      %dma_start3A_103 = tpu.memref_squeeze %dma_start3A_102 : memref<1x64x128xf32, #tpu.memory_space<vmem>> -> memref<64x128xf32, #tpu.memory_space<vmem>>
      %dma_start3A_104 = arith.constant 0 : i32
      %dma_start3A_105 = tpu.memref_slice %arg6[%dma_start3A_104, %multiple_of3A_98] : memref<64x999999xf32, #tpu.memory_space<hbm>> -> memref<64x128xf32, #tpu.memory_space<hbm>>
      %dma_start3A_106 = arith.constant 0 : i32
      %dma_start3A_107 = arith.constant 0 : i32
      %dma_start3A_108 = tpu.memref_slice %arg12[%dma_start3A_99, %dma_start3A_106, %dma_start3A_107] : memref<13x64x128xf32, #tpu.memory_space<vmem>> -> memref<1x64x128xf32, #tpu.memory_space<vmem>>
      %dma_start3A_109 = tpu.memref_squeeze %dma_start3A_108 : memref<1x64x128xf32, #tpu.memory_space<vmem>> -> memref<64x128xf32, #tpu.memory_space<vmem>>
      %dma_start3A_110 = arith.constant 0 : i32
      %dma_start3A_111 = tpu.memref_slice %arg6[%dma_start3A_110, %multiple_of3A_98] : memref<64x999999xf32, #tpu.memory_space<hbm>> -> memref<64x128xf32, #tpu.memory_space<hbm>>
      tpu.enqueue_dma source(%dma_start3A_111 : memref<64x128xf32, #tpu.memory_space<hbm>>) target(%dma_start3A_109 : memref<64x128xf32, #tpu.memory_space<vmem>>) target_semaphore(%arg16 : memref<!tpu.dma_semaphore, #tpu.memory_space<semaphore_mem>>)
      %multiple_of3A_112 = tpu.assume_multiple %squeeze3A_52, 128 : i32
      %dma_start3A_113 = arith.constant 2 : i32
      %dma_start3A_114 = arith.constant 0 : i32
      %dma_start3A_115 = arith.constant 0 : i32
      %dma_start3A_116 = tpu.memref_slice %arg12[%dma_start3A_113, %dma_start3A_114, %dma_start3A_115] : memref<13x64x128xf32, #tpu.memory_space<vmem>> -> memref<1x64x128xf32, #tpu.memory_space<vmem>>
      %dma_start3A_117 = tpu.memref_squeeze %dma_start3A_116 : memref<1x64x128xf32, #tpu.memory_space<vmem>> -> memref<64x128xf32, #tpu.memory_space<vmem>>
      %dma_start3A_118 = arith.constant 0 : i32
      %dma_start3A_119 = tpu.memref_slice %arg6[%dma_start3A_118, %multiple_of3A_112] : memref<64x999999xf32, #tpu.memory_space<hbm>> -> memref<64x128xf32, #tpu.memory_space<hbm>>
      %dma_start3A_120 = arith.constant 0 : i32
      %dma_start3A_121 = arith.constant 0 : i32
      %dma_start3A_122 = tpu.memref_slice %arg12[%dma_start3A_113, %dma_start3A_120, %dma_start3A_121] : memref<13x64x128xf32, #tpu.memory_space<vmem>> -> memref<1x64x128xf32, #tpu.memory_space<vmem>>
      %dma_start3A_123 = tpu.memref_squeeze %dma_start3A_122 : memref<1x64x128xf32, #tpu.memory_space<vmem>> -> memref<64x128xf32, #tpu.memory_space<vmem>>
      %dma_start3A_124 = arith.constant 0 : i32
      %dma_start3A_125 = tpu.memref_slice %arg6[%dma_start3A_124, %multiple_of3A_112] : memref<64x999999xf32, #tpu.memory_space<hbm>> -> memref<64x128xf32, #tpu.memory_space<hbm>>
      tpu.enqueue_dma source(%dma_start3A_125 : memref<64x128xf32, #tpu.memory_space<hbm>>) target(%dma_start3A_123 : memref<64x128xf32, #tpu.memory_space<vmem>>) target_semaphore(%arg16 : memref<!tpu.dma_semaphore, #tpu.memory_space<semaphore_mem>>)
      %multiple_of3A_126 = tpu.assume_multiple %squeeze3A_56, 128 : i32
      %dma_start3A_127 = arith.constant 3 : i32
      %dma_start3A_128 = arith.constant 0 : i32
      %dma_start3A_129 = arith.constant 0 : i32
      %dma_start3A_130 = tpu.memref_slice %arg12[%dma_start3A_127, %dma_start3A_128, %dma_start3A_129] : memref<13x64x128xf32, #tpu.memory_space<vmem>> -> memref<1x64x128xf32, #tpu.memory_space<vmem>>
      %dma_start3A_131 = tpu.memref_squeeze %dma_start3A_130 : memref<1x64x128xf32, #tpu.memory_space<vmem>> -> memref<64x128xf32, #tpu.memory_space<vmem>>
      %dma_start3A_132 = arith.constant 0 : i32
      %dma_start3A_133 = tpu.memref_slice %arg6[%dma_start3A_132, %multiple_of3A_126] : memref<64x999999xf32, #tpu.memory_space<hbm>> -> memref<64x128xf32, #tpu.memory_space<hbm>>
      %dma_start3A_134 = arith.constant 0 : i32
      %dma_start3A_135 = arith.constant 0 : i32
      %dma_start3A_136 = tpu.memref_slice %arg12[%dma_start3A_127, %dma_start3A_134, %dma_start3A_135] : memref<13x64x128xf32, #tpu.memory_space<vmem>> -> memref<1x64x128xf32, #tpu.memory_space<vmem>>
      %dma_start3A_137 = tpu.memref_squeeze %dma_start3A_136 : memref<1x64x128xf32, #tpu.memory_space<vmem>> -> memref<64x128xf32, #tpu.memory_space<vmem>>
      %dma_start3A_138 = arith.constant 0 : i32
      %dma_start3A_139 = tpu.memref_slice %arg6[%dma_start3A_138, %multiple_of3A_126] : memref<64x999999xf32, #tpu.memory_space<hbm>> -> memref<64x128xf32, #tpu.memory_space<hbm>>
      tpu.enqueue_dma source(%dma_start3A_139 : memref<64x128xf32, #tpu.memory_space<hbm>>) target(%dma_start3A_137 : memref<64x128xf32, #tpu.memory_space<vmem>>) target_semaphore(%arg16 : memref<!tpu.dma_semaphore, #tpu.memory_space<semaphore_mem>>)
      %multiple_of3A_140 = tpu.assume_multiple %squeeze3A_60, 128 : i32
      %dma_start3A_141 = arith.constant 4 : i32
      %dma_start3A_142 = arith.constant 0 : i32
      %dma_start3A_143 = arith.constant 0 : i32
      %dma_start3A_144 = tpu.memref_slice %arg12[%dma_start3A_141, %dma_start3A_142, %dma_start3A_143] : memref<13x64x128xf32, #tpu.memory_space<vmem>> -> memref<1x64x128xf32, #tpu.memory_space<vmem>>
      %dma_start3A_145 = tpu.memref_squeeze %dma_start3A_144 : memref<1x64x128xf32, #tpu.memory_space<vmem>> -> memref<64x128xf32, #tpu.memory_space<vmem>>
      %dma_start3A_146 = arith.constant 0 : i32
      %dma_start3A_147 = tpu.memref_slice %arg6[%dma_start3A_146, %multiple_of3A_140] : memref<64x999999xf32, #tpu.memory_space<hbm>> -> memref<64x128xf32, #tpu.memory_space<hbm>>
      %dma_start3A_148 = arith.constant 0 : i32
      %dma_start3A_149 = arith.constant 0 : i32
      %dma_start3A_150 = tpu.memref_slice %arg12[%dma_start3A_141, %dma_start3A_148, %dma_start3A_149] : memref<13x64x128xf32, #tpu.memory_space<vmem>> -> memref<1x64x128xf32, #tpu.memory_space<vmem>>
      %dma_start3A_151 = tpu.memref_squeeze %dma_start3A_150 : memref<1x64x128xf32, #tpu.memory_space<vmem>> -> memref<64x128xf32, #tpu.memory_space<vmem>>
      %dma_start3A_152 = arith.constant 0 : i32
      %dma_start3A_153 = tpu.memref_slice %arg6[%dma_start3A_152, %multiple_of3A_140] : memref<64x999999xf32, #tpu.memory_space<hbm>> -> memref<64x128xf32, #tpu.memory_space<hbm>>
      tpu.enqueue_dma source(%dma_start3A_153 : memref<64x128xf32, #tpu.memory_space<hbm>>) target(%dma_start3A_151 : memref<64x128xf32, #tpu.memory_space<vmem>>) target_semaphore(%arg16 : memref<!tpu.dma_semaphore, #tpu.memory_space<semaphore_mem>>)
      %multiple_of3A_154 = tpu.assume_multiple %squeeze3A_64, 128 : i32
      %dma_start3A_155 = arith.constant 5 : i32
      %dma_start3A_156 = arith.constant 0 : i32
      %dma_start3A_157 = arith.constant 0 : i32
      %dma_start3A_158 = tpu.memref_slice %arg12[%dma_start3A_155, %dma_start3A_156, %dma_start3A_157] : memref<13x64x128xf32, #tpu.memory_space<vmem>> -> memref<1x64x128xf32, #tpu.memory_space<vmem>>
      %dma_start3A_159 = tpu.memref_squeeze %dma_start3A_158 : memref<1x64x128xf32, #tpu.memory_space<vmem>> -> memref<64x128xf32, #tpu.memory_space<vmem>>
      %dma_start3A_160 = arith.constant 0 : i32
      %dma_start3A_161 = tpu.memref_slice %arg6[%dma_start3A_160, %multiple_of3A_154] : memref<64x999999xf32, #tpu.memory_space<hbm>> -> memref<64x128xf32, #tpu.memory_space<hbm>>
      %dma_start3A_162 = arith.constant 0 : i32
      %dma_start3A_163 = arith.constant 0 : i32
      %dma_start3A_164 = tpu.memref_slice %arg12[%dma_start3A_155, %dma_start3A_162, %dma_start3A_163] : memref<13x64x128xf32, #tpu.memory_space<vmem>> -> memref<1x64x128xf32, #tpu.memory_space<vmem>>
      %dma_start3A_165 = tpu.memref_squeeze %dma_start3A_164 : memref<1x64x128xf32, #tpu.memory_space<vmem>> -> memref<64x128xf32, #tpu.memory_space<vmem>>
      %dma_start3A_166 = arith.constant 0 : i32
      %dma_start3A_167 = tpu.memref_slice %arg6[%dma_start3A_166, %multiple_of3A_154] : memref<64x999999xf32, #tpu.memory_space<hbm>> -> memref<64x128xf32, #tpu.memory_space<hbm>>
      tpu.enqueue_dma source(%dma_start3A_167 : memref<64x128xf32, #tpu.memory_space<hbm>>) target(%dma_start3A_165 : memref<64x128xf32, #tpu.memory_space<vmem>>) target_semaphore(%arg16 : memref<!tpu.dma_semaphore, #tpu.memory_space<semaphore_mem>>)
      %multiple_of3A_168 = tpu.assume_multiple %squeeze3A_68, 128 : i32
      %dma_start3A_169 = arith.constant 6 : i32
      %dma_start3A_170 = arith.constant 0 : i32
      %dma_start3A_171 = arith.constant 0 : i32
      %dma_start3A_172 = tpu.memref_slice %arg12[%dma_start3A_169, %dma_start3A_170, %dma_start3A_171] : memref<13x64x128xf32, #tpu.memory_space<vmem>> -> memref<1x64x128xf32, #tpu.memory_space<vmem>>
      %dma_start3A_173 = tpu.memref_squeeze %dma_start3A_172 : memref<1x64x128xf32, #tpu.memory_space<vmem>> -> memref<64x128xf32, #tpu.memory_space<vmem>>
      %dma_start3A_174 = arith.constant 0 : i32
      %dma_start3A_175 = tpu.memref_slice %arg6[%dma_start3A_174, %multiple_of3A_168] : memref<64x999999xf32, #tpu.memory_space<hbm>> -> memref<64x128xf32, #tpu.memory_space<hbm>>
      %dma_start3A_176 = arith.constant 0 : i32
      %dma_start3A_177 = arith.constant 0 : i32
      %dma_start3A_178 = tpu.memref_slice %arg12[%dma_start3A_169, %dma_start3A_176, %dma_start3A_177] : memref<13x64x128xf32, #tpu.memory_space<vmem>> -> memref<1x64x128xf32, #tpu.memory_space<vmem>>
      %dma_start3A_179 = tpu.memref_squeeze %dma_start3A_178 : memref<1x64x128xf32, #tpu.memory_space<vmem>> -> memref<64x128xf32, #tpu.memory_space<vmem>>
      %dma_start3A_180 = arith.constant 0 : i32
      %dma_start3A_181 = tpu.memref_slice %arg6[%dma_start3A_180, %multiple_of3A_168] : memref<64x999999xf32, #tpu.memory_space<hbm>> -> memref<64x128xf32, #tpu.memory_space<hbm>>
      tpu.enqueue_dma source(%dma_start3A_181 : memref<64x128xf32, #tpu.memory_space<hbm>>) target(%dma_start3A_179 : memref<64x128xf32, #tpu.memory_space<vmem>>) target_semaphore(%arg16 : memref<!tpu.dma_semaphore, #tpu.memory_space<semaphore_mem>>)
      %multiple_of3A_182 = tpu.assume_multiple %squeeze3A_72, 128 : i32
      %dma_start3A_183 = arith.constant 7 : i32
      %dma_start3A_184 = arith.constant 0 : i32
      %dma_start3A_185 = arith.constant 0 : i32
      %dma_start3A_186 = tpu.memref_slice %arg12[%dma_start3A_183, %dma_start3A_184, %dma_start3A_185] : memref<13x64x128xf32, #tpu.memory_space<vmem>> -> memref<1x64x128xf32, #tpu.memory_space<vmem>>
      %dma_start3A_187 = tpu.memref_squeeze %dma_start3A_186 : memref<1x64x128xf32, #tpu.memory_space<vmem>> -> memref<64x128xf32, #tpu.memory_space<vmem>>
      %dma_start3A_188 = arith.constant 0 : i32
      %dma_start3A_189 = tpu.memref_slice %arg6[%dma_start3A_188, %multiple_of3A_182] : memref<64x999999xf32, #tpu.memory_space<hbm>> -> memref<64x128xf32, #tpu.memory_space<hbm>>
      %dma_start3A_190 = arith.constant 0 : i32
      %dma_start3A_191 = arith.constant 0 : i32
      %dma_start3A_192 = tpu.memref_slice %arg12[%dma_start3A_183, %dma_start3A_190, %dma_start3A_191] : memref<13x64x128xf32, #tpu.memory_space<vmem>> -> memref<1x64x128xf32, #tpu.memory_space<vmem>>
      %dma_start3A_193 = tpu.memref_squeeze %dma_start3A_192 : memref<1x64x128xf32, #tpu.memory_space<vmem>> -> memref<64x128xf32, #tpu.memory_space<vmem>>
      %dma_start3A_194 = arith.constant 0 : i32
      %dma_start3A_195 = tpu.memref_slice %arg6[%dma_start3A_194, %multiple_of3A_182] : memref<64x999999xf32, #tpu.memory_space<hbm>> -> memref<64x128xf32, #tpu.memory_space<hbm>>
      tpu.enqueue_dma source(%dma_start3A_195 : memref<64x128xf32, #tpu.memory_space<hbm>>) target(%dma_start3A_193 : memref<64x128xf32, #tpu.memory_space<vmem>>) target_semaphore(%arg16 : memref<!tpu.dma_semaphore, #tpu.memory_space<semaphore_mem>>)
      %multiple_of3A_196 = tpu.assume_multiple %squeeze3A_76, 128 : i32
      %dma_start3A_197 = arith.constant 8 : i32
      %dma_start3A_198 = arith.constant 0 : i32
      %dma_start3A_199 = arith.constant 0 : i32
      %dma_start3A_200 = tpu.memref_slice %arg12[%dma_start3A_197, %dma_start3A_198, %dma_start3A_199] : memref<13x64x128xf32, #tpu.memory_space<vmem>> -> memref<1x64x128xf32, #tpu.memory_space<vmem>>
      %dma_start3A_201 = tpu.memref_squeeze %dma_start3A_200 : memref<1x64x128xf32, #tpu.memory_space<vmem>> -> memref<64x128xf32, #tpu.memory_space<vmem>>
      %dma_start3A_202 = arith.constant 0 : i32
      %dma_start3A_203 = tpu.memref_slice %arg6[%dma_start3A_202, %multiple_of3A_196] : memref<64x999999xf32, #tpu.memory_space<hbm>> -> memref<64x128xf32, #tpu.memory_space<hbm>>
      %dma_start3A_204 = arith.constant 0 : i32
      %dma_start3A_205 = arith.constant 0 : i32
      %dma_start3A_206 = tpu.memref_slice %arg12[%dma_start3A_197, %dma_start3A_204, %dma_start3A_205] : memref<13x64x128xf32, #tpu.memory_space<vmem>> -> memref<1x64x128xf32, #tpu.memory_space<vmem>>
      %dma_start3A_207 = tpu.memref_squeeze %dma_start3A_206 : memref<1x64x128xf32, #tpu.memory_space<vmem>> -> memref<64x128xf32, #tpu.memory_space<vmem>>
      %dma_start3A_208 = arith.constant 0 : i32
      %dma_start3A_209 = tpu.memref_slice %arg6[%dma_start3A_208, %multiple_of3A_196] : memref<64x999999xf32, #tpu.memory_space<hbm>> -> memref<64x128xf32, #tpu.memory_space<hbm>>
      tpu.enqueue_dma source(%dma_start3A_209 : memref<64x128xf32, #tpu.memory_space<hbm>>) target(%dma_start3A_207 : memref<64x128xf32, #tpu.memory_space<vmem>>) target_semaphore(%arg16 : memref<!tpu.dma_semaphore, #tpu.memory_space<semaphore_mem>>)
      %dma_wait3A_210 = arith.constant 0 : i32
      %dma_wait3A_211 = arith.constant 0 : i32
      %dma_wait3A_212 = arith.constant 0 : i32
      %dma_wait3A_213 = tpu.memref_slice %arg12[%dma_wait3A_210, %dma_wait3A_211, %dma_wait3A_212] : memref<13x64x128xf32, #tpu.memory_space<vmem>> -> memref<1x64x128xf32, #tpu.memory_space<vmem>>
      %dma_wait3A_214 = tpu.memref_squeeze %dma_wait3A_213 : memref<1x64x128xf32, #tpu.memory_space<vmem>> -> memref<64x128xf32, #tpu.memory_space<vmem>>
      %dma_wait3A_215 = arith.constant 0 : i32
      %dma_wait3A_216 = tpu.memref_slice %arg5[%dma_wait3A_215, %multiple_of3A] : memref<64x1000001xf32, #tpu.memory_space<hbm>> -> memref<64x128xf32, #tpu.memory_space<hbm>>
      %dma_wait3A_217 = arith.constant 0 : i32
      %dma_wait3A_218 = arith.constant 0 : i32
      %dma_wait3A_219 = tpu.memref_slice %arg12[%dma_wait3A_210, %dma_wait3A_217, %dma_wait3A_218] : memref<13x64x128xf32, #tpu.memory_space<vmem>> -> memref<1x64x128xf32, #tpu.memory_space<vmem>>
      %dma_wait3A_220 = tpu.memref_squeeze %dma_wait3A_219 : memref<1x64x128xf32, #tpu.memory_space<vmem>> -> memref<64x128xf32, #tpu.memory_space<vmem>>
      %dma_wait3A_221 = arith.constant 0 : i32
      %dma_wait3A_222 = tpu.memref_slice %arg5[%dma_wait3A_221, %multiple_of3A] : memref<64x1000001xf32, #tpu.memory_space<hbm>> -> memref<64x128xf32, #tpu.memory_space<hbm>>
      tpu.wait_dma2 semaphore(%arg16 : memref<!tpu.dma_semaphore, #tpu.memory_space<semaphore_mem>>) src(%dma_wait3A_222 : memref<64x128xf32, #tpu.memory_space<hbm>>) dst(%dma_wait3A_220 : memref<64x128xf32, #tpu.memory_space<vmem>>)
      %dma_wait3A_223 = arith.constant 1 : i32
      %dma_wait3A_224 = arith.constant 0 : i32
      %dma_wait3A_225 = arith.constant 0 : i32
      %dma_wait3A_226 = tpu.memref_slice %arg12[%dma_wait3A_223, %dma_wait3A_224, %dma_wait3A_225] : memref<13x64x128xf32, #tpu.memory_space<vmem>> -> memref<1x64x128xf32, #tpu.memory_space<vmem>>
      %dma_wait3A_227 = tpu.memref_squeeze %dma_wait3A_226 : memref<1x64x128xf32, #tpu.memory_space<vmem>> -> memref<64x128xf32, #tpu.memory_space<vmem>>
      %dma_wait3A_228 = arith.constant 0 : i32
      %dma_wait3A_229 = tpu.memref_slice %arg6[%dma_wait3A_228, %multiple_of3A_98] : memref<64x999999xf32, #tpu.memory_space<hbm>> -> memref<64x128xf32, #tpu.memory_space<hbm>>
      %dma_wait3A_230 = arith.constant 0 : i32
      %dma_wait3A_231 = arith.constant 0 : i32
      %dma_wait3A_232 = tpu.memref_slice %arg12[%dma_wait3A_223, %dma_wait3A_230, %dma_wait3A_231] : memref<13x64x128xf32, #tpu.memory_space<vmem>> -> memref<1x64x128xf32, #tpu.memory_space<vmem>>
      %dma_wait3A_233 = tpu.memref_squeeze %dma_wait3A_232 : memref<1x64x128xf32, #tpu.memory_space<vmem>> -> memref<64x128xf32, #tpu.memory_space<vmem>>
      %dma_wait3A_234 = arith.constant 0 : i32
      %dma_wait3A_235 = tpu.memref_slice %arg6[%dma_wait3A_234, %multiple_of3A_98] : memref<64x999999xf32, #tpu.memory_space<hbm>> -> memref<64x128xf32, #tpu.memory_space<hbm>>
      tpu.wait_dma2 semaphore(%arg16 : memref<!tpu.dma_semaphore, #tpu.memory_space<semaphore_mem>>) src(%dma_wait3A_235 : memref<64x128xf32, #tpu.memory_space<hbm>>) dst(%dma_wait3A_233 : memref<64x128xf32, #tpu.memory_space<vmem>>)
      %dma_wait3A_236 = arith.constant 2 : i32
      %dma_wait3A_237 = arith.constant 0 : i32
      %dma_wait3A_238 = arith.constant 0 : i32
      %dma_wait3A_239 = tpu.memref_slice %arg12[%dma_wait3A_236, %dma_wait3A_237, %dma_wait3A_238] : memref<13x64x128xf32, #tpu.memory_space<vmem>> -> memref<1x64x128xf32, #tpu.memory_space<vmem>>
      %dma_wait3A_240 = tpu.memref_squeeze %dma_wait3A_239 : memref<1x64x128xf32, #tpu.memory_space<vmem>> -> memref<64x128xf32, #tpu.memory_space<vmem>>
      %dma_wait3A_241 = arith.constant 0 : i32
      %dma_wait3A_242 = tpu.memref_slice %arg6[%dma_wait3A_241, %multiple_of3A_112] : memref<64x999999xf32, #tpu.memory_space<hbm>> -> memref<64x128xf32, #tpu.memory_space<hbm>>
      %dma_wait3A_243 = arith.constant 0 : i32
      %dma_wait3A_244 = arith.constant 0 : i32
      %dma_wait3A_245 = tpu.memref_slice %arg12[%dma_wait3A_236, %dma_wait3A_243, %dma_wait3A_244] : memref<13x64x128xf32, #tpu.memory_space<vmem>> -> memref<1x64x128xf32, #tpu.memory_space<vmem>>
      %dma_wait3A_246 = tpu.memref_squeeze %dma_wait3A_245 : memref<1x64x128xf32, #tpu.memory_space<vmem>> -> memref<64x128xf32, #tpu.memory_space<vmem>>
      %dma_wait3A_247 = arith.constant 0 : i32
      %dma_wait3A_248 = tpu.memref_slice %arg6[%dma_wait3A_247, %multiple_of3A_112] : memref<64x999999xf32, #tpu.memory_space<hbm>> -> memref<64x128xf32, #tpu.memory_space<hbm>>
      tpu.wait_dma2 semaphore(%arg16 : memref<!tpu.dma_semaphore, #tpu.memory_space<semaphore_mem>>) src(%dma_wait3A_248 : memref<64x128xf32, #tpu.memory_space<hbm>>) dst(%dma_wait3A_246 : memref<64x128xf32, #tpu.memory_space<vmem>>)
      %dma_wait3A_249 = arith.constant 3 : i32
      %dma_wait3A_250 = arith.constant 0 : i32
      %dma_wait3A_251 = arith.constant 0 : i32
      %dma_wait3A_252 = tpu.memref_slice %arg12[%dma_wait3A_249, %dma_wait3A_250, %dma_wait3A_251] : memref<13x64x128xf32, #tpu.memory_space<vmem>> -> memref<1x64x128xf32, #tpu.memory_space<vmem>>
      %dma_wait3A_253 = tpu.memref_squeeze %dma_wait3A_252 : memref<1x64x128xf32, #tpu.memory_space<vmem>> -> memref<64x128xf32, #tpu.memory_space<vmem>>
      %dma_wait3A_254 = arith.constant 0 : i32
      %dma_wait3A_255 = tpu.memref_slice %arg6[%dma_wait3A_254, %multiple_of3A_126] : memref<64x999999xf32, #tpu.memory_space<hbm>> -> memref<64x128xf32, #tpu.memory_space<hbm>>
      %dma_wait3A_256 = arith.constant 0 : i32
      %dma_wait3A_257 = arith.constant 0 : i32
      %dma_wait3A_258 = tpu.memref_slice %arg12[%dma_wait3A_249, %dma_wait3A_256, %dma_wait3A_257] : memref<13x64x128xf32, #tpu.memory_space<vmem>> -> memref<1x64x128xf32, #tpu.memory_space<vmem>>
      %dma_wait3A_259 = tpu.memref_squeeze %dma_wait3A_258 : memref<1x64x128xf32, #tpu.memory_space<vmem>> -> memref<64x128xf32, #tpu.memory_space<vmem>>
      %dma_wait3A_260 = arith.constant 0 : i32
      %dma_wait3A_261 = tpu.memref_slice %arg6[%dma_wait3A_260, %multiple_of3A_126] : memref<64x999999xf32, #tpu.memory_space<hbm>> -> memref<64x128xf32, #tpu.memory_space<hbm>>
      tpu.wait_dma2 semaphore(%arg16 : memref<!tpu.dma_semaphore, #tpu.memory_space<semaphore_mem>>) src(%dma_wait3A_261 : memref<64x128xf32, #tpu.memory_space<hbm>>) dst(%dma_wait3A_259 : memref<64x128xf32, #tpu.memory_space<vmem>>)
      %dma_wait3A_262 = arith.constant 4 : i32
      %dma_wait3A_263 = arith.constant 0 : i32
      %dma_wait3A_264 = arith.constant 0 : i32
      %dma_wait3A_265 = tpu.memref_slice %arg12[%dma_wait3A_262, %dma_wait3A_263, %dma_wait3A_264] : memref<13x64x128xf32, #tpu.memory_space<vmem>> -> memref<1x64x128xf32, #tpu.memory_space<vmem>>
      %dma_wait3A_266 = tpu.memref_squeeze %dma_wait3A_265 : memref<1x64x128xf32, #tpu.memory_space<vmem>> -> memref<64x128xf32, #tpu.memory_space<vmem>>
      %dma_wait3A_267 = arith.constant 0 : i32
      %dma_wait3A_268 = tpu.memref_slice %arg6[%dma_wait3A_267, %multiple_of3A_140] : memref<64x999999xf32, #tpu.memory_space<hbm>> -> memref<64x128xf32, #tpu.memory_space<hbm>>
      %dma_wait3A_269 = arith.constant 0 : i32
      %dma_wait3A_270 = arith.constant 0 : i32
      %dma_wait3A_271 = tpu.memref_slice %arg12[%dma_wait3A_262, %dma_wait3A_269, %dma_wait3A_270] : memref<13x64x128xf32, #tpu.memory_space<vmem>> -> memref<1x64x128xf32, #tpu.memory_space<vmem>>
      %dma_wait3A_272 = tpu.memref_squeeze %dma_wait3A_271 : memref<1x64x128xf32, #tpu.memory_space<vmem>> -> memref<64x128xf32, #tpu.memory_space<vmem>>
      %dma_wait3A_273 = arith.constant 0 : i32
      %dma_wait3A_274 = tpu.memref_slice %arg6[%dma_wait3A_273, %multiple_of3A_140] : memref<64x999999xf32, #tpu.memory_space<hbm>> -> memref<64x128xf32, #tpu.memory_space<hbm>>
      tpu.wait_dma2 semaphore(%arg16 : memref<!tpu.dma_semaphore, #tpu.memory_space<semaphore_mem>>) src(%dma_wait3A_274 : memref<64x128xf32, #tpu.memory_space<hbm>>) dst(%dma_wait3A_272 : memref<64x128xf32, #tpu.memory_space<vmem>>)
      %dma_wait3A_275 = arith.constant 5 : i32
      %dma_wait3A_276 = arith.constant 0 : i32
      %dma_wait3A_277 = arith.constant 0 : i32
      %dma_wait3A_278 = tpu.memref_slice %arg12[%dma_wait3A_275, %dma_wait3A_276, %dma_wait3A_277] : memref<13x64x128xf32, #tpu.memory_space<vmem>> -> memref<1x64x128xf32, #tpu.memory_space<vmem>>
      %dma_wait3A_279 = tpu.memref_squeeze %dma_wait3A_278 : memref<1x64x128xf32, #tpu.memory_space<vmem>> -> memref<64x128xf32, #tpu.memory_space<vmem>>
      %dma_wait3A_280 = arith.constant 0 : i32
      %dma_wait3A_281 = tpu.memref_slice %arg6[%dma_wait3A_280, %multiple_of3A_154] : memref<64x999999xf32, #tpu.memory_space<hbm>> -> memref<64x128xf32, #tpu.memory_space<hbm>>
      %dma_wait3A_282 = arith.constant 0 : i32
      %dma_wait3A_283 = arith.constant 0 : i32
      %dma_wait3A_284 = tpu.memref_slice %arg12[%dma_wait3A_275, %dma_wait3A_282, %dma_wait3A_283] : memref<13x64x128xf32, #tpu.memory_space<vmem>> -> memref<1x64x128xf32, #tpu.memory_space<vmem>>
      %dma_wait3A_285 = tpu.memref_squeeze %dma_wait3A_284 : memref<1x64x128xf32, #tpu.memory_space<vmem>> -> memref<64x128xf32, #tpu.memory_space<vmem>>
      %dma_wait3A_286 = arith.constant 0 : i32
      %dma_wait3A_287 = tpu.memref_slice %arg6[%dma_wait3A_286, %multiple_of3A_154] : memref<64x999999xf32, #tpu.memory_space<hbm>> -> memref<64x128xf32, #tpu.memory_space<hbm>>
      tpu.wait_dma2 semaphore(%arg16 : memref<!tpu.dma_semaphore, #tpu.memory_space<semaphore_mem>>) src(%dma_wait3A_287 : memref<64x128xf32, #tpu.memory_space<hbm>>) dst(%dma_wait3A_285 : memref<64x128xf32, #tpu.memory_space<vmem>>)
      %dma_wait3A_288 = arith.constant 6 : i32
      %dma_wait3A_289 = arith.constant 0 : i32
      %dma_wait3A_290 = arith.constant 0 : i32
      %dma_wait3A_291 = tpu.memref_slice %arg12[%dma_wait3A_288, %dma_wait3A_289, %dma_wait3A_290] : memref<13x64x128xf32, #tpu.memory_space<vmem>> -> memref<1x64x128xf32, #tpu.memory_space<vmem>>
      %dma_wait3A_292 = tpu.memref_squeeze %dma_wait3A_291 : memref<1x64x128xf32, #tpu.memory_space<vmem>> -> memref<64x128xf32, #tpu.memory_space<vmem>>
      %dma_wait3A_293 = arith.constant 0 : i32
      %dma_wait3A_294 = tpu.memref_slice %arg6[%dma_wait3A_293, %multiple_of3A_168] : memref<64x999999xf32, #tpu.memory_space<hbm>> -> memref<64x128xf32, #tpu.memory_space<hbm>>
      %dma_wait3A_295 = arith.constant 0 : i32
      %dma_wait3A_296 = arith.constant 0 : i32
      %dma_wait3A_297 = tpu.memref_slice %arg12[%dma_wait3A_288, %dma_wait3A_295, %dma_wait3A_296] : memref<13x64x128xf32, #tpu.memory_space<vmem>> -> memref<1x64x128xf32, #tpu.memory_space<vmem>>
      %dma_wait3A_298 = tpu.memref_squeeze %dma_wait3A_297 : memref<1x64x128xf32, #tpu.memory_space<vmem>> -> memref<64x128xf32, #tpu.memory_space<vmem>>
      %dma_wait3A_299 = arith.constant 0 : i32
      %dma_wait3A_300 = tpu.memref_slice %arg6[%dma_wait3A_299, %multiple_of3A_168] : memref<64x999999xf32, #tpu.memory_space<hbm>> -> memref<64x128xf32, #tpu.memory_space<hbm>>
      tpu.wait_dma2 semaphore(%arg16 : memref<!tpu.dma_semaphore, #tpu.memory_space<semaphore_mem>>) src(%dma_wait3A_300 : memref<64x128xf32, #tpu.memory_space<hbm>>) dst(%dma_wait3A_298 : memref<64x128xf32, #tpu.memory_space<vmem>>)
      %dma_wait3A_301 = arith.constant 7 : i32
      %dma_wait3A_302 = arith.constant 0 : i32
      %dma_wait3A_303 = arith.constant 0 : i32
      %dma_wait3A_304 = tpu.memref_slice %arg12[%dma_wait3A_301, %dma_wait3A_302, %dma_wait3A_303] : memref<13x64x128xf32, #tpu.memory_space<vmem>> -> memref<1x64x128xf32, #tpu.memory_space<vmem>>
      %dma_wait3A_305 = tpu.memref_squeeze %dma_wait3A_304 : memref<1x64x128xf32, #tpu.memory_space<vmem>> -> memref<64x128xf32, #tpu.memory_space<vmem>>
      %dma_wait3A_306 = arith.constant 0 : i32
      %dma_wait3A_307 = tpu.memref_slice %arg6[%dma_wait3A_306, %multiple_of3A_182] : memref<64x999999xf32, #tpu.memory_space<hbm>> -> memref<64x128xf32, #tpu.memory_space<hbm>>
      %dma_wait3A_308 = arith.constant 0 : i32
      %dma_wait3A_309 = arith.constant 0 : i32
      %dma_wait3A_310 = tpu.memref_slice %arg12[%dma_wait3A_301, %dma_wait3A_308, %dma_wait3A_309] : memref<13x64x128xf32, #tpu.memory_space<vmem>> -> memref<1x64x128xf32, #tpu.memory_space<vmem>>
      %dma_wait3A_311 = tpu.memref_squeeze %dma_wait3A_310 : memref<1x64x128xf32, #tpu.memory_space<vmem>> -> memref<64x128xf32, #tpu.memory_space<vmem>>
      %dma_wait3A_312 = arith.constant 0 : i32
      %dma_wait3A_313 = tpu.memref_slice %arg6[%dma_wait3A_312, %multiple_of3A_182] : memref<64x999999xf32, #tpu.memory_space<hbm>> -> memref<64x128xf32, #tpu.memory_space<hbm>>
      tpu.wait_dma2 semaphore(%arg16 : memref<!tpu.dma_semaphore, #tpu.memory_space<semaphore_mem>>) src(%dma_wait3A_313 : memref<64x128xf32, #tpu.memory_space<hbm>>) dst(%dma_wait3A_311 : memref<64x128xf32, #tpu.memory_space<vmem>>)
      %dma_wait3A_314 = arith.constant 8 : i32
      %dma_wait3A_315 = arith.constant 0 : i32
      %dma_wait3A_316 = arith.constant 0 : i32
      %dma_wait3A_317 = tpu.memref_slice %arg12[%dma_wait3A_314, %dma_wait3A_315, %dma_wait3A_316] : memref<13x64x128xf32, #tpu.memory_space<vmem>> -> memref<1x64x128xf32, #tpu.memory_space<vmem>>
      %dma_wait3A_318 = tpu.memref_squeeze %dma_wait3A_317 : memref<1x64x128xf32, #tpu.memory_space<vmem>> -> memref<64x128xf32, #tpu.memory_space<vmem>>
      %dma_wait3A_319 = arith.constant 0 : i32
      %dma_wait3A_320 = tpu.memref_slice %arg6[%dma_wait3A_319, %multiple_of3A_196] : memref<64x999999xf32, #tpu.memory_space<hbm>> -> memref<64x128xf32, #tpu.memory_space<hbm>>
      %dma_wait3A_321 = arith.constant 0 : i32
      %dma_wait3A_322 = arith.constant 0 : i32
      %dma_wait3A_323 = tpu.memref_slice %arg12[%dma_wait3A_314, %dma_wait3A_321, %dma_wait3A_322] : memref<13x64x128xf32, #tpu.memory_space<vmem>> -> memref<1x64x128xf32, #tpu.memory_space<vmem>>
      %dma_wait3A_324 = tpu.memref_squeeze %dma_wait3A_323 : memref<1x64x128xf32, #tpu.memory_space<vmem>> -> memref<64x128xf32, #tpu.memory_space<vmem>>
      %dma_wait3A_325 = arith.constant 0 : i32
      %dma_wait3A_326 = tpu.memref_slice %arg6[%dma_wait3A_325, %multiple_of3A_196] : memref<64x999999xf32, #tpu.memory_space<hbm>> -> memref<64x128xf32, #tpu.memory_space<hbm>>
      tpu.wait_dma2 semaphore(%arg16 : memref<!tpu.dma_semaphore, #tpu.memory_space<semaphore_mem>>) src(%dma_wait3A_326 : memref<64x128xf32, #tpu.memory_space<hbm>>) dst(%dma_wait3A_324 : memref<64x128xf32, #tpu.memory_space<vmem>>)
      %iota3A = tpu.iota {dimensions = array<i32: 0>} : vector<16xi32>
      %add3A = arith.constant 0 : i32
      %add3A_327 = vector.broadcast %add3A : i32 to vector<16xi32>
      %add3A_328 = arith.addi %iota3A, %add3A_327 : vector<16xi32>
      %iota3A_329 = tpu.iota {dimensions = array<i32: 0>} : vector<16xi32>
      %add3A_330 = arith.constant 16 : i32
      %add3A_331 = vector.broadcast %add3A_330 : i32 to vector<16xi32>
      %add3A_332 = arith.addi %iota3A_329, %add3A_331 : vector<16xi32>
      %iota3A_333 = tpu.iota {dimensions = array<i32: 0>} : vector<16xi32>
      %add3A_334 = arith.constant 32 : i32
      %add3A_335 = vector.broadcast %add3A_334 : i32 to vector<16xi32>
      %add3A_336 = arith.addi %iota3A_333, %add3A_335 : vector<16xi32>
      %iota3A_337 = tpu.iota {dimensions = array<i32: 0>} : vector<16xi32>
      %add3A_338 = arith.constant 48 : i32
      %add3A_339 = vector.broadcast %add3A_338 : i32 to vector<16xi32>
      %add3A_340 = arith.addi %iota3A_337, %add3A_339 : vector<16xi32>
      %iota3A_341 = tpu.iota {dimensions = array<i32: 0>} : vector<16xi32>
      %broadcast_in_dim3A = vector.broadcast %and3A_84 : i32 to vector<16xi32>
      %broadcast_in_dim3A_342 = arith.constant 0 : i32
      %broadcast_in_dim3A_343 = vector.broadcast %broadcast_in_dim3A_342 : i32 to vector<16xi32>
      %gather3A = tpu.vector_load_idx %arg12[%broadcast_in_dim3A_343, %add3A_328, %broadcast_in_dim3A] : memref<13x64x128xf32, #tpu.memory_space<vmem>>[vector<16xi32>, vector<16xi32>, vector<16xi32>], vector<16xf32>,
      %bitcast3A = vector.bitcast %gather3A : vector<16xf32> to vector<16xi32>
      %add3A_344 = arith.constant 32767 : i32
      %add3A_345 = vector.broadcast %add3A_344 : i32 to vector<16xi32>
      %add3A_346 = arith.addi %bitcast3A, %add3A_345 : vector<16xi32>
      %shift_right_logical3A = arith.constant 16 : i32
      %shift_right_logical3A_347 = vector.broadcast %shift_right_logical3A : i32 to vector<16xi32>
      %shift_right_logical3A_348 = arith.shrui %bitcast3A, %shift_right_logical3A_347 : vector<16xi32>
      %and3A_349 = arith.constant 1 : i32
      %and3A_350 = vector.broadcast %and3A_349 : i32 to vector<16xi32>
      %and3A_351 = arith.andi %shift_right_logical3A_348, %and3A_350 : vector<16xi32>
      %add3A_352 = arith.addi %add3A_346, %and3A_351 : vector<16xi32>
      %and3A_353 = arith.constant -65536 : i32
      %and3A_354 = vector.broadcast %and3A_353 : i32 to vector<16xi32>
      %and3A_355 = arith.andi %add3A_352, %and3A_354 : vector<16xi32>
      %bitcast3A_356 = vector.bitcast %and3A_355 : vector<16xi32> to vector<16xf32>
      %gather3A_357 = tpu.vector_load_idx %arg12[%broadcast_in_dim3A_343, %add3A_332, %broadcast_in_dim3A] : memref<13x64x128xf32, #tpu.memory_space<vmem>>[vector<16xi32>, vector<16xi32>, vector<16xi32>], vector<16xf32>,
      %bitcast3A_358 = vector.bitcast %gather3A_357 : vector<16xf32> to vector<16xi32>
      %add3A_359 = arith.constant 32767 : i32
      %add3A_360 = vector.broadcast %add3A_359 : i32 to vector<16xi32>
      %add3A_361 = arith.addi %bitcast3A_358, %add3A_360 : vector<16xi32>
      %shift_right_logical3A_362 = arith.constant 16 : i32
      %shift_right_logical3A_363 = vector.broadcast %shift_right_logical3A_362 : i32 to vector<16xi32>
      %shift_right_logical3A_364 = arith.shrui %bitcast3A_358, %shift_right_logical3A_363 : vector<16xi32>
      %and3A_365 = arith.constant 1 : i32
      %and3A_366 = vector.broadcast %and3A_365 : i32 to vector<16xi32>
      %and3A_367 = arith.andi %shift_right_logical3A_364, %and3A_366 : vector<16xi32>
      %add3A_368 = arith.addi %add3A_361, %and3A_367 : vector<16xi32>
      %and3A_369 = arith.constant -65536 : i32
      %and3A_370 = vector.broadcast %and3A_369 : i32 to vector<16xi32>
      %and3A_371 = arith.andi %add3A_368, %and3A_370 : vector<16xi32>
      %bitcast3A_372 = vector.bitcast %and3A_371 : vector<16xi32> to vector<16xf32>
      %gather3A_373 = tpu.vector_load_idx %arg12[%broadcast_in_dim3A_343, %add3A_336, %broadcast_in_dim3A] : memref<13x64x128xf32, #tpu.memory_space<vmem>>[vector<16xi32>, vector<16xi32>, vector<16xi32>], vector<16xf32>,
      %bitcast3A_374 = vector.bitcast %gather3A_373 : vector<16xf32> to vector<16xi32>
      %add3A_375 = arith.constant 32767 : i32
      %add3A_376 = vector.broadcast %add3A_375 : i32 to vector<16xi32>
      %add3A_377 = arith.addi %bitcast3A_374, %add3A_376 : vector<16xi32>
      %shift_right_logical3A_378 = arith.constant 16 : i32
      %shift_right_logical3A_379 = vector.broadcast %shift_right_logical3A_378 : i32 to vector<16xi32>
      %shift_right_logical3A_380 = arith.shrui %bitcast3A_374, %shift_right_logical3A_379 : vector<16xi32>
      %and3A_381 = arith.constant 1 : i32
      %and3A_382 = vector.broadcast %and3A_381 : i32 to vector<16xi32>
      %and3A_383 = arith.andi %shift_right_logical3A_380, %and3A_382 : vector<16xi32>
      %add3A_384 = arith.addi %add3A_377, %and3A_383 : vector<16xi32>
      %and3A_385 = arith.constant -65536 : i32
      %and3A_386 = vector.broadcast %and3A_385 : i32 to vector<16xi32>
      %and3A_387 = arith.andi %add3A_384, %and3A_386 : vector<16xi32>
      %bitcast3A_388 = vector.bitcast %and3A_387 : vector<16xi32> to vector<16xf32>
      %gather3A_389 = tpu.vector_load_idx %arg12[%broadcast_in_dim3A_343, %add3A_340, %broadcast_in_dim3A] : memref<13x64x128xf32, #tpu.memory_space<vmem>>[vector<16xi32>, vector<16xi32>, vector<16xi32>], vector<16xf32>,
      %bitcast3A_390 = vector.bitcast %gather3A_389 : vector<16xf32> to vector<16xi32>
      %add3A_391 = arith.constant 32767 : i32
      %add3A_392 = vector.broadcast %add3A_391 : i32 to vector<16xi32>
      %add3A_393 = arith.addi %bitcast3A_390, %add3A_392 : vector<16xi32>
      %shift_right_logical3A_394 = arith.constant 16 : i32
      %shift_right_logical3A_395 = vector.broadcast %shift_right_logical3A_394 : i32 to vector<16xi32>
      %shift_right_logical3A_396 = arith.shrui %bitcast3A_390, %shift_right_logical3A_395 : vector<16xi32>
      %and3A_397 = arith.constant 1 : i32
      %and3A_398 = vector.broadcast %and3A_397 : i32 to vector<16xi32>
      %and3A_399 = arith.andi %shift_right_logical3A_396, %and3A_398 : vector<16xi32>
      %add3A_400 = arith.addi %add3A_393, %and3A_399 : vector<16xi32>
      %and3A_401 = arith.constant -65536 : i32
      %and3A_402 = vector.broadcast %and3A_401 : i32 to vector<16xi32>
      %and3A_403 = arith.andi %add3A_400, %and3A_402 : vector<16xi32>
      %bitcast3A_404 = vector.bitcast %and3A_403 : vector<16xi32> to vector<16xf32>
      %broadcast_in_dim3A_405 = arith.constant 0.000000e+00 : f32
      %broadcast_in_dim3A_406 = vector.broadcast %broadcast_in_dim3A_405 : f32 to vector<16xf32>
      %broadcast_in_dim3A_407 = arith.constant 0.000000e+00 : f32
      %broadcast_in_dim3A_408 = vector.broadcast %broadcast_in_dim3A_407 : f32 to vector<16xf32>
      %broadcast_in_dim3A_409 = vector.broadcast %squeeze3A_50 : i32 to vector<16xi32>
      %broadcast_in_dim3A_410 = arith.constant 1 : i32
      %broadcast_in_dim3A_411 = vector.broadcast %broadcast_in_dim3A_410 : i32 to vector<16xi32>
      %gather3A_412 = tpu.vector_load_idx %arg12[%broadcast_in_dim3A_411, %add3A_328, %broadcast_in_dim3A_409] : memref<13x64x128xf32, #tpu.memory_space<vmem>>[vector<16xi32>, vector<16xi32>, vector<16xi32>], vector<16xf32>,
      %bitcast3A_413 = vector.bitcast %gather3A_412 : vector<16xf32> to vector<16xi32>
      %add3A_414 = arith.constant 32767 : i32
      %add3A_415 = vector.broadcast %add3A_414 : i32 to vector<16xi32>
      %add3A_416 = arith.addi %bitcast3A_413, %add3A_415 : vector<16xi32>
      %shift_right_logical3A_417 = arith.constant 16 : i32
      %shift_right_logical3A_418 = vector.broadcast %shift_right_logical3A_417 : i32 to vector<16xi32>
      %shift_right_logical3A_419 = arith.shrui %bitcast3A_413, %shift_right_logical3A_418 : vector<16xi32>
      %and3A_420 = arith.constant 1 : i32
      %and3A_421 = vector.broadcast %and3A_420 : i32 to vector<16xi32>
      %and3A_422 = arith.andi %shift_right_logical3A_419, %and3A_421 : vector<16xi32>
      %add3A_423 = arith.addi %add3A_416, %and3A_422 : vector<16xi32>
      %and3A_424 = arith.constant -65536 : i32
      %and3A_425 = vector.broadcast %and3A_424 : i32 to vector<16xi32>
      %and3A_426 = arith.andi %add3A_423, %and3A_425 : vector<16xi32>
      %bitcast3A_427 = vector.bitcast %and3A_426 : vector<16xi32> to vector<16xf32>
      %gather3A_428 = tpu.vector_load_idx %arg12[%broadcast_in_dim3A_411, %add3A_332, %broadcast_in_dim3A_409] : memref<13x64x128xf32, #tpu.memory_space<vmem>>[vector<16xi32>, vector<16xi32>, vector<16xi32>], vector<16xf32>,
      %bitcast3A_429 = vector.bitcast %gather3A_428 : vector<16xf32> to vector<16xi32>
      %add3A_430 = arith.constant 32767 : i32
      %add3A_431 = vector.broadcast %add3A_430 : i32 to vector<16xi32>
      %add3A_432 = arith.addi %bitcast3A_429, %add3A_431 : vector<16xi32>
      %shift_right_logical3A_433 = arith.constant 16 : i32
      %shift_right_logical3A_434 = vector.broadcast %shift_right_logical3A_433 : i32 to vector<16xi32>
      %shift_right_logical3A_435 = arith.shrui %bitcast3A_429, %shift_right_logical3A_434 : vector<16xi32>
      %and3A_436 = arith.constant 1 : i32
      %and3A_437 = vector.broadcast %and3A_436 : i32 to vector<16xi32>
      %and3A_438 = arith.andi %shift_right_logical3A_435, %and3A_437 : vector<16xi32>
      %add3A_439 = arith.addi %add3A_432, %and3A_438 : vector<16xi32>
      %and3A_440 = arith.constant -65536 : i32
      %and3A_441 = vector.broadcast %and3A_440 : i32 to vector<16xi32>
      %and3A_442 = arith.andi %add3A_439, %and3A_441 : vector<16xi32>
      %bitcast3A_443 = vector.bitcast %and3A_442 : vector<16xi32> to vector<16xf32>
      %gather3A_444 = tpu.vector_load_idx %arg12[%broadcast_in_dim3A_411, %add3A_336, %broadcast_in_dim3A_409] : memref<13x64x128xf32, #tpu.memory_space<vmem>>[vector<16xi32>, vector<16xi32>, vector<16xi32>], vector<16xf32>,
      %bitcast3A_445 = vector.bitcast %gather3A_444 : vector<16xf32> to vector<16xi32>
      %add3A_446 = arith.constant 32767 : i32
      %add3A_447 = vector.broadcast %add3A_446 : i32 to vector<16xi32>
      %add3A_448 = arith.addi %bitcast3A_445, %add3A_447 : vector<16xi32>
      %shift_right_logical3A_449 = arith.constant 16 : i32
      %shift_right_logical3A_450 = vector.broadcast %shift_right_logical3A_449 : i32 to vector<16xi32>
      %shift_right_logical3A_451 = arith.shrui %bitcast3A_445, %shift_right_logical3A_450 : vector<16xi32>
      %and3A_452 = arith.constant 1 : i32
      %and3A_453 = vector.broadcast %and3A_452 : i32 to vector<16xi32>
      %and3A_454 = arith.andi %shift_right_logical3A_451, %and3A_453 : vector<16xi32>
      %add3A_455 = arith.addi %add3A_448, %and3A_454 : vector<16xi32>
      %and3A_456 = arith.constant -65536 : i32
      %and3A_457 = vector.broadcast %and3A_456 : i32 to vector<16xi32>
      %and3A_458 = arith.andi %add3A_455, %and3A_457 : vector<16xi32>
      %bitcast3A_459 = vector.bitcast %and3A_458 : vector<16xi32> to vector<16xf32>
      %gather3A_460 = tpu.vector_load_idx %arg12[%broadcast_in_dim3A_411, %add3A_340, %broadcast_in_dim3A_409] : memref<13x64x128xf32, #tpu.memory_space<vmem>>[vector<16xi32>, vector<16xi32>, vector<16xi32>], vector<16xf32>,
      %bitcast3A_461 = vector.bitcast %gather3A_460 : vector<16xf32> to vector<16xi32>
      %add3A_462 = arith.constant 32767 : i32
      %add3A_463 = vector.broadcast %add3A_462 : i32 to vector<16xi32>
      %add3A_464 = arith.addi %bitcast3A_461, %add3A_463 : vector<16xi32>
      %shift_right_logical3A_465 = arith.constant 16 : i32
      %shift_right_logical3A_466 = vector.broadcast %shift_right_logical3A_465 : i32 to vector<16xi32>
      %shift_right_logical3A_467 = arith.shrui %bitcast3A_461, %shift_right_logical3A_466 : vector<16xi32>
      %and3A_468 = arith.constant 1 : i32
      %and3A_469 = vector.broadcast %and3A_468 : i32 to vector<16xi32>
      %and3A_470 = arith.andi %shift_right_logical3A_467, %and3A_469 : vector<16xi32>
      %add3A_471 = arith.addi %add3A_464, %and3A_470 : vector<16xi32>
      %and3A_472 = arith.constant -65536 : i32
      %and3A_473 = vector.broadcast %and3A_472 : i32 to vector<16xi32>
      %and3A_474 = arith.andi %add3A_471, %and3A_473 : vector<16xi32>
      %bitcast3A_475 = vector.bitcast %and3A_474 : vector<16xi32> to vector<16xf32>
      %mul3A = arith.mulf %bitcast3A_356, %bitcast3A_427 : vector<16xf32>
      %mul3A_476 = arith.mulf %bitcast3A_372, %bitcast3A_443 : vector<16xf32>
      %add3A_477 = arith.addf %mul3A, %mul3A_476 : vector<16xf32>
      %mul3A_478 = arith.mulf %bitcast3A_388, %bitcast3A_459 : vector<16xf32>
      %add3A_479 = arith.addf %add3A_477, %mul3A_478 : vector<16xf32>
      %mul3A_480 = arith.mulf %bitcast3A_404, %bitcast3A_475 : vector<16xf32>
      %add3A_481 = arith.addf %add3A_479, %mul3A_480 : vector<16xf32>
      %reduce_sum3A = arith.constant true
      %reduce_sum3A_482 = vector.broadcast %reduce_sum3A : i1 to vector<16xi1>
      %reduce_sum3A_483 = tpu.scan <sum>, %add3A_481 masked %reduce_sum3A_482 : vector<16xf32>, vector<16xi1> -> vector<16xf32>
      %reduce_sum3A_484 = vector.extract %reduce_sum3A_483[15] : f32 from vector<16xf32>
      %eq3A_485 = arith.constant 0 : i32
      %eq3A_486 = vector.broadcast %eq3A_485 : i32 to vector<16xi32>
      %eq3A_487 = arith.cmpi eq, %iota3A_341, %eq3A_486 : vector<16xi32>
      %broadcast_in_dim3A_488 = vector.broadcast %reduce_sum3A_484 : f32 to vector<16xf32>
      %select_n3A = arith.select %eq3A_487, %broadcast_in_dim3A_488, %broadcast_in_dim3A_406 : vector<16xi1>, vector<16xf32>
      %broadcast_in_dim3A_489 = vector.broadcast %squeeze3A_54 : i32 to vector<16xi32>
      %broadcast_in_dim3A_490 = arith.constant 2 : i32
      %broadcast_in_dim3A_491 = vector.broadcast %broadcast_in_dim3A_490 : i32 to vector<16xi32>
      %gather3A_492 = tpu.vector_load_idx %arg12[%broadcast_in_dim3A_491, %add3A_328, %broadcast_in_dim3A_489] : memref<13x64x128xf32, #tpu.memory_space<vmem>>[vector<16xi32>, vector<16xi32>, vector<16xi32>], vector<16xf32>,
      %bitcast3A_493 = vector.bitcast %gather3A_492 : vector<16xf32> to vector<16xi32>
      %add3A_494 = arith.constant 32767 : i32
      %add3A_495 = vector.broadcast %add3A_494 : i32 to vector<16xi32>
      %add3A_496 = arith.addi %bitcast3A_493, %add3A_495 : vector<16xi32>
      %shift_right_logical3A_497 = arith.constant 16 : i32
      %shift_right_logical3A_498 = vector.broadcast %shift_right_logical3A_497 : i32 to vector<16xi32>
      %shift_right_logical3A_499 = arith.shrui %bitcast3A_493, %shift_right_logical3A_498 : vector<16xi32>
      %and3A_500 = arith.constant 1 : i32
      %and3A_501 = vector.broadcast %and3A_500 : i32 to vector<16xi32>
      %and3A_502 = arith.andi %shift_right_logical3A_499, %and3A_501 : vector<16xi32>
      %add3A_503 = arith.addi %add3A_496, %and3A_502 : vector<16xi32>
      %and3A_504 = arith.constant -65536 : i32
      %and3A_505 = vector.broadcast %and3A_504 : i32 to vector<16xi32>
      %and3A_506 = arith.andi %add3A_503, %and3A_505 : vector<16xi32>
      %bitcast3A_507 = vector.bitcast %and3A_506 : vector<16xi32> to vector<16xf32>
      %gather3A_508 = tpu.vector_load_idx %arg12[%broadcast_in_dim3A_491, %add3A_332, %broadcast_in_dim3A_489] : memref<13x64x128xf32, #tpu.memory_space<vmem>>[vector<16xi32>, vector<16xi32>, vector<16xi32>], vector<16xf32>,
      %bitcast3A_509 = vector.bitcast %gather3A_508 : vector<16xf32> to vector<16xi32>
      %add3A_510 = arith.constant 32767 : i32
      %add3A_511 = vector.broadcast %add3A_510 : i32 to vector<16xi32>
      %add3A_512 = arith.addi %bitcast3A_509, %add3A_511 : vector<16xi32>
      %shift_right_logical3A_513 = arith.constant 16 : i32
      %shift_right_logical3A_514 = vector.broadcast %shift_right_logical3A_513 : i32 to vector<16xi32>
      %shift_right_logical3A_515 = arith.shrui %bitcast3A_509, %shift_right_logical3A_514 : vector<16xi32>
      %and3A_516 = arith.constant 1 : i32
      %and3A_517 = vector.broadcast %and3A_516 : i32 to vector<16xi32>
      %and3A_518 = arith.andi %shift_right_logical3A_515, %and3A_517 : vector<16xi32>
      %add3A_519 = arith.addi %add3A_512, %and3A_518 : vector<16xi32>
      %and3A_520 = arith.constant -65536 : i32
      %and3A_521 = vector.broadcast %and3A_520 : i32 to vector<16xi32>
      %and3A_522 = arith.andi %add3A_519, %and3A_521 : vector<16xi32>
      %bitcast3A_523 = vector.bitcast %and3A_522 : vector<16xi32> to vector<16xf32>
      %gather3A_524 = tpu.vector_load_idx %arg12[%broadcast_in_dim3A_491, %add3A_336, %broadcast_in_dim3A_489] : memref<13x64x128xf32, #tpu.memory_space<vmem>>[vector<16xi32>, vector<16xi32>, vector<16xi32>], vector<16xf32>,
      %bitcast3A_525 = vector.bitcast %gather3A_524 : vector<16xf32> to vector<16xi32>
      %add3A_526 = arith.constant 32767 : i32
      %add3A_527 = vector.broadcast %add3A_526 : i32 to vector<16xi32>
      %add3A_528 = arith.addi %bitcast3A_525, %add3A_527 : vector<16xi32>
      %shift_right_logical3A_529 = arith.constant 16 : i32
      %shift_right_logical3A_530 = vector.broadcast %shift_right_logical3A_529 : i32 to vector<16xi32>
      %shift_right_logical3A_531 = arith.shrui %bitcast3A_525, %shift_right_logical3A_530 : vector<16xi32>
      %and3A_532 = arith.constant 1 : i32
      %and3A_533 = vector.broadcast %and3A_532 : i32 to vector<16xi32>
      %and3A_534 = arith.andi %shift_right_logical3A_531, %and3A_533 : vector<16xi32>
      %add3A_535 = arith.addi %add3A_528, %and3A_534 : vector<16xi32>
      %and3A_536 = arith.constant -65536 : i32
      %and3A_537 = vector.broadcast %and3A_536 : i32 to vector<16xi32>
      %and3A_538 = arith.andi %add3A_535, %and3A_537 : vector<16xi32>
      %bitcast3A_539 = vector.bitcast %and3A_538 : vector<16xi32> to vector<16xf32>
      %gather3A_540 = tpu.vector_load_idx %arg12[%broadcast_in_dim3A_491, %add3A_340, %broadcast_in_dim3A_489] : memref<13x64x128xf32, #tpu.memory_space<vmem>>[vector<16xi32>, vector<16xi32>, vector<16xi32>], vector<16xf32>,
      %bitcast3A_541 = vector.bitcast %gather3A_540 : vector<16xf32> to vector<16xi32>
      %add3A_542 = arith.constant 32767 : i32
      %add3A_543 = vector.broadcast %add3A_542 : i32 to vector<16xi32>
      %add3A_544 = arith.addi %bitcast3A_541, %add3A_543 : vector<16xi32>
      %shift_right_logical3A_545 = arith.constant 16 : i32
      %shift_right_logical3A_546 = vector.broadcast %shift_right_logical3A_545 : i32 to vector<16xi32>
      %shift_right_logical3A_547 = arith.shrui %bitcast3A_541, %shift_right_logical3A_546 : vector<16xi32>
      %and3A_548 = arith.constant 1 : i32
      %and3A_549 = vector.broadcast %and3A_548 : i32 to vector<16xi32>
      %and3A_550 = arith.andi %shift_right_logical3A_547, %and3A_549 : vector<16xi32>
      %add3A_551 = arith.addi %add3A_544, %and3A_550 : vector<16xi32>
      %and3A_552 = arith.constant -65536 : i32
      %and3A_553 = vector.broadcast %and3A_552 : i32 to vector<16xi32>
      %and3A_554 = arith.andi %add3A_551, %and3A_553 : vector<16xi32>
      %bitcast3A_555 = vector.bitcast %and3A_554 : vector<16xi32> to vector<16xf32>
      %mul3A_556 = arith.mulf %bitcast3A_356, %bitcast3A_507 : vector<16xf32>
      %mul3A_557 = arith.mulf %bitcast3A_372, %bitcast3A_523 : vector<16xf32>
      %add3A_558 = arith.addf %mul3A_556, %mul3A_557 : vector<16xf32>
      %mul3A_559 = arith.mulf %bitcast3A_388, %bitcast3A_539 : vector<16xf32>
      %add3A_560 = arith.addf %add3A_558, %mul3A_559 : vector<16xf32>
      %mul3A_561 = arith.mulf %bitcast3A_404, %bitcast3A_555 : vector<16xf32>
      %add3A_562 = arith.addf %add3A_560, %mul3A_561 : vector<16xf32>
      %reduce_sum3A_563 = arith.constant true
      %reduce_sum3A_564 = vector.broadcast %reduce_sum3A_563 : i1 to vector<16xi1>
      %reduce_sum3A_565 = tpu.scan <sum>, %add3A_562 masked %reduce_sum3A_564 : vector<16xf32>, vector<16xi1> -> vector<16xf32>
      %reduce_sum3A_566 = vector.extract %reduce_sum3A_565[15] : f32 from vector<16xf32>
      %eq3A_567 = arith.constant 1 : i32
      %eq3A_568 = vector.broadcast %eq3A_567 : i32 to vector<16xi32>
      %eq3A_569 = arith.cmpi eq, %iota3A_341, %eq3A_568 : vector<16xi32>
      %broadcast_in_dim3A_570 = vector.broadcast %reduce_sum3A_566 : f32 to vector<16xf32>
      %select_n3A_571 = arith.select %eq3A_569, %broadcast_in_dim3A_570, %select_n3A : vector<16xi1>, vector<16xf32>
      %broadcast_in_dim3A_572 = vector.broadcast %squeeze3A_58 : i32 to vector<16xi32>
      %broadcast_in_dim3A_573 = arith.constant 3 : i32
      %broadcast_in_dim3A_574 = vector.broadcast %broadcast_in_dim3A_573 : i32 to vector<16xi32>
      %gather3A_575 = tpu.vector_load_idx %arg12[%broadcast_in_dim3A_574, %add3A_328, %broadcast_in_dim3A_572] : memref<13x64x128xf32, #tpu.memory_space<vmem>>[vector<16xi32>, vector<16xi32>, vector<16xi32>], vector<16xf32>,
      %bitcast3A_576 = vector.bitcast %gather3A_575 : vector<16xf32> to vector<16xi32>
      %add3A_577 = arith.constant 32767 : i32
      %add3A_578 = vector.broadcast %add3A_577 : i32 to vector<16xi32>
      %add3A_579 = arith.addi %bitcast3A_576, %add3A_578 : vector<16xi32>
      %shift_right_logical3A_580 = arith.constant 16 : i32
      %shift_right_logical3A_581 = vector.broadcast %shift_right_logical3A_580 : i32 to vector<16xi32>
      %shift_right_logical3A_582 = arith.shrui %bitcast3A_576, %shift_right_logical3A_581 : vector<16xi32>
      %and3A_583 = arith.constant 1 : i32
      %and3A_584 = vector.broadcast %and3A_583 : i32 to vector<16xi32>
      %and3A_585 = arith.andi %shift_right_logical3A_582, %and3A_584 : vector<16xi32>
      %add3A_586 = arith.addi %add3A_579, %and3A_585 : vector<16xi32>
      %and3A_587 = arith.constant -65536 : i32
      %and3A_588 = vector.broadcast %and3A_587 : i32 to vector<16xi32>
      %and3A_589 = arith.andi %add3A_586, %and3A_588 : vector<16xi32>
      %bitcast3A_590 = vector.bitcast %and3A_589 : vector<16xi32> to vector<16xf32>
      %gather3A_591 = tpu.vector_load_idx %arg12[%broadcast_in_dim3A_574, %add3A_332, %broadcast_in_dim3A_572] : memref<13x64x128xf32, #tpu.memory_space<vmem>>[vector<16xi32>, vector<16xi32>, vector<16xi32>], vector<16xf32>,
      %bitcast3A_592 = vector.bitcast %gather3A_591 : vector<16xf32> to vector<16xi32>
      %add3A_593 = arith.constant 32767 : i32
      %add3A_594 = vector.broadcast %add3A_593 : i32 to vector<16xi32>
      %add3A_595 = arith.addi %bitcast3A_592, %add3A_594 : vector<16xi32>
      %shift_right_logical3A_596 = arith.constant 16 : i32
      %shift_right_logical3A_597 = vector.broadcast %shift_right_logical3A_596 : i32 to vector<16xi32>
      %shift_right_logical3A_598 = arith.shrui %bitcast3A_592, %shift_right_logical3A_597 : vector<16xi32>
      %and3A_599 = arith.constant 1 : i32
      %and3A_600 = vector.broadcast %and3A_599 : i32 to vector<16xi32>
      %and3A_601 = arith.andi %shift_right_logical3A_598, %and3A_600 : vector<16xi32>
      %add3A_602 = arith.addi %add3A_595, %and3A_601 : vector<16xi32>
      %and3A_603 = arith.constant -65536 : i32
      %and3A_604 = vector.broadcast %and3A_603 : i32 to vector<16xi32>
      %and3A_605 = arith.andi %add3A_602, %and3A_604 : vector<16xi32>
      %bitcast3A_606 = vector.bitcast %and3A_605 : vector<16xi32> to vector<16xf32>
      %gather3A_607 = tpu.vector_load_idx %arg12[%broadcast_in_dim3A_574, %add3A_336, %broadcast_in_dim3A_572] : memref<13x64x128xf32, #tpu.memory_space<vmem>>[vector<16xi32>, vector<16xi32>, vector<16xi32>], vector<16xf32>,
      %bitcast3A_608 = vector.bitcast %gather3A_607 : vector<16xf32> to vector<16xi32>
      %add3A_609 = arith.constant 32767 : i32
      %add3A_610 = vector.broadcast %add3A_609 : i32 to vector<16xi32>
      %add3A_611 = arith.addi %bitcast3A_608, %add3A_610 : vector<16xi32>
      %shift_right_logical3A_612 = arith.constant 16 : i32
      %shift_right_logical3A_613 = vector.broadcast %shift_right_logical3A_612 : i32 to vector<16xi32>
      %shift_right_logical3A_614 = arith.shrui %bitcast3A_608, %shift_right_logical3A_613 : vector<16xi32>
      %and3A_615 = arith.constant 1 : i32
      %and3A_616 = vector.broadcast %and3A_615 : i32 to vector<16xi32>
      %and3A_617 = arith.andi %shift_right_logical3A_614, %and3A_616 : vector<16xi32>
      %add3A_618 = arith.addi %add3A_611, %and3A_617 : vector<16xi32>
      %and3A_619 = arith.constant -65536 : i32
      %and3A_620 = vector.broadcast %and3A_619 : i32 to vector<16xi32>
      %and3A_621 = arith.andi %add3A_618, %and3A_620 : vector<16xi32>
      %bitcast3A_622 = vector.bitcast %and3A_621 : vector<16xi32> to vector<16xf32>
      %gather3A_623 = tpu.vector_load_idx %arg12[%broadcast_in_dim3A_574, %add3A_340, %broadcast_in_dim3A_572] : memref<13x64x128xf32, #tpu.memory_space<vmem>>[vector<16xi32>, vector<16xi32>, vector<16xi32>], vector<16xf32>,
      %bitcast3A_624 = vector.bitcast %gather3A_623 : vector<16xf32> to vector<16xi32>
      %add3A_625 = arith.constant 32767 : i32
      %add3A_626 = vector.broadcast %add3A_625 : i32 to vector<16xi32>
      %add3A_627 = arith.addi %bitcast3A_624, %add3A_626 : vector<16xi32>
      %shift_right_logical3A_628 = arith.constant 16 : i32
      %shift_right_logical3A_629 = vector.broadcast %shift_right_logical3A_628 : i32 to vector<16xi32>
      %shift_right_logical3A_630 = arith.shrui %bitcast3A_624, %shift_right_logical3A_629 : vector<16xi32>
      %and3A_631 = arith.constant 1 : i32
      %and3A_632 = vector.broadcast %and3A_631 : i32 to vector<16xi32>
      %and3A_633 = arith.andi %shift_right_logical3A_630, %and3A_632 : vector<16xi32>
      %add3A_634 = arith.addi %add3A_627, %and3A_633 : vector<16xi32>
      %and3A_635 = arith.constant -65536 : i32
      %and3A_636 = vector.broadcast %and3A_635 : i32 to vector<16xi32>
      %and3A_637 = arith.andi %add3A_634, %and3A_636 : vector<16xi32>
      %bitcast3A_638 = vector.bitcast %and3A_637 : vector<16xi32> to vector<16xf32>
      %mul3A_639 = arith.mulf %bitcast3A_356, %bitcast3A_590 : vector<16xf32>
      %mul3A_640 = arith.mulf %bitcast3A_372, %bitcast3A_606 : vector<16xf32>
      %add3A_641 = arith.addf %mul3A_639, %mul3A_640 : vector<16xf32>
      %mul3A_642 = arith.mulf %bitcast3A_388, %bitcast3A_622 : vector<16xf32>
      %add3A_643 = arith.addf %add3A_641, %mul3A_642 : vector<16xf32>
      %mul3A_644 = arith.mulf %bitcast3A_404, %bitcast3A_638 : vector<16xf32>
      %add3A_645 = arith.addf %add3A_643, %mul3A_644 : vector<16xf32>
      %reduce_sum3A_646 = arith.constant true
      %reduce_sum3A_647 = vector.broadcast %reduce_sum3A_646 : i1 to vector<16xi1>
      %reduce_sum3A_648 = tpu.scan <sum>, %add3A_645 masked %reduce_sum3A_647 : vector<16xf32>, vector<16xi1> -> vector<16xf32>
      %reduce_sum3A_649 = vector.extract %reduce_sum3A_648[15] : f32 from vector<16xf32>
      %eq3A_650 = arith.constant 2 : i32
      %eq3A_651 = vector.broadcast %eq3A_650 : i32 to vector<16xi32>
      %eq3A_652 = arith.cmpi eq, %iota3A_341, %eq3A_651 : vector<16xi32>
      %broadcast_in_dim3A_653 = vector.broadcast %reduce_sum3A_649 : f32 to vector<16xf32>
      %select_n3A_654 = arith.select %eq3A_652, %broadcast_in_dim3A_653, %select_n3A_571 : vector<16xi1>, vector<16xf32>
      %broadcast_in_dim3A_655 = vector.broadcast %squeeze3A_62 : i32 to vector<16xi32>
      %broadcast_in_dim3A_656 = arith.constant 4 : i32
      %broadcast_in_dim3A_657 = vector.broadcast %broadcast_in_dim3A_656 : i32 to vector<16xi32>
      %gather3A_658 = tpu.vector_load_idx %arg12[%broadcast_in_dim3A_657, %add3A_328, %broadcast_in_dim3A_655] : memref<13x64x128xf32, #tpu.memory_space<vmem>>[vector<16xi32>, vector<16xi32>, vector<16xi32>], vector<16xf32>,
      %bitcast3A_659 = vector.bitcast %gather3A_658 : vector<16xf32> to vector<16xi32>
      %add3A_660 = arith.constant 32767 : i32
      %add3A_661 = vector.broadcast %add3A_660 : i32 to vector<16xi32>
      %add3A_662 = arith.addi %bitcast3A_659, %add3A_661 : vector<16xi32>
      %shift_right_logical3A_663 = arith.constant 16 : i32
      %shift_right_logical3A_664 = vector.broadcast %shift_right_logical3A_663 : i32 to vector<16xi32>
      %shift_right_logical3A_665 = arith.shrui %bitcast3A_659, %shift_right_logical3A_664 : vector<16xi32>
      %and3A_666 = arith.constant 1 : i32
      %and3A_667 = vector.broadcast %and3A_666 : i32 to vector<16xi32>
      %and3A_668 = arith.andi %shift_right_logical3A_665, %and3A_667 : vector<16xi32>
      %add3A_669 = arith.addi %add3A_662, %and3A_668 : vector<16xi32>
      %and3A_670 = arith.constant -65536 : i32
      %and3A_671 = vector.broadcast %and3A_670 : i32 to vector<16xi32>
      %and3A_672 = arith.andi %add3A_669, %and3A_671 : vector<16xi32>
      %bitcast3A_673 = vector.bitcast %and3A_672 : vector<16xi32> to vector<16xf32>
      %gather3A_674 = tpu.vector_load_idx %arg12[%broadcast_in_dim3A_657, %add3A_332, %broadcast_in_dim3A_655] : memref<13x64x128xf32, #tpu.memory_space<vmem>>[vector<16xi32>, vector<16xi32>, vector<16xi32>], vector<16xf32>,
      %bitcast3A_675 = vector.bitcast %gather3A_674 : vector<16xf32> to vector<16xi32>
      %add3A_676 = arith.constant 32767 : i32
      %add3A_677 = vector.broadcast %add3A_676 : i32 to vector<16xi32>
      %add3A_678 = arith.addi %bitcast3A_675, %add3A_677 : vector<16xi32>
      %shift_right_logical3A_679 = arith.constant 16 : i32
      %shift_right_logical3A_680 = vector.broadcast %shift_right_logical3A_679 : i32 to vector<16xi32>
      %shift_right_logical3A_681 = arith.shrui %bitcast3A_675, %shift_right_logical3A_680 : vector<16xi32>
      %and3A_682 = arith.constant 1 : i32
      %and3A_683 = vector.broadcast %and3A_682 : i32 to vector<16xi32>
      %and3A_684 = arith.andi %shift_right_logical3A_681, %and3A_683 : vector<16xi32>
      %add3A_685 = arith.addi %add3A_678, %and3A_684 : vector<16xi32>
      %and3A_686 = arith.constant -65536 : i32
      %and3A_687 = vector.broadcast %and3A_686 : i32 to vector<16xi32>
      %and3A_688 = arith.andi %add3A_685, %and3A_687 : vector<16xi32>
      %bitcast3A_689 = vector.bitcast %and3A_688 : vector<16xi32> to vector<16xf32>
      %gather3A_690 = tpu.vector_load_idx %arg12[%broadcast_in_dim3A_657, %add3A_336, %broadcast_in_dim3A_655] : memref<13x64x128xf32, #tpu.memory_space<vmem>>[vector<16xi32>, vector<16xi32>, vector<16xi32>], vector<16xf32>,
      %bitcast3A_691 = vector.bitcast %gather3A_690 : vector<16xf32> to vector<16xi32>
      %add3A_692 = arith.constant 32767 : i32
      %add3A_693 = vector.broadcast %add3A_692 : i32 to vector<16xi32>
      %add3A_694 = arith.addi %bitcast3A_691, %add3A_693 : vector<16xi32>
      %shift_right_logical3A_695 = arith.constant 16 : i32
      %shift_right_logical3A_696 = vector.broadcast %shift_right_logical3A_695 : i32 to vector<16xi32>
      %shift_right_logical3A_697 = arith.shrui %bitcast3A_691, %shift_right_logical3A_696 : vector<16xi32>
      %and3A_698 = arith.constant 1 : i32
      %and3A_699 = vector.broadcast %and3A_698 : i32 to vector<16xi32>
      %and3A_700 = arith.andi %shift_right_logical3A_697, %and3A_699 : vector<16xi32>
      %add3A_701 = arith.addi %add3A_694, %and3A_700 : vector<16xi32>
      %and3A_702 = arith.constant -65536 : i32
      %and3A_703 = vector.broadcast %and3A_702 : i32 to vector<16xi32>
      %and3A_704 = arith.andi %add3A_701, %and3A_703 : vector<16xi32>
      %bitcast3A_705 = vector.bitcast %and3A_704 : vector<16xi32> to vector<16xf32>
      %gather3A_706 = tpu.vector_load_idx %arg12[%broadcast_in_dim3A_657, %add3A_340, %broadcast_in_dim3A_655] : memref<13x64x128xf32, #tpu.memory_space<vmem>>[vector<16xi32>, vector<16xi32>, vector<16xi32>], vector<16xf32>,
      %bitcast3A_707 = vector.bitcast %gather3A_706 : vector<16xf32> to vector<16xi32>
      %add3A_708 = arith.constant 32767 : i32
      %add3A_709 = vector.broadcast %add3A_708 : i32 to vector<16xi32>
      %add3A_710 = arith.addi %bitcast3A_707, %add3A_709 : vector<16xi32>
      %shift_right_logical3A_711 = arith.constant 16 : i32
      %shift_right_logical3A_712 = vector.broadcast %shift_right_logical3A_711 : i32 to vector<16xi32>
      %shift_right_logical3A_713 = arith.shrui %bitcast3A_707, %shift_right_logical3A_712 : vector<16xi32>
      %and3A_714 = arith.constant 1 : i32
      %and3A_715 = vector.broadcast %and3A_714 : i32 to vector<16xi32>
      %and3A_716 = arith.andi %shift_right_logical3A_713, %and3A_715 : vector<16xi32>
      %add3A_717 = arith.addi %add3A_710, %and3A_716 : vector<16xi32>
      %and3A_718 = arith.constant -65536 : i32
      %and3A_719 = vector.broadcast %and3A_718 : i32 to vector<16xi32>
      %and3A_720 = arith.andi %add3A_717, %and3A_719 : vector<16xi32>
      %bitcast3A_721 = vector.bitcast %and3A_720 : vector<16xi32> to vector<16xf32>
      %mul3A_722 = arith.mulf %bitcast3A_356, %bitcast3A_673 : vector<16xf32>
      %mul3A_723 = arith.mulf %bitcast3A_372, %bitcast3A_689 : vector<16xf32>
      %add3A_724 = arith.addf %mul3A_722, %mul3A_723 : vector<16xf32>
      %mul3A_725 = arith.mulf %bitcast3A_388, %bitcast3A_705 : vector<16xf32>
      %add3A_726 = arith.addf %add3A_724, %mul3A_725 : vector<16xf32>
      %mul3A_727 = arith.mulf %bitcast3A_404, %bitcast3A_721 : vector<16xf32>
      %add3A_728 = arith.addf %add3A_726, %mul3A_727 : vector<16xf32>
      %reduce_sum3A_729 = arith.constant true
      %reduce_sum3A_730 = vector.broadcast %reduce_sum3A_729 : i1 to vector<16xi1>
      %reduce_sum3A_731 = tpu.scan <sum>, %add3A_728 masked %reduce_sum3A_730 : vector<16xf32>, vector<16xi1> -> vector<16xf32>
      %reduce_sum3A_732 = vector.extract %reduce_sum3A_731[15] : f32 from vector<16xf32>
      %eq3A_733 = arith.constant 3 : i32
      %eq3A_734 = vector.broadcast %eq3A_733 : i32 to vector<16xi32>
      %eq3A_735 = arith.cmpi eq, %iota3A_341, %eq3A_734 : vector<16xi32>
      %broadcast_in_dim3A_736 = vector.broadcast %reduce_sum3A_732 : f32 to vector<16xf32>
      %select_n3A_737 = arith.select %eq3A_735, %broadcast_in_dim3A_736, %select_n3A_654 : vector<16xi1>, vector<16xf32>
      %broadcast_in_dim3A_738 = vector.broadcast %squeeze3A_66 : i32 to vector<16xi32>
      %broadcast_in_dim3A_739 = arith.constant 5 : i32
      %broadcast_in_dim3A_740 = vector.broadcast %broadcast_in_dim3A_739 : i32 to vector<16xi32>
      %gather3A_741 = tpu.vector_load_idx %arg12[%broadcast_in_dim3A_740, %add3A_328, %broadcast_in_dim3A_738] : memref<13x64x128xf32, #tpu.memory_space<vmem>>[vector<16xi32>, vector<16xi32>, vector<16xi32>], vector<16xf32>,
      %bitcast3A_742 = vector.bitcast %gather3A_741 : vector<16xf32> to vector<16xi32>
      %add3A_743 = arith.constant 32767 : i32
      %add3A_744 = vector.broadcast %add3A_743 : i32 to vector<16xi32>
      %add3A_745 = arith.addi %bitcast3A_742, %add3A_744 : vector<16xi32>
      %shift_right_logical3A_746 = arith.constant 16 : i32
      %shift_right_logical3A_747 = vector.broadcast %shift_right_logical3A_746 : i32 to vector<16xi32>
      %shift_right_logical3A_748 = arith.shrui %bitcast3A_742, %shift_right_logical3A_747 : vector<16xi32>
      %and3A_749 = arith.constant 1 : i32
      %and3A_750 = vector.broadcast %and3A_749 : i32 to vector<16xi32>
      %and3A_751 = arith.andi %shift_right_logical3A_748, %and3A_750 : vector<16xi32>
      %add3A_752 = arith.addi %add3A_745, %and3A_751 : vector<16xi32>
      %and3A_753 = arith.constant -65536 : i32
      %and3A_754 = vector.broadcast %and3A_753 : i32 to vector<16xi32>
      %and3A_755 = arith.andi %add3A_752, %and3A_754 : vector<16xi32>
      %bitcast3A_756 = vector.bitcast %and3A_755 : vector<16xi32> to vector<16xf32>
      %gather3A_757 = tpu.vector_load_idx %arg12[%broadcast_in_dim3A_740, %add3A_332, %broadcast_in_dim3A_738] : memref<13x64x128xf32, #tpu.memory_space<vmem>>[vector<16xi32>, vector<16xi32>, vector<16xi32>], vector<16xf32>,
      %bitcast3A_758 = vector.bitcast %gather3A_757 : vector<16xf32> to vector<16xi32>
      %add3A_759 = arith.constant 32767 : i32
      %add3A_760 = vector.broadcast %add3A_759 : i32 to vector<16xi32>
      %add3A_761 = arith.addi %bitcast3A_758, %add3A_760 : vector<16xi32>
      %shift_right_logical3A_762 = arith.constant 16 : i32
      %shift_right_logical3A_763 = vector.broadcast %shift_right_logical3A_762 : i32 to vector<16xi32>
      %shift_right_logical3A_764 = arith.shrui %bitcast3A_758, %shift_right_logical3A_763 : vector<16xi32>
      %and3A_765 = arith.constant 1 : i32
      %and3A_766 = vector.broadcast %and3A_765 : i32 to vector<16xi32>
      %and3A_767 = arith.andi %shift_right_logical3A_764, %and3A_766 : vector<16xi32>
      %add3A_768 = arith.addi %add3A_761, %and3A_767 : vector<16xi32>
      %and3A_769 = arith.constant -65536 : i32
      %and3A_770 = vector.broadcast %and3A_769 : i32 to vector<16xi32>
      %and3A_771 = arith.andi %add3A_768, %and3A_770 : vector<16xi32>
      %bitcast3A_772 = vector.bitcast %and3A_771 : vector<16xi32> to vector<16xf32>
      %gather3A_773 = tpu.vector_load_idx %arg12[%broadcast_in_dim3A_740, %add3A_336, %broadcast_in_dim3A_738] : memref<13x64x128xf32, #tpu.memory_space<vmem>>[vector<16xi32>, vector<16xi32>, vector<16xi32>], vector<16xf32>,
      %bitcast3A_774 = vector.bitcast %gather3A_773 : vector<16xf32> to vector<16xi32>
      %add3A_775 = arith.constant 32767 : i32
      %add3A_776 = vector.broadcast %add3A_775 : i32 to vector<16xi32>
      %add3A_777 = arith.addi %bitcast3A_774, %add3A_776 : vector<16xi32>
      %shift_right_logical3A_778 = arith.constant 16 : i32
      %shift_right_logical3A_779 = vector.broadcast %shift_right_logical3A_778 : i32 to vector<16xi32>
      %shift_right_logical3A_780 = arith.shrui %bitcast3A_774, %shift_right_logical3A_779 : vector<16xi32>
      %and3A_781 = arith.constant 1 : i32
      %and3A_782 = vector.broadcast %and3A_781 : i32 to vector<16xi32>
      %and3A_783 = arith.andi %shift_right_logical3A_780, %and3A_782 : vector<16xi32>
      %add3A_784 = arith.addi %add3A_777, %and3A_783 : vector<16xi32>
      %and3A_785 = arith.constant -65536 : i32
      %and3A_786 = vector.broadcast %and3A_785 : i32 to vector<16xi32>
      %and3A_787 = arith.andi %add3A_784, %and3A_786 : vector<16xi32>
      %bitcast3A_788 = vector.bitcast %and3A_787 : vector<16xi32> to vector<16xf32>
      %gather3A_789 = tpu.vector_load_idx %arg12[%broadcast_in_dim3A_740, %add3A_340, %broadcast_in_dim3A_738] : memref<13x64x128xf32, #tpu.memory_space<vmem>>[vector<16xi32>, vector<16xi32>, vector<16xi32>], vector<16xf32>,
      %bitcast3A_790 = vector.bitcast %gather3A_789 : vector<16xf32> to vector<16xi32>
      %add3A_791 = arith.constant 32767 : i32
      %add3A_792 = vector.broadcast %add3A_791 : i32 to vector<16xi32>
      %add3A_793 = arith.addi %bitcast3A_790, %add3A_792 : vector<16xi32>
      %shift_right_logical3A_794 = arith.constant 16 : i32
      %shift_right_logical3A_795 = vector.broadcast %shift_right_logical3A_794 : i32 to vector<16xi32>
      %shift_right_logical3A_796 = arith.shrui %bitcast3A_790, %shift_right_logical3A_795 : vector<16xi32>
      %and3A_797 = arith.constant 1 : i32
      %and3A_798 = vector.broadcast %and3A_797 : i32 to vector<16xi32>
      %and3A_799 = arith.andi %shift_right_logical3A_796, %and3A_798 : vector<16xi32>
      %add3A_800 = arith.addi %add3A_793, %and3A_799 : vector<16xi32>
      %and3A_801 = arith.constant -65536 : i32
      %and3A_802 = vector.broadcast %and3A_801 : i32 to vector<16xi32>
      %and3A_803 = arith.andi %add3A_800, %and3A_802 : vector<16xi32>
      %bitcast3A_804 = vector.bitcast %and3A_803 : vector<16xi32> to vector<16xf32>
      %mul3A_805 = arith.mulf %bitcast3A_356, %bitcast3A_756 : vector<16xf32>
      %mul3A_806 = arith.mulf %bitcast3A_372, %bitcast3A_772 : vector<16xf32>
      %add3A_807 = arith.addf %mul3A_805, %mul3A_806 : vector<16xf32>
      %mul3A_808 = arith.mulf %bitcast3A_388, %bitcast3A_788 : vector<16xf32>
      %add3A_809 = arith.addf %add3A_807, %mul3A_808 : vector<16xf32>
      %mul3A_810 = arith.mulf %bitcast3A_404, %bitcast3A_804 : vector<16xf32>
      %add3A_811 = arith.addf %add3A_809, %mul3A_810 : vector<16xf32>
      %reduce_sum3A_812 = arith.constant true
      %reduce_sum3A_813 = vector.broadcast %reduce_sum3A_812 : i1 to vector<16xi1>
      %reduce_sum3A_814 = tpu.scan <sum>, %add3A_811 masked %reduce_sum3A_813 : vector<16xf32>, vector<16xi1> -> vector<16xf32>
      %reduce_sum3A_815 = vector.extract %reduce_sum3A_814[15] : f32 from vector<16xf32>
      %eq3A_816 = arith.constant 4 : i32
      %eq3A_817 = vector.broadcast %eq3A_816 : i32 to vector<16xi32>
      %eq3A_818 = arith.cmpi eq, %iota3A_341, %eq3A_817 : vector<16xi32>
      %broadcast_in_dim3A_819 = vector.broadcast %reduce_sum3A_815 : f32 to vector<16xf32>
      %select_n3A_820 = arith.select %eq3A_818, %broadcast_in_dim3A_819, %select_n3A_737 : vector<16xi1>, vector<16xf32>
      %broadcast_in_dim3A_821 = vector.broadcast %squeeze3A_70 : i32 to vector<16xi32>
      %broadcast_in_dim3A_822 = arith.constant 6 : i32
      %broadcast_in_dim3A_823 = vector.broadcast %broadcast_in_dim3A_822 : i32 to vector<16xi32>
      %gather3A_824 = tpu.vector_load_idx %arg12[%broadcast_in_dim3A_823, %add3A_328, %broadcast_in_dim3A_821] : memref<13x64x128xf32, #tpu.memory_space<vmem>>[vector<16xi32>, vector<16xi32>, vector<16xi32>], vector<16xf32>,
      %bitcast3A_825 = vector.bitcast %gather3A_824 : vector<16xf32> to vector<16xi32>
      %add3A_826 = arith.constant 32767 : i32
      %add3A_827 = vector.broadcast %add3A_826 : i32 to vector<16xi32>
      %add3A_828 = arith.addi %bitcast3A_825, %add3A_827 : vector<16xi32>
      %shift_right_logical3A_829 = arith.constant 16 : i32
      %shift_right_logical3A_830 = vector.broadcast %shift_right_logical3A_829 : i32 to vector<16xi32>
      %shift_right_logical3A_831 = arith.shrui %bitcast3A_825, %shift_right_logical3A_830 : vector<16xi32>
      %and3A_832 = arith.constant 1 : i32
      %and3A_833 = vector.broadcast %and3A_832 : i32 to vector<16xi32>
      %and3A_834 = arith.andi %shift_right_logical3A_831, %and3A_833 : vector<16xi32>
      %add3A_835 = arith.addi %add3A_828, %and3A_834 : vector<16xi32>
      %and3A_836 = arith.constant -65536 : i32
      %and3A_837 = vector.broadcast %and3A_836 : i32 to vector<16xi32>
      %and3A_838 = arith.andi %add3A_835, %and3A_837 : vector<16xi32>
      %bitcast3A_839 = vector.bitcast %and3A_838 : vector<16xi32> to vector<16xf32>
      %gather3A_840 = tpu.vector_load_idx %arg12[%broadcast_in_dim3A_823, %add3A_332, %broadcast_in_dim3A_821] : memref<13x64x128xf32, #tpu.memory_space<vmem>>[vector<16xi32>, vector<16xi32>, vector<16xi32>], vector<16xf32>,
      %bitcast3A_841 = vector.bitcast %gather3A_840 : vector<16xf32> to vector<16xi32>
      %add3A_842 = arith.constant 32767 : i32
      %add3A_843 = vector.broadcast %add3A_842 : i32 to vector<16xi32>
      %add3A_844 = arith.addi %bitcast3A_841, %add3A_843 : vector<16xi32>
      %shift_right_logical3A_845 = arith.constant 16 : i32
      %shift_right_logical3A_846 = vector.broadcast %shift_right_logical3A_845 : i32 to vector<16xi32>
      %shift_right_logical3A_847 = arith.shrui %bitcast3A_841, %shift_right_logical3A_846 : vector<16xi32>
      %and3A_848 = arith.constant 1 : i32
      %and3A_849 = vector.broadcast %and3A_848 : i32 to vector<16xi32>
      %and3A_850 = arith.andi %shift_right_logical3A_847, %and3A_849 : vector<16xi32>
      %add3A_851 = arith.addi %add3A_844, %and3A_850 : vector<16xi32>
      %and3A_852 = arith.constant -65536 : i32
      %and3A_853 = vector.broadcast %and3A_852 : i32 to vector<16xi32>
      %and3A_854 = arith.andi %add3A_851, %and3A_853 : vector<16xi32>
      %bitcast3A_855 = vector.bitcast %and3A_854 : vector<16xi32> to vector<16xf32>
      %gather3A_856 = tpu.vector_load_idx %arg12[%broadcast_in_dim3A_823, %add3A_336, %broadcast_in_dim3A_821] : memref<13x64x128xf32, #tpu.memory_space<vmem>>[vector<16xi32>, vector<16xi32>, vector<16xi32>], vector<16xf32>,
      %bitcast3A_857 = vector.bitcast %gather3A_856 : vector<16xf32> to vector<16xi32>
      %add3A_858 = arith.constant 32767 : i32
      %add3A_859 = vector.broadcast %add3A_858 : i32 to vector<16xi32>
      %add3A_860 = arith.addi %bitcast3A_857, %add3A_859 : vector<16xi32>
      %shift_right_logical3A_861 = arith.constant 16 : i32
      %shift_right_logical3A_862 = vector.broadcast %shift_right_logical3A_861 : i32 to vector<16xi32>
      %shift_right_logical3A_863 = arith.shrui %bitcast3A_857, %shift_right_logical3A_862 : vector<16xi32>
      %and3A_864 = arith.constant 1 : i32
      %and3A_865 = vector.broadcast %and3A_864 : i32 to vector<16xi32>
      %and3A_866 = arith.andi %shift_right_logical3A_863, %and3A_865 : vector<16xi32>
      %add3A_867 = arith.addi %add3A_860, %and3A_866 : vector<16xi32>
      %and3A_868 = arith.constant -65536 : i32
      %and3A_869 = vector.broadcast %and3A_868 : i32 to vector<16xi32>
      %and3A_870 = arith.andi %add3A_867, %and3A_869 : vector<16xi32>
      %bitcast3A_871 = vector.bitcast %and3A_870 : vector<16xi32> to vector<16xf32>
      %gather3A_872 = tpu.vector_load_idx %arg12[%broadcast_in_dim3A_823, %add3A_340, %broadcast_in_dim3A_821] : memref<13x64x128xf32, #tpu.memory_space<vmem>>[vector<16xi32>, vector<16xi32>, vector<16xi32>], vector<16xf32>,
      %bitcast3A_873 = vector.bitcast %gather3A_872 : vector<16xf32> to vector<16xi32>
      %add3A_874 = arith.constant 32767 : i32
      %add3A_875 = vector.broadcast %add3A_874 : i32 to vector<16xi32>
      %add3A_876 = arith.addi %bitcast3A_873, %add3A_875 : vector<16xi32>
      %shift_right_logical3A_877 = arith.constant 16 : i32
      %shift_right_logical3A_878 = vector.broadcast %shift_right_logical3A_877 : i32 to vector<16xi32>
      %shift_right_logical3A_879 = arith.shrui %bitcast3A_873, %shift_right_logical3A_878 : vector<16xi32>
      %and3A_880 = arith.constant 1 : i32
      %and3A_881 = vector.broadcast %and3A_880 : i32 to vector<16xi32>
      %and3A_882 = arith.andi %shift_right_logical3A_879, %and3A_881 : vector<16xi32>
      %add3A_883 = arith.addi %add3A_876, %and3A_882 : vector<16xi32>
      %and3A_884 = arith.constant -65536 : i32
      %and3A_885 = vector.broadcast %and3A_884 : i32 to vector<16xi32>
      %and3A_886 = arith.andi %add3A_883, %and3A_885 : vector<16xi32>
      %bitcast3A_887 = vector.bitcast %and3A_886 : vector<16xi32> to vector<16xf32>
      %mul3A_888 = arith.mulf %bitcast3A_356, %bitcast3A_839 : vector<16xf32>
      %mul3A_889 = arith.mulf %bitcast3A_372, %bitcast3A_855 : vector<16xf32>
      %add3A_890 = arith.addf %mul3A_888, %mul3A_889 : vector<16xf32>
      %mul3A_891 = arith.mulf %bitcast3A_388, %bitcast3A_871 : vector<16xf32>
      %add3A_892 = arith.addf %add3A_890, %mul3A_891 : vector<16xf32>
      %mul3A_893 = arith.mulf %bitcast3A_404, %bitcast3A_887 : vector<16xf32>
      %add3A_894 = arith.addf %add3A_892, %mul3A_893 : vector<16xf32>
      %reduce_sum3A_895 = arith.constant true
      %reduce_sum3A_896 = vector.broadcast %reduce_sum3A_895 : i1 to vector<16xi1>
      %reduce_sum3A_897 = tpu.scan <sum>, %add3A_894 masked %reduce_sum3A_896 : vector<16xf32>, vector<16xi1> -> vector<16xf32>
      %reduce_sum3A_898 = vector.extract %reduce_sum3A_897[15] : f32 from vector<16xf32>
      %eq3A_899 = arith.constant 5 : i32
      %eq3A_900 = vector.broadcast %eq3A_899 : i32 to vector<16xi32>
      %eq3A_901 = arith.cmpi eq, %iota3A_341, %eq3A_900 : vector<16xi32>
      %broadcast_in_dim3A_902 = vector.broadcast %reduce_sum3A_898 : f32 to vector<16xf32>
      %select_n3A_903 = arith.select %eq3A_901, %broadcast_in_dim3A_902, %select_n3A_820 : vector<16xi1>, vector<16xf32>
      %broadcast_in_dim3A_904 = vector.broadcast %squeeze3A_74 : i32 to vector<16xi32>
      %broadcast_in_dim3A_905 = arith.constant 7 : i32
      %broadcast_in_dim3A_906 = vector.broadcast %broadcast_in_dim3A_905 : i32 to vector<16xi32>
      %gather3A_907 = tpu.vector_load_idx %arg12[%broadcast_in_dim3A_906, %add3A_328, %broadcast_in_dim3A_904] : memref<13x64x128xf32, #tpu.memory_space<vmem>>[vector<16xi32>, vector<16xi32>, vector<16xi32>], vector<16xf32>,
      %bitcast3A_908 = vector.bitcast %gather3A_907 : vector<16xf32> to vector<16xi32>
      %add3A_909 = arith.constant 32767 : i32
      %add3A_910 = vector.broadcast %add3A_909 : i32 to vector<16xi32>
      %add3A_911 = arith.addi %bitcast3A_908, %add3A_910 : vector<16xi32>
      %shift_right_logical3A_912 = arith.constant 16 : i32
      %shift_right_logical3A_913 = vector.broadcast %shift_right_logical3A_912 : i32 to vector<16xi32>
      %shift_right_logical3A_914 = arith.shrui %bitcast3A_908, %shift_right_logical3A_913 : vector<16xi32>
      %and3A_915 = arith.constant 1 : i32
      %and3A_916 = vector.broadcast %and3A_915 : i32 to vector<16xi32>
      %and3A_917 = arith.andi %shift_right_logical3A_914, %and3A_916 : vector<16xi32>
      %add3A_918 = arith.addi %add3A_911, %and3A_917 : vector<16xi32>
      %and3A_919 = arith.constant -65536 : i32
      %and3A_920 = vector.broadcast %and3A_919 : i32 to vector<16xi32>
      %and3A_921 = arith.andi %add3A_918, %and3A_920 : vector<16xi32>
      %bitcast3A_922 = vector.bitcast %and3A_921 : vector<16xi32> to vector<16xf32>
      %gather3A_923 = tpu.vector_load_idx %arg12[%broadcast_in_dim3A_906, %add3A_332, %broadcast_in_dim3A_904] : memref<13x64x128xf32, #tpu.memory_space<vmem>>[vector<16xi32>, vector<16xi32>, vector<16xi32>], vector<16xf32>,
      %bitcast3A_924 = vector.bitcast %gather3A_923 : vector<16xf32> to vector<16xi32>
      %add3A_925 = arith.constant 32767 : i32
      %add3A_926 = vector.broadcast %add3A_925 : i32 to vector<16xi32>
      %add3A_927 = arith.addi %bitcast3A_924, %add3A_926 : vector<16xi32>
      %shift_right_logical3A_928 = arith.constant 16 : i32
      %shift_right_logical3A_929 = vector.broadcast %shift_right_logical3A_928 : i32 to vector<16xi32>
      %shift_right_logical3A_930 = arith.shrui %bitcast3A_924, %shift_right_logical3A_929 : vector<16xi32>
      %and3A_931 = arith.constant 1 : i32
      %and3A_932 = vector.broadcast %and3A_931 : i32 to vector<16xi32>
      %and3A_933 = arith.andi %shift_right_logical3A_930, %and3A_932 : vector<16xi32>
      %add3A_934 = arith.addi %add3A_927, %and3A_933 : vector<16xi32>
      %and3A_935 = arith.constant -65536 : i32
      %and3A_936 = vector.broadcast %and3A_935 : i32 to vector<16xi32>
      %and3A_937 = arith.andi %add3A_934, %and3A_936 : vector<16xi32>
      %bitcast3A_938 = vector.bitcast %and3A_937 : vector<16xi32> to vector<16xf32>
      %gather3A_939 = tpu.vector_load_idx %arg12[%broadcast_in_dim3A_906, %add3A_336, %broadcast_in_dim3A_904] : memref<13x64x128xf32, #tpu.memory_space<vmem>>[vector<16xi32>, vector<16xi32>, vector<16xi32>], vector<16xf32>,
      %bitcast3A_940 = vector.bitcast %gather3A_939 : vector<16xf32> to vector<16xi32>
      %add3A_941 = arith.constant 32767 : i32
      %add3A_942 = vector.broadcast %add3A_941 : i32 to vector<16xi32>
      %add3A_943 = arith.addi %bitcast3A_940, %add3A_942 : vector<16xi32>
      %shift_right_logical3A_944 = arith.constant 16 : i32
      %shift_right_logical3A_945 = vector.broadcast %shift_right_logical3A_944 : i32 to vector<16xi32>
      %shift_right_logical3A_946 = arith.shrui %bitcast3A_940, %shift_right_logical3A_945 : vector<16xi32>
      %and3A_947 = arith.constant 1 : i32
      %and3A_948 = vector.broadcast %and3A_947 : i32 to vector<16xi32>
      %and3A_949 = arith.andi %shift_right_logical3A_946, %and3A_948 : vector<16xi32>
      %add3A_950 = arith.addi %add3A_943, %and3A_949 : vector<16xi32>
      %and3A_951 = arith.constant -65536 : i32
      %and3A_952 = vector.broadcast %and3A_951 : i32 to vector<16xi32>
      %and3A_953 = arith.andi %add3A_950, %and3A_952 : vector<16xi32>
      %bitcast3A_954 = vector.bitcast %and3A_953 : vector<16xi32> to vector<16xf32>
      %gather3A_955 = tpu.vector_load_idx %arg12[%broadcast_in_dim3A_906, %add3A_340, %broadcast_in_dim3A_904] : memref<13x64x128xf32, #tpu.memory_space<vmem>>[vector<16xi32>, vector<16xi32>, vector<16xi32>], vector<16xf32>,
      %bitcast3A_956 = vector.bitcast %gather3A_955 : vector<16xf32> to vector<16xi32>
      %add3A_957 = arith.constant 32767 : i32
      %add3A_958 = vector.broadcast %add3A_957 : i32 to vector<16xi32>
      %add3A_959 = arith.addi %bitcast3A_956, %add3A_958 : vector<16xi32>
      %shift_right_logical3A_960 = arith.constant 16 : i32
      %shift_right_logical3A_961 = vector.broadcast %shift_right_logical3A_960 : i32 to vector<16xi32>
      %shift_right_logical3A_962 = arith.shrui %bitcast3A_956, %shift_right_logical3A_961 : vector<16xi32>
      %and3A_963 = arith.constant 1 : i32
      %and3A_964 = vector.broadcast %and3A_963 : i32 to vector<16xi32>
      %and3A_965 = arith.andi %shift_right_logical3A_962, %and3A_964 : vector<16xi32>
      %add3A_966 = arith.addi %add3A_959, %and3A_965 : vector<16xi32>
      %and3A_967 = arith.constant -65536 : i32
      %and3A_968 = vector.broadcast %and3A_967 : i32 to vector<16xi32>
      %and3A_969 = arith.andi %add3A_966, %and3A_968 : vector<16xi32>
      %bitcast3A_970 = vector.bitcast %and3A_969 : vector<16xi32> to vector<16xf32>
      %mul3A_971 = arith.mulf %bitcast3A_356, %bitcast3A_922 : vector<16xf32>
      %mul3A_972 = arith.mulf %bitcast3A_372, %bitcast3A_938 : vector<16xf32>
      %add3A_973 = arith.addf %mul3A_971, %mul3A_972 : vector<16xf32>
      %mul3A_974 = arith.mulf %bitcast3A_388, %bitcast3A_954 : vector<16xf32>
      %add3A_975 = arith.addf %add3A_973, %mul3A_974 : vector<16xf32>
      %mul3A_976 = arith.mulf %bitcast3A_404, %bitcast3A_970 : vector<16xf32>
      %add3A_977 = arith.addf %add3A_975, %mul3A_976 : vector<16xf32>
      %reduce_sum3A_978 = arith.constant true
      %reduce_sum3A_979 = vector.broadcast %reduce_sum3A_978 : i1 to vector<16xi1>
      %reduce_sum3A_980 = tpu.scan <sum>, %add3A_977 masked %reduce_sum3A_979 : vector<16xf32>, vector<16xi1> -> vector<16xf32>
      %reduce_sum3A_981 = vector.extract %reduce_sum3A_980[15] : f32 from vector<16xf32>
      %eq3A_982 = arith.constant 6 : i32
      %eq3A_983 = vector.broadcast %eq3A_982 : i32 to vector<16xi32>
      %eq3A_984 = arith.cmpi eq, %iota3A_341, %eq3A_983 : vector<16xi32>
      %broadcast_in_dim3A_985 = vector.broadcast %reduce_sum3A_981 : f32 to vector<16xf32>
      %select_n3A_986 = arith.select %eq3A_984, %broadcast_in_dim3A_985, %select_n3A_903 : vector<16xi1>, vector<16xf32>
      %broadcast_in_dim3A_987 = vector.broadcast %squeeze3A_78 : i32 to vector<16xi32>
      %broadcast_in_dim3A_988 = arith.constant 8 : i32
      %broadcast_in_dim3A_989 = vector.broadcast %broadcast_in_dim3A_988 : i32 to vector<16xi32>
      %gather3A_990 = tpu.vector_load_idx %arg12[%broadcast_in_dim3A_989, %add3A_328, %broadcast_in_dim3A_987] : memref<13x64x128xf32, #tpu.memory_space<vmem>>[vector<16xi32>, vector<16xi32>, vector<16xi32>], vector<16xf32>,
      %bitcast3A_991 = vector.bitcast %gather3A_990 : vector<16xf32> to vector<16xi32>
      %add3A_992 = arith.constant 32767 : i32
      %add3A_993 = vector.broadcast %add3A_992 : i32 to vector<16xi32>
      %add3A_994 = arith.addi %bitcast3A_991, %add3A_993 : vector<16xi32>
      %shift_right_logical3A_995 = arith.constant 16 : i32
      %shift_right_logical3A_996 = vector.broadcast %shift_right_logical3A_995 : i32 to vector<16xi32>
      %shift_right_logical3A_997 = arith.shrui %bitcast3A_991, %shift_right_logical3A_996 : vector<16xi32>
      %and3A_998 = arith.constant 1 : i32
      %and3A_999 = vector.broadcast %and3A_998 : i32 to vector<16xi32>
      %and3A_1000 = arith.andi %shift_right_logical3A_997, %and3A_999 : vector<16xi32>
      %add3A_1001 = arith.addi %add3A_994, %and3A_1000 : vector<16xi32>
      %and3A_1002 = arith.constant -65536 : i32
      %and3A_1003 = vector.broadcast %and3A_1002 : i32 to vector<16xi32>
      %and3A_1004 = arith.andi %add3A_1001, %and3A_1003 : vector<16xi32>
      %bitcast3A_1005 = vector.bitcast %and3A_1004 : vector<16xi32> to vector<16xf32>
      %gather3A_1006 = tpu.vector_load_idx %arg12[%broadcast_in_dim3A_989, %add3A_332, %broadcast_in_dim3A_987] : memref<13x64x128xf32, #tpu.memory_space<vmem>>[vector<16xi32>, vector<16xi32>, vector<16xi32>], vector<16xf32>,
      %bitcast3A_1007 = vector.bitcast %gather3A_1006 : vector<16xf32> to vector<16xi32>
      %add3A_1008 = arith.constant 32767 : i32
      %add3A_1009 = vector.broadcast %add3A_1008 : i32 to vector<16xi32>
      %add3A_1010 = arith.addi %bitcast3A_1007, %add3A_1009 : vector<16xi32>
      %shift_right_logical3A_1011 = arith.constant 16 : i32
      %shift_right_logical3A_1012 = vector.broadcast %shift_right_logical3A_1011 : i32 to vector<16xi32>
      %shift_right_logical3A_1013 = arith.shrui %bitcast3A_1007, %shift_right_logical3A_1012 : vector<16xi32>
      %and3A_1014 = arith.constant 1 : i32
      %and3A_1015 = vector.broadcast %and3A_1014 : i32 to vector<16xi32>
      %and3A_1016 = arith.andi %shift_right_logical3A_1013, %and3A_1015 : vector<16xi32>
      %add3A_1017 = arith.addi %add3A_1010, %and3A_1016 : vector<16xi32>
      %and3A_1018 = arith.constant -65536 : i32
      %and3A_1019 = vector.broadcast %and3A_1018 : i32 to vector<16xi32>
      %and3A_1020 = arith.andi %add3A_1017, %and3A_1019 : vector<16xi32>
      %bitcast3A_1021 = vector.bitcast %and3A_1020 : vector<16xi32> to vector<16xf32>
      %gather3A_1022 = tpu.vector_load_idx %arg12[%broadcast_in_dim3A_989, %add3A_336, %broadcast_in_dim3A_987] : memref<13x64x128xf32, #tpu.memory_space<vmem>>[vector<16xi32>, vector<16xi32>, vector<16xi32>], vector<16xf32>,
      %bitcast3A_1023 = vector.bitcast %gather3A_1022 : vector<16xf32> to vector<16xi32>
      %add3A_1024 = arith.constant 32767 : i32
      %add3A_1025 = vector.broadcast %add3A_1024 : i32 to vector<16xi32>
      %add3A_1026 = arith.addi %bitcast3A_1023, %add3A_1025 : vector<16xi32>
      %shift_right_logical3A_1027 = arith.constant 16 : i32
      %shift_right_logical3A_1028 = vector.broadcast %shift_right_logical3A_1027 : i32 to vector<16xi32>
      %shift_right_logical3A_1029 = arith.shrui %bitcast3A_1023, %shift_right_logical3A_1028 : vector<16xi32>
      %and3A_1030 = arith.constant 1 : i32
      %and3A_1031 = vector.broadcast %and3A_1030 : i32 to vector<16xi32>
      %and3A_1032 = arith.andi %shift_right_logical3A_1029, %and3A_1031 : vector<16xi32>
      %add3A_1033 = arith.addi %add3A_1026, %and3A_1032 : vector<16xi32>
      %and3A_1034 = arith.constant -65536 : i32
      %and3A_1035 = vector.broadcast %and3A_1034 : i32 to vector<16xi32>
      %and3A_1036 = arith.andi %add3A_1033, %and3A_1035 : vector<16xi32>
      %bitcast3A_1037 = vector.bitcast %and3A_1036 : vector<16xi32> to vector<16xf32>
      %gather3A_1038 = tpu.vector_load_idx %arg12[%broadcast_in_dim3A_989, %add3A_340, %broadcast_in_dim3A_987] : memref<13x64x128xf32, #tpu.memory_space<vmem>>[vector<16xi32>, vector<16xi32>, vector<16xi32>], vector<16xf32>,
      %bitcast3A_1039 = vector.bitcast %gather3A_1038 : vector<16xf32> to vector<16xi32>
      %add3A_1040 = arith.constant 32767 : i32
      %add3A_1041 = vector.broadcast %add3A_1040 : i32 to vector<16xi32>
      %add3A_1042 = arith.addi %bitcast3A_1039, %add3A_1041 : vector<16xi32>
      %shift_right_logical3A_1043 = arith.constant 16 : i32
      %shift_right_logical3A_1044 = vector.broadcast %shift_right_logical3A_1043 : i32 to vector<16xi32>
      %shift_right_logical3A_1045 = arith.shrui %bitcast3A_1039, %shift_right_logical3A_1044 : vector<16xi32>
      %and3A_1046 = arith.constant 1 : i32
      %and3A_1047 = vector.broadcast %and3A_1046 : i32 to vector<16xi32>
      %and3A_1048 = arith.andi %shift_right_logical3A_1045, %and3A_1047 : vector<16xi32>
      %add3A_1049 = arith.addi %add3A_1042, %and3A_1048 : vector<16xi32>
      %and3A_1050 = arith.constant -65536 : i32
      %and3A_1051 = vector.broadcast %and3A_1050 : i32 to vector<16xi32>
      %and3A_1052 = arith.andi %add3A_1049, %and3A_1051 : vector<16xi32>
      %bitcast3A_1053 = vector.bitcast %and3A_1052 : vector<16xi32> to vector<16xf32>
      %mul3A_1054 = arith.mulf %bitcast3A_356, %bitcast3A_1005 : vector<16xf32>
      %mul3A_1055 = arith.mulf %bitcast3A_372, %bitcast3A_1021 : vector<16xf32>
      %add3A_1056 = arith.addf %mul3A_1054, %mul3A_1055 : vector<16xf32>
      %mul3A_1057 = arith.mulf %bitcast3A_388, %bitcast3A_1037 : vector<16xf32>
      %add3A_1058 = arith.addf %add3A_1056, %mul3A_1057 : vector<16xf32>
      %mul3A_1059 = arith.mulf %bitcast3A_404, %bitcast3A_1053 : vector<16xf32>
      %add3A_1060 = arith.addf %add3A_1058, %mul3A_1059 : vector<16xf32>
      %reduce_sum3A_1061 = arith.constant true
      %reduce_sum3A_1062 = vector.broadcast %reduce_sum3A_1061 : i1 to vector<16xi1>
      %reduce_sum3A_1063 = tpu.scan <sum>, %add3A_1060 masked %reduce_sum3A_1062 : vector<16xf32>, vector<16xi1> -> vector<16xf32>
      %reduce_sum3A_1064 = vector.extract %reduce_sum3A_1063[15] : f32 from vector<16xf32>
      %eq3A_1065 = arith.constant 7 : i32
      %eq3A_1066 = vector.broadcast %eq3A_1065 : i32 to vector<16xi32>
      %eq3A_1067 = arith.cmpi eq, %iota3A_341, %eq3A_1066 : vector<16xi32>
      %broadcast_in_dim3A_1068 = vector.broadcast %reduce_sum3A_1064 : f32 to vector<16xf32>
      %select_n3A_1069 = arith.select %eq3A_1067, %broadcast_in_dim3A_1068, %select_n3A_986 : vector<16xi1>, vector<16xf32>
      %dma_wait3A_1070 = arith.constant 0 : i32
      %dma_wait3A_1071 = arith.constant 0 : i32
      %dma_wait3A_1072 = tpu.memref_slice %arg11[%dma_wait3A_1071] : memref<32xi32, #tpu.memory_space<vmem>> -> memref<20xi32, #tpu.memory_space<vmem>>
      %dma_wait3A_1073 = arith.constant 0 : i32
      %dma_wait3A_1074 = tpu.memref_slice %arg4[%dma_wait3A_1070, %dma_wait3A_1073] : memref<1x20xi32, #tpu.memory_space<hbm>> -> memref<1x20xi32, #tpu.memory_space<hbm>>
      %dma_wait3A_1075 = tpu.memref_squeeze %dma_wait3A_1074 : memref<1x20xi32, #tpu.memory_space<hbm>> -> memref<20xi32, #tpu.memory_space<hbm>>
      %dma_wait3A_1076 = arith.constant 0 : i32
      %dma_wait3A_1077 = tpu.memref_slice %arg11[%dma_wait3A_1076] : memref<32xi32, #tpu.memory_space<vmem>> -> memref<20xi32, #tpu.memory_space<vmem>>
      %dma_wait3A_1078 = arith.constant 0 : i32
      %dma_wait3A_1079 = tpu.memref_slice %arg4[%dma_wait3A_1070, %dma_wait3A_1078] : memref<1x20xi32, #tpu.memory_space<hbm>> -> memref<1x20xi32, #tpu.memory_space<hbm>>
      %dma_wait3A_1080 = tpu.memref_squeeze %dma_wait3A_1079 : memref<1x20xi32, #tpu.memory_space<hbm>> -> memref<20xi32, #tpu.memory_space<hbm>>
      tpu.wait_dma2 semaphore(%arg17 : memref<!tpu.dma_semaphore, #tpu.memory_space<semaphore_mem>>) src(%dma_wait3A_1080 : memref<20xi32, #tpu.memory_space<hbm>>) dst(%dma_wait3A_1077 : memref<20xi32, #tpu.memory_space<vmem>>)
      %neg3A = arith.constant 0.000000e+00 : f32
      %neg3A_1081 = vector.broadcast %neg3A : f32 to vector<16xf32>
      %neg3A_1082 = arith.subf %neg3A_1081, %select_n3A_1069 : vector<16xf32>
      %exp3A = math.exp %neg3A_1082 : vector<16xf32>
      %add3A_1083 = arith.constant 1.000000e+00 : f32
      %add3A_1084 = vector.broadcast %add3A_1083 : f32 to vector<16xf32>
      %add3A_1085 = arith.addf %add3A_1084, %exp3A : vector<16xf32>
      %div3A = arith.constant 1.000000e+00 : f32
      %div3A_1086 = vector.broadcast %div3A : f32 to vector<16xf32>
      %div3A_1087 = arith.divf %div3A_1086, %add3A_1085 : vector<16xf32>
      %ge3A = arith.constant 5.000000e-01 : f32
      %ge3A_1088 = vector.broadcast %ge3A : f32 to vector<16xf32>
      %ge3A_1089 = arith.cmpf oge, %div3A_1087, %ge3A_1088 : vector<16xf32>
      %jit3A = arith.constant 1 : i32
      %jit3A_1090 = arith.constant 0 : i32
      %broadcast_in_dim3A_1091 = vector.broadcast %jit3A : i32 to vector<16xi32>
      %broadcast_in_dim3A_1092 = vector.broadcast %jit3A_1090 : i32 to vector<16xi32>
      %select_n3A_1093 = arith.select %ge3A_1089, %broadcast_in_dim3A_1091, %broadcast_in_dim3A_1092 : vector<16xi1>, vector<16xi32>
      %get3A_1094 = arith.constant 0 : index
      %get3A_1095 = tpu.vector_load %arg11[%get3A_1094] {strides = array<i32>} : memref<32xi32, #tpu.memory_space<vmem>>, vector<16xi32>,
      %eq3A_1096 = arith.cmpi eq, %select_n3A_1093, %get3A_1095 : vector<16xi32>
      %jit3A_1097 = arith.constant 1 : i32
      %jit3A_1098 = arith.constant 0 : i32
      %broadcast_in_dim3A_1099 = vector.broadcast %jit3A_1097 : i32 to vector<16xi32>
      %broadcast_in_dim3A_1100 = vector.broadcast %jit3A_1098 : i32 to vector<16xi32>
      %select_n3A_1101 = arith.select %eq3A_1096, %broadcast_in_dim3A_1099, %broadcast_in_dim3A_1100 : vector<16xi1>, vector<16xi32>
      %swap3A = arith.constant 0 : index
      %swap3A_1102 = tpu.vector_load %arg13[%swap3A] {strides = array<i32>} : memref<32xf32, #tpu.memory_space<vmem>>, vector<16xf32>,
      tpu.vector_store %arg13[%swap3A], %div3A_1087 {strides = array<i32>} : memref<32xf32, #tpu.memory_space<vmem>>, vector<16xf32>,
      %swap3A_1103 = arith.constant 0 : index
      %swap3A_1104 = tpu.vector_load %arg14[%swap3A_1103] {strides = array<i32>} : memref<32xi32, #tpu.memory_space<vmem>>, vector<16xi32>,
      tpu.vector_store %arg14[%swap3A_1103], %select_n3A_1101 {strides = array<i32>} : memref<32xi32, #tpu.memory_space<vmem>>, vector<16xi32>,
      %dma_start3A_1105 = arith.constant 0 : i32
      %dma_start3A_1106 = arith.constant 0 : i32
      %dma_start3A_1107 = tpu.memref_slice %arg13[%dma_start3A_1106] : memref<32xf32, #tpu.memory_space<vmem>> -> memref<8xf32, #tpu.memory_space<vmem>>
      %dma_start3A_1108 = arith.constant 0 : i32
      %dma_start3A_1109 = tpu.memref_slice %arg7[%dma_start3A_1105, %dma_start3A_1108] : memref<1x20xf32, #tpu.memory_space<hbm>> -> memref<1x20xf32, #tpu.memory_space<hbm>>
      %dma_start3A_1110 = tpu.memref_squeeze %dma_start3A_1109 : memref<1x20xf32, #tpu.memory_space<hbm>> -> memref<20xf32, #tpu.memory_space<hbm>>
      %dma_start3A_1111 = arith.constant 0 : i32
      %dma_start3A_1112 = tpu.memref_slice %dma_start3A_1110[%dma_start3A_1111] : memref<20xf32, #tpu.memory_space<hbm>> -> memref<8xf32, #tpu.memory_space<hbm>>
      %dma_start3A_1113 = arith.constant 0 : i32
      %dma_start3A_1114 = tpu.memref_slice %arg7[%dma_start3A_1105, %dma_start3A_1113] : memref<1x20xf32, #tpu.memory_space<hbm>> -> memref<1x20xf32, #tpu.memory_space<hbm>>
      %dma_start3A_1115 = tpu.memref_squeeze %dma_start3A_1114 : memref<1x20xf32, #tpu.memory_space<hbm>> -> memref<20xf32, #tpu.memory_space<hbm>>
      %dma_start3A_1116 = arith.constant 0 : i32
      %dma_start3A_1117 = tpu.memref_slice %dma_start3A_1115[%dma_start3A_1116] : memref<20xf32, #tpu.memory_space<hbm>> -> memref<8xf32, #tpu.memory_space<hbm>>
      %dma_start3A_1118 = arith.constant 0 : i32
      %dma_start3A_1119 = tpu.memref_slice %arg13[%dma_start3A_1118] : memref<32xf32, #tpu.memory_space<vmem>> -> memref<8xf32, #tpu.memory_space<vmem>>
      tpu.enqueue_dma source(%dma_start3A_1119 : memref<8xf32, #tpu.memory_space<vmem>>) target(%dma_start3A_1117 : memref<8xf32, #tpu.memory_space<hbm>>) target_semaphore(%arg15 : memref<!tpu.dma_semaphore, #tpu.memory_space<semaphore_mem>>)
      %dma_start3A_1120 = arith.constant 0 : i32
      %dma_start3A_1121 = arith.constant 0 : i32
      %dma_start3A_1122 = tpu.memref_slice %arg14[%dma_start3A_1121] : memref<32xi32, #tpu.memory_space<vmem>> -> memref<8xi32, #tpu.memory_space<vmem>>
      %dma_start3A_1123 = arith.constant 0 : i32
      %dma_start3A_1124 = tpu.memref_slice %arg8[%dma_start3A_1120, %dma_start3A_1123] : memref<1x20xi32, #tpu.memory_space<hbm>> -> memref<1x20xi32, #tpu.memory_space<hbm>>
      %dma_start3A_1125 = tpu.memref_squeeze %dma_start3A_1124 : memref<1x20xi32, #tpu.memory_space<hbm>> -> memref<20xi32, #tpu.memory_space<hbm>>
      %dma_start3A_1126 = arith.constant 0 : i32
      %dma_start3A_1127 = tpu.memref_slice %dma_start3A_1125[%dma_start3A_1126] : memref<20xi32, #tpu.memory_space<hbm>> -> memref<8xi32, #tpu.memory_space<hbm>>
      %dma_start3A_1128 = arith.constant 0 : i32
      %dma_start3A_1129 = tpu.memref_slice %arg8[%dma_start3A_1120, %dma_start3A_1128] : memref<1x20xi32, #tpu.memory_space<hbm>> -> memref<1x20xi32, #tpu.memory_space<hbm>>
      %dma_start3A_1130 = tpu.memref_squeeze %dma_start3A_1129 : memref<1x20xi32, #tpu.memory_space<hbm>> -> memref<20xi32, #tpu.memory_space<hbm>>
      %dma_start3A_1131 = arith.constant 0 : i32
      %dma_start3A_1132 = tpu.memref_slice %dma_start3A_1130[%dma_start3A_1131] : memref<20xi32, #tpu.memory_space<hbm>> -> memref<8xi32, #tpu.memory_space<hbm>>
      %dma_start3A_1133 = arith.constant 0 : i32
      %dma_start3A_1134 = tpu.memref_slice %arg14[%dma_start3A_1133] : memref<32xi32, #tpu.memory_space<vmem>> -> memref<8xi32, #tpu.memory_space<vmem>>
      tpu.enqueue_dma source(%dma_start3A_1134 : memref<8xi32, #tpu.memory_space<vmem>>) target(%dma_start3A_1132 : memref<8xi32, #tpu.memory_space<hbm>>) target_semaphore(%arg17 : memref<!tpu.dma_semaphore, #tpu.memory_space<semaphore_mem>>)
      %dma_wait3A_1135 = arith.constant 0 : i32
      %dma_wait3A_1136 = arith.constant 0 : i32
      %dma_wait3A_1137 = tpu.memref_slice %arg13[%dma_wait3A_1136] : memref<32xf32, #tpu.memory_space<vmem>> -> memref<8xf32, #tpu.memory_space<vmem>>
      %dma_wait3A_1138 = arith.constant 0 : i32
      %dma_wait3A_1139 = tpu.memref_slice %arg7[%dma_wait3A_1135, %dma_wait3A_1138] : memref<1x20xf32, #tpu.memory_space<hbm>> -> memref<1x20xf32, #tpu.memory_space<hbm>>
      %dma_wait3A_1140 = tpu.memref_squeeze %dma_wait3A_1139 : memref<1x20xf32, #tpu.memory_space<hbm>> -> memref<20xf32, #tpu.memory_space<hbm>>
      %dma_wait3A_1141 = arith.constant 0 : i32
      %dma_wait3A_1142 = tpu.memref_slice %dma_wait3A_1140[%dma_wait3A_1141] : memref<20xf32, #tpu.memory_space<hbm>> -> memref<8xf32, #tpu.memory_space<hbm>>
      %dma_wait3A_1143 = arith.constant 0 : i32
      %dma_wait3A_1144 = tpu.memref_slice %arg7[%dma_wait3A_1135, %dma_wait3A_1143] : memref<1x20xf32, #tpu.memory_space<hbm>> -> memref<1x20xf32, #tpu.memory_space<hbm>>
      %dma_wait3A_1145 = tpu.memref_squeeze %dma_wait3A_1144 : memref<1x20xf32, #tpu.memory_space<hbm>> -> memref<20xf32, #tpu.memory_space<hbm>>
      %dma_wait3A_1146 = arith.constant 0 : i32
      %dma_wait3A_1147 = tpu.memref_slice %dma_wait3A_1145[%dma_wait3A_1146] : memref<20xf32, #tpu.memory_space<hbm>> -> memref<8xf32, #tpu.memory_space<hbm>>
      %dma_wait3A_1148 = arith.constant 0 : i32
      %dma_wait3A_1149 = tpu.memref_slice %arg13[%dma_wait3A_1148] : memref<32xf32, #tpu.memory_space<vmem>> -> memref<8xf32, #tpu.memory_space<vmem>>
      tpu.wait_dma2 semaphore(%arg15 : memref<!tpu.dma_semaphore, #tpu.memory_space<semaphore_mem>>) src(%dma_wait3A_1149 : memref<8xf32, #tpu.memory_space<vmem>>) dst(%dma_wait3A_1147 : memref<8xf32, #tpu.memory_space<hbm>>)
      %dma_wait3A_1150 = arith.constant 0 : i32
      %dma_wait3A_1151 = arith.constant 0 : i32
      %dma_wait3A_1152 = tpu.memref_slice %arg14[%dma_wait3A_1151] : memref<32xi32, #tpu.memory_space<vmem>> -> memref<8xi32, #tpu.memory_space<vmem>>
      %dma_wait3A_1153 = arith.constant 0 : i32
      %dma_wait3A_1154 = tpu.memref_slice %arg8[%dma_wait3A_1150, %dma_wait3A_1153] : memref<1x20xi32, #tpu.memory_space<hbm>> -> memref<1x20xi32, #tpu.memory_space<hbm>>
      %dma_wait3A_1155 = tpu.memref_squeeze %dma_wait3A_1154 : memref<1x20xi32, #tpu.memory_space<hbm>> -> memref<20xi32, #tpu.memory_space<hbm>>
      %dma_wait3A_1156 = arith.constant 0 : i32
      %dma_wait3A_1157 = tpu.memref_slice %dma_wait3A_1155[%dma_wait3A_1156] : memref<20xi32, #tpu.memory_space<hbm>> -> memref<8xi32, #tpu.memory_space<hbm>>
      %dma_wait3A_1158 = arith.constant 0 : i32
      %dma_wait3A_1159 = tpu.memref_slice %arg8[%dma_wait3A_1150, %dma_wait3A_1158] : memref<1x20xi32, #tpu.memory_space<hbm>> -> memref<1x20xi32, #tpu.memory_space<hbm>>
      %dma_wait3A_1160 = tpu.memref_squeeze %dma_wait3A_1159 : memref<1x20xi32, #tpu.memory_space<hbm>> -> memref<20xi32, #tpu.memory_space<hbm>>
      %dma_wait3A_1161 = arith.constant 0 : i32
      %dma_wait3A_1162 = tpu.memref_slice %dma_wait3A_1160[%dma_wait3A_1161] : memref<20xi32, #tpu.memory_space<hbm>> -> memref<8xi32, #tpu.memory_space<hbm>>
      %dma_wait3A_1163 = arith.constant 0 : i32
      %dma_wait3A_1164 = tpu.memref_slice %arg14[%dma_wait3A_1163] : memref<32xi32, #tpu.memory_space<vmem>> -> memref<8xi32, #tpu.memory_space<vmem>>
      tpu.wait_dma2 semaphore(%arg17 : memref<!tpu.dma_semaphore, #tpu.memory_space<semaphore_mem>>) src(%dma_wait3A_1164 : memref<8xi32, #tpu.memory_space<vmem>>) dst(%dma_wait3A_1162 : memref<8xi32, #tpu.memory_space<hbm>>)
    } else {
    }
    %eq3A_4 = arith.constant 1 : i32
    %eq3A_5 = arith.cmpi eq, %arg0, %eq3A_4 : i32
    %eq3A_6 = arith.constant 0 : i32
    %eq3A_7 = arith.cmpi eq, %arg1, %eq3A_6 : i32
    %and3A_8 = arith.andi %eq3A_5, %eq3A_7 : i1
    %convert_element_type3A_9 = arith.extui %and3A_8 : i1 to i32
    %cond3A_10 = arith.constant 0 : i32
    %cond3A_11 = arith.cmpi ne, %convert_element_type3A_9, %cond3A_10 : i32
    scf.if %cond3A_11 {
      %dma_start3A = arith.constant 0 : i32
      %dma_start3A_12 = tpu.memref_slice %arg9[%dma_start3A] : memref<16xi32, #tpu.memory_space<vmem>> -> memref<1xi32, #tpu.memory_space<vmem>>
      %dma_start3A_13 = arith.constant 0 : i32
      %dma_start3A_14 = tpu.memref_slice %arg9[%dma_start3A_13] : memref<16xi32, #tpu.memory_space<vmem>> -> memref<1xi32, #tpu.memory_space<vmem>>
      tpu.enqueue_dma source(%arg2 : memref<1xi32, #tpu.memory_space<hbm>>) target(%dma_start3A_14 : memref<1xi32, #tpu.memory_space<vmem>>) target_semaphore(%arg15 : memref<!tpu.dma_semaphore, #tpu.memory_space<semaphore_mem>>)
      %dma_start3A_15 = arith.constant 0 : i32
      %dma_start3A_16 = tpu.memref_slice %arg10[%dma_start3A_15] : memref<32xi32, #tpu.memory_space<vmem>> -> memref<20xi32, #tpu.memory_space<vmem>>
      %dma_start3A_17 = arith.constant 0 : i32
      %dma_start3A_18 = tpu.memref_slice %arg10[%dma_start3A_17] : memref<32xi32, #tpu.memory_space<vmem>> -> memref<20xi32, #tpu.memory_space<vmem>>
      tpu.enqueue_dma source(%arg3 : memref<20xi32, #tpu.memory_space<hbm>>) target(%dma_start3A_18 : memref<20xi32, #tpu.memory_space<vmem>>) target_semaphore(%arg16 : memref<!tpu.dma_semaphore, #tpu.memory_space<semaphore_mem>>)
      %dma_start3A_19 = arith.constant 0 : i32
      %dma_start3A_20 = arith.constant 0 : i32
      %dma_start3A_21 = tpu.memref_slice %arg11[%dma_start3A_20] : memref<32xi32, #tpu.memory_space<vmem>> -> memref<20xi32, #tpu.memory_space<vmem>>
      %dma_start3A_22 = arith.constant 0 : i32
      %dma_start3A_23 = tpu.memref_slice %arg4[%dma_start3A_19, %dma_start3A_22] : memref<1x20xi32, #tpu.memory_space<hbm>> -> memref<1x20xi32, #tpu.memory_space<hbm>>
      %dma_start3A_24 = tpu.memref_squeeze %dma_start3A_23 : memref<1x20xi32, #tpu.memory_space<hbm>> -> memref<20xi32, #tpu.memory_space<hbm>>
      %dma_start3A_25 = arith.constant 0 : i32
      %dma_start3A_26 = tpu.memref_slice %arg11[%dma_start3A_25] : memref<32xi32, #tpu.memory_space<vmem>> -> memref<20xi32, #tpu.memory_space<vmem>>
      %dma_start3A_27 = arith.constant 0 : i32
      %dma_start3A_28 = tpu.memref_slice %arg4[%dma_start3A_19, %dma_start3A_27] : memref<1x20xi32, #tpu.memory_space<hbm>> -> memref<1x20xi32, #tpu.memory_space<hbm>>
      %dma_start3A_29 = tpu.memref_squeeze %dma_start3A_28 : memref<1x20xi32, #tpu.memory_space<hbm>> -> memref<20xi32, #tpu.memory_space<hbm>>
      tpu.enqueue_dma source(%dma_start3A_29 : memref<20xi32, #tpu.memory_space<hbm>>) target(%dma_start3A_26 : memref<20xi32, #tpu.memory_space<vmem>>) target_semaphore(%arg17 : memref<!tpu.dma_semaphore, #tpu.memory_space<semaphore_mem>>)
      %dma_wait3A = arith.constant 0 : i32
      %dma_wait3A_30 = tpu.memref_slice %arg9[%dma_wait3A] : memref<16xi32, #tpu.memory_space<vmem>> -> memref<1xi32, #tpu.memory_space<vmem>>
      %dma_wait3A_31 = arith.constant 0 : i32
      %dma_wait3A_32 = tpu.memref_slice %arg9[%dma_wait3A_31] : memref<16xi32, #tpu.memory_space<vmem>> -> memref<1xi32, #tpu.memory_space<vmem>>
      tpu.wait_dma2 semaphore(%arg15 : memref<!tpu.dma_semaphore, #tpu.memory_space<semaphore_mem>>) src(%arg2 : memref<1xi32, #tpu.memory_space<hbm>>) dst(%dma_wait3A_32 : memref<1xi32, #tpu.memory_space<vmem>>)
      %dma_wait3A_33 = arith.constant 0 : i32
      %dma_wait3A_34 = tpu.memref_slice %arg10[%dma_wait3A_33] : memref<32xi32, #tpu.memory_space<vmem>> -> memref<20xi32, #tpu.memory_space<vmem>>
      %dma_wait3A_35 = arith.constant 0 : i32
      %dma_wait3A_36 = tpu.memref_slice %arg10[%dma_wait3A_35] : memref<32xi32, #tpu.memory_space<vmem>> -> memref<20xi32, #tpu.memory_space<vmem>>
      tpu.wait_dma2 semaphore(%arg16 : memref<!tpu.dma_semaphore, #tpu.memory_space<semaphore_mem>>) src(%arg3 : memref<20xi32, #tpu.memory_space<hbm>>) dst(%dma_wait3A_36 : memref<20xi32, #tpu.memory_space<vmem>>)
      %get3A = arith.constant 0 : index
      %get3A_37 = tpu.vector_load %arg9[%get3A] {strides = array<i32>} : memref<16xi32, #tpu.memory_space<vmem>>, vector<16xi32>,
      %slice3A = vector.extract_strided_slice %get3A_37 {offsets = [0], sizes = [1], strides = [1]} : vector<16xi32> to vector<1xi32>
      %squeeze3A = vector.extract %slice3A[0] : i32 from vector<1xi32>
      %get3A_38 = arith.constant 0 : index
      %get3A_39 = tpu.vector_load %arg10[%get3A_38] {strides = array<i32>} : memref<32xi32, #tpu.memory_space<vmem>>, vector<16xi32>,
      %shift_right_arithmetic3A = arith.constant 7 : i32
      %shift_right_arithmetic3A_40 = vector.broadcast %shift_right_arithmetic3A : i32 to vector<16xi32>
      %shift_right_arithmetic3A_41 = arith.shrsi %get3A_39, %shift_right_arithmetic3A_40 : vector<16xi32>
      %shift_left3A = arith.constant 7 : i32
      %shift_left3A_42 = vector.broadcast %shift_left3A : i32 to vector<16xi32>
      %shift_left3A_43 = arith.shli %shift_right_arithmetic3A_41, %shift_left3A_42 : vector<16xi32>
      %and3A_44 = arith.constant 127 : i32
      %and3A_45 = vector.broadcast %and3A_44 : i32 to vector<16xi32>
      %and3A_46 = arith.andi %get3A_39, %and3A_45 : vector<16xi32>
      %slice3A_47 = vector.extract_strided_slice %shift_left3A_43 {offsets = [8], sizes = [1], strides = [1]} : vector<16xi32> to vector<1xi32>
      %squeeze3A_48 = vector.extract %slice3A_47[0] : i32 from vector<1xi32>
      %slice3A_49 = vector.extract_strided_slice %and3A_46 {offsets = [8], sizes = [1], strides = [1]} : vector<16xi32> to vector<1xi32>
      %squeeze3A_50 = vector.extract %slice3A_49[0] : i32 from vector<1xi32>
      %slice3A_51 = vector.extract_strided_slice %shift_left3A_43 {offsets = [9], sizes = [1], strides = [1]} : vector<16xi32> to vector<1xi32>
      %squeeze3A_52 = vector.extract %slice3A_51[0] : i32 from vector<1xi32>
      %slice3A_53 = vector.extract_strided_slice %and3A_46 {offsets = [9], sizes = [1], strides = [1]} : vector<16xi32> to vector<1xi32>
      %squeeze3A_54 = vector.extract %slice3A_53[0] : i32 from vector<1xi32>
      %slice3A_55 = vector.extract_strided_slice %shift_left3A_43 {offsets = [10], sizes = [1], strides = [1]} : vector<16xi32> to vector<1xi32>
      %squeeze3A_56 = vector.extract %slice3A_55[0] : i32 from vector<1xi32>
      %slice3A_57 = vector.extract_strided_slice %and3A_46 {offsets = [10], sizes = [1], strides = [1]} : vector<16xi32> to vector<1xi32>
      %squeeze3A_58 = vector.extract %slice3A_57[0] : i32 from vector<1xi32>
      %slice3A_59 = vector.extract_strided_slice %shift_left3A_43 {offsets = [11], sizes = [1], strides = [1]} : vector<16xi32> to vector<1xi32>
      %squeeze3A_60 = vector.extract %slice3A_59[0] : i32 from vector<1xi32>
      %slice3A_61 = vector.extract_strided_slice %and3A_46 {offsets = [11], sizes = [1], strides = [1]} : vector<16xi32> to vector<1xi32>
      %squeeze3A_62 = vector.extract %slice3A_61[0] : i32 from vector<1xi32>
      %slice3A_63 = vector.extract_strided_slice %shift_left3A_43 {offsets = [12], sizes = [1], strides = [1]} : vector<16xi32> to vector<1xi32>
      %squeeze3A_64 = vector.extract %slice3A_63[0] : i32 from vector<1xi32>
      %slice3A_65 = vector.extract_strided_slice %and3A_46 {offsets = [12], sizes = [1], strides = [1]} : vector<16xi32> to vector<1xi32>
      %squeeze3A_66 = vector.extract %slice3A_65[0] : i32 from vector<1xi32>
      %slice3A_67 = vector.extract_strided_slice %shift_left3A_43 {offsets = [13], sizes = [1], strides = [1]} : vector<16xi32> to vector<1xi32>
      %squeeze3A_68 = vector.extract %slice3A_67[0] : i32 from vector<1xi32>
      %slice3A_69 = vector.extract_strided_slice %and3A_46 {offsets = [13], sizes = [1], strides = [1]} : vector<16xi32> to vector<1xi32>
      %squeeze3A_70 = vector.extract %slice3A_69[0] : i32 from vector<1xi32>
      %slice3A_71 = vector.extract_strided_slice %shift_left3A_43 {offsets = [14], sizes = [1], strides = [1]} : vector<16xi32> to vector<1xi32>
      %squeeze3A_72 = vector.extract %slice3A_71[0] : i32 from vector<1xi32>
      %slice3A_73 = vector.extract_strided_slice %and3A_46 {offsets = [14], sizes = [1], strides = [1]} : vector<16xi32> to vector<1xi32>
      %squeeze3A_74 = vector.extract %slice3A_73[0] : i32 from vector<1xi32>
      %slice3A_75 = vector.extract_strided_slice %shift_left3A_43 {offsets = [15], sizes = [1], strides = [1]} : vector<16xi32> to vector<1xi32>
      %squeeze3A_76 = vector.extract %slice3A_75[0] : i32 from vector<1xi32>
      %slice3A_77 = vector.extract_strided_slice %and3A_46 {offsets = [15], sizes = [1], strides = [1]} : vector<16xi32> to vector<1xi32>
      %squeeze3A_78 = vector.extract %slice3A_77[0] : i32 from vector<1xi32>
      %get3A_79 = arith.constant 16 : index
      %get3A_80 = tpu.vector_load %arg10[%get3A_79] {strides = array<i32>} : memref<32xi32, #tpu.memory_space<vmem>>, vector<16xi32>,
      %shift_right_arithmetic3A_81 = arith.constant 7 : i32
      %shift_right_arithmetic3A_82 = vector.broadcast %shift_right_arithmetic3A_81 : i32 to vector<16xi32>
      %shift_right_arithmetic3A_83 = arith.shrsi %get3A_80, %shift_right_arithmetic3A_82 : vector<16xi32>
      %shift_left3A_84 = arith.constant 7 : i32
      %shift_left3A_85 = vector.broadcast %shift_left3A_84 : i32 to vector<16xi32>
      %shift_left3A_86 = arith.shli %shift_right_arithmetic3A_83, %shift_left3A_85 : vector<16xi32>
      %and3A_87 = arith.constant 127 : i32
      %and3A_88 = vector.broadcast %and3A_87 : i32 to vector<16xi32>
      %and3A_89 = arith.andi %get3A_80, %and3A_88 : vector<16xi32>
      %slice3A_90 = vector.extract_strided_slice %shift_left3A_86 {offsets = [0], sizes = [1], strides = [1]} : vector<16xi32> to vector<1xi32>
      %squeeze3A_91 = vector.extract %slice3A_90[0] : i32 from vector<1xi32>
      %slice3A_92 = vector.extract_strided_slice %and3A_89 {offsets = [0], sizes = [1], strides = [1]} : vector<16xi32> to vector<1xi32>
      %squeeze3A_93 = vector.extract %slice3A_92[0] : i32 from vector<1xi32>
      %slice3A_94 = vector.extract_strided_slice %shift_left3A_86 {offsets = [1], sizes = [1], strides = [1]} : vector<16xi32> to vector<1xi32>
      %squeeze3A_95 = vector.extract %slice3A_94[0] : i32 from vector<1xi32>
      %slice3A_96 = vector.extract_strided_slice %and3A_89 {offsets = [1], sizes = [1], strides = [1]} : vector<16xi32> to vector<1xi32>
      %squeeze3A_97 = vector.extract %slice3A_96[0] : i32 from vector<1xi32>
      %slice3A_98 = vector.extract_strided_slice %shift_left3A_86 {offsets = [2], sizes = [1], strides = [1]} : vector<16xi32> to vector<1xi32>
      %squeeze3A_99 = vector.extract %slice3A_98[0] : i32 from vector<1xi32>
      %slice3A_100 = vector.extract_strided_slice %and3A_89 {offsets = [2], sizes = [1], strides = [1]} : vector<16xi32> to vector<1xi32>
      %squeeze3A_101 = vector.extract %slice3A_100[0] : i32 from vector<1xi32>
      %slice3A_102 = vector.extract_strided_slice %shift_left3A_86 {offsets = [3], sizes = [1], strides = [1]} : vector<16xi32> to vector<1xi32>
      %squeeze3A_103 = vector.extract %slice3A_102[0] : i32 from vector<1xi32>
      %slice3A_104 = vector.extract_strided_slice %and3A_89 {offsets = [3], sizes = [1], strides = [1]} : vector<16xi32> to vector<1xi32>
      %squeeze3A_105 = vector.extract %slice3A_104[0] : i32 from vector<1xi32>
      %shift_right_arithmetic3A_106 = arith.constant 7 : i32
      %shift_right_arithmetic3A_107 = arith.shrsi %squeeze3A, %shift_right_arithmetic3A_106 : i32
      %shift_left3A_108 = arith.constant 7 : i32
      %shift_left3A_109 = arith.shli %shift_right_arithmetic3A_107, %shift_left3A_108 : i32
      %and3A_110 = arith.constant 127 : i32
      %and3A_111 = arith.andi %squeeze3A, %and3A_110 : i32
      %multiple_of3A = tpu.assume_multiple %shift_left3A_109, 128 : i32
      %dma_start3A_112 = arith.constant 0 : i32
      %dma_start3A_113 = arith.constant 0 : i32
      %dma_start3A_114 = arith.constant 0 : i32
      %dma_start3A_115 = tpu.memref_slice %arg12[%dma_start3A_112, %dma_start3A_113, %dma_start3A_114] : memref<13x64x128xf32, #tpu.memory_space<vmem>> -> memref<1x64x128xf32, #tpu.memory_space<vmem>>
      %dma_start3A_116 = tpu.memref_squeeze %dma_start3A_115 : memref<1x64x128xf32, #tpu.memory_space<vmem>> -> memref<64x128xf32, #tpu.memory_space<vmem>>
      %dma_start3A_117 = arith.constant 0 : i32
      %dma_start3A_118 = tpu.memref_slice %arg5[%dma_start3A_117, %multiple_of3A] : memref<64x1000001xf32, #tpu.memory_space<hbm>> -> memref<64x128xf32, #tpu.memory_space<hbm>>
      %dma_start3A_119 = arith.constant 0 : i32
      %dma_start3A_120 = arith.constant 0 : i32
      %dma_start3A_121 = tpu.memref_slice %arg12[%dma_start3A_112, %dma_start3A_119, %dma_start3A_120] : memref<13x64x128xf32, #tpu.memory_space<vmem>> -> memref<1x64x128xf32, #tpu.memory_space<vmem>>
      %dma_start3A_122 = tpu.memref_squeeze %dma_start3A_121 : memref<1x64x128xf32, #tpu.memory_space<vmem>> -> memref<64x128xf32, #tpu.memory_space<vmem>>
      %dma_start3A_123 = arith.constant 0 : i32
      %dma_start3A_124 = tpu.memref_slice %arg5[%dma_start3A_123, %multiple_of3A] : memref<64x1000001xf32, #tpu.memory_space<hbm>> -> memref<64x128xf32, #tpu.memory_space<hbm>>
      tpu.enqueue_dma source(%dma_start3A_124 : memref<64x128xf32, #tpu.memory_space<hbm>>) target(%dma_start3A_122 : memref<64x128xf32, #tpu.memory_space<vmem>>) target_semaphore(%arg16 : memref<!tpu.dma_semaphore, #tpu.memory_space<semaphore_mem>>)
      %multiple_of3A_125 = tpu.assume_multiple %squeeze3A_48, 128 : i32
      %dma_start3A_126 = arith.constant 1 : i32
      %dma_start3A_127 = arith.constant 0 : i32
      %dma_start3A_128 = arith.constant 0 : i32
      %dma_start3A_129 = tpu.memref_slice %arg12[%dma_start3A_126, %dma_start3A_127, %dma_start3A_128] : memref<13x64x128xf32, #tpu.memory_space<vmem>> -> memref<1x64x128xf32, #tpu.memory_space<vmem>>
      %dma_start3A_130 = tpu.memref_squeeze %dma_start3A_129 : memref<1x64x128xf32, #tpu.memory_space<vmem>> -> memref<64x128xf32, #tpu.memory_space<vmem>>
      %dma_start3A_131 = arith.constant 0 : i32
      %dma_start3A_132 = tpu.memref_slice %arg6[%dma_start3A_131, %multiple_of3A_125] : memref<64x999999xf32, #tpu.memory_space<hbm>> -> memref<64x128xf32, #tpu.memory_space<hbm>>
      %dma_start3A_133 = arith.constant 0 : i32
      %dma_start3A_134 = arith.constant 0 : i32
      %dma_start3A_135 = tpu.memref_slice %arg12[%dma_start3A_126, %dma_start3A_133, %dma_start3A_134] : memref<13x64x128xf32, #tpu.memory_space<vmem>> -> memref<1x64x128xf32, #tpu.memory_space<vmem>>
      %dma_start3A_136 = tpu.memref_squeeze %dma_start3A_135 : memref<1x64x128xf32, #tpu.memory_space<vmem>> -> memref<64x128xf32, #tpu.memory_space<vmem>>
      %dma_start3A_137 = arith.constant 0 : i32
      %dma_start3A_138 = tpu.memref_slice %arg6[%dma_start3A_137, %multiple_of3A_125] : memref<64x999999xf32, #tpu.memory_space<hbm>> -> memref<64x128xf32, #tpu.memory_space<hbm>>
      tpu.enqueue_dma source(%dma_start3A_138 : memref<64x128xf32, #tpu.memory_space<hbm>>) target(%dma_start3A_136 : memref<64x128xf32, #tpu.memory_space<vmem>>) target_semaphore(%arg16 : memref<!tpu.dma_semaphore, #tpu.memory_space<semaphore_mem>>)
      %multiple_of3A_139 = tpu.assume_multiple %squeeze3A_52, 128 : i32
      %dma_start3A_140 = arith.constant 2 : i32
      %dma_start3A_141 = arith.constant 0 : i32
      %dma_start3A_142 = arith.constant 0 : i32
      %dma_start3A_143 = tpu.memref_slice %arg12[%dma_start3A_140, %dma_start3A_141, %dma_start3A_142] : memref<13x64x128xf32, #tpu.memory_space<vmem>> -> memref<1x64x128xf32, #tpu.memory_space<vmem>>
      %dma_start3A_144 = tpu.memref_squeeze %dma_start3A_143 : memref<1x64x128xf32, #tpu.memory_space<vmem>> -> memref<64x128xf32, #tpu.memory_space<vmem>>
      %dma_start3A_145 = arith.constant 0 : i32
      %dma_start3A_146 = tpu.memref_slice %arg6[%dma_start3A_145, %multiple_of3A_139] : memref<64x999999xf32, #tpu.memory_space<hbm>> -> memref<64x128xf32, #tpu.memory_space<hbm>>
      %dma_start3A_147 = arith.constant 0 : i32
      %dma_start3A_148 = arith.constant 0 : i32
      %dma_start3A_149 = tpu.memref_slice %arg12[%dma_start3A_140, %dma_start3A_147, %dma_start3A_148] : memref<13x64x128xf32, #tpu.memory_space<vmem>> -> memref<1x64x128xf32, #tpu.memory_space<vmem>>
      %dma_start3A_150 = tpu.memref_squeeze %dma_start3A_149 : memref<1x64x128xf32, #tpu.memory_space<vmem>> -> memref<64x128xf32, #tpu.memory_space<vmem>>
      %dma_start3A_151 = arith.constant 0 : i32
      %dma_start3A_152 = tpu.memref_slice %arg6[%dma_start3A_151, %multiple_of3A_139] : memref<64x999999xf32, #tpu.memory_space<hbm>> -> memref<64x128xf32, #tpu.memory_space<hbm>>
      tpu.enqueue_dma source(%dma_start3A_152 : memref<64x128xf32, #tpu.memory_space<hbm>>) target(%dma_start3A_150 : memref<64x128xf32, #tpu.memory_space<vmem>>) target_semaphore(%arg16 : memref<!tpu.dma_semaphore, #tpu.memory_space<semaphore_mem>>)
      %multiple_of3A_153 = tpu.assume_multiple %squeeze3A_56, 128 : i32
      %dma_start3A_154 = arith.constant 3 : i32
      %dma_start3A_155 = arith.constant 0 : i32
      %dma_start3A_156 = arith.constant 0 : i32
      %dma_start3A_157 = tpu.memref_slice %arg12[%dma_start3A_154, %dma_start3A_155, %dma_start3A_156] : memref<13x64x128xf32, #tpu.memory_space<vmem>> -> memref<1x64x128xf32, #tpu.memory_space<vmem>>
      %dma_start3A_158 = tpu.memref_squeeze %dma_start3A_157 : memref<1x64x128xf32, #tpu.memory_space<vmem>> -> memref<64x128xf32, #tpu.memory_space<vmem>>
      %dma_start3A_159 = arith.constant 0 : i32
      %dma_start3A_160 = tpu.memref_slice %arg6[%dma_start3A_159, %multiple_of3A_153] : memref<64x999999xf32, #tpu.memory_space<hbm>> -> memref<64x128xf32, #tpu.memory_space<hbm>>
      %dma_start3A_161 = arith.constant 0 : i32
      %dma_start3A_162 = arith.constant 0 : i32
      %dma_start3A_163 = tpu.memref_slice %arg12[%dma_start3A_154, %dma_start3A_161, %dma_start3A_162] : memref<13x64x128xf32, #tpu.memory_space<vmem>> -> memref<1x64x128xf32, #tpu.memory_space<vmem>>
      %dma_start3A_164 = tpu.memref_squeeze %dma_start3A_163 : memref<1x64x128xf32, #tpu.memory_space<vmem>> -> memref<64x128xf32, #tpu.memory_space<vmem>>
      %dma_start3A_165 = arith.constant 0 : i32
      %dma_start3A_166 = tpu.memref_slice %arg6[%dma_start3A_165, %multiple_of3A_153] : memref<64x999999xf32, #tpu.memory_space<hbm>> -> memref<64x128xf32, #tpu.memory_space<hbm>>
      tpu.enqueue_dma source(%dma_start3A_166 : memref<64x128xf32, #tpu.memory_space<hbm>>) target(%dma_start3A_164 : memref<64x128xf32, #tpu.memory_space<vmem>>) target_semaphore(%arg16 : memref<!tpu.dma_semaphore, #tpu.memory_space<semaphore_mem>>)
      %multiple_of3A_167 = tpu.assume_multiple %squeeze3A_60, 128 : i32
      %dma_start3A_168 = arith.constant 4 : i32
      %dma_start3A_169 = arith.constant 0 : i32
      %dma_start3A_170 = arith.constant 0 : i32
      %dma_start3A_171 = tpu.memref_slice %arg12[%dma_start3A_168, %dma_start3A_169, %dma_start3A_170] : memref<13x64x128xf32, #tpu.memory_space<vmem>> -> memref<1x64x128xf32, #tpu.memory_space<vmem>>
      %dma_start3A_172 = tpu.memref_squeeze %dma_start3A_171 : memref<1x64x128xf32, #tpu.memory_space<vmem>> -> memref<64x128xf32, #tpu.memory_space<vmem>>
      %dma_start3A_173 = arith.constant 0 : i32
      %dma_start3A_174 = tpu.memref_slice %arg6[%dma_start3A_173, %multiple_of3A_167] : memref<64x999999xf32, #tpu.memory_space<hbm>> -> memref<64x128xf32, #tpu.memory_space<hbm>>
      %dma_start3A_175 = arith.constant 0 : i32
      %dma_start3A_176 = arith.constant 0 : i32
      %dma_start3A_177 = tpu.memref_slice %arg12[%dma_start3A_168, %dma_start3A_175, %dma_start3A_176] : memref<13x64x128xf32, #tpu.memory_space<vmem>> -> memref<1x64x128xf32, #tpu.memory_space<vmem>>
      %dma_start3A_178 = tpu.memref_squeeze %dma_start3A_177 : memref<1x64x128xf32, #tpu.memory_space<vmem>> -> memref<64x128xf32, #tpu.memory_space<vmem>>
      %dma_start3A_179 = arith.constant 0 : i32
      %dma_start3A_180 = tpu.memref_slice %arg6[%dma_start3A_179, %multiple_of3A_167] : memref<64x999999xf32, #tpu.memory_space<hbm>> -> memref<64x128xf32, #tpu.memory_space<hbm>>
      tpu.enqueue_dma source(%dma_start3A_180 : memref<64x128xf32, #tpu.memory_space<hbm>>) target(%dma_start3A_178 : memref<64x128xf32, #tpu.memory_space<vmem>>) target_semaphore(%arg16 : memref<!tpu.dma_semaphore, #tpu.memory_space<semaphore_mem>>)
      %multiple_of3A_181 = tpu.assume_multiple %squeeze3A_64, 128 : i32
      %dma_start3A_182 = arith.constant 5 : i32
      %dma_start3A_183 = arith.constant 0 : i32
      %dma_start3A_184 = arith.constant 0 : i32
      %dma_start3A_185 = tpu.memref_slice %arg12[%dma_start3A_182, %dma_start3A_183, %dma_start3A_184] : memref<13x64x128xf32, #tpu.memory_space<vmem>> -> memref<1x64x128xf32, #tpu.memory_space<vmem>>
      %dma_start3A_186 = tpu.memref_squeeze %dma_start3A_185 : memref<1x64x128xf32, #tpu.memory_space<vmem>> -> memref<64x128xf32, #tpu.memory_space<vmem>>
      %dma_start3A_187 = arith.constant 0 : i32
      %dma_start3A_188 = tpu.memref_slice %arg6[%dma_start3A_187, %multiple_of3A_181] : memref<64x999999xf32, #tpu.memory_space<hbm>> -> memref<64x128xf32, #tpu.memory_space<hbm>>
      %dma_start3A_189 = arith.constant 0 : i32
      %dma_start3A_190 = arith.constant 0 : i32
      %dma_start3A_191 = tpu.memref_slice %arg12[%dma_start3A_182, %dma_start3A_189, %dma_start3A_190] : memref<13x64x128xf32, #tpu.memory_space<vmem>> -> memref<1x64x128xf32, #tpu.memory_space<vmem>>
      %dma_start3A_192 = tpu.memref_squeeze %dma_start3A_191 : memref<1x64x128xf32, #tpu.memory_space<vmem>> -> memref<64x128xf32, #tpu.memory_space<vmem>>
      %dma_start3A_193 = arith.constant 0 : i32
      %dma_start3A_194 = tpu.memref_slice %arg6[%dma_start3A_193, %multiple_of3A_181] : memref<64x999999xf32, #tpu.memory_space<hbm>> -> memref<64x128xf32, #tpu.memory_space<hbm>>
      tpu.enqueue_dma source(%dma_start3A_194 : memref<64x128xf32, #tpu.memory_space<hbm>>) target(%dma_start3A_192 : memref<64x128xf32, #tpu.memory_space<vmem>>) target_semaphore(%arg16 : memref<!tpu.dma_semaphore, #tpu.memory_space<semaphore_mem>>)
      %multiple_of3A_195 = tpu.assume_multiple %squeeze3A_68, 128 : i32
      %dma_start3A_196 = arith.constant 6 : i32
      %dma_start3A_197 = arith.constant 0 : i32
      %dma_start3A_198 = arith.constant 0 : i32
      %dma_start3A_199 = tpu.memref_slice %arg12[%dma_start3A_196, %dma_start3A_197, %dma_start3A_198] : memref<13x64x128xf32, #tpu.memory_space<vmem>> -> memref<1x64x128xf32, #tpu.memory_space<vmem>>
      %dma_start3A_200 = tpu.memref_squeeze %dma_start3A_199 : memref<1x64x128xf32, #tpu.memory_space<vmem>> -> memref<64x128xf32, #tpu.memory_space<vmem>>
      %dma_start3A_201 = arith.constant 0 : i32
      %dma_start3A_202 = tpu.memref_slice %arg6[%dma_start3A_201, %multiple_of3A_195] : memref<64x999999xf32, #tpu.memory_space<hbm>> -> memref<64x128xf32, #tpu.memory_space<hbm>>
      %dma_start3A_203 = arith.constant 0 : i32
      %dma_start3A_204 = arith.constant 0 : i32
      %dma_start3A_205 = tpu.memref_slice %arg12[%dma_start3A_196, %dma_start3A_203, %dma_start3A_204] : memref<13x64x128xf32, #tpu.memory_space<vmem>> -> memref<1x64x128xf32, #tpu.memory_space<vmem>>
      %dma_start3A_206 = tpu.memref_squeeze %dma_start3A_205 : memref<1x64x128xf32, #tpu.memory_space<vmem>> -> memref<64x128xf32, #tpu.memory_space<vmem>>
      %dma_start3A_207 = arith.constant 0 : i32
      %dma_start3A_208 = tpu.memref_slice %arg6[%dma_start3A_207, %multiple_of3A_195] : memref<64x999999xf32, #tpu.memory_space<hbm>> -> memref<64x128xf32, #tpu.memory_space<hbm>>
      tpu.enqueue_dma source(%dma_start3A_208 : memref<64x128xf32, #tpu.memory_space<hbm>>) target(%dma_start3A_206 : memref<64x128xf32, #tpu.memory_space<vmem>>) target_semaphore(%arg16 : memref<!tpu.dma_semaphore, #tpu.memory_space<semaphore_mem>>)
      %multiple_of3A_209 = tpu.assume_multiple %squeeze3A_72, 128 : i32
      %dma_start3A_210 = arith.constant 7 : i32
      %dma_start3A_211 = arith.constant 0 : i32
      %dma_start3A_212 = arith.constant 0 : i32
      %dma_start3A_213 = tpu.memref_slice %arg12[%dma_start3A_210, %dma_start3A_211, %dma_start3A_212] : memref<13x64x128xf32, #tpu.memory_space<vmem>> -> memref<1x64x128xf32, #tpu.memory_space<vmem>>
      %dma_start3A_214 = tpu.memref_squeeze %dma_start3A_213 : memref<1x64x128xf32, #tpu.memory_space<vmem>> -> memref<64x128xf32, #tpu.memory_space<vmem>>
      %dma_start3A_215 = arith.constant 0 : i32
      %dma_start3A_216 = tpu.memref_slice %arg6[%dma_start3A_215, %multiple_of3A_209] : memref<64x999999xf32, #tpu.memory_space<hbm>> -> memref<64x128xf32, #tpu.memory_space<hbm>>
      %dma_start3A_217 = arith.constant 0 : i32
      %dma_start3A_218 = arith.constant 0 : i32
      %dma_start3A_219 = tpu.memref_slice %arg12[%dma_start3A_210, %dma_start3A_217, %dma_start3A_218] : memref<13x64x128xf32, #tpu.memory_space<vmem>> -> memref<1x64x128xf32, #tpu.memory_space<vmem>>
      %dma_start3A_220 = tpu.memref_squeeze %dma_start3A_219 : memref<1x64x128xf32, #tpu.memory_space<vmem>> -> memref<64x128xf32, #tpu.memory_space<vmem>>
      %dma_start3A_221 = arith.constant 0 : i32
      %dma_start3A_222 = tpu.memref_slice %arg6[%dma_start3A_221, %multiple_of3A_209] : memref<64x999999xf32, #tpu.memory_space<hbm>> -> memref<64x128xf32, #tpu.memory_space<hbm>>
      tpu.enqueue_dma source(%dma_start3A_222 : memref<64x128xf32, #tpu.memory_space<hbm>>) target(%dma_start3A_220 : memref<64x128xf32, #tpu.memory_space<vmem>>) target_semaphore(%arg16 : memref<!tpu.dma_semaphore, #tpu.memory_space<semaphore_mem>>)
      %multiple_of3A_223 = tpu.assume_multiple %squeeze3A_76, 128 : i32
      %dma_start3A_224 = arith.constant 8 : i32
      %dma_start3A_225 = arith.constant 0 : i32
      %dma_start3A_226 = arith.constant 0 : i32
      %dma_start3A_227 = tpu.memref_slice %arg12[%dma_start3A_224, %dma_start3A_225, %dma_start3A_226] : memref<13x64x128xf32, #tpu.memory_space<vmem>> -> memref<1x64x128xf32, #tpu.memory_space<vmem>>
      %dma_start3A_228 = tpu.memref_squeeze %dma_start3A_227 : memref<1x64x128xf32, #tpu.memory_space<vmem>> -> memref<64x128xf32, #tpu.memory_space<vmem>>
      %dma_start3A_229 = arith.constant 0 : i32
      %dma_start3A_230 = tpu.memref_slice %arg6[%dma_start3A_229, %multiple_of3A_223] : memref<64x999999xf32, #tpu.memory_space<hbm>> -> memref<64x128xf32, #tpu.memory_space<hbm>>
      %dma_start3A_231 = arith.constant 0 : i32
      %dma_start3A_232 = arith.constant 0 : i32
      %dma_start3A_233 = tpu.memref_slice %arg12[%dma_start3A_224, %dma_start3A_231, %dma_start3A_232] : memref<13x64x128xf32, #tpu.memory_space<vmem>> -> memref<1x64x128xf32, #tpu.memory_space<vmem>>
      %dma_start3A_234 = tpu.memref_squeeze %dma_start3A_233 : memref<1x64x128xf32, #tpu.memory_space<vmem>> -> memref<64x128xf32, #tpu.memory_space<vmem>>
      %dma_start3A_235 = arith.constant 0 : i32
      %dma_start3A_236 = tpu.memref_slice %arg6[%dma_start3A_235, %multiple_of3A_223] : memref<64x999999xf32, #tpu.memory_space<hbm>> -> memref<64x128xf32, #tpu.memory_space<hbm>>
      tpu.enqueue_dma source(%dma_start3A_236 : memref<64x128xf32, #tpu.memory_space<hbm>>) target(%dma_start3A_234 : memref<64x128xf32, #tpu.memory_space<vmem>>) target_semaphore(%arg16 : memref<!tpu.dma_semaphore, #tpu.memory_space<semaphore_mem>>)
      %multiple_of3A_237 = tpu.assume_multiple %squeeze3A_91, 128 : i32
      %dma_start3A_238 = arith.constant 9 : i32
      %dma_start3A_239 = arith.constant 0 : i32
      %dma_start3A_240 = arith.constant 0 : i32
      %dma_start3A_241 = tpu.memref_slice %arg12[%dma_start3A_238, %dma_start3A_239, %dma_start3A_240] : memref<13x64x128xf32, #tpu.memory_space<vmem>> -> memref<1x64x128xf32, #tpu.memory_space<vmem>>
      %dma_start3A_242 = tpu.memref_squeeze %dma_start3A_241 : memref<1x64x128xf32, #tpu.memory_space<vmem>> -> memref<64x128xf32, #tpu.memory_space<vmem>>
      %dma_start3A_243 = arith.constant 0 : i32
      %dma_start3A_244 = tpu.memref_slice %arg6[%dma_start3A_243, %multiple_of3A_237] : memref<64x999999xf32, #tpu.memory_space<hbm>> -> memref<64x128xf32, #tpu.memory_space<hbm>>
      %dma_start3A_245 = arith.constant 0 : i32
      %dma_start3A_246 = arith.constant 0 : i32
      %dma_start3A_247 = tpu.memref_slice %arg12[%dma_start3A_238, %dma_start3A_245, %dma_start3A_246] : memref<13x64x128xf32, #tpu.memory_space<vmem>> -> memref<1x64x128xf32, #tpu.memory_space<vmem>>
      %dma_start3A_248 = tpu.memref_squeeze %dma_start3A_247 : memref<1x64x128xf32, #tpu.memory_space<vmem>> -> memref<64x128xf32, #tpu.memory_space<vmem>>
      %dma_start3A_249 = arith.constant 0 : i32
      %dma_start3A_250 = tpu.memref_slice %arg6[%dma_start3A_249, %multiple_of3A_237] : memref<64x999999xf32, #tpu.memory_space<hbm>> -> memref<64x128xf32, #tpu.memory_space<hbm>>
      tpu.enqueue_dma source(%dma_start3A_250 : memref<64x128xf32, #tpu.memory_space<hbm>>) target(%dma_start3A_248 : memref<64x128xf32, #tpu.memory_space<vmem>>) target_semaphore(%arg16 : memref<!tpu.dma_semaphore, #tpu.memory_space<semaphore_mem>>)
      %multiple_of3A_251 = tpu.assume_multiple %squeeze3A_95, 128 : i32
      %dma_start3A_252 = arith.constant 10 : i32
      %dma_start3A_253 = arith.constant 0 : i32
      %dma_start3A_254 = arith.constant 0 : i32
      %dma_start3A_255 = tpu.memref_slice %arg12[%dma_start3A_252, %dma_start3A_253, %dma_start3A_254] : memref<13x64x128xf32, #tpu.memory_space<vmem>> -> memref<1x64x128xf32, #tpu.memory_space<vmem>>
      %dma_start3A_256 = tpu.memref_squeeze %dma_start3A_255 : memref<1x64x128xf32, #tpu.memory_space<vmem>> -> memref<64x128xf32, #tpu.memory_space<vmem>>
      %dma_start3A_257 = arith.constant 0 : i32
      %dma_start3A_258 = tpu.memref_slice %arg6[%dma_start3A_257, %multiple_of3A_251] : memref<64x999999xf32, #tpu.memory_space<hbm>> -> memref<64x128xf32, #tpu.memory_space<hbm>>
      %dma_start3A_259 = arith.constant 0 : i32
      %dma_start3A_260 = arith.constant 0 : i32
      %dma_start3A_261 = tpu.memref_slice %arg12[%dma_start3A_252, %dma_start3A_259, %dma_start3A_260] : memref<13x64x128xf32, #tpu.memory_space<vmem>> -> memref<1x64x128xf32, #tpu.memory_space<vmem>>
      %dma_start3A_262 = tpu.memref_squeeze %dma_start3A_261 : memref<1x64x128xf32, #tpu.memory_space<vmem>> -> memref<64x128xf32, #tpu.memory_space<vmem>>
      %dma_start3A_263 = arith.constant 0 : i32
      %dma_start3A_264 = tpu.memref_slice %arg6[%dma_start3A_263, %multiple_of3A_251] : memref<64x999999xf32, #tpu.memory_space<hbm>> -> memref<64x128xf32, #tpu.memory_space<hbm>>
      tpu.enqueue_dma source(%dma_start3A_264 : memref<64x128xf32, #tpu.memory_space<hbm>>) target(%dma_start3A_262 : memref<64x128xf32, #tpu.memory_space<vmem>>) target_semaphore(%arg16 : memref<!tpu.dma_semaphore, #tpu.memory_space<semaphore_mem>>)
      %multiple_of3A_265 = tpu.assume_multiple %squeeze3A_99, 128 : i32
      %dma_start3A_266 = arith.constant 11 : i32
      %dma_start3A_267 = arith.constant 0 : i32
      %dma_start3A_268 = arith.constant 0 : i32
      %dma_start3A_269 = tpu.memref_slice %arg12[%dma_start3A_266, %dma_start3A_267, %dma_start3A_268] : memref<13x64x128xf32, #tpu.memory_space<vmem>> -> memref<1x64x128xf32, #tpu.memory_space<vmem>>
      %dma_start3A_270 = tpu.memref_squeeze %dma_start3A_269 : memref<1x64x128xf32, #tpu.memory_space<vmem>> -> memref<64x128xf32, #tpu.memory_space<vmem>>
      %dma_start3A_271 = arith.constant 0 : i32
      %dma_start3A_272 = tpu.memref_slice %arg6[%dma_start3A_271, %multiple_of3A_265] : memref<64x999999xf32, #tpu.memory_space<hbm>> -> memref<64x128xf32, #tpu.memory_space<hbm>>
      %dma_start3A_273 = arith.constant 0 : i32
      %dma_start3A_274 = arith.constant 0 : i32
      %dma_start3A_275 = tpu.memref_slice %arg12[%dma_start3A_266, %dma_start3A_273, %dma_start3A_274] : memref<13x64x128xf32, #tpu.memory_space<vmem>> -> memref<1x64x128xf32, #tpu.memory_space<vmem>>
      %dma_start3A_276 = tpu.memref_squeeze %dma_start3A_275 : memref<1x64x128xf32, #tpu.memory_space<vmem>> -> memref<64x128xf32, #tpu.memory_space<vmem>>
      %dma_start3A_277 = arith.constant 0 : i32
      %dma_start3A_278 = tpu.memref_slice %arg6[%dma_start3A_277, %multiple_of3A_265] : memref<64x999999xf32, #tpu.memory_space<hbm>> -> memref<64x128xf32, #tpu.memory_space<hbm>>
      tpu.enqueue_dma source(%dma_start3A_278 : memref<64x128xf32, #tpu.memory_space<hbm>>) target(%dma_start3A_276 : memref<64x128xf32, #tpu.memory_space<vmem>>) target_semaphore(%arg16 : memref<!tpu.dma_semaphore, #tpu.memory_space<semaphore_mem>>)
      %multiple_of3A_279 = tpu.assume_multiple %squeeze3A_103, 128 : i32
      %dma_start3A_280 = arith.constant 12 : i32
      %dma_start3A_281 = arith.constant 0 : i32
      %dma_start3A_282 = arith.constant 0 : i32
      %dma_start3A_283 = tpu.memref_slice %arg12[%dma_start3A_280, %dma_start3A_281, %dma_start3A_282] : memref<13x64x128xf32, #tpu.memory_space<vmem>> -> memref<1x64x128xf32, #tpu.memory_space<vmem>>
      %dma_start3A_284 = tpu.memref_squeeze %dma_start3A_283 : memref<1x64x128xf32, #tpu.memory_space<vmem>> -> memref<64x128xf32, #tpu.memory_space<vmem>>
      %dma_start3A_285 = arith.constant 0 : i32
      %dma_start3A_286 = tpu.memref_slice %arg6[%dma_start3A_285, %multiple_of3A_279] : memref<64x999999xf32, #tpu.memory_space<hbm>> -> memref<64x128xf32, #tpu.memory_space<hbm>>
      %dma_start3A_287 = arith.constant 0 : i32
      %dma_start3A_288 = arith.constant 0 : i32
      %dma_start3A_289 = tpu.memref_slice %arg12[%dma_start3A_280, %dma_start3A_287, %dma_start3A_288] : memref<13x64x128xf32, #tpu.memory_space<vmem>> -> memref<1x64x128xf32, #tpu.memory_space<vmem>>
      %dma_start3A_290 = tpu.memref_squeeze %dma_start3A_289 : memref<1x64x128xf32, #tpu.memory_space<vmem>> -> memref<64x128xf32, #tpu.memory_space<vmem>>
      %dma_start3A_291 = arith.constant 0 : i32
      %dma_start3A_292 = tpu.memref_slice %arg6[%dma_start3A_291, %multiple_of3A_279] : memref<64x999999xf32, #tpu.memory_space<hbm>> -> memref<64x128xf32, #tpu.memory_space<hbm>>
      tpu.enqueue_dma source(%dma_start3A_292 : memref<64x128xf32, #tpu.memory_space<hbm>>) target(%dma_start3A_290 : memref<64x128xf32, #tpu.memory_space<vmem>>) target_semaphore(%arg16 : memref<!tpu.dma_semaphore, #tpu.memory_space<semaphore_mem>>)
      %dma_wait3A_293 = arith.constant 0 : i32
      %dma_wait3A_294 = arith.constant 0 : i32
      %dma_wait3A_295 = arith.constant 0 : i32
      %dma_wait3A_296 = tpu.memref_slice %arg12[%dma_wait3A_293, %dma_wait3A_294, %dma_wait3A_295] : memref<13x64x128xf32, #tpu.memory_space<vmem>> -> memref<1x64x128xf32, #tpu.memory_space<vmem>>
      %dma_wait3A_297 = tpu.memref_squeeze %dma_wait3A_296 : memref<1x64x128xf32, #tpu.memory_space<vmem>> -> memref<64x128xf32, #tpu.memory_space<vmem>>
      %dma_wait3A_298 = arith.constant 0 : i32
      %dma_wait3A_299 = tpu.memref_slice %arg5[%dma_wait3A_298, %multiple_of3A] : memref<64x1000001xf32, #tpu.memory_space<hbm>> -> memref<64x128xf32, #tpu.memory_space<hbm>>
      %dma_wait3A_300 = arith.constant 0 : i32
      %dma_wait3A_301 = arith.constant 0 : i32
      %dma_wait3A_302 = tpu.memref_slice %arg12[%dma_wait3A_293, %dma_wait3A_300, %dma_wait3A_301] : memref<13x64x128xf32, #tpu.memory_space<vmem>> -> memref<1x64x128xf32, #tpu.memory_space<vmem>>
      %dma_wait3A_303 = tpu.memref_squeeze %dma_wait3A_302 : memref<1x64x128xf32, #tpu.memory_space<vmem>> -> memref<64x128xf32, #tpu.memory_space<vmem>>
      %dma_wait3A_304 = arith.constant 0 : i32
      %dma_wait3A_305 = tpu.memref_slice %arg5[%dma_wait3A_304, %multiple_of3A] : memref<64x1000001xf32, #tpu.memory_space<hbm>> -> memref<64x128xf32, #tpu.memory_space<hbm>>
      tpu.wait_dma2 semaphore(%arg16 : memref<!tpu.dma_semaphore, #tpu.memory_space<semaphore_mem>>) src(%dma_wait3A_305 : memref<64x128xf32, #tpu.memory_space<hbm>>) dst(%dma_wait3A_303 : memref<64x128xf32, #tpu.memory_space<vmem>>)
      %dma_wait3A_306 = arith.constant 1 : i32
      %dma_wait3A_307 = arith.constant 0 : i32
      %dma_wait3A_308 = arith.constant 0 : i32
      %dma_wait3A_309 = tpu.memref_slice %arg12[%dma_wait3A_306, %dma_wait3A_307, %dma_wait3A_308] : memref<13x64x128xf32, #tpu.memory_space<vmem>> -> memref<1x64x128xf32, #tpu.memory_space<vmem>>
      %dma_wait3A_310 = tpu.memref_squeeze %dma_wait3A_309 : memref<1x64x128xf32, #tpu.memory_space<vmem>> -> memref<64x128xf32, #tpu.memory_space<vmem>>
      %dma_wait3A_311 = arith.constant 0 : i32
      %dma_wait3A_312 = tpu.memref_slice %arg6[%dma_wait3A_311, %multiple_of3A_125] : memref<64x999999xf32, #tpu.memory_space<hbm>> -> memref<64x128xf32, #tpu.memory_space<hbm>>
      %dma_wait3A_313 = arith.constant 0 : i32
      %dma_wait3A_314 = arith.constant 0 : i32
      %dma_wait3A_315 = tpu.memref_slice %arg12[%dma_wait3A_306, %dma_wait3A_313, %dma_wait3A_314] : memref<13x64x128xf32, #tpu.memory_space<vmem>> -> memref<1x64x128xf32, #tpu.memory_space<vmem>>
      %dma_wait3A_316 = tpu.memref_squeeze %dma_wait3A_315 : memref<1x64x128xf32, #tpu.memory_space<vmem>> -> memref<64x128xf32, #tpu.memory_space<vmem>>
      %dma_wait3A_317 = arith.constant 0 : i32
      %dma_wait3A_318 = tpu.memref_slice %arg6[%dma_wait3A_317, %multiple_of3A_125] : memref<64x999999xf32, #tpu.memory_space<hbm>> -> memref<64x128xf32, #tpu.memory_space<hbm>>
      tpu.wait_dma2 semaphore(%arg16 : memref<!tpu.dma_semaphore, #tpu.memory_space<semaphore_mem>>) src(%dma_wait3A_318 : memref<64x128xf32, #tpu.memory_space<hbm>>) dst(%dma_wait3A_316 : memref<64x128xf32, #tpu.memory_space<vmem>>)
      %dma_wait3A_319 = arith.constant 2 : i32
      %dma_wait3A_320 = arith.constant 0 : i32
      %dma_wait3A_321 = arith.constant 0 : i32
      %dma_wait3A_322 = tpu.memref_slice %arg12[%dma_wait3A_319, %dma_wait3A_320, %dma_wait3A_321] : memref<13x64x128xf32, #tpu.memory_space<vmem>> -> memref<1x64x128xf32, #tpu.memory_space<vmem>>
      %dma_wait3A_323 = tpu.memref_squeeze %dma_wait3A_322 : memref<1x64x128xf32, #tpu.memory_space<vmem>> -> memref<64x128xf32, #tpu.memory_space<vmem>>
      %dma_wait3A_324 = arith.constant 0 : i32
      %dma_wait3A_325 = tpu.memref_slice %arg6[%dma_wait3A_324, %multiple_of3A_139] : memref<64x999999xf32, #tpu.memory_space<hbm>> -> memref<64x128xf32, #tpu.memory_space<hbm>>
      %dma_wait3A_326 = arith.constant 0 : i32
      %dma_wait3A_327 = arith.constant 0 : i32
      %dma_wait3A_328 = tpu.memref_slice %arg12[%dma_wait3A_319, %dma_wait3A_326, %dma_wait3A_327] : memref<13x64x128xf32, #tpu.memory_space<vmem>> -> memref<1x64x128xf32, #tpu.memory_space<vmem>>
      %dma_wait3A_329 = tpu.memref_squeeze %dma_wait3A_328 : memref<1x64x128xf32, #tpu.memory_space<vmem>> -> memref<64x128xf32, #tpu.memory_space<vmem>>
      %dma_wait3A_330 = arith.constant 0 : i32
      %dma_wait3A_331 = tpu.memref_slice %arg6[%dma_wait3A_330, %multiple_of3A_139] : memref<64x999999xf32, #tpu.memory_space<hbm>> -> memref<64x128xf32, #tpu.memory_space<hbm>>
      tpu.wait_dma2 semaphore(%arg16 : memref<!tpu.dma_semaphore, #tpu.memory_space<semaphore_mem>>) src(%dma_wait3A_331 : memref<64x128xf32, #tpu.memory_space<hbm>>) dst(%dma_wait3A_329 : memref<64x128xf32, #tpu.memory_space<vmem>>)
      %dma_wait3A_332 = arith.constant 3 : i32
      %dma_wait3A_333 = arith.constant 0 : i32
      %dma_wait3A_334 = arith.constant 0 : i32
      %dma_wait3A_335 = tpu.memref_slice %arg12[%dma_wait3A_332, %dma_wait3A_333, %dma_wait3A_334] : memref<13x64x128xf32, #tpu.memory_space<vmem>> -> memref<1x64x128xf32, #tpu.memory_space<vmem>>
      %dma_wait3A_336 = tpu.memref_squeeze %dma_wait3A_335 : memref<1x64x128xf32, #tpu.memory_space<vmem>> -> memref<64x128xf32, #tpu.memory_space<vmem>>
      %dma_wait3A_337 = arith.constant 0 : i32
      %dma_wait3A_338 = tpu.memref_slice %arg6[%dma_wait3A_337, %multiple_of3A_153] : memref<64x999999xf32, #tpu.memory_space<hbm>> -> memref<64x128xf32, #tpu.memory_space<hbm>>
      %dma_wait3A_339 = arith.constant 0 : i32
      %dma_wait3A_340 = arith.constant 0 : i32
      %dma_wait3A_341 = tpu.memref_slice %arg12[%dma_wait3A_332, %dma_wait3A_339, %dma_wait3A_340] : memref<13x64x128xf32, #tpu.memory_space<vmem>> -> memref<1x64x128xf32, #tpu.memory_space<vmem>>
      %dma_wait3A_342 = tpu.memref_squeeze %dma_wait3A_341 : memref<1x64x128xf32, #tpu.memory_space<vmem>> -> memref<64x128xf32, #tpu.memory_space<vmem>>
      %dma_wait3A_343 = arith.constant 0 : i32
      %dma_wait3A_344 = tpu.memref_slice %arg6[%dma_wait3A_343, %multiple_of3A_153] : memref<64x999999xf32, #tpu.memory_space<hbm>> -> memref<64x128xf32, #tpu.memory_space<hbm>>
      tpu.wait_dma2 semaphore(%arg16 : memref<!tpu.dma_semaphore, #tpu.memory_space<semaphore_mem>>) src(%dma_wait3A_344 : memref<64x128xf32, #tpu.memory_space<hbm>>) dst(%dma_wait3A_342 : memref<64x128xf32, #tpu.memory_space<vmem>>)
      %dma_wait3A_345 = arith.constant 4 : i32
      %dma_wait3A_346 = arith.constant 0 : i32
      %dma_wait3A_347 = arith.constant 0 : i32
      %dma_wait3A_348 = tpu.memref_slice %arg12[%dma_wait3A_345, %dma_wait3A_346, %dma_wait3A_347] : memref<13x64x128xf32, #tpu.memory_space<vmem>> -> memref<1x64x128xf32, #tpu.memory_space<vmem>>
      %dma_wait3A_349 = tpu.memref_squeeze %dma_wait3A_348 : memref<1x64x128xf32, #tpu.memory_space<vmem>> -> memref<64x128xf32, #tpu.memory_space<vmem>>
      %dma_wait3A_350 = arith.constant 0 : i32
      %dma_wait3A_351 = tpu.memref_slice %arg6[%dma_wait3A_350, %multiple_of3A_167] : memref<64x999999xf32, #tpu.memory_space<hbm>> -> memref<64x128xf32, #tpu.memory_space<hbm>>
      %dma_wait3A_352 = arith.constant 0 : i32
      %dma_wait3A_353 = arith.constant 0 : i32
      %dma_wait3A_354 = tpu.memref_slice %arg12[%dma_wait3A_345, %dma_wait3A_352, %dma_wait3A_353] : memref<13x64x128xf32, #tpu.memory_space<vmem>> -> memref<1x64x128xf32, #tpu.memory_space<vmem>>
      %dma_wait3A_355 = tpu.memref_squeeze %dma_wait3A_354 : memref<1x64x128xf32, #tpu.memory_space<vmem>> -> memref<64x128xf32, #tpu.memory_space<vmem>>
      %dma_wait3A_356 = arith.constant 0 : i32
      %dma_wait3A_357 = tpu.memref_slice %arg6[%dma_wait3A_356, %multiple_of3A_167] : memref<64x999999xf32, #tpu.memory_space<hbm>> -> memref<64x128xf32, #tpu.memory_space<hbm>>
      tpu.wait_dma2 semaphore(%arg16 : memref<!tpu.dma_semaphore, #tpu.memory_space<semaphore_mem>>) src(%dma_wait3A_357 : memref<64x128xf32, #tpu.memory_space<hbm>>) dst(%dma_wait3A_355 : memref<64x128xf32, #tpu.memory_space<vmem>>)
      %dma_wait3A_358 = arith.constant 5 : i32
      %dma_wait3A_359 = arith.constant 0 : i32
      %dma_wait3A_360 = arith.constant 0 : i32
      %dma_wait3A_361 = tpu.memref_slice %arg12[%dma_wait3A_358, %dma_wait3A_359, %dma_wait3A_360] : memref<13x64x128xf32, #tpu.memory_space<vmem>> -> memref<1x64x128xf32, #tpu.memory_space<vmem>>
      %dma_wait3A_362 = tpu.memref_squeeze %dma_wait3A_361 : memref<1x64x128xf32, #tpu.memory_space<vmem>> -> memref<64x128xf32, #tpu.memory_space<vmem>>
      %dma_wait3A_363 = arith.constant 0 : i32
      %dma_wait3A_364 = tpu.memref_slice %arg6[%dma_wait3A_363, %multiple_of3A_181] : memref<64x999999xf32, #tpu.memory_space<hbm>> -> memref<64x128xf32, #tpu.memory_space<hbm>>
      %dma_wait3A_365 = arith.constant 0 : i32
      %dma_wait3A_366 = arith.constant 0 : i32
      %dma_wait3A_367 = tpu.memref_slice %arg12[%dma_wait3A_358, %dma_wait3A_365, %dma_wait3A_366] : memref<13x64x128xf32, #tpu.memory_space<vmem>> -> memref<1x64x128xf32, #tpu.memory_space<vmem>>
      %dma_wait3A_368 = tpu.memref_squeeze %dma_wait3A_367 : memref<1x64x128xf32, #tpu.memory_space<vmem>> -> memref<64x128xf32, #tpu.memory_space<vmem>>
      %dma_wait3A_369 = arith.constant 0 : i32
      %dma_wait3A_370 = tpu.memref_slice %arg6[%dma_wait3A_369, %multiple_of3A_181] : memref<64x999999xf32, #tpu.memory_space<hbm>> -> memref<64x128xf32, #tpu.memory_space<hbm>>
      tpu.wait_dma2 semaphore(%arg16 : memref<!tpu.dma_semaphore, #tpu.memory_space<semaphore_mem>>) src(%dma_wait3A_370 : memref<64x128xf32, #tpu.memory_space<hbm>>) dst(%dma_wait3A_368 : memref<64x128xf32, #tpu.memory_space<vmem>>)
      %dma_wait3A_371 = arith.constant 6 : i32
      %dma_wait3A_372 = arith.constant 0 : i32
      %dma_wait3A_373 = arith.constant 0 : i32
      %dma_wait3A_374 = tpu.memref_slice %arg12[%dma_wait3A_371, %dma_wait3A_372, %dma_wait3A_373] : memref<13x64x128xf32, #tpu.memory_space<vmem>> -> memref<1x64x128xf32, #tpu.memory_space<vmem>>
      %dma_wait3A_375 = tpu.memref_squeeze %dma_wait3A_374 : memref<1x64x128xf32, #tpu.memory_space<vmem>> -> memref<64x128xf32, #tpu.memory_space<vmem>>
      %dma_wait3A_376 = arith.constant 0 : i32
      %dma_wait3A_377 = tpu.memref_slice %arg6[%dma_wait3A_376, %multiple_of3A_195] : memref<64x999999xf32, #tpu.memory_space<hbm>> -> memref<64x128xf32, #tpu.memory_space<hbm>>
      %dma_wait3A_378 = arith.constant 0 : i32
      %dma_wait3A_379 = arith.constant 0 : i32
      %dma_wait3A_380 = tpu.memref_slice %arg12[%dma_wait3A_371, %dma_wait3A_378, %dma_wait3A_379] : memref<13x64x128xf32, #tpu.memory_space<vmem>> -> memref<1x64x128xf32, #tpu.memory_space<vmem>>
      %dma_wait3A_381 = tpu.memref_squeeze %dma_wait3A_380 : memref<1x64x128xf32, #tpu.memory_space<vmem>> -> memref<64x128xf32, #tpu.memory_space<vmem>>
      %dma_wait3A_382 = arith.constant 0 : i32
      %dma_wait3A_383 = tpu.memref_slice %arg6[%dma_wait3A_382, %multiple_of3A_195] : memref<64x999999xf32, #tpu.memory_space<hbm>> -> memref<64x128xf32, #tpu.memory_space<hbm>>
      tpu.wait_dma2 semaphore(%arg16 : memref<!tpu.dma_semaphore, #tpu.memory_space<semaphore_mem>>) src(%dma_wait3A_383 : memref<64x128xf32, #tpu.memory_space<hbm>>) dst(%dma_wait3A_381 : memref<64x128xf32, #tpu.memory_space<vmem>>)
      %dma_wait3A_384 = arith.constant 7 : i32
      %dma_wait3A_385 = arith.constant 0 : i32
      %dma_wait3A_386 = arith.constant 0 : i32
      %dma_wait3A_387 = tpu.memref_slice %arg12[%dma_wait3A_384, %dma_wait3A_385, %dma_wait3A_386] : memref<13x64x128xf32, #tpu.memory_space<vmem>> -> memref<1x64x128xf32, #tpu.memory_space<vmem>>
      %dma_wait3A_388 = tpu.memref_squeeze %dma_wait3A_387 : memref<1x64x128xf32, #tpu.memory_space<vmem>> -> memref<64x128xf32, #tpu.memory_space<vmem>>
      %dma_wait3A_389 = arith.constant 0 : i32
      %dma_wait3A_390 = tpu.memref_slice %arg6[%dma_wait3A_389, %multiple_of3A_209] : memref<64x999999xf32, #tpu.memory_space<hbm>> -> memref<64x128xf32, #tpu.memory_space<hbm>>
      %dma_wait3A_391 = arith.constant 0 : i32
      %dma_wait3A_392 = arith.constant 0 : i32
      %dma_wait3A_393 = tpu.memref_slice %arg12[%dma_wait3A_384, %dma_wait3A_391, %dma_wait3A_392] : memref<13x64x128xf32, #tpu.memory_space<vmem>> -> memref<1x64x128xf32, #tpu.memory_space<vmem>>
      %dma_wait3A_394 = tpu.memref_squeeze %dma_wait3A_393 : memref<1x64x128xf32, #tpu.memory_space<vmem>> -> memref<64x128xf32, #tpu.memory_space<vmem>>
      %dma_wait3A_395 = arith.constant 0 : i32
      %dma_wait3A_396 = tpu.memref_slice %arg6[%dma_wait3A_395, %multiple_of3A_209] : memref<64x999999xf32, #tpu.memory_space<hbm>> -> memref<64x128xf32, #tpu.memory_space<hbm>>
      tpu.wait_dma2 semaphore(%arg16 : memref<!tpu.dma_semaphore, #tpu.memory_space<semaphore_mem>>) src(%dma_wait3A_396 : memref<64x128xf32, #tpu.memory_space<hbm>>) dst(%dma_wait3A_394 : memref<64x128xf32, #tpu.memory_space<vmem>>)
      %dma_wait3A_397 = arith.constant 8 : i32
      %dma_wait3A_398 = arith.constant 0 : i32
      %dma_wait3A_399 = arith.constant 0 : i32
      %dma_wait3A_400 = tpu.memref_slice %arg12[%dma_wait3A_397, %dma_wait3A_398, %dma_wait3A_399] : memref<13x64x128xf32, #tpu.memory_space<vmem>> -> memref<1x64x128xf32, #tpu.memory_space<vmem>>
      %dma_wait3A_401 = tpu.memref_squeeze %dma_wait3A_400 : memref<1x64x128xf32, #tpu.memory_space<vmem>> -> memref<64x128xf32, #tpu.memory_space<vmem>>
      %dma_wait3A_402 = arith.constant 0 : i32
      %dma_wait3A_403 = tpu.memref_slice %arg6[%dma_wait3A_402, %multiple_of3A_223] : memref<64x999999xf32, #tpu.memory_space<hbm>> -> memref<64x128xf32, #tpu.memory_space<hbm>>
      %dma_wait3A_404 = arith.constant 0 : i32
      %dma_wait3A_405 = arith.constant 0 : i32
      %dma_wait3A_406 = tpu.memref_slice %arg12[%dma_wait3A_397, %dma_wait3A_404, %dma_wait3A_405] : memref<13x64x128xf32, #tpu.memory_space<vmem>> -> memref<1x64x128xf32, #tpu.memory_space<vmem>>
      %dma_wait3A_407 = tpu.memref_squeeze %dma_wait3A_406 : memref<1x64x128xf32, #tpu.memory_space<vmem>> -> memref<64x128xf32, #tpu.memory_space<vmem>>
      %dma_wait3A_408 = arith.constant 0 : i32
      %dma_wait3A_409 = tpu.memref_slice %arg6[%dma_wait3A_408, %multiple_of3A_223] : memref<64x999999xf32, #tpu.memory_space<hbm>> -> memref<64x128xf32, #tpu.memory_space<hbm>>
      tpu.wait_dma2 semaphore(%arg16 : memref<!tpu.dma_semaphore, #tpu.memory_space<semaphore_mem>>) src(%dma_wait3A_409 : memref<64x128xf32, #tpu.memory_space<hbm>>) dst(%dma_wait3A_407 : memref<64x128xf32, #tpu.memory_space<vmem>>)
      %dma_wait3A_410 = arith.constant 9 : i32
      %dma_wait3A_411 = arith.constant 0 : i32
      %dma_wait3A_412 = arith.constant 0 : i32
      %dma_wait3A_413 = tpu.memref_slice %arg12[%dma_wait3A_410, %dma_wait3A_411, %dma_wait3A_412] : memref<13x64x128xf32, #tpu.memory_space<vmem>> -> memref<1x64x128xf32, #tpu.memory_space<vmem>>
      %dma_wait3A_414 = tpu.memref_squeeze %dma_wait3A_413 : memref<1x64x128xf32, #tpu.memory_space<vmem>> -> memref<64x128xf32, #tpu.memory_space<vmem>>
      %dma_wait3A_415 = arith.constant 0 : i32
      %dma_wait3A_416 = tpu.memref_slice %arg6[%dma_wait3A_415, %multiple_of3A_237] : memref<64x999999xf32, #tpu.memory_space<hbm>> -> memref<64x128xf32, #tpu.memory_space<hbm>>
      %dma_wait3A_417 = arith.constant 0 : i32
      %dma_wait3A_418 = arith.constant 0 : i32
      %dma_wait3A_419 = tpu.memref_slice %arg12[%dma_wait3A_410, %dma_wait3A_417, %dma_wait3A_418] : memref<13x64x128xf32, #tpu.memory_space<vmem>> -> memref<1x64x128xf32, #tpu.memory_space<vmem>>
      %dma_wait3A_420 = tpu.memref_squeeze %dma_wait3A_419 : memref<1x64x128xf32, #tpu.memory_space<vmem>> -> memref<64x128xf32, #tpu.memory_space<vmem>>
      %dma_wait3A_421 = arith.constant 0 : i32
      %dma_wait3A_422 = tpu.memref_slice %arg6[%dma_wait3A_421, %multiple_of3A_237] : memref<64x999999xf32, #tpu.memory_space<hbm>> -> memref<64x128xf32, #tpu.memory_space<hbm>>
      tpu.wait_dma2 semaphore(%arg16 : memref<!tpu.dma_semaphore, #tpu.memory_space<semaphore_mem>>) src(%dma_wait3A_422 : memref<64x128xf32, #tpu.memory_space<hbm>>) dst(%dma_wait3A_420 : memref<64x128xf32, #tpu.memory_space<vmem>>)
      %dma_wait3A_423 = arith.constant 10 : i32
      %dma_wait3A_424 = arith.constant 0 : i32
      %dma_wait3A_425 = arith.constant 0 : i32
      %dma_wait3A_426 = tpu.memref_slice %arg12[%dma_wait3A_423, %dma_wait3A_424, %dma_wait3A_425] : memref<13x64x128xf32, #tpu.memory_space<vmem>> -> memref<1x64x128xf32, #tpu.memory_space<vmem>>
      %dma_wait3A_427 = tpu.memref_squeeze %dma_wait3A_426 : memref<1x64x128xf32, #tpu.memory_space<vmem>> -> memref<64x128xf32, #tpu.memory_space<vmem>>
      %dma_wait3A_428 = arith.constant 0 : i32
      %dma_wait3A_429 = tpu.memref_slice %arg6[%dma_wait3A_428, %multiple_of3A_251] : memref<64x999999xf32, #tpu.memory_space<hbm>> -> memref<64x128xf32, #tpu.memory_space<hbm>>
      %dma_wait3A_430 = arith.constant 0 : i32
      %dma_wait3A_431 = arith.constant 0 : i32
      %dma_wait3A_432 = tpu.memref_slice %arg12[%dma_wait3A_423, %dma_wait3A_430, %dma_wait3A_431] : memref<13x64x128xf32, #tpu.memory_space<vmem>> -> memref<1x64x128xf32, #tpu.memory_space<vmem>>
      %dma_wait3A_433 = tpu.memref_squeeze %dma_wait3A_432 : memref<1x64x128xf32, #tpu.memory_space<vmem>> -> memref<64x128xf32, #tpu.memory_space<vmem>>
      %dma_wait3A_434 = arith.constant 0 : i32
      %dma_wait3A_435 = tpu.memref_slice %arg6[%dma_wait3A_434, %multiple_of3A_251] : memref<64x999999xf32, #tpu.memory_space<hbm>> -> memref<64x128xf32, #tpu.memory_space<hbm>>
      tpu.wait_dma2 semaphore(%arg16 : memref<!tpu.dma_semaphore, #tpu.memory_space<semaphore_mem>>) src(%dma_wait3A_435 : memref<64x128xf32, #tpu.memory_space<hbm>>) dst(%dma_wait3A_433 : memref<64x128xf32, #tpu.memory_space<vmem>>)
      %dma_wait3A_436 = arith.constant 11 : i32
      %dma_wait3A_437 = arith.constant 0 : i32
      %dma_wait3A_438 = arith.constant 0 : i32
      %dma_wait3A_439 = tpu.memref_slice %arg12[%dma_wait3A_436, %dma_wait3A_437, %dma_wait3A_438] : memref<13x64x128xf32, #tpu.memory_space<vmem>> -> memref<1x64x128xf32, #tpu.memory_space<vmem>>
      %dma_wait3A_440 = tpu.memref_squeeze %dma_wait3A_439 : memref<1x64x128xf32, #tpu.memory_space<vmem>> -> memref<64x128xf32, #tpu.memory_space<vmem>>
      %dma_wait3A_441 = arith.constant 0 : i32
      %dma_wait3A_442 = tpu.memref_slice %arg6[%dma_wait3A_441, %multiple_of3A_265] : memref<64x999999xf32, #tpu.memory_space<hbm>> -> memref<64x128xf32, #tpu.memory_space<hbm>>
      %dma_wait3A_443 = arith.constant 0 : i32
      %dma_wait3A_444 = arith.constant 0 : i32
      %dma_wait3A_445 = tpu.memref_slice %arg12[%dma_wait3A_436, %dma_wait3A_443, %dma_wait3A_444] : memref<13x64x128xf32, #tpu.memory_space<vmem>> -> memref<1x64x128xf32, #tpu.memory_space<vmem>>
      %dma_wait3A_446 = tpu.memref_squeeze %dma_wait3A_445 : memref<1x64x128xf32, #tpu.memory_space<vmem>> -> memref<64x128xf32, #tpu.memory_space<vmem>>
      %dma_wait3A_447 = arith.constant 0 : i32
      %dma_wait3A_448 = tpu.memref_slice %arg6[%dma_wait3A_447, %multiple_of3A_265] : memref<64x999999xf32, #tpu.memory_space<hbm>> -> memref<64x128xf32, #tpu.memory_space<hbm>>
      tpu.wait_dma2 semaphore(%arg16 : memref<!tpu.dma_semaphore, #tpu.memory_space<semaphore_mem>>) src(%dma_wait3A_448 : memref<64x128xf32, #tpu.memory_space<hbm>>) dst(%dma_wait3A_446 : memref<64x128xf32, #tpu.memory_space<vmem>>)
      %dma_wait3A_449 = arith.constant 12 : i32
      %dma_wait3A_450 = arith.constant 0 : i32
      %dma_wait3A_451 = arith.constant 0 : i32
      %dma_wait3A_452 = tpu.memref_slice %arg12[%dma_wait3A_449, %dma_wait3A_450, %dma_wait3A_451] : memref<13x64x128xf32, #tpu.memory_space<vmem>> -> memref<1x64x128xf32, #tpu.memory_space<vmem>>
      %dma_wait3A_453 = tpu.memref_squeeze %dma_wait3A_452 : memref<1x64x128xf32, #tpu.memory_space<vmem>> -> memref<64x128xf32, #tpu.memory_space<vmem>>
      %dma_wait3A_454 = arith.constant 0 : i32
      %dma_wait3A_455 = tpu.memref_slice %arg6[%dma_wait3A_454, %multiple_of3A_279] : memref<64x999999xf32, #tpu.memory_space<hbm>> -> memref<64x128xf32, #tpu.memory_space<hbm>>
      %dma_wait3A_456 = arith.constant 0 : i32
      %dma_wait3A_457 = arith.constant 0 : i32
      %dma_wait3A_458 = tpu.memref_slice %arg12[%dma_wait3A_449, %dma_wait3A_456, %dma_wait3A_457] : memref<13x64x128xf32, #tpu.memory_space<vmem>> -> memref<1x64x128xf32, #tpu.memory_space<vmem>>
      %dma_wait3A_459 = tpu.memref_squeeze %dma_wait3A_458 : memref<1x64x128xf32, #tpu.memory_space<vmem>> -> memref<64x128xf32, #tpu.memory_space<vmem>>
      %dma_wait3A_460 = arith.constant 0 : i32
      %dma_wait3A_461 = tpu.memref_slice %arg6[%dma_wait3A_460, %multiple_of3A_279] : memref<64x999999xf32, #tpu.memory_space<hbm>> -> memref<64x128xf32, #tpu.memory_space<hbm>>
      tpu.wait_dma2 semaphore(%arg16 : memref<!tpu.dma_semaphore, #tpu.memory_space<semaphore_mem>>) src(%dma_wait3A_461 : memref<64x128xf32, #tpu.memory_space<hbm>>) dst(%dma_wait3A_459 : memref<64x128xf32, #tpu.memory_space<vmem>>)
      %iota3A = tpu.iota {dimensions = array<i32: 0>} : vector<16xi32>
      %add3A = arith.constant 0 : i32
      %add3A_462 = vector.broadcast %add3A : i32 to vector<16xi32>
      %add3A_463 = arith.addi %iota3A, %add3A_462 : vector<16xi32>
      %iota3A_464 = tpu.iota {dimensions = array<i32: 0>} : vector<16xi32>
      %add3A_465 = arith.constant 16 : i32
      %add3A_466 = vector.broadcast %add3A_465 : i32 to vector<16xi32>
      %add3A_467 = arith.addi %iota3A_464, %add3A_466 : vector<16xi32>
      %iota3A_468 = tpu.iota {dimensions = array<i32: 0>} : vector<16xi32>
      %add3A_469 = arith.constant 32 : i32
      %add3A_470 = vector.broadcast %add3A_469 : i32 to vector<16xi32>
      %add3A_471 = arith.addi %iota3A_468, %add3A_470 : vector<16xi32>
      %iota3A_472 = tpu.iota {dimensions = array<i32: 0>} : vector<16xi32>
      %add3A_473 = arith.constant 48 : i32
      %add3A_474 = vector.broadcast %add3A_473 : i32 to vector<16xi32>
      %add3A_475 = arith.addi %iota3A_472, %add3A_474 : vector<16xi32>
      %iota3A_476 = tpu.iota {dimensions = array<i32: 0>} : vector<16xi32>
      %broadcast_in_dim3A = vector.broadcast %and3A_111 : i32 to vector<16xi32>
      %broadcast_in_dim3A_477 = arith.constant 0 : i32
      %broadcast_in_dim3A_478 = vector.broadcast %broadcast_in_dim3A_477 : i32 to vector<16xi32>
      %gather3A = tpu.vector_load_idx %arg12[%broadcast_in_dim3A_478, %add3A_463, %broadcast_in_dim3A] : memref<13x64x128xf32, #tpu.memory_space<vmem>>[vector<16xi32>, vector<16xi32>, vector<16xi32>], vector<16xf32>,
      %bitcast3A = vector.bitcast %gather3A : vector<16xf32> to vector<16xi32>
      %add3A_479 = arith.constant 32767 : i32
      %add3A_480 = vector.broadcast %add3A_479 : i32 to vector<16xi32>
      %add3A_481 = arith.addi %bitcast3A, %add3A_480 : vector<16xi32>
      %shift_right_logical3A = arith.constant 16 : i32
      %shift_right_logical3A_482 = vector.broadcast %shift_right_logical3A : i32 to vector<16xi32>
      %shift_right_logical3A_483 = arith.shrui %bitcast3A, %shift_right_logical3A_482 : vector<16xi32>
      %and3A_484 = arith.constant 1 : i32
      %and3A_485 = vector.broadcast %and3A_484 : i32 to vector<16xi32>
      %and3A_486 = arith.andi %shift_right_logical3A_483, %and3A_485 : vector<16xi32>
      %add3A_487 = arith.addi %add3A_481, %and3A_486 : vector<16xi32>
      %and3A_488 = arith.constant -65536 : i32
      %and3A_489 = vector.broadcast %and3A_488 : i32 to vector<16xi32>
      %and3A_490 = arith.andi %add3A_487, %and3A_489 : vector<16xi32>
      %bitcast3A_491 = vector.bitcast %and3A_490 : vector<16xi32> to vector<16xf32>
      %gather3A_492 = tpu.vector_load_idx %arg12[%broadcast_in_dim3A_478, %add3A_467, %broadcast_in_dim3A] : memref<13x64x128xf32, #tpu.memory_space<vmem>>[vector<16xi32>, vector<16xi32>, vector<16xi32>], vector<16xf32>,
      %bitcast3A_493 = vector.bitcast %gather3A_492 : vector<16xf32> to vector<16xi32>
      %add3A_494 = arith.constant 32767 : i32
      %add3A_495 = vector.broadcast %add3A_494 : i32 to vector<16xi32>
      %add3A_496 = arith.addi %bitcast3A_493, %add3A_495 : vector<16xi32>
      %shift_right_logical3A_497 = arith.constant 16 : i32
      %shift_right_logical3A_498 = vector.broadcast %shift_right_logical3A_497 : i32 to vector<16xi32>
      %shift_right_logical3A_499 = arith.shrui %bitcast3A_493, %shift_right_logical3A_498 : vector<16xi32>
      %and3A_500 = arith.constant 1 : i32
      %and3A_501 = vector.broadcast %and3A_500 : i32 to vector<16xi32>
      %and3A_502 = arith.andi %shift_right_logical3A_499, %and3A_501 : vector<16xi32>
      %add3A_503 = arith.addi %add3A_496, %and3A_502 : vector<16xi32>
      %and3A_504 = arith.constant -65536 : i32
      %and3A_505 = vector.broadcast %and3A_504 : i32 to vector<16xi32>
      %and3A_506 = arith.andi %add3A_503, %and3A_505 : vector<16xi32>
      %bitcast3A_507 = vector.bitcast %and3A_506 : vector<16xi32> to vector<16xf32>
      %gather3A_508 = tpu.vector_load_idx %arg12[%broadcast_in_dim3A_478, %add3A_471, %broadcast_in_dim3A] : memref<13x64x128xf32, #tpu.memory_space<vmem>>[vector<16xi32>, vector<16xi32>, vector<16xi32>], vector<16xf32>,
      %bitcast3A_509 = vector.bitcast %gather3A_508 : vector<16xf32> to vector<16xi32>
      %add3A_510 = arith.constant 32767 : i32
      %add3A_511 = vector.broadcast %add3A_510 : i32 to vector<16xi32>
      %add3A_512 = arith.addi %bitcast3A_509, %add3A_511 : vector<16xi32>
      %shift_right_logical3A_513 = arith.constant 16 : i32
      %shift_right_logical3A_514 = vector.broadcast %shift_right_logical3A_513 : i32 to vector<16xi32>
      %shift_right_logical3A_515 = arith.shrui %bitcast3A_509, %shift_right_logical3A_514 : vector<16xi32>
      %and3A_516 = arith.constant 1 : i32
      %and3A_517 = vector.broadcast %and3A_516 : i32 to vector<16xi32>
      %and3A_518 = arith.andi %shift_right_logical3A_515, %and3A_517 : vector<16xi32>
      %add3A_519 = arith.addi %add3A_512, %and3A_518 : vector<16xi32>
      %and3A_520 = arith.constant -65536 : i32
      %and3A_521 = vector.broadcast %and3A_520 : i32 to vector<16xi32>
      %and3A_522 = arith.andi %add3A_519, %and3A_521 : vector<16xi32>
      %bitcast3A_523 = vector.bitcast %and3A_522 : vector<16xi32> to vector<16xf32>
      %gather3A_524 = tpu.vector_load_idx %arg12[%broadcast_in_dim3A_478, %add3A_475, %broadcast_in_dim3A] : memref<13x64x128xf32, #tpu.memory_space<vmem>>[vector<16xi32>, vector<16xi32>, vector<16xi32>], vector<16xf32>,
      %bitcast3A_525 = vector.bitcast %gather3A_524 : vector<16xf32> to vector<16xi32>
      %add3A_526 = arith.constant 32767 : i32
      %add3A_527 = vector.broadcast %add3A_526 : i32 to vector<16xi32>
      %add3A_528 = arith.addi %bitcast3A_525, %add3A_527 : vector<16xi32>
      %shift_right_logical3A_529 = arith.constant 16 : i32
      %shift_right_logical3A_530 = vector.broadcast %shift_right_logical3A_529 : i32 to vector<16xi32>
      %shift_right_logical3A_531 = arith.shrui %bitcast3A_525, %shift_right_logical3A_530 : vector<16xi32>
      %and3A_532 = arith.constant 1 : i32
      %and3A_533 = vector.broadcast %and3A_532 : i32 to vector<16xi32>
      %and3A_534 = arith.andi %shift_right_logical3A_531, %and3A_533 : vector<16xi32>
      %add3A_535 = arith.addi %add3A_528, %and3A_534 : vector<16xi32>
      %and3A_536 = arith.constant -65536 : i32
      %and3A_537 = vector.broadcast %and3A_536 : i32 to vector<16xi32>
      %and3A_538 = arith.andi %add3A_535, %and3A_537 : vector<16xi32>
      %bitcast3A_539 = vector.bitcast %and3A_538 : vector<16xi32> to vector<16xf32>
      %broadcast_in_dim3A_540 = arith.constant 0.000000e+00 : f32
      %broadcast_in_dim3A_541 = vector.broadcast %broadcast_in_dim3A_540 : f32 to vector<16xf32>
      %broadcast_in_dim3A_542 = arith.constant 0.000000e+00 : f32
      %broadcast_in_dim3A_543 = vector.broadcast %broadcast_in_dim3A_542 : f32 to vector<16xf32>
      %broadcast_in_dim3A_544 = vector.broadcast %squeeze3A_50 : i32 to vector<16xi32>
      %broadcast_in_dim3A_545 = arith.constant 1 : i32
      %broadcast_in_dim3A_546 = vector.broadcast %broadcast_in_dim3A_545 : i32 to vector<16xi32>
      %gather3A_547 = tpu.vector_load_idx %arg12[%broadcast_in_dim3A_546, %add3A_463, %broadcast_in_dim3A_544] : memref<13x64x128xf32, #tpu.memory_space<vmem>>[vector<16xi32>, vector<16xi32>, vector<16xi32>], vector<16xf32>,
      %bitcast3A_548 = vector.bitcast %gather3A_547 : vector<16xf32> to vector<16xi32>
      %add3A_549 = arith.constant 32767 : i32
      %add3A_550 = vector.broadcast %add3A_549 : i32 to vector<16xi32>
      %add3A_551 = arith.addi %bitcast3A_548, %add3A_550 : vector<16xi32>
      %shift_right_logical3A_552 = arith.constant 16 : i32
      %shift_right_logical3A_553 = vector.broadcast %shift_right_logical3A_552 : i32 to vector<16xi32>
      %shift_right_logical3A_554 = arith.shrui %bitcast3A_548, %shift_right_logical3A_553 : vector<16xi32>
      %and3A_555 = arith.constant 1 : i32
      %and3A_556 = vector.broadcast %and3A_555 : i32 to vector<16xi32>
      %and3A_557 = arith.andi %shift_right_logical3A_554, %and3A_556 : vector<16xi32>
      %add3A_558 = arith.addi %add3A_551, %and3A_557 : vector<16xi32>
      %and3A_559 = arith.constant -65536 : i32
      %and3A_560 = vector.broadcast %and3A_559 : i32 to vector<16xi32>
      %and3A_561 = arith.andi %add3A_558, %and3A_560 : vector<16xi32>
      %bitcast3A_562 = vector.bitcast %and3A_561 : vector<16xi32> to vector<16xf32>
      %gather3A_563 = tpu.vector_load_idx %arg12[%broadcast_in_dim3A_546, %add3A_467, %broadcast_in_dim3A_544] : memref<13x64x128xf32, #tpu.memory_space<vmem>>[vector<16xi32>, vector<16xi32>, vector<16xi32>], vector<16xf32>,
      %bitcast3A_564 = vector.bitcast %gather3A_563 : vector<16xf32> to vector<16xi32>
      %add3A_565 = arith.constant 32767 : i32
      %add3A_566 = vector.broadcast %add3A_565 : i32 to vector<16xi32>
      %add3A_567 = arith.addi %bitcast3A_564, %add3A_566 : vector<16xi32>
      %shift_right_logical3A_568 = arith.constant 16 : i32
      %shift_right_logical3A_569 = vector.broadcast %shift_right_logical3A_568 : i32 to vector<16xi32>
      %shift_right_logical3A_570 = arith.shrui %bitcast3A_564, %shift_right_logical3A_569 : vector<16xi32>
      %and3A_571 = arith.constant 1 : i32
      %and3A_572 = vector.broadcast %and3A_571 : i32 to vector<16xi32>
      %and3A_573 = arith.andi %shift_right_logical3A_570, %and3A_572 : vector<16xi32>
      %add3A_574 = arith.addi %add3A_567, %and3A_573 : vector<16xi32>
      %and3A_575 = arith.constant -65536 : i32
      %and3A_576 = vector.broadcast %and3A_575 : i32 to vector<16xi32>
      %and3A_577 = arith.andi %add3A_574, %and3A_576 : vector<16xi32>
      %bitcast3A_578 = vector.bitcast %and3A_577 : vector<16xi32> to vector<16xf32>
      %gather3A_579 = tpu.vector_load_idx %arg12[%broadcast_in_dim3A_546, %add3A_471, %broadcast_in_dim3A_544] : memref<13x64x128xf32, #tpu.memory_space<vmem>>[vector<16xi32>, vector<16xi32>, vector<16xi32>], vector<16xf32>,
      %bitcast3A_580 = vector.bitcast %gather3A_579 : vector<16xf32> to vector<16xi32>
      %add3A_581 = arith.constant 32767 : i32
      %add3A_582 = vector.broadcast %add3A_581 : i32 to vector<16xi32>
      %add3A_583 = arith.addi %bitcast3A_580, %add3A_582 : vector<16xi32>
      %shift_right_logical3A_584 = arith.constant 16 : i32
      %shift_right_logical3A_585 = vector.broadcast %shift_right_logical3A_584 : i32 to vector<16xi32>
      %shift_right_logical3A_586 = arith.shrui %bitcast3A_580, %shift_right_logical3A_585 : vector<16xi32>
      %and3A_587 = arith.constant 1 : i32
      %and3A_588 = vector.broadcast %and3A_587 : i32 to vector<16xi32>
      %and3A_589 = arith.andi %shift_right_logical3A_586, %and3A_588 : vector<16xi32>
      %add3A_590 = arith.addi %add3A_583, %and3A_589 : vector<16xi32>
      %and3A_591 = arith.constant -65536 : i32
      %and3A_592 = vector.broadcast %and3A_591 : i32 to vector<16xi32>
      %and3A_593 = arith.andi %add3A_590, %and3A_592 : vector<16xi32>
      %bitcast3A_594 = vector.bitcast %and3A_593 : vector<16xi32> to vector<16xf32>
      %gather3A_595 = tpu.vector_load_idx %arg12[%broadcast_in_dim3A_546, %add3A_475, %broadcast_in_dim3A_544] : memref<13x64x128xf32, #tpu.memory_space<vmem>>[vector<16xi32>, vector<16xi32>, vector<16xi32>], vector<16xf32>,
      %bitcast3A_596 = vector.bitcast %gather3A_595 : vector<16xf32> to vector<16xi32>
      %add3A_597 = arith.constant 32767 : i32
      %add3A_598 = vector.broadcast %add3A_597 : i32 to vector<16xi32>
      %add3A_599 = arith.addi %bitcast3A_596, %add3A_598 : vector<16xi32>
      %shift_right_logical3A_600 = arith.constant 16 : i32
      %shift_right_logical3A_601 = vector.broadcast %shift_right_logical3A_600 : i32 to vector<16xi32>
      %shift_right_logical3A_602 = arith.shrui %bitcast3A_596, %shift_right_logical3A_601 : vector<16xi32>
      %and3A_603 = arith.constant 1 : i32
      %and3A_604 = vector.broadcast %and3A_603 : i32 to vector<16xi32>
      %and3A_605 = arith.andi %shift_right_logical3A_602, %and3A_604 : vector<16xi32>
      %add3A_606 = arith.addi %add3A_599, %and3A_605 : vector<16xi32>
      %and3A_607 = arith.constant -65536 : i32
      %and3A_608 = vector.broadcast %and3A_607 : i32 to vector<16xi32>
      %and3A_609 = arith.andi %add3A_606, %and3A_608 : vector<16xi32>
      %bitcast3A_610 = vector.bitcast %and3A_609 : vector<16xi32> to vector<16xf32>
      %mul3A = arith.mulf %bitcast3A_491, %bitcast3A_562 : vector<16xf32>
      %mul3A_611 = arith.mulf %bitcast3A_507, %bitcast3A_578 : vector<16xf32>
      %add3A_612 = arith.addf %mul3A, %mul3A_611 : vector<16xf32>
      %mul3A_613 = arith.mulf %bitcast3A_523, %bitcast3A_594 : vector<16xf32>
      %add3A_614 = arith.addf %add3A_612, %mul3A_613 : vector<16xf32>
      %mul3A_615 = arith.mulf %bitcast3A_539, %bitcast3A_610 : vector<16xf32>
      %add3A_616 = arith.addf %add3A_614, %mul3A_615 : vector<16xf32>
      %reduce_sum3A = arith.constant true
      %reduce_sum3A_617 = vector.broadcast %reduce_sum3A : i1 to vector<16xi1>
      %reduce_sum3A_618 = tpu.scan <sum>, %add3A_616 masked %reduce_sum3A_617 : vector<16xf32>, vector<16xi1> -> vector<16xf32>
      %reduce_sum3A_619 = vector.extract %reduce_sum3A_618[15] : f32 from vector<16xf32>
      %eq3A_620 = arith.constant 8 : i32
      %eq3A_621 = vector.broadcast %eq3A_620 : i32 to vector<16xi32>
      %eq3A_622 = arith.cmpi eq, %iota3A_476, %eq3A_621 : vector<16xi32>
      %broadcast_in_dim3A_623 = vector.broadcast %reduce_sum3A_619 : f32 to vector<16xf32>
      %select_n3A = arith.select %eq3A_622, %broadcast_in_dim3A_623, %broadcast_in_dim3A_541 : vector<16xi1>, vector<16xf32>
      %broadcast_in_dim3A_624 = vector.broadcast %squeeze3A_54 : i32 to vector<16xi32>
      %broadcast_in_dim3A_625 = arith.constant 2 : i32
      %broadcast_in_dim3A_626 = vector.broadcast %broadcast_in_dim3A_625 : i32 to vector<16xi32>
      %gather3A_627 = tpu.vector_load_idx %arg12[%broadcast_in_dim3A_626, %add3A_463, %broadcast_in_dim3A_624] : memref<13x64x128xf32, #tpu.memory_space<vmem>>[vector<16xi32>, vector<16xi32>, vector<16xi32>], vector<16xf32>,
      %bitcast3A_628 = vector.bitcast %gather3A_627 : vector<16xf32> to vector<16xi32>
      %add3A_629 = arith.constant 32767 : i32
      %add3A_630 = vector.broadcast %add3A_629 : i32 to vector<16xi32>
      %add3A_631 = arith.addi %bitcast3A_628, %add3A_630 : vector<16xi32>
      %shift_right_logical3A_632 = arith.constant 16 : i32
      %shift_right_logical3A_633 = vector.broadcast %shift_right_logical3A_632 : i32 to vector<16xi32>
      %shift_right_logical3A_634 = arith.shrui %bitcast3A_628, %shift_right_logical3A_633 : vector<16xi32>
      %and3A_635 = arith.constant 1 : i32
      %and3A_636 = vector.broadcast %and3A_635 : i32 to vector<16xi32>
      %and3A_637 = arith.andi %shift_right_logical3A_634, %and3A_636 : vector<16xi32>
      %add3A_638 = arith.addi %add3A_631, %and3A_637 : vector<16xi32>
      %and3A_639 = arith.constant -65536 : i32
      %and3A_640 = vector.broadcast %and3A_639 : i32 to vector<16xi32>
      %and3A_641 = arith.andi %add3A_638, %and3A_640 : vector<16xi32>
      %bitcast3A_642 = vector.bitcast %and3A_641 : vector<16xi32> to vector<16xf32>
      %gather3A_643 = tpu.vector_load_idx %arg12[%broadcast_in_dim3A_626, %add3A_467, %broadcast_in_dim3A_624] : memref<13x64x128xf32, #tpu.memory_space<vmem>>[vector<16xi32>, vector<16xi32>, vector<16xi32>], vector<16xf32>,
      %bitcast3A_644 = vector.bitcast %gather3A_643 : vector<16xf32> to vector<16xi32>
      %add3A_645 = arith.constant 32767 : i32
      %add3A_646 = vector.broadcast %add3A_645 : i32 to vector<16xi32>
      %add3A_647 = arith.addi %bitcast3A_644, %add3A_646 : vector<16xi32>
      %shift_right_logical3A_648 = arith.constant 16 : i32
      %shift_right_logical3A_649 = vector.broadcast %shift_right_logical3A_648 : i32 to vector<16xi32>
      %shift_right_logical3A_650 = arith.shrui %bitcast3A_644, %shift_right_logical3A_649 : vector<16xi32>
      %and3A_651 = arith.constant 1 : i32
      %and3A_652 = vector.broadcast %and3A_651 : i32 to vector<16xi32>
      %and3A_653 = arith.andi %shift_right_logical3A_650, %and3A_652 : vector<16xi32>
      %add3A_654 = arith.addi %add3A_647, %and3A_653 : vector<16xi32>
      %and3A_655 = arith.constant -65536 : i32
      %and3A_656 = vector.broadcast %and3A_655 : i32 to vector<16xi32>
      %and3A_657 = arith.andi %add3A_654, %and3A_656 : vector<16xi32>
      %bitcast3A_658 = vector.bitcast %and3A_657 : vector<16xi32> to vector<16xf32>
      %gather3A_659 = tpu.vector_load_idx %arg12[%broadcast_in_dim3A_626, %add3A_471, %broadcast_in_dim3A_624] : memref<13x64x128xf32, #tpu.memory_space<vmem>>[vector<16xi32>, vector<16xi32>, vector<16xi32>], vector<16xf32>,
      %bitcast3A_660 = vector.bitcast %gather3A_659 : vector<16xf32> to vector<16xi32>
      %add3A_661 = arith.constant 32767 : i32
      %add3A_662 = vector.broadcast %add3A_661 : i32 to vector<16xi32>
      %add3A_663 = arith.addi %bitcast3A_660, %add3A_662 : vector<16xi32>
      %shift_right_logical3A_664 = arith.constant 16 : i32
      %shift_right_logical3A_665 = vector.broadcast %shift_right_logical3A_664 : i32 to vector<16xi32>
      %shift_right_logical3A_666 = arith.shrui %bitcast3A_660, %shift_right_logical3A_665 : vector<16xi32>
      %and3A_667 = arith.constant 1 : i32
      %and3A_668 = vector.broadcast %and3A_667 : i32 to vector<16xi32>
      %and3A_669 = arith.andi %shift_right_logical3A_666, %and3A_668 : vector<16xi32>
      %add3A_670 = arith.addi %add3A_663, %and3A_669 : vector<16xi32>
      %and3A_671 = arith.constant -65536 : i32
      %and3A_672 = vector.broadcast %and3A_671 : i32 to vector<16xi32>
      %and3A_673 = arith.andi %add3A_670, %and3A_672 : vector<16xi32>
      %bitcast3A_674 = vector.bitcast %and3A_673 : vector<16xi32> to vector<16xf32>
      %gather3A_675 = tpu.vector_load_idx %arg12[%broadcast_in_dim3A_626, %add3A_475, %broadcast_in_dim3A_624] : memref<13x64x128xf32, #tpu.memory_space<vmem>>[vector<16xi32>, vector<16xi32>, vector<16xi32>], vector<16xf32>,
      %bitcast3A_676 = vector.bitcast %gather3A_675 : vector<16xf32> to vector<16xi32>
      %add3A_677 = arith.constant 32767 : i32
      %add3A_678 = vector.broadcast %add3A_677 : i32 to vector<16xi32>
      %add3A_679 = arith.addi %bitcast3A_676, %add3A_678 : vector<16xi32>
      %shift_right_logical3A_680 = arith.constant 16 : i32
      %shift_right_logical3A_681 = vector.broadcast %shift_right_logical3A_680 : i32 to vector<16xi32>
      %shift_right_logical3A_682 = arith.shrui %bitcast3A_676, %shift_right_logical3A_681 : vector<16xi32>
      %and3A_683 = arith.constant 1 : i32
      %and3A_684 = vector.broadcast %and3A_683 : i32 to vector<16xi32>
      %and3A_685 = arith.andi %shift_right_logical3A_682, %and3A_684 : vector<16xi32>
      %add3A_686 = arith.addi %add3A_679, %and3A_685 : vector<16xi32>
      %and3A_687 = arith.constant -65536 : i32
      %and3A_688 = vector.broadcast %and3A_687 : i32 to vector<16xi32>
      %and3A_689 = arith.andi %add3A_686, %and3A_688 : vector<16xi32>
      %bitcast3A_690 = vector.bitcast %and3A_689 : vector<16xi32> to vector<16xf32>
      %mul3A_691 = arith.mulf %bitcast3A_491, %bitcast3A_642 : vector<16xf32>
      %mul3A_692 = arith.mulf %bitcast3A_507, %bitcast3A_658 : vector<16xf32>
      %add3A_693 = arith.addf %mul3A_691, %mul3A_692 : vector<16xf32>
      %mul3A_694 = arith.mulf %bitcast3A_523, %bitcast3A_674 : vector<16xf32>
      %add3A_695 = arith.addf %add3A_693, %mul3A_694 : vector<16xf32>
      %mul3A_696 = arith.mulf %bitcast3A_539, %bitcast3A_690 : vector<16xf32>
      %add3A_697 = arith.addf %add3A_695, %mul3A_696 : vector<16xf32>
      %reduce_sum3A_698 = arith.constant true
      %reduce_sum3A_699 = vector.broadcast %reduce_sum3A_698 : i1 to vector<16xi1>
      %reduce_sum3A_700 = tpu.scan <sum>, %add3A_697 masked %reduce_sum3A_699 : vector<16xf32>, vector<16xi1> -> vector<16xf32>
      %reduce_sum3A_701 = vector.extract %reduce_sum3A_700[15] : f32 from vector<16xf32>
      %eq3A_702 = arith.constant 9 : i32
      %eq3A_703 = vector.broadcast %eq3A_702 : i32 to vector<16xi32>
      %eq3A_704 = arith.cmpi eq, %iota3A_476, %eq3A_703 : vector<16xi32>
      %broadcast_in_dim3A_705 = vector.broadcast %reduce_sum3A_701 : f32 to vector<16xf32>
      %select_n3A_706 = arith.select %eq3A_704, %broadcast_in_dim3A_705, %select_n3A : vector<16xi1>, vector<16xf32>
      %broadcast_in_dim3A_707 = vector.broadcast %squeeze3A_58 : i32 to vector<16xi32>
      %broadcast_in_dim3A_708 = arith.constant 3 : i32
      %broadcast_in_dim3A_709 = vector.broadcast %broadcast_in_dim3A_708 : i32 to vector<16xi32>
      %gather3A_710 = tpu.vector_load_idx %arg12[%broadcast_in_dim3A_709, %add3A_463, %broadcast_in_dim3A_707] : memref<13x64x128xf32, #tpu.memory_space<vmem>>[vector<16xi32>, vector<16xi32>, vector<16xi32>], vector<16xf32>,
      %bitcast3A_711 = vector.bitcast %gather3A_710 : vector<16xf32> to vector<16xi32>
      %add3A_712 = arith.constant 32767 : i32
      %add3A_713 = vector.broadcast %add3A_712 : i32 to vector<16xi32>
      %add3A_714 = arith.addi %bitcast3A_711, %add3A_713 : vector<16xi32>
      %shift_right_logical3A_715 = arith.constant 16 : i32
      %shift_right_logical3A_716 = vector.broadcast %shift_right_logical3A_715 : i32 to vector<16xi32>
      %shift_right_logical3A_717 = arith.shrui %bitcast3A_711, %shift_right_logical3A_716 : vector<16xi32>
      %and3A_718 = arith.constant 1 : i32
      %and3A_719 = vector.broadcast %and3A_718 : i32 to vector<16xi32>
      %and3A_720 = arith.andi %shift_right_logical3A_717, %and3A_719 : vector<16xi32>
      %add3A_721 = arith.addi %add3A_714, %and3A_720 : vector<16xi32>
      %and3A_722 = arith.constant -65536 : i32
      %and3A_723 = vector.broadcast %and3A_722 : i32 to vector<16xi32>
      %and3A_724 = arith.andi %add3A_721, %and3A_723 : vector<16xi32>
      %bitcast3A_725 = vector.bitcast %and3A_724 : vector<16xi32> to vector<16xf32>
      %gather3A_726 = tpu.vector_load_idx %arg12[%broadcast_in_dim3A_709, %add3A_467, %broadcast_in_dim3A_707] : memref<13x64x128xf32, #tpu.memory_space<vmem>>[vector<16xi32>, vector<16xi32>, vector<16xi32>], vector<16xf32>,
      %bitcast3A_727 = vector.bitcast %gather3A_726 : vector<16xf32> to vector<16xi32>
      %add3A_728 = arith.constant 32767 : i32
      %add3A_729 = vector.broadcast %add3A_728 : i32 to vector<16xi32>
      %add3A_730 = arith.addi %bitcast3A_727, %add3A_729 : vector<16xi32>
      %shift_right_logical3A_731 = arith.constant 16 : i32
      %shift_right_logical3A_732 = vector.broadcast %shift_right_logical3A_731 : i32 to vector<16xi32>
      %shift_right_logical3A_733 = arith.shrui %bitcast3A_727, %shift_right_logical3A_732 : vector<16xi32>
      %and3A_734 = arith.constant 1 : i32
      %and3A_735 = vector.broadcast %and3A_734 : i32 to vector<16xi32>
      %and3A_736 = arith.andi %shift_right_logical3A_733, %and3A_735 : vector<16xi32>
      %add3A_737 = arith.addi %add3A_730, %and3A_736 : vector<16xi32>
      %and3A_738 = arith.constant -65536 : i32
      %and3A_739 = vector.broadcast %and3A_738 : i32 to vector<16xi32>
      %and3A_740 = arith.andi %add3A_737, %and3A_739 : vector<16xi32>
      %bitcast3A_741 = vector.bitcast %and3A_740 : vector<16xi32> to vector<16xf32>
      %gather3A_742 = tpu.vector_load_idx %arg12[%broadcast_in_dim3A_709, %add3A_471, %broadcast_in_dim3A_707] : memref<13x64x128xf32, #tpu.memory_space<vmem>>[vector<16xi32>, vector<16xi32>, vector<16xi32>], vector<16xf32>,
      %bitcast3A_743 = vector.bitcast %gather3A_742 : vector<16xf32> to vector<16xi32>
      %add3A_744 = arith.constant 32767 : i32
      %add3A_745 = vector.broadcast %add3A_744 : i32 to vector<16xi32>
      %add3A_746 = arith.addi %bitcast3A_743, %add3A_745 : vector<16xi32>
      %shift_right_logical3A_747 = arith.constant 16 : i32
      %shift_right_logical3A_748 = vector.broadcast %shift_right_logical3A_747 : i32 to vector<16xi32>
      %shift_right_logical3A_749 = arith.shrui %bitcast3A_743, %shift_right_logical3A_748 : vector<16xi32>
      %and3A_750 = arith.constant 1 : i32
      %and3A_751 = vector.broadcast %and3A_750 : i32 to vector<16xi32>
      %and3A_752 = arith.andi %shift_right_logical3A_749, %and3A_751 : vector<16xi32>
      %add3A_753 = arith.addi %add3A_746, %and3A_752 : vector<16xi32>
      %and3A_754 = arith.constant -65536 : i32
      %and3A_755 = vector.broadcast %and3A_754 : i32 to vector<16xi32>
      %and3A_756 = arith.andi %add3A_753, %and3A_755 : vector<16xi32>
      %bitcast3A_757 = vector.bitcast %and3A_756 : vector<16xi32> to vector<16xf32>
      %gather3A_758 = tpu.vector_load_idx %arg12[%broadcast_in_dim3A_709, %add3A_475, %broadcast_in_dim3A_707] : memref<13x64x128xf32, #tpu.memory_space<vmem>>[vector<16xi32>, vector<16xi32>, vector<16xi32>], vector<16xf32>,
      %bitcast3A_759 = vector.bitcast %gather3A_758 : vector<16xf32> to vector<16xi32>
      %add3A_760 = arith.constant 32767 : i32
      %add3A_761 = vector.broadcast %add3A_760 : i32 to vector<16xi32>
      %add3A_762 = arith.addi %bitcast3A_759, %add3A_761 : vector<16xi32>
      %shift_right_logical3A_763 = arith.constant 16 : i32
      %shift_right_logical3A_764 = vector.broadcast %shift_right_logical3A_763 : i32 to vector<16xi32>
      %shift_right_logical3A_765 = arith.shrui %bitcast3A_759, %shift_right_logical3A_764 : vector<16xi32>
      %and3A_766 = arith.constant 1 : i32
      %and3A_767 = vector.broadcast %and3A_766 : i32 to vector<16xi32>
      %and3A_768 = arith.andi %shift_right_logical3A_765, %and3A_767 : vector<16xi32>
      %add3A_769 = arith.addi %add3A_762, %and3A_768 : vector<16xi32>
      %and3A_770 = arith.constant -65536 : i32
      %and3A_771 = vector.broadcast %and3A_770 : i32 to vector<16xi32>
      %and3A_772 = arith.andi %add3A_769, %and3A_771 : vector<16xi32>
      %bitcast3A_773 = vector.bitcast %and3A_772 : vector<16xi32> to vector<16xf32>
      %mul3A_774 = arith.mulf %bitcast3A_491, %bitcast3A_725 : vector<16xf32>
      %mul3A_775 = arith.mulf %bitcast3A_507, %bitcast3A_741 : vector<16xf32>
      %add3A_776 = arith.addf %mul3A_774, %mul3A_775 : vector<16xf32>
      %mul3A_777 = arith.mulf %bitcast3A_523, %bitcast3A_757 : vector<16xf32>
      %add3A_778 = arith.addf %add3A_776, %mul3A_777 : vector<16xf32>
      %mul3A_779 = arith.mulf %bitcast3A_539, %bitcast3A_773 : vector<16xf32>
      %add3A_780 = arith.addf %add3A_778, %mul3A_779 : vector<16xf32>
      %reduce_sum3A_781 = arith.constant true
      %reduce_sum3A_782 = vector.broadcast %reduce_sum3A_781 : i1 to vector<16xi1>
      %reduce_sum3A_783 = tpu.scan <sum>, %add3A_780 masked %reduce_sum3A_782 : vector<16xf32>, vector<16xi1> -> vector<16xf32>
      %reduce_sum3A_784 = vector.extract %reduce_sum3A_783[15] : f32 from vector<16xf32>
      %eq3A_785 = arith.constant 10 : i32
      %eq3A_786 = vector.broadcast %eq3A_785 : i32 to vector<16xi32>
      %eq3A_787 = arith.cmpi eq, %iota3A_476, %eq3A_786 : vector<16xi32>
      %broadcast_in_dim3A_788 = vector.broadcast %reduce_sum3A_784 : f32 to vector<16xf32>
      %select_n3A_789 = arith.select %eq3A_787, %broadcast_in_dim3A_788, %select_n3A_706 : vector<16xi1>, vector<16xf32>
      %broadcast_in_dim3A_790 = vector.broadcast %squeeze3A_62 : i32 to vector<16xi32>
      %broadcast_in_dim3A_791 = arith.constant 4 : i32
      %broadcast_in_dim3A_792 = vector.broadcast %broadcast_in_dim3A_791 : i32 to vector<16xi32>
      %gather3A_793 = tpu.vector_load_idx %arg12[%broadcast_in_dim3A_792, %add3A_463, %broadcast_in_dim3A_790] : memref<13x64x128xf32, #tpu.memory_space<vmem>>[vector<16xi32>, vector<16xi32>, vector<16xi32>], vector<16xf32>,
      %bitcast3A_794 = vector.bitcast %gather3A_793 : vector<16xf32> to vector<16xi32>
      %add3A_795 = arith.constant 32767 : i32
      %add3A_796 = vector.broadcast %add3A_795 : i32 to vector<16xi32>
      %add3A_797 = arith.addi %bitcast3A_794, %add3A_796 : vector<16xi32>
      %shift_right_logical3A_798 = arith.constant 16 : i32
      %shift_right_logical3A_799 = vector.broadcast %shift_right_logical3A_798 : i32 to vector<16xi32>
      %shift_right_logical3A_800 = arith.shrui %bitcast3A_794, %shift_right_logical3A_799 : vector<16xi32>
      %and3A_801 = arith.constant 1 : i32
      %and3A_802 = vector.broadcast %and3A_801 : i32 to vector<16xi32>
      %and3A_803 = arith.andi %shift_right_logical3A_800, %and3A_802 : vector<16xi32>
      %add3A_804 = arith.addi %add3A_797, %and3A_803 : vector<16xi32>
      %and3A_805 = arith.constant -65536 : i32
      %and3A_806 = vector.broadcast %and3A_805 : i32 to vector<16xi32>
      %and3A_807 = arith.andi %add3A_804, %and3A_806 : vector<16xi32>
      %bitcast3A_808 = vector.bitcast %and3A_807 : vector<16xi32> to vector<16xf32>
      %gather3A_809 = tpu.vector_load_idx %arg12[%broadcast_in_dim3A_792, %add3A_467, %broadcast_in_dim3A_790] : memref<13x64x128xf32, #tpu.memory_space<vmem>>[vector<16xi32>, vector<16xi32>, vector<16xi32>], vector<16xf32>,
      %bitcast3A_810 = vector.bitcast %gather3A_809 : vector<16xf32> to vector<16xi32>
      %add3A_811 = arith.constant 32767 : i32
      %add3A_812 = vector.broadcast %add3A_811 : i32 to vector<16xi32>
      %add3A_813 = arith.addi %bitcast3A_810, %add3A_812 : vector<16xi32>
      %shift_right_logical3A_814 = arith.constant 16 : i32
      %shift_right_logical3A_815 = vector.broadcast %shift_right_logical3A_814 : i32 to vector<16xi32>
      %shift_right_logical3A_816 = arith.shrui %bitcast3A_810, %shift_right_logical3A_815 : vector<16xi32>
      %and3A_817 = arith.constant 1 : i32
      %and3A_818 = vector.broadcast %and3A_817 : i32 to vector<16xi32>
      %and3A_819 = arith.andi %shift_right_logical3A_816, %and3A_818 : vector<16xi32>
      %add3A_820 = arith.addi %add3A_813, %and3A_819 : vector<16xi32>
      %and3A_821 = arith.constant -65536 : i32
      %and3A_822 = vector.broadcast %and3A_821 : i32 to vector<16xi32>
      %and3A_823 = arith.andi %add3A_820, %and3A_822 : vector<16xi32>
      %bitcast3A_824 = vector.bitcast %and3A_823 : vector<16xi32> to vector<16xf32>
      %gather3A_825 = tpu.vector_load_idx %arg12[%broadcast_in_dim3A_792, %add3A_471, %broadcast_in_dim3A_790] : memref<13x64x128xf32, #tpu.memory_space<vmem>>[vector<16xi32>, vector<16xi32>, vector<16xi32>], vector<16xf32>,
      %bitcast3A_826 = vector.bitcast %gather3A_825 : vector<16xf32> to vector<16xi32>
      %add3A_827 = arith.constant 32767 : i32
      %add3A_828 = vector.broadcast %add3A_827 : i32 to vector<16xi32>
      %add3A_829 = arith.addi %bitcast3A_826, %add3A_828 : vector<16xi32>
      %shift_right_logical3A_830 = arith.constant 16 : i32
      %shift_right_logical3A_831 = vector.broadcast %shift_right_logical3A_830 : i32 to vector<16xi32>
      %shift_right_logical3A_832 = arith.shrui %bitcast3A_826, %shift_right_logical3A_831 : vector<16xi32>
      %and3A_833 = arith.constant 1 : i32
      %and3A_834 = vector.broadcast %and3A_833 : i32 to vector<16xi32>
      %and3A_835 = arith.andi %shift_right_logical3A_832, %and3A_834 : vector<16xi32>
      %add3A_836 = arith.addi %add3A_829, %and3A_835 : vector<16xi32>
      %and3A_837 = arith.constant -65536 : i32
      %and3A_838 = vector.broadcast %and3A_837 : i32 to vector<16xi32>
      %and3A_839 = arith.andi %add3A_836, %and3A_838 : vector<16xi32>
      %bitcast3A_840 = vector.bitcast %and3A_839 : vector<16xi32> to vector<16xf32>
      %gather3A_841 = tpu.vector_load_idx %arg12[%broadcast_in_dim3A_792, %add3A_475, %broadcast_in_dim3A_790] : memref<13x64x128xf32, #tpu.memory_space<vmem>>[vector<16xi32>, vector<16xi32>, vector<16xi32>], vector<16xf32>,
      %bitcast3A_842 = vector.bitcast %gather3A_841 : vector<16xf32> to vector<16xi32>
      %add3A_843 = arith.constant 32767 : i32
      %add3A_844 = vector.broadcast %add3A_843 : i32 to vector<16xi32>
      %add3A_845 = arith.addi %bitcast3A_842, %add3A_844 : vector<16xi32>
      %shift_right_logical3A_846 = arith.constant 16 : i32
      %shift_right_logical3A_847 = vector.broadcast %shift_right_logical3A_846 : i32 to vector<16xi32>
      %shift_right_logical3A_848 = arith.shrui %bitcast3A_842, %shift_right_logical3A_847 : vector<16xi32>
      %and3A_849 = arith.constant 1 : i32
      %and3A_850 = vector.broadcast %and3A_849 : i32 to vector<16xi32>
      %and3A_851 = arith.andi %shift_right_logical3A_848, %and3A_850 : vector<16xi32>
      %add3A_852 = arith.addi %add3A_845, %and3A_851 : vector<16xi32>
      %and3A_853 = arith.constant -65536 : i32
      %and3A_854 = vector.broadcast %and3A_853 : i32 to vector<16xi32>
      %and3A_855 = arith.andi %add3A_852, %and3A_854 : vector<16xi32>
      %bitcast3A_856 = vector.bitcast %and3A_855 : vector<16xi32> to vector<16xf32>
      %mul3A_857 = arith.mulf %bitcast3A_491, %bitcast3A_808 : vector<16xf32>
      %mul3A_858 = arith.mulf %bitcast3A_507, %bitcast3A_824 : vector<16xf32>
      %add3A_859 = arith.addf %mul3A_857, %mul3A_858 : vector<16xf32>
      %mul3A_860 = arith.mulf %bitcast3A_523, %bitcast3A_840 : vector<16xf32>
      %add3A_861 = arith.addf %add3A_859, %mul3A_860 : vector<16xf32>
      %mul3A_862 = arith.mulf %bitcast3A_539, %bitcast3A_856 : vector<16xf32>
      %add3A_863 = arith.addf %add3A_861, %mul3A_862 : vector<16xf32>
      %reduce_sum3A_864 = arith.constant true
      %reduce_sum3A_865 = vector.broadcast %reduce_sum3A_864 : i1 to vector<16xi1>
      %reduce_sum3A_866 = tpu.scan <sum>, %add3A_863 masked %reduce_sum3A_865 : vector<16xf32>, vector<16xi1> -> vector<16xf32>
      %reduce_sum3A_867 = vector.extract %reduce_sum3A_866[15] : f32 from vector<16xf32>
      %eq3A_868 = arith.constant 11 : i32
      %eq3A_869 = vector.broadcast %eq3A_868 : i32 to vector<16xi32>
      %eq3A_870 = arith.cmpi eq, %iota3A_476, %eq3A_869 : vector<16xi32>
      %broadcast_in_dim3A_871 = vector.broadcast %reduce_sum3A_867 : f32 to vector<16xf32>
      %select_n3A_872 = arith.select %eq3A_870, %broadcast_in_dim3A_871, %select_n3A_789 : vector<16xi1>, vector<16xf32>
      %broadcast_in_dim3A_873 = vector.broadcast %squeeze3A_66 : i32 to vector<16xi32>
      %broadcast_in_dim3A_874 = arith.constant 5 : i32
      %broadcast_in_dim3A_875 = vector.broadcast %broadcast_in_dim3A_874 : i32 to vector<16xi32>
      %gather3A_876 = tpu.vector_load_idx %arg12[%broadcast_in_dim3A_875, %add3A_463, %broadcast_in_dim3A_873] : memref<13x64x128xf32, #tpu.memory_space<vmem>>[vector<16xi32>, vector<16xi32>, vector<16xi32>], vector<16xf32>,
      %bitcast3A_877 = vector.bitcast %gather3A_876 : vector<16xf32> to vector<16xi32>
      %add3A_878 = arith.constant 32767 : i32
      %add3A_879 = vector.broadcast %add3A_878 : i32 to vector<16xi32>
      %add3A_880 = arith.addi %bitcast3A_877, %add3A_879 : vector<16xi32>
      %shift_right_logical3A_881 = arith.constant 16 : i32
      %shift_right_logical3A_882 = vector.broadcast %shift_right_logical3A_881 : i32 to vector<16xi32>
      %shift_right_logical3A_883 = arith.shrui %bitcast3A_877, %shift_right_logical3A_882 : vector<16xi32>
      %and3A_884 = arith.constant 1 : i32
      %and3A_885 = vector.broadcast %and3A_884 : i32 to vector<16xi32>
      %and3A_886 = arith.andi %shift_right_logical3A_883, %and3A_885 : vector<16xi32>
      %add3A_887 = arith.addi %add3A_880, %and3A_886 : vector<16xi32>
      %and3A_888 = arith.constant -65536 : i32
      %and3A_889 = vector.broadcast %and3A_888 : i32 to vector<16xi32>
      %and3A_890 = arith.andi %add3A_887, %and3A_889 : vector<16xi32>
      %bitcast3A_891 = vector.bitcast %and3A_890 : vector<16xi32> to vector<16xf32>
      %gather3A_892 = tpu.vector_load_idx %arg12[%broadcast_in_dim3A_875, %add3A_467, %broadcast_in_dim3A_873] : memref<13x64x128xf32, #tpu.memory_space<vmem>>[vector<16xi32>, vector<16xi32>, vector<16xi32>], vector<16xf32>,
      %bitcast3A_893 = vector.bitcast %gather3A_892 : vector<16xf32> to vector<16xi32>
      %add3A_894 = arith.constant 32767 : i32
      %add3A_895 = vector.broadcast %add3A_894 : i32 to vector<16xi32>
      %add3A_896 = arith.addi %bitcast3A_893, %add3A_895 : vector<16xi32>
      %shift_right_logical3A_897 = arith.constant 16 : i32
      %shift_right_logical3A_898 = vector.broadcast %shift_right_logical3A_897 : i32 to vector<16xi32>
      %shift_right_logical3A_899 = arith.shrui %bitcast3A_893, %shift_right_logical3A_898 : vector<16xi32>
      %and3A_900 = arith.constant 1 : i32
      %and3A_901 = vector.broadcast %and3A_900 : i32 to vector<16xi32>
      %and3A_902 = arith.andi %shift_right_logical3A_899, %and3A_901 : vector<16xi32>
      %add3A_903 = arith.addi %add3A_896, %and3A_902 : vector<16xi32>
      %and3A_904 = arith.constant -65536 : i32
      %and3A_905 = vector.broadcast %and3A_904 : i32 to vector<16xi32>
      %and3A_906 = arith.andi %add3A_903, %and3A_905 : vector<16xi32>
      %bitcast3A_907 = vector.bitcast %and3A_906 : vector<16xi32> to vector<16xf32>
      %gather3A_908 = tpu.vector_load_idx %arg12[%broadcast_in_dim3A_875, %add3A_471, %broadcast_in_dim3A_873] : memref<13x64x128xf32, #tpu.memory_space<vmem>>[vector<16xi32>, vector<16xi32>, vector<16xi32>], vector<16xf32>,
      %bitcast3A_909 = vector.bitcast %gather3A_908 : vector<16xf32> to vector<16xi32>
      %add3A_910 = arith.constant 32767 : i32
      %add3A_911 = vector.broadcast %add3A_910 : i32 to vector<16xi32>
      %add3A_912 = arith.addi %bitcast3A_909, %add3A_911 : vector<16xi32>
      %shift_right_logical3A_913 = arith.constant 16 : i32
      %shift_right_logical3A_914 = vector.broadcast %shift_right_logical3A_913 : i32 to vector<16xi32>
      %shift_right_logical3A_915 = arith.shrui %bitcast3A_909, %shift_right_logical3A_914 : vector<16xi32>
      %and3A_916 = arith.constant 1 : i32
      %and3A_917 = vector.broadcast %and3A_916 : i32 to vector<16xi32>
      %and3A_918 = arith.andi %shift_right_logical3A_915, %and3A_917 : vector<16xi32>
      %add3A_919 = arith.addi %add3A_912, %and3A_918 : vector<16xi32>
      %and3A_920 = arith.constant -65536 : i32
      %and3A_921 = vector.broadcast %and3A_920 : i32 to vector<16xi32>
      %and3A_922 = arith.andi %add3A_919, %and3A_921 : vector<16xi32>
      %bitcast3A_923 = vector.bitcast %and3A_922 : vector<16xi32> to vector<16xf32>
      %gather3A_924 = tpu.vector_load_idx %arg12[%broadcast_in_dim3A_875, %add3A_475, %broadcast_in_dim3A_873] : memref<13x64x128xf32, #tpu.memory_space<vmem>>[vector<16xi32>, vector<16xi32>, vector<16xi32>], vector<16xf32>,
      %bitcast3A_925 = vector.bitcast %gather3A_924 : vector<16xf32> to vector<16xi32>
      %add3A_926 = arith.constant 32767 : i32
      %add3A_927 = vector.broadcast %add3A_926 : i32 to vector<16xi32>
      %add3A_928 = arith.addi %bitcast3A_925, %add3A_927 : vector<16xi32>
      %shift_right_logical3A_929 = arith.constant 16 : i32
      %shift_right_logical3A_930 = vector.broadcast %shift_right_logical3A_929 : i32 to vector<16xi32>
      %shift_right_logical3A_931 = arith.shrui %bitcast3A_925, %shift_right_logical3A_930 : vector<16xi32>
      %and3A_932 = arith.constant 1 : i32
      %and3A_933 = vector.broadcast %and3A_932 : i32 to vector<16xi32>
      %and3A_934 = arith.andi %shift_right_logical3A_931, %and3A_933 : vector<16xi32>
      %add3A_935 = arith.addi %add3A_928, %and3A_934 : vector<16xi32>
      %and3A_936 = arith.constant -65536 : i32
      %and3A_937 = vector.broadcast %and3A_936 : i32 to vector<16xi32>
      %and3A_938 = arith.andi %add3A_935, %and3A_937 : vector<16xi32>
      %bitcast3A_939 = vector.bitcast %and3A_938 : vector<16xi32> to vector<16xf32>
      %mul3A_940 = arith.mulf %bitcast3A_491, %bitcast3A_891 : vector<16xf32>
      %mul3A_941 = arith.mulf %bitcast3A_507, %bitcast3A_907 : vector<16xf32>
      %add3A_942 = arith.addf %mul3A_940, %mul3A_941 : vector<16xf32>
      %mul3A_943 = arith.mulf %bitcast3A_523, %bitcast3A_923 : vector<16xf32>
      %add3A_944 = arith.addf %add3A_942, %mul3A_943 : vector<16xf32>
      %mul3A_945 = arith.mulf %bitcast3A_539, %bitcast3A_939 : vector<16xf32>
      %add3A_946 = arith.addf %add3A_944, %mul3A_945 : vector<16xf32>
      %reduce_sum3A_947 = arith.constant true
      %reduce_sum3A_948 = vector.broadcast %reduce_sum3A_947 : i1 to vector<16xi1>
      %reduce_sum3A_949 = tpu.scan <sum>, %add3A_946 masked %reduce_sum3A_948 : vector<16xf32>, vector<16xi1> -> vector<16xf32>
      %reduce_sum3A_950 = vector.extract %reduce_sum3A_949[15] : f32 from vector<16xf32>
      %eq3A_951 = arith.constant 12 : i32
      %eq3A_952 = vector.broadcast %eq3A_951 : i32 to vector<16xi32>
      %eq3A_953 = arith.cmpi eq, %iota3A_476, %eq3A_952 : vector<16xi32>
      %broadcast_in_dim3A_954 = vector.broadcast %reduce_sum3A_950 : f32 to vector<16xf32>
      %select_n3A_955 = arith.select %eq3A_953, %broadcast_in_dim3A_954, %select_n3A_872 : vector<16xi1>, vector<16xf32>
      %broadcast_in_dim3A_956 = vector.broadcast %squeeze3A_70 : i32 to vector<16xi32>
      %broadcast_in_dim3A_957 = arith.constant 6 : i32
      %broadcast_in_dim3A_958 = vector.broadcast %broadcast_in_dim3A_957 : i32 to vector<16xi32>
      %gather3A_959 = tpu.vector_load_idx %arg12[%broadcast_in_dim3A_958, %add3A_463, %broadcast_in_dim3A_956] : memref<13x64x128xf32, #tpu.memory_space<vmem>>[vector<16xi32>, vector<16xi32>, vector<16xi32>], vector<16xf32>,
      %bitcast3A_960 = vector.bitcast %gather3A_959 : vector<16xf32> to vector<16xi32>
      %add3A_961 = arith.constant 32767 : i32
      %add3A_962 = vector.broadcast %add3A_961 : i32 to vector<16xi32>
      %add3A_963 = arith.addi %bitcast3A_960, %add3A_962 : vector<16xi32>
      %shift_right_logical3A_964 = arith.constant 16 : i32
      %shift_right_logical3A_965 = vector.broadcast %shift_right_logical3A_964 : i32 to vector<16xi32>
      %shift_right_logical3A_966 = arith.shrui %bitcast3A_960, %shift_right_logical3A_965 : vector<16xi32>
      %and3A_967 = arith.constant 1 : i32
      %and3A_968 = vector.broadcast %and3A_967 : i32 to vector<16xi32>
      %and3A_969 = arith.andi %shift_right_logical3A_966, %and3A_968 : vector<16xi32>
      %add3A_970 = arith.addi %add3A_963, %and3A_969 : vector<16xi32>
      %and3A_971 = arith.constant -65536 : i32
      %and3A_972 = vector.broadcast %and3A_971 : i32 to vector<16xi32>
      %and3A_973 = arith.andi %add3A_970, %and3A_972 : vector<16xi32>
      %bitcast3A_974 = vector.bitcast %and3A_973 : vector<16xi32> to vector<16xf32>
      %gather3A_975 = tpu.vector_load_idx %arg12[%broadcast_in_dim3A_958, %add3A_467, %broadcast_in_dim3A_956] : memref<13x64x128xf32, #tpu.memory_space<vmem>>[vector<16xi32>, vector<16xi32>, vector<16xi32>], vector<16xf32>,
      %bitcast3A_976 = vector.bitcast %gather3A_975 : vector<16xf32> to vector<16xi32>
      %add3A_977 = arith.constant 32767 : i32
      %add3A_978 = vector.broadcast %add3A_977 : i32 to vector<16xi32>
      %add3A_979 = arith.addi %bitcast3A_976, %add3A_978 : vector<16xi32>
      %shift_right_logical3A_980 = arith.constant 16 : i32
      %shift_right_logical3A_981 = vector.broadcast %shift_right_logical3A_980 : i32 to vector<16xi32>
      %shift_right_logical3A_982 = arith.shrui %bitcast3A_976, %shift_right_logical3A_981 : vector<16xi32>
      %and3A_983 = arith.constant 1 : i32
      %and3A_984 = vector.broadcast %and3A_983 : i32 to vector<16xi32>
      %and3A_985 = arith.andi %shift_right_logical3A_982, %and3A_984 : vector<16xi32>
      %add3A_986 = arith.addi %add3A_979, %and3A_985 : vector<16xi32>
      %and3A_987 = arith.constant -65536 : i32
      %and3A_988 = vector.broadcast %and3A_987 : i32 to vector<16xi32>
      %and3A_989 = arith.andi %add3A_986, %and3A_988 : vector<16xi32>
      %bitcast3A_990 = vector.bitcast %and3A_989 : vector<16xi32> to vector<16xf32>
      %gather3A_991 = tpu.vector_load_idx %arg12[%broadcast_in_dim3A_958, %add3A_471, %broadcast_in_dim3A_956] : memref<13x64x128xf32, #tpu.memory_space<vmem>>[vector<16xi32>, vector<16xi32>, vector<16xi32>], vector<16xf32>,
      %bitcast3A_992 = vector.bitcast %gather3A_991 : vector<16xf32> to vector<16xi32>
      %add3A_993 = arith.constant 32767 : i32
      %add3A_994 = vector.broadcast %add3A_993 : i32 to vector<16xi32>
      %add3A_995 = arith.addi %bitcast3A_992, %add3A_994 : vector<16xi32>
      %shift_right_logical3A_996 = arith.constant 16 : i32
      %shift_right_logical3A_997 = vector.broadcast %shift_right_logical3A_996 : i32 to vector<16xi32>
      %shift_right_logical3A_998 = arith.shrui %bitcast3A_992, %shift_right_logical3A_997 : vector<16xi32>
      %and3A_999 = arith.constant 1 : i32
      %and3A_1000 = vector.broadcast %and3A_999 : i32 to vector<16xi32>
      %and3A_1001 = arith.andi %shift_right_logical3A_998, %and3A_1000 : vector<16xi32>
      %add3A_1002 = arith.addi %add3A_995, %and3A_1001 : vector<16xi32>
      %and3A_1003 = arith.constant -65536 : i32
      %and3A_1004 = vector.broadcast %and3A_1003 : i32 to vector<16xi32>
      %and3A_1005 = arith.andi %add3A_1002, %and3A_1004 : vector<16xi32>
      %bitcast3A_1006 = vector.bitcast %and3A_1005 : vector<16xi32> to vector<16xf32>
      %gather3A_1007 = tpu.vector_load_idx %arg12[%broadcast_in_dim3A_958, %add3A_475, %broadcast_in_dim3A_956] : memref<13x64x128xf32, #tpu.memory_space<vmem>>[vector<16xi32>, vector<16xi32>, vector<16xi32>], vector<16xf32>,
      %bitcast3A_1008 = vector.bitcast %gather3A_1007 : vector<16xf32> to vector<16xi32>
      %add3A_1009 = arith.constant 32767 : i32
      %add3A_1010 = vector.broadcast %add3A_1009 : i32 to vector<16xi32>
      %add3A_1011 = arith.addi %bitcast3A_1008, %add3A_1010 : vector<16xi32>
      %shift_right_logical3A_1012 = arith.constant 16 : i32
      %shift_right_logical3A_1013 = vector.broadcast %shift_right_logical3A_1012 : i32 to vector<16xi32>
      %shift_right_logical3A_1014 = arith.shrui %bitcast3A_1008, %shift_right_logical3A_1013 : vector<16xi32>
      %and3A_1015 = arith.constant 1 : i32
      %and3A_1016 = vector.broadcast %and3A_1015 : i32 to vector<16xi32>
      %and3A_1017 = arith.andi %shift_right_logical3A_1014, %and3A_1016 : vector<16xi32>
      %add3A_1018 = arith.addi %add3A_1011, %and3A_1017 : vector<16xi32>
      %and3A_1019 = arith.constant -65536 : i32
      %and3A_1020 = vector.broadcast %and3A_1019 : i32 to vector<16xi32>
      %and3A_1021 = arith.andi %add3A_1018, %and3A_1020 : vector<16xi32>
      %bitcast3A_1022 = vector.bitcast %and3A_1021 : vector<16xi32> to vector<16xf32>
      %mul3A_1023 = arith.mulf %bitcast3A_491, %bitcast3A_974 : vector<16xf32>
      %mul3A_1024 = arith.mulf %bitcast3A_507, %bitcast3A_990 : vector<16xf32>
      %add3A_1025 = arith.addf %mul3A_1023, %mul3A_1024 : vector<16xf32>
      %mul3A_1026 = arith.mulf %bitcast3A_523, %bitcast3A_1006 : vector<16xf32>
      %add3A_1027 = arith.addf %add3A_1025, %mul3A_1026 : vector<16xf32>
      %mul3A_1028 = arith.mulf %bitcast3A_539, %bitcast3A_1022 : vector<16xf32>
      %add3A_1029 = arith.addf %add3A_1027, %mul3A_1028 : vector<16xf32>
      %reduce_sum3A_1030 = arith.constant true
      %reduce_sum3A_1031 = vector.broadcast %reduce_sum3A_1030 : i1 to vector<16xi1>
      %reduce_sum3A_1032 = tpu.scan <sum>, %add3A_1029 masked %reduce_sum3A_1031 : vector<16xf32>, vector<16xi1> -> vector<16xf32>
      %reduce_sum3A_1033 = vector.extract %reduce_sum3A_1032[15] : f32 from vector<16xf32>
      %eq3A_1034 = arith.constant 13 : i32
      %eq3A_1035 = vector.broadcast %eq3A_1034 : i32 to vector<16xi32>
      %eq3A_1036 = arith.cmpi eq, %iota3A_476, %eq3A_1035 : vector<16xi32>
      %broadcast_in_dim3A_1037 = vector.broadcast %reduce_sum3A_1033 : f32 to vector<16xf32>
      %select_n3A_1038 = arith.select %eq3A_1036, %broadcast_in_dim3A_1037, %select_n3A_955 : vector<16xi1>, vector<16xf32>
      %broadcast_in_dim3A_1039 = vector.broadcast %squeeze3A_74 : i32 to vector<16xi32>
      %broadcast_in_dim3A_1040 = arith.constant 7 : i32
      %broadcast_in_dim3A_1041 = vector.broadcast %broadcast_in_dim3A_1040 : i32 to vector<16xi32>
      %gather3A_1042 = tpu.vector_load_idx %arg12[%broadcast_in_dim3A_1041, %add3A_463, %broadcast_in_dim3A_1039] : memref<13x64x128xf32, #tpu.memory_space<vmem>>[vector<16xi32>, vector<16xi32>, vector<16xi32>], vector<16xf32>,
      %bitcast3A_1043 = vector.bitcast %gather3A_1042 : vector<16xf32> to vector<16xi32>
      %add3A_1044 = arith.constant 32767 : i32
      %add3A_1045 = vector.broadcast %add3A_1044 : i32 to vector<16xi32>
      %add3A_1046 = arith.addi %bitcast3A_1043, %add3A_1045 : vector<16xi32>
      %shift_right_logical3A_1047 = arith.constant 16 : i32
      %shift_right_logical3A_1048 = vector.broadcast %shift_right_logical3A_1047 : i32 to vector<16xi32>
      %shift_right_logical3A_1049 = arith.shrui %bitcast3A_1043, %shift_right_logical3A_1048 : vector<16xi32>
      %and3A_1050 = arith.constant 1 : i32
      %and3A_1051 = vector.broadcast %and3A_1050 : i32 to vector<16xi32>
      %and3A_1052 = arith.andi %shift_right_logical3A_1049, %and3A_1051 : vector<16xi32>
      %add3A_1053 = arith.addi %add3A_1046, %and3A_1052 : vector<16xi32>
      %and3A_1054 = arith.constant -65536 : i32
      %and3A_1055 = vector.broadcast %and3A_1054 : i32 to vector<16xi32>
      %and3A_1056 = arith.andi %add3A_1053, %and3A_1055 : vector<16xi32>
      %bitcast3A_1057 = vector.bitcast %and3A_1056 : vector<16xi32> to vector<16xf32>
      %gather3A_1058 = tpu.vector_load_idx %arg12[%broadcast_in_dim3A_1041, %add3A_467, %broadcast_in_dim3A_1039] : memref<13x64x128xf32, #tpu.memory_space<vmem>>[vector<16xi32>, vector<16xi32>, vector<16xi32>], vector<16xf32>,
      %bitcast3A_1059 = vector.bitcast %gather3A_1058 : vector<16xf32> to vector<16xi32>
      %add3A_1060 = arith.constant 32767 : i32
      %add3A_1061 = vector.broadcast %add3A_1060 : i32 to vector<16xi32>
      %add3A_1062 = arith.addi %bitcast3A_1059, %add3A_1061 : vector<16xi32>
      %shift_right_logical3A_1063 = arith.constant 16 : i32
      %shift_right_logical3A_1064 = vector.broadcast %shift_right_logical3A_1063 : i32 to vector<16xi32>
      %shift_right_logical3A_1065 = arith.shrui %bitcast3A_1059, %shift_right_logical3A_1064 : vector<16xi32>
      %and3A_1066 = arith.constant 1 : i32
      %and3A_1067 = vector.broadcast %and3A_1066 : i32 to vector<16xi32>
      %and3A_1068 = arith.andi %shift_right_logical3A_1065, %and3A_1067 : vector<16xi32>
      %add3A_1069 = arith.addi %add3A_1062, %and3A_1068 : vector<16xi32>
      %and3A_1070 = arith.constant -65536 : i32
      %and3A_1071 = vector.broadcast %and3A_1070 : i32 to vector<16xi32>
      %and3A_1072 = arith.andi %add3A_1069, %and3A_1071 : vector<16xi32>
      %bitcast3A_1073 = vector.bitcast %and3A_1072 : vector<16xi32> to vector<16xf32>
      %gather3A_1074 = tpu.vector_load_idx %arg12[%broadcast_in_dim3A_1041, %add3A_471, %broadcast_in_dim3A_1039] : memref<13x64x128xf32, #tpu.memory_space<vmem>>[vector<16xi32>, vector<16xi32>, vector<16xi32>], vector<16xf32>,
      %bitcast3A_1075 = vector.bitcast %gather3A_1074 : vector<16xf32> to vector<16xi32>
      %add3A_1076 = arith.constant 32767 : i32
      %add3A_1077 = vector.broadcast %add3A_1076 : i32 to vector<16xi32>
      %add3A_1078 = arith.addi %bitcast3A_1075, %add3A_1077 : vector<16xi32>
      %shift_right_logical3A_1079 = arith.constant 16 : i32
      %shift_right_logical3A_1080 = vector.broadcast %shift_right_logical3A_1079 : i32 to vector<16xi32>
      %shift_right_logical3A_1081 = arith.shrui %bitcast3A_1075, %shift_right_logical3A_1080 : vector<16xi32>
      %and3A_1082 = arith.constant 1 : i32
      %and3A_1083 = vector.broadcast %and3A_1082 : i32 to vector<16xi32>
      %and3A_1084 = arith.andi %shift_right_logical3A_1081, %and3A_1083 : vector<16xi32>
      %add3A_1085 = arith.addi %add3A_1078, %and3A_1084 : vector<16xi32>
      %and3A_1086 = arith.constant -65536 : i32
      %and3A_1087 = vector.broadcast %and3A_1086 : i32 to vector<16xi32>
      %and3A_1088 = arith.andi %add3A_1085, %and3A_1087 : vector<16xi32>
      %bitcast3A_1089 = vector.bitcast %and3A_1088 : vector<16xi32> to vector<16xf32>
      %gather3A_1090 = tpu.vector_load_idx %arg12[%broadcast_in_dim3A_1041, %add3A_475, %broadcast_in_dim3A_1039] : memref<13x64x128xf32, #tpu.memory_space<vmem>>[vector<16xi32>, vector<16xi32>, vector<16xi32>], vector<16xf32>,
      %bitcast3A_1091 = vector.bitcast %gather3A_1090 : vector<16xf32> to vector<16xi32>
      %add3A_1092 = arith.constant 32767 : i32
      %add3A_1093 = vector.broadcast %add3A_1092 : i32 to vector<16xi32>
      %add3A_1094 = arith.addi %bitcast3A_1091, %add3A_1093 : vector<16xi32>
      %shift_right_logical3A_1095 = arith.constant 16 : i32
      %shift_right_logical3A_1096 = vector.broadcast %shift_right_logical3A_1095 : i32 to vector<16xi32>
      %shift_right_logical3A_1097 = arith.shrui %bitcast3A_1091, %shift_right_logical3A_1096 : vector<16xi32>
      %and3A_1098 = arith.constant 1 : i32
      %and3A_1099 = vector.broadcast %and3A_1098 : i32 to vector<16xi32>
      %and3A_1100 = arith.andi %shift_right_logical3A_1097, %and3A_1099 : vector<16xi32>
      %add3A_1101 = arith.addi %add3A_1094, %and3A_1100 : vector<16xi32>
      %and3A_1102 = arith.constant -65536 : i32
      %and3A_1103 = vector.broadcast %and3A_1102 : i32 to vector<16xi32>
      %and3A_1104 = arith.andi %add3A_1101, %and3A_1103 : vector<16xi32>
      %bitcast3A_1105 = vector.bitcast %and3A_1104 : vector<16xi32> to vector<16xf32>
      %mul3A_1106 = arith.mulf %bitcast3A_491, %bitcast3A_1057 : vector<16xf32>
      %mul3A_1107 = arith.mulf %bitcast3A_507, %bitcast3A_1073 : vector<16xf32>
      %add3A_1108 = arith.addf %mul3A_1106, %mul3A_1107 : vector<16xf32>
      %mul3A_1109 = arith.mulf %bitcast3A_523, %bitcast3A_1089 : vector<16xf32>
      %add3A_1110 = arith.addf %add3A_1108, %mul3A_1109 : vector<16xf32>
      %mul3A_1111 = arith.mulf %bitcast3A_539, %bitcast3A_1105 : vector<16xf32>
      %add3A_1112 = arith.addf %add3A_1110, %mul3A_1111 : vector<16xf32>
      %reduce_sum3A_1113 = arith.constant true
      %reduce_sum3A_1114 = vector.broadcast %reduce_sum3A_1113 : i1 to vector<16xi1>
      %reduce_sum3A_1115 = tpu.scan <sum>, %add3A_1112 masked %reduce_sum3A_1114 : vector<16xf32>, vector<16xi1> -> vector<16xf32>
      %reduce_sum3A_1116 = vector.extract %reduce_sum3A_1115[15] : f32 from vector<16xf32>
      %eq3A_1117 = arith.constant 14 : i32
      %eq3A_1118 = vector.broadcast %eq3A_1117 : i32 to vector<16xi32>
      %eq3A_1119 = arith.cmpi eq, %iota3A_476, %eq3A_1118 : vector<16xi32>
      %broadcast_in_dim3A_1120 = vector.broadcast %reduce_sum3A_1116 : f32 to vector<16xf32>
      %select_n3A_1121 = arith.select %eq3A_1119, %broadcast_in_dim3A_1120, %select_n3A_1038 : vector<16xi1>, vector<16xf32>
      %broadcast_in_dim3A_1122 = vector.broadcast %squeeze3A_78 : i32 to vector<16xi32>
      %broadcast_in_dim3A_1123 = arith.constant 8 : i32
      %broadcast_in_dim3A_1124 = vector.broadcast %broadcast_in_dim3A_1123 : i32 to vector<16xi32>
      %gather3A_1125 = tpu.vector_load_idx %arg12[%broadcast_in_dim3A_1124, %add3A_463, %broadcast_in_dim3A_1122] : memref<13x64x128xf32, #tpu.memory_space<vmem>>[vector<16xi32>, vector<16xi32>, vector<16xi32>], vector<16xf32>,
      %bitcast3A_1126 = vector.bitcast %gather3A_1125 : vector<16xf32> to vector<16xi32>
      %add3A_1127 = arith.constant 32767 : i32
      %add3A_1128 = vector.broadcast %add3A_1127 : i32 to vector<16xi32>
      %add3A_1129 = arith.addi %bitcast3A_1126, %add3A_1128 : vector<16xi32>
      %shift_right_logical3A_1130 = arith.constant 16 : i32
      %shift_right_logical3A_1131 = vector.broadcast %shift_right_logical3A_1130 : i32 to vector<16xi32>
      %shift_right_logical3A_1132 = arith.shrui %bitcast3A_1126, %shift_right_logical3A_1131 : vector<16xi32>
      %and3A_1133 = arith.constant 1 : i32
      %and3A_1134 = vector.broadcast %and3A_1133 : i32 to vector<16xi32>
      %and3A_1135 = arith.andi %shift_right_logical3A_1132, %and3A_1134 : vector<16xi32>
      %add3A_1136 = arith.addi %add3A_1129, %and3A_1135 : vector<16xi32>
      %and3A_1137 = arith.constant -65536 : i32
      %and3A_1138 = vector.broadcast %and3A_1137 : i32 to vector<16xi32>
      %and3A_1139 = arith.andi %add3A_1136, %and3A_1138 : vector<16xi32>
      %bitcast3A_1140 = vector.bitcast %and3A_1139 : vector<16xi32> to vector<16xf32>
      %gather3A_1141 = tpu.vector_load_idx %arg12[%broadcast_in_dim3A_1124, %add3A_467, %broadcast_in_dim3A_1122] : memref<13x64x128xf32, #tpu.memory_space<vmem>>[vector<16xi32>, vector<16xi32>, vector<16xi32>], vector<16xf32>,
      %bitcast3A_1142 = vector.bitcast %gather3A_1141 : vector<16xf32> to vector<16xi32>
      %add3A_1143 = arith.constant 32767 : i32
      %add3A_1144 = vector.broadcast %add3A_1143 : i32 to vector<16xi32>
      %add3A_1145 = arith.addi %bitcast3A_1142, %add3A_1144 : vector<16xi32>
      %shift_right_logical3A_1146 = arith.constant 16 : i32
      %shift_right_logical3A_1147 = vector.broadcast %shift_right_logical3A_1146 : i32 to vector<16xi32>
      %shift_right_logical3A_1148 = arith.shrui %bitcast3A_1142, %shift_right_logical3A_1147 : vector<16xi32>
      %and3A_1149 = arith.constant 1 : i32
      %and3A_1150 = vector.broadcast %and3A_1149 : i32 to vector<16xi32>
      %and3A_1151 = arith.andi %shift_right_logical3A_1148, %and3A_1150 : vector<16xi32>
      %add3A_1152 = arith.addi %add3A_1145, %and3A_1151 : vector<16xi32>
      %and3A_1153 = arith.constant -65536 : i32
      %and3A_1154 = vector.broadcast %and3A_1153 : i32 to vector<16xi32>
      %and3A_1155 = arith.andi %add3A_1152, %and3A_1154 : vector<16xi32>
      %bitcast3A_1156 = vector.bitcast %and3A_1155 : vector<16xi32> to vector<16xf32>
      %gather3A_1157 = tpu.vector_load_idx %arg12[%broadcast_in_dim3A_1124, %add3A_471, %broadcast_in_dim3A_1122] : memref<13x64x128xf32, #tpu.memory_space<vmem>>[vector<16xi32>, vector<16xi32>, vector<16xi32>], vector<16xf32>,
      %bitcast3A_1158 = vector.bitcast %gather3A_1157 : vector<16xf32> to vector<16xi32>
      %add3A_1159 = arith.constant 32767 : i32
      %add3A_1160 = vector.broadcast %add3A_1159 : i32 to vector<16xi32>
      %add3A_1161 = arith.addi %bitcast3A_1158, %add3A_1160 : vector<16xi32>
      %shift_right_logical3A_1162 = arith.constant 16 : i32
      %shift_right_logical3A_1163 = vector.broadcast %shift_right_logical3A_1162 : i32 to vector<16xi32>
      %shift_right_logical3A_1164 = arith.shrui %bitcast3A_1158, %shift_right_logical3A_1163 : vector<16xi32>
      %and3A_1165 = arith.constant 1 : i32
      %and3A_1166 = vector.broadcast %and3A_1165 : i32 to vector<16xi32>
      %and3A_1167 = arith.andi %shift_right_logical3A_1164, %and3A_1166 : vector<16xi32>
      %add3A_1168 = arith.addi %add3A_1161, %and3A_1167 : vector<16xi32>
      %and3A_1169 = arith.constant -65536 : i32
      %and3A_1170 = vector.broadcast %and3A_1169 : i32 to vector<16xi32>
      %and3A_1171 = arith.andi %add3A_1168, %and3A_1170 : vector<16xi32>
      %bitcast3A_1172 = vector.bitcast %and3A_1171 : vector<16xi32> to vector<16xf32>
      %gather3A_1173 = tpu.vector_load_idx %arg12[%broadcast_in_dim3A_1124, %add3A_475, %broadcast_in_dim3A_1122] : memref<13x64x128xf32, #tpu.memory_space<vmem>>[vector<16xi32>, vector<16xi32>, vector<16xi32>], vector<16xf32>,
      %bitcast3A_1174 = vector.bitcast %gather3A_1173 : vector<16xf32> to vector<16xi32>
      %add3A_1175 = arith.constant 32767 : i32
      %add3A_1176 = vector.broadcast %add3A_1175 : i32 to vector<16xi32>
      %add3A_1177 = arith.addi %bitcast3A_1174, %add3A_1176 : vector<16xi32>
      %shift_right_logical3A_1178 = arith.constant 16 : i32
      %shift_right_logical3A_1179 = vector.broadcast %shift_right_logical3A_1178 : i32 to vector<16xi32>
      %shift_right_logical3A_1180 = arith.shrui %bitcast3A_1174, %shift_right_logical3A_1179 : vector<16xi32>
      %and3A_1181 = arith.constant 1 : i32
      %and3A_1182 = vector.broadcast %and3A_1181 : i32 to vector<16xi32>
      %and3A_1183 = arith.andi %shift_right_logical3A_1180, %and3A_1182 : vector<16xi32>
      %add3A_1184 = arith.addi %add3A_1177, %and3A_1183 : vector<16xi32>
      %and3A_1185 = arith.constant -65536 : i32
      %and3A_1186 = vector.broadcast %and3A_1185 : i32 to vector<16xi32>
      %and3A_1187 = arith.andi %add3A_1184, %and3A_1186 : vector<16xi32>
      %bitcast3A_1188 = vector.bitcast %and3A_1187 : vector<16xi32> to vector<16xf32>
      %mul3A_1189 = arith.mulf %bitcast3A_491, %bitcast3A_1140 : vector<16xf32>
      %mul3A_1190 = arith.mulf %bitcast3A_507, %bitcast3A_1156 : vector<16xf32>
      %add3A_1191 = arith.addf %mul3A_1189, %mul3A_1190 : vector<16xf32>
      %mul3A_1192 = arith.mulf %bitcast3A_523, %bitcast3A_1172 : vector<16xf32>
      %add3A_1193 = arith.addf %add3A_1191, %mul3A_1192 : vector<16xf32>
      %mul3A_1194 = arith.mulf %bitcast3A_539, %bitcast3A_1188 : vector<16xf32>
      %add3A_1195 = arith.addf %add3A_1193, %mul3A_1194 : vector<16xf32>
      %reduce_sum3A_1196 = arith.constant true
      %reduce_sum3A_1197 = vector.broadcast %reduce_sum3A_1196 : i1 to vector<16xi1>
      %reduce_sum3A_1198 = tpu.scan <sum>, %add3A_1195 masked %reduce_sum3A_1197 : vector<16xf32>, vector<16xi1> -> vector<16xf32>
      %reduce_sum3A_1199 = vector.extract %reduce_sum3A_1198[15] : f32 from vector<16xf32>
      %eq3A_1200 = arith.constant 15 : i32
      %eq3A_1201 = vector.broadcast %eq3A_1200 : i32 to vector<16xi32>
      %eq3A_1202 = arith.cmpi eq, %iota3A_476, %eq3A_1201 : vector<16xi32>
      %broadcast_in_dim3A_1203 = vector.broadcast %reduce_sum3A_1199 : f32 to vector<16xf32>
      %select_n3A_1204 = arith.select %eq3A_1202, %broadcast_in_dim3A_1203, %select_n3A_1121 : vector<16xi1>, vector<16xf32>
      %broadcast_in_dim3A_1205 = vector.broadcast %squeeze3A_93 : i32 to vector<16xi32>
      %broadcast_in_dim3A_1206 = arith.constant 9 : i32
      %broadcast_in_dim3A_1207 = vector.broadcast %broadcast_in_dim3A_1206 : i32 to vector<16xi32>
      %gather3A_1208 = tpu.vector_load_idx %arg12[%broadcast_in_dim3A_1207, %add3A_463, %broadcast_in_dim3A_1205] : memref<13x64x128xf32, #tpu.memory_space<vmem>>[vector<16xi32>, vector<16xi32>, vector<16xi32>], vector<16xf32>,
      %bitcast3A_1209 = vector.bitcast %gather3A_1208 : vector<16xf32> to vector<16xi32>
      %add3A_1210 = arith.constant 32767 : i32
      %add3A_1211 = vector.broadcast %add3A_1210 : i32 to vector<16xi32>
      %add3A_1212 = arith.addi %bitcast3A_1209, %add3A_1211 : vector<16xi32>
      %shift_right_logical3A_1213 = arith.constant 16 : i32
      %shift_right_logical3A_1214 = vector.broadcast %shift_right_logical3A_1213 : i32 to vector<16xi32>
      %shift_right_logical3A_1215 = arith.shrui %bitcast3A_1209, %shift_right_logical3A_1214 : vector<16xi32>
      %and3A_1216 = arith.constant 1 : i32
      %and3A_1217 = vector.broadcast %and3A_1216 : i32 to vector<16xi32>
      %and3A_1218 = arith.andi %shift_right_logical3A_1215, %and3A_1217 : vector<16xi32>
      %add3A_1219 = arith.addi %add3A_1212, %and3A_1218 : vector<16xi32>
      %and3A_1220 = arith.constant -65536 : i32
      %and3A_1221 = vector.broadcast %and3A_1220 : i32 to vector<16xi32>
      %and3A_1222 = arith.andi %add3A_1219, %and3A_1221 : vector<16xi32>
      %bitcast3A_1223 = vector.bitcast %and3A_1222 : vector<16xi32> to vector<16xf32>
      %gather3A_1224 = tpu.vector_load_idx %arg12[%broadcast_in_dim3A_1207, %add3A_467, %broadcast_in_dim3A_1205] : memref<13x64x128xf32, #tpu.memory_space<vmem>>[vector<16xi32>, vector<16xi32>, vector<16xi32>], vector<16xf32>,
      %bitcast3A_1225 = vector.bitcast %gather3A_1224 : vector<16xf32> to vector<16xi32>
      %add3A_1226 = arith.constant 32767 : i32
      %add3A_1227 = vector.broadcast %add3A_1226 : i32 to vector<16xi32>
      %add3A_1228 = arith.addi %bitcast3A_1225, %add3A_1227 : vector<16xi32>
      %shift_right_logical3A_1229 = arith.constant 16 : i32
      %shift_right_logical3A_1230 = vector.broadcast %shift_right_logical3A_1229 : i32 to vector<16xi32>
      %shift_right_logical3A_1231 = arith.shrui %bitcast3A_1225, %shift_right_logical3A_1230 : vector<16xi32>
      %and3A_1232 = arith.constant 1 : i32
      %and3A_1233 = vector.broadcast %and3A_1232 : i32 to vector<16xi32>
      %and3A_1234 = arith.andi %shift_right_logical3A_1231, %and3A_1233 : vector<16xi32>
      %add3A_1235 = arith.addi %add3A_1228, %and3A_1234 : vector<16xi32>
      %and3A_1236 = arith.constant -65536 : i32
      %and3A_1237 = vector.broadcast %and3A_1236 : i32 to vector<16xi32>
      %and3A_1238 = arith.andi %add3A_1235, %and3A_1237 : vector<16xi32>
      %bitcast3A_1239 = vector.bitcast %and3A_1238 : vector<16xi32> to vector<16xf32>
      %gather3A_1240 = tpu.vector_load_idx %arg12[%broadcast_in_dim3A_1207, %add3A_471, %broadcast_in_dim3A_1205] : memref<13x64x128xf32, #tpu.memory_space<vmem>>[vector<16xi32>, vector<16xi32>, vector<16xi32>], vector<16xf32>,
      %bitcast3A_1241 = vector.bitcast %gather3A_1240 : vector<16xf32> to vector<16xi32>
      %add3A_1242 = arith.constant 32767 : i32
      %add3A_1243 = vector.broadcast %add3A_1242 : i32 to vector<16xi32>
      %add3A_1244 = arith.addi %bitcast3A_1241, %add3A_1243 : vector<16xi32>
      %shift_right_logical3A_1245 = arith.constant 16 : i32
      %shift_right_logical3A_1246 = vector.broadcast %shift_right_logical3A_1245 : i32 to vector<16xi32>
      %shift_right_logical3A_1247 = arith.shrui %bitcast3A_1241, %shift_right_logical3A_1246 : vector<16xi32>
      %and3A_1248 = arith.constant 1 : i32
      %and3A_1249 = vector.broadcast %and3A_1248 : i32 to vector<16xi32>
      %and3A_1250 = arith.andi %shift_right_logical3A_1247, %and3A_1249 : vector<16xi32>
      %add3A_1251 = arith.addi %add3A_1244, %and3A_1250 : vector<16xi32>
      %and3A_1252 = arith.constant -65536 : i32
      %and3A_1253 = vector.broadcast %and3A_1252 : i32 to vector<16xi32>
      %and3A_1254 = arith.andi %add3A_1251, %and3A_1253 : vector<16xi32>
      %bitcast3A_1255 = vector.bitcast %and3A_1254 : vector<16xi32> to vector<16xf32>
      %gather3A_1256 = tpu.vector_load_idx %arg12[%broadcast_in_dim3A_1207, %add3A_475, %broadcast_in_dim3A_1205] : memref<13x64x128xf32, #tpu.memory_space<vmem>>[vector<16xi32>, vector<16xi32>, vector<16xi32>], vector<16xf32>,
      %bitcast3A_1257 = vector.bitcast %gather3A_1256 : vector<16xf32> to vector<16xi32>
      %add3A_1258 = arith.constant 32767 : i32
      %add3A_1259 = vector.broadcast %add3A_1258 : i32 to vector<16xi32>
      %add3A_1260 = arith.addi %bitcast3A_1257, %add3A_1259 : vector<16xi32>
      %shift_right_logical3A_1261 = arith.constant 16 : i32
      %shift_right_logical3A_1262 = vector.broadcast %shift_right_logical3A_1261 : i32 to vector<16xi32>
      %shift_right_logical3A_1263 = arith.shrui %bitcast3A_1257, %shift_right_logical3A_1262 : vector<16xi32>
      %and3A_1264 = arith.constant 1 : i32
      %and3A_1265 = vector.broadcast %and3A_1264 : i32 to vector<16xi32>
      %and3A_1266 = arith.andi %shift_right_logical3A_1263, %and3A_1265 : vector<16xi32>
      %add3A_1267 = arith.addi %add3A_1260, %and3A_1266 : vector<16xi32>
      %and3A_1268 = arith.constant -65536 : i32
      %and3A_1269 = vector.broadcast %and3A_1268 : i32 to vector<16xi32>
      %and3A_1270 = arith.andi %add3A_1267, %and3A_1269 : vector<16xi32>
      %bitcast3A_1271 = vector.bitcast %and3A_1270 : vector<16xi32> to vector<16xf32>
      %mul3A_1272 = arith.mulf %bitcast3A_491, %bitcast3A_1223 : vector<16xf32>
      %mul3A_1273 = arith.mulf %bitcast3A_507, %bitcast3A_1239 : vector<16xf32>
      %add3A_1274 = arith.addf %mul3A_1272, %mul3A_1273 : vector<16xf32>
      %mul3A_1275 = arith.mulf %bitcast3A_523, %bitcast3A_1255 : vector<16xf32>
      %add3A_1276 = arith.addf %add3A_1274, %mul3A_1275 : vector<16xf32>
      %mul3A_1277 = arith.mulf %bitcast3A_539, %bitcast3A_1271 : vector<16xf32>
      %add3A_1278 = arith.addf %add3A_1276, %mul3A_1277 : vector<16xf32>
      %reduce_sum3A_1279 = arith.constant true
      %reduce_sum3A_1280 = vector.broadcast %reduce_sum3A_1279 : i1 to vector<16xi1>
      %reduce_sum3A_1281 = tpu.scan <sum>, %add3A_1278 masked %reduce_sum3A_1280 : vector<16xf32>, vector<16xi1> -> vector<16xf32>
      %reduce_sum3A_1282 = vector.extract %reduce_sum3A_1281[15] : f32 from vector<16xf32>
      %eq3A_1283 = arith.constant 0 : i32
      %eq3A_1284 = vector.broadcast %eq3A_1283 : i32 to vector<16xi32>
      %eq3A_1285 = arith.cmpi eq, %iota3A_476, %eq3A_1284 : vector<16xi32>
      %broadcast_in_dim3A_1286 = vector.broadcast %reduce_sum3A_1282 : f32 to vector<16xf32>
      %select_n3A_1287 = arith.select %eq3A_1285, %broadcast_in_dim3A_1286, %broadcast_in_dim3A_543 : vector<16xi1>, vector<16xf32>
      %broadcast_in_dim3A_1288 = vector.broadcast %squeeze3A_97 : i32 to vector<16xi32>
      %broadcast_in_dim3A_1289 = arith.constant 10 : i32
      %broadcast_in_dim3A_1290 = vector.broadcast %broadcast_in_dim3A_1289 : i32 to vector<16xi32>
      %gather3A_1291 = tpu.vector_load_idx %arg12[%broadcast_in_dim3A_1290, %add3A_463, %broadcast_in_dim3A_1288] : memref<13x64x128xf32, #tpu.memory_space<vmem>>[vector<16xi32>, vector<16xi32>, vector<16xi32>], vector<16xf32>,
      %bitcast3A_1292 = vector.bitcast %gather3A_1291 : vector<16xf32> to vector<16xi32>
      %add3A_1293 = arith.constant 32767 : i32
      %add3A_1294 = vector.broadcast %add3A_1293 : i32 to vector<16xi32>
      %add3A_1295 = arith.addi %bitcast3A_1292, %add3A_1294 : vector<16xi32>
      %shift_right_logical3A_1296 = arith.constant 16 : i32
      %shift_right_logical3A_1297 = vector.broadcast %shift_right_logical3A_1296 : i32 to vector<16xi32>
      %shift_right_logical3A_1298 = arith.shrui %bitcast3A_1292, %shift_right_logical3A_1297 : vector<16xi32>
      %and3A_1299 = arith.constant 1 : i32
      %and3A_1300 = vector.broadcast %and3A_1299 : i32 to vector<16xi32>
      %and3A_1301 = arith.andi %shift_right_logical3A_1298, %and3A_1300 : vector<16xi32>
      %add3A_1302 = arith.addi %add3A_1295, %and3A_1301 : vector<16xi32>
      %and3A_1303 = arith.constant -65536 : i32
      %and3A_1304 = vector.broadcast %and3A_1303 : i32 to vector<16xi32>
      %and3A_1305 = arith.andi %add3A_1302, %and3A_1304 : vector<16xi32>
      %bitcast3A_1306 = vector.bitcast %and3A_1305 : vector<16xi32> to vector<16xf32>
      %gather3A_1307 = tpu.vector_load_idx %arg12[%broadcast_in_dim3A_1290, %add3A_467, %broadcast_in_dim3A_1288] : memref<13x64x128xf32, #tpu.memory_space<vmem>>[vector<16xi32>, vector<16xi32>, vector<16xi32>], vector<16xf32>,
      %bitcast3A_1308 = vector.bitcast %gather3A_1307 : vector<16xf32> to vector<16xi32>
      %add3A_1309 = arith.constant 32767 : i32
      %add3A_1310 = vector.broadcast %add3A_1309 : i32 to vector<16xi32>
      %add3A_1311 = arith.addi %bitcast3A_1308, %add3A_1310 : vector<16xi32>
      %shift_right_logical3A_1312 = arith.constant 16 : i32
      %shift_right_logical3A_1313 = vector.broadcast %shift_right_logical3A_1312 : i32 to vector<16xi32>
      %shift_right_logical3A_1314 = arith.shrui %bitcast3A_1308, %shift_right_logical3A_1313 : vector<16xi32>
      %and3A_1315 = arith.constant 1 : i32
      %and3A_1316 = vector.broadcast %and3A_1315 : i32 to vector<16xi32>
      %and3A_1317 = arith.andi %shift_right_logical3A_1314, %and3A_1316 : vector<16xi32>
      %add3A_1318 = arith.addi %add3A_1311, %and3A_1317 : vector<16xi32>
      %and3A_1319 = arith.constant -65536 : i32
      %and3A_1320 = vector.broadcast %and3A_1319 : i32 to vector<16xi32>
      %and3A_1321 = arith.andi %add3A_1318, %and3A_1320 : vector<16xi32>
      %bitcast3A_1322 = vector.bitcast %and3A_1321 : vector<16xi32> to vector<16xf32>
      %gather3A_1323 = tpu.vector_load_idx %arg12[%broadcast_in_dim3A_1290, %add3A_471, %broadcast_in_dim3A_1288] : memref<13x64x128xf32, #tpu.memory_space<vmem>>[vector<16xi32>, vector<16xi32>, vector<16xi32>], vector<16xf32>,
      %bitcast3A_1324 = vector.bitcast %gather3A_1323 : vector<16xf32> to vector<16xi32>
      %add3A_1325 = arith.constant 32767 : i32
      %add3A_1326 = vector.broadcast %add3A_1325 : i32 to vector<16xi32>
      %add3A_1327 = arith.addi %bitcast3A_1324, %add3A_1326 : vector<16xi32>
      %shift_right_logical3A_1328 = arith.constant 16 : i32
      %shift_right_logical3A_1329 = vector.broadcast %shift_right_logical3A_1328 : i32 to vector<16xi32>
      %shift_right_logical3A_1330 = arith.shrui %bitcast3A_1324, %shift_right_logical3A_1329 : vector<16xi32>
      %and3A_1331 = arith.constant 1 : i32
      %and3A_1332 = vector.broadcast %and3A_1331 : i32 to vector<16xi32>
      %and3A_1333 = arith.andi %shift_right_logical3A_1330, %and3A_1332 : vector<16xi32>
      %add3A_1334 = arith.addi %add3A_1327, %and3A_1333 : vector<16xi32>
      %and3A_1335 = arith.constant -65536 : i32
      %and3A_1336 = vector.broadcast %and3A_1335 : i32 to vector<16xi32>
      %and3A_1337 = arith.andi %add3A_1334, %and3A_1336 : vector<16xi32>
      %bitcast3A_1338 = vector.bitcast %and3A_1337 : vector<16xi32> to vector<16xf32>
      %gather3A_1339 = tpu.vector_load_idx %arg12[%broadcast_in_dim3A_1290, %add3A_475, %broadcast_in_dim3A_1288] : memref<13x64x128xf32, #tpu.memory_space<vmem>>[vector<16xi32>, vector<16xi32>, vector<16xi32>], vector<16xf32>,
      %bitcast3A_1340 = vector.bitcast %gather3A_1339 : vector<16xf32> to vector<16xi32>
      %add3A_1341 = arith.constant 32767 : i32
      %add3A_1342 = vector.broadcast %add3A_1341 : i32 to vector<16xi32>
      %add3A_1343 = arith.addi %bitcast3A_1340, %add3A_1342 : vector<16xi32>
      %shift_right_logical3A_1344 = arith.constant 16 : i32
      %shift_right_logical3A_1345 = vector.broadcast %shift_right_logical3A_1344 : i32 to vector<16xi32>
      %shift_right_logical3A_1346 = arith.shrui %bitcast3A_1340, %shift_right_logical3A_1345 : vector<16xi32>
      %and3A_1347 = arith.constant 1 : i32
      %and3A_1348 = vector.broadcast %and3A_1347 : i32 to vector<16xi32>
      %and3A_1349 = arith.andi %shift_right_logical3A_1346, %and3A_1348 : vector<16xi32>
      %add3A_1350 = arith.addi %add3A_1343, %and3A_1349 : vector<16xi32>
      %and3A_1351 = arith.constant -65536 : i32
      %and3A_1352 = vector.broadcast %and3A_1351 : i32 to vector<16xi32>
      %and3A_1353 = arith.andi %add3A_1350, %and3A_1352 : vector<16xi32>
      %bitcast3A_1354 = vector.bitcast %and3A_1353 : vector<16xi32> to vector<16xf32>
      %mul3A_1355 = arith.mulf %bitcast3A_491, %bitcast3A_1306 : vector<16xf32>
      %mul3A_1356 = arith.mulf %bitcast3A_507, %bitcast3A_1322 : vector<16xf32>
      %add3A_1357 = arith.addf %mul3A_1355, %mul3A_1356 : vector<16xf32>
      %mul3A_1358 = arith.mulf %bitcast3A_523, %bitcast3A_1338 : vector<16xf32>
      %add3A_1359 = arith.addf %add3A_1357, %mul3A_1358 : vector<16xf32>
      %mul3A_1360 = arith.mulf %bitcast3A_539, %bitcast3A_1354 : vector<16xf32>
      %add3A_1361 = arith.addf %add3A_1359, %mul3A_1360 : vector<16xf32>
      %reduce_sum3A_1362 = arith.constant true
      %reduce_sum3A_1363 = vector.broadcast %reduce_sum3A_1362 : i1 to vector<16xi1>
      %reduce_sum3A_1364 = tpu.scan <sum>, %add3A_1361 masked %reduce_sum3A_1363 : vector<16xf32>, vector<16xi1> -> vector<16xf32>
      %reduce_sum3A_1365 = vector.extract %reduce_sum3A_1364[15] : f32 from vector<16xf32>
      %eq3A_1366 = arith.constant 1 : i32
      %eq3A_1367 = vector.broadcast %eq3A_1366 : i32 to vector<16xi32>
      %eq3A_1368 = arith.cmpi eq, %iota3A_476, %eq3A_1367 : vector<16xi32>
      %broadcast_in_dim3A_1369 = vector.broadcast %reduce_sum3A_1365 : f32 to vector<16xf32>
      %select_n3A_1370 = arith.select %eq3A_1368, %broadcast_in_dim3A_1369, %select_n3A_1287 : vector<16xi1>, vector<16xf32>
      %broadcast_in_dim3A_1371 = vector.broadcast %squeeze3A_101 : i32 to vector<16xi32>
      %broadcast_in_dim3A_1372 = arith.constant 11 : i32
      %broadcast_in_dim3A_1373 = vector.broadcast %broadcast_in_dim3A_1372 : i32 to vector<16xi32>
      %gather3A_1374 = tpu.vector_load_idx %arg12[%broadcast_in_dim3A_1373, %add3A_463, %broadcast_in_dim3A_1371] : memref<13x64x128xf32, #tpu.memory_space<vmem>>[vector<16xi32>, vector<16xi32>, vector<16xi32>], vector<16xf32>,
      %bitcast3A_1375 = vector.bitcast %gather3A_1374 : vector<16xf32> to vector<16xi32>
      %add3A_1376 = arith.constant 32767 : i32
      %add3A_1377 = vector.broadcast %add3A_1376 : i32 to vector<16xi32>
      %add3A_1378 = arith.addi %bitcast3A_1375, %add3A_1377 : vector<16xi32>
      %shift_right_logical3A_1379 = arith.constant 16 : i32
      %shift_right_logical3A_1380 = vector.broadcast %shift_right_logical3A_1379 : i32 to vector<16xi32>
      %shift_right_logical3A_1381 = arith.shrui %bitcast3A_1375, %shift_right_logical3A_1380 : vector<16xi32>
      %and3A_1382 = arith.constant 1 : i32
      %and3A_1383 = vector.broadcast %and3A_1382 : i32 to vector<16xi32>
      %and3A_1384 = arith.andi %shift_right_logical3A_1381, %and3A_1383 : vector<16xi32>
      %add3A_1385 = arith.addi %add3A_1378, %and3A_1384 : vector<16xi32>
      %and3A_1386 = arith.constant -65536 : i32
      %and3A_1387 = vector.broadcast %and3A_1386 : i32 to vector<16xi32>
      %and3A_1388 = arith.andi %add3A_1385, %and3A_1387 : vector<16xi32>
      %bitcast3A_1389 = vector.bitcast %and3A_1388 : vector<16xi32> to vector<16xf32>
      %gather3A_1390 = tpu.vector_load_idx %arg12[%broadcast_in_dim3A_1373, %add3A_467, %broadcast_in_dim3A_1371] : memref<13x64x128xf32, #tpu.memory_space<vmem>>[vector<16xi32>, vector<16xi32>, vector<16xi32>], vector<16xf32>,
      %bitcast3A_1391 = vector.bitcast %gather3A_1390 : vector<16xf32> to vector<16xi32>
      %add3A_1392 = arith.constant 32767 : i32
      %add3A_1393 = vector.broadcast %add3A_1392 : i32 to vector<16xi32>
      %add3A_1394 = arith.addi %bitcast3A_1391, %add3A_1393 : vector<16xi32>
      %shift_right_logical3A_1395 = arith.constant 16 : i32
      %shift_right_logical3A_1396 = vector.broadcast %shift_right_logical3A_1395 : i32 to vector<16xi32>
      %shift_right_logical3A_1397 = arith.shrui %bitcast3A_1391, %shift_right_logical3A_1396 : vector<16xi32>
      %and3A_1398 = arith.constant 1 : i32
      %and3A_1399 = vector.broadcast %and3A_1398 : i32 to vector<16xi32>
      %and3A_1400 = arith.andi %shift_right_logical3A_1397, %and3A_1399 : vector<16xi32>
      %add3A_1401 = arith.addi %add3A_1394, %and3A_1400 : vector<16xi32>
      %and3A_1402 = arith.constant -65536 : i32
      %and3A_1403 = vector.broadcast %and3A_1402 : i32 to vector<16xi32>
      %and3A_1404 = arith.andi %add3A_1401, %and3A_1403 : vector<16xi32>
      %bitcast3A_1405 = vector.bitcast %and3A_1404 : vector<16xi32> to vector<16xf32>
      %gather3A_1406 = tpu.vector_load_idx %arg12[%broadcast_in_dim3A_1373, %add3A_471, %broadcast_in_dim3A_1371] : memref<13x64x128xf32, #tpu.memory_space<vmem>>[vector<16xi32>, vector<16xi32>, vector<16xi32>], vector<16xf32>,
      %bitcast3A_1407 = vector.bitcast %gather3A_1406 : vector<16xf32> to vector<16xi32>
      %add3A_1408 = arith.constant 32767 : i32
      %add3A_1409 = vector.broadcast %add3A_1408 : i32 to vector<16xi32>
      %add3A_1410 = arith.addi %bitcast3A_1407, %add3A_1409 : vector<16xi32>
      %shift_right_logical3A_1411 = arith.constant 16 : i32
      %shift_right_logical3A_1412 = vector.broadcast %shift_right_logical3A_1411 : i32 to vector<16xi32>
      %shift_right_logical3A_1413 = arith.shrui %bitcast3A_1407, %shift_right_logical3A_1412 : vector<16xi32>
      %and3A_1414 = arith.constant 1 : i32
      %and3A_1415 = vector.broadcast %and3A_1414 : i32 to vector<16xi32>
      %and3A_1416 = arith.andi %shift_right_logical3A_1413, %and3A_1415 : vector<16xi32>
      %add3A_1417 = arith.addi %add3A_1410, %and3A_1416 : vector<16xi32>
      %and3A_1418 = arith.constant -65536 : i32
      %and3A_1419 = vector.broadcast %and3A_1418 : i32 to vector<16xi32>
      %and3A_1420 = arith.andi %add3A_1417, %and3A_1419 : vector<16xi32>
      %bitcast3A_1421 = vector.bitcast %and3A_1420 : vector<16xi32> to vector<16xf32>
      %gather3A_1422 = tpu.vector_load_idx %arg12[%broadcast_in_dim3A_1373, %add3A_475, %broadcast_in_dim3A_1371] : memref<13x64x128xf32, #tpu.memory_space<vmem>>[vector<16xi32>, vector<16xi32>, vector<16xi32>], vector<16xf32>,
      %bitcast3A_1423 = vector.bitcast %gather3A_1422 : vector<16xf32> to vector<16xi32>
      %add3A_1424 = arith.constant 32767 : i32
      %add3A_1425 = vector.broadcast %add3A_1424 : i32 to vector<16xi32>
      %add3A_1426 = arith.addi %bitcast3A_1423, %add3A_1425 : vector<16xi32>
      %shift_right_logical3A_1427 = arith.constant 16 : i32
      %shift_right_logical3A_1428 = vector.broadcast %shift_right_logical3A_1427 : i32 to vector<16xi32>
      %shift_right_logical3A_1429 = arith.shrui %bitcast3A_1423, %shift_right_logical3A_1428 : vector<16xi32>
      %and3A_1430 = arith.constant 1 : i32
      %and3A_1431 = vector.broadcast %and3A_1430 : i32 to vector<16xi32>
      %and3A_1432 = arith.andi %shift_right_logical3A_1429, %and3A_1431 : vector<16xi32>
      %add3A_1433 = arith.addi %add3A_1426, %and3A_1432 : vector<16xi32>
      %and3A_1434 = arith.constant -65536 : i32
      %and3A_1435 = vector.broadcast %and3A_1434 : i32 to vector<16xi32>
      %and3A_1436 = arith.andi %add3A_1433, %and3A_1435 : vector<16xi32>
      %bitcast3A_1437 = vector.bitcast %and3A_1436 : vector<16xi32> to vector<16xf32>
      %mul3A_1438 = arith.mulf %bitcast3A_491, %bitcast3A_1389 : vector<16xf32>
      %mul3A_1439 = arith.mulf %bitcast3A_507, %bitcast3A_1405 : vector<16xf32>
      %add3A_1440 = arith.addf %mul3A_1438, %mul3A_1439 : vector<16xf32>
      %mul3A_1441 = arith.mulf %bitcast3A_523, %bitcast3A_1421 : vector<16xf32>
      %add3A_1442 = arith.addf %add3A_1440, %mul3A_1441 : vector<16xf32>
      %mul3A_1443 = arith.mulf %bitcast3A_539, %bitcast3A_1437 : vector<16xf32>
      %add3A_1444 = arith.addf %add3A_1442, %mul3A_1443 : vector<16xf32>
      %reduce_sum3A_1445 = arith.constant true
      %reduce_sum3A_1446 = vector.broadcast %reduce_sum3A_1445 : i1 to vector<16xi1>
      %reduce_sum3A_1447 = tpu.scan <sum>, %add3A_1444 masked %reduce_sum3A_1446 : vector<16xf32>, vector<16xi1> -> vector<16xf32>
      %reduce_sum3A_1448 = vector.extract %reduce_sum3A_1447[15] : f32 from vector<16xf32>
      %eq3A_1449 = arith.constant 2 : i32
      %eq3A_1450 = vector.broadcast %eq3A_1449 : i32 to vector<16xi32>
      %eq3A_1451 = arith.cmpi eq, %iota3A_476, %eq3A_1450 : vector<16xi32>
      %broadcast_in_dim3A_1452 = vector.broadcast %reduce_sum3A_1448 : f32 to vector<16xf32>
      %select_n3A_1453 = arith.select %eq3A_1451, %broadcast_in_dim3A_1452, %select_n3A_1370 : vector<16xi1>, vector<16xf32>
      %broadcast_in_dim3A_1454 = vector.broadcast %squeeze3A_105 : i32 to vector<16xi32>
      %broadcast_in_dim3A_1455 = arith.constant 12 : i32
      %broadcast_in_dim3A_1456 = vector.broadcast %broadcast_in_dim3A_1455 : i32 to vector<16xi32>
      %gather3A_1457 = tpu.vector_load_idx %arg12[%broadcast_in_dim3A_1456, %add3A_463, %broadcast_in_dim3A_1454] : memref<13x64x128xf32, #tpu.memory_space<vmem>>[vector<16xi32>, vector<16xi32>, vector<16xi32>], vector<16xf32>,
      %bitcast3A_1458 = vector.bitcast %gather3A_1457 : vector<16xf32> to vector<16xi32>
      %add3A_1459 = arith.constant 32767 : i32
      %add3A_1460 = vector.broadcast %add3A_1459 : i32 to vector<16xi32>
      %add3A_1461 = arith.addi %bitcast3A_1458, %add3A_1460 : vector<16xi32>
      %shift_right_logical3A_1462 = arith.constant 16 : i32
      %shift_right_logical3A_1463 = vector.broadcast %shift_right_logical3A_1462 : i32 to vector<16xi32>
      %shift_right_logical3A_1464 = arith.shrui %bitcast3A_1458, %shift_right_logical3A_1463 : vector<16xi32>
      %and3A_1465 = arith.constant 1 : i32
      %and3A_1466 = vector.broadcast %and3A_1465 : i32 to vector<16xi32>
      %and3A_1467 = arith.andi %shift_right_logical3A_1464, %and3A_1466 : vector<16xi32>
      %add3A_1468 = arith.addi %add3A_1461, %and3A_1467 : vector<16xi32>
      %and3A_1469 = arith.constant -65536 : i32
      %and3A_1470 = vector.broadcast %and3A_1469 : i32 to vector<16xi32>
      %and3A_1471 = arith.andi %add3A_1468, %and3A_1470 : vector<16xi32>
      %bitcast3A_1472 = vector.bitcast %and3A_1471 : vector<16xi32> to vector<16xf32>
      %gather3A_1473 = tpu.vector_load_idx %arg12[%broadcast_in_dim3A_1456, %add3A_467, %broadcast_in_dim3A_1454] : memref<13x64x128xf32, #tpu.memory_space<vmem>>[vector<16xi32>, vector<16xi32>, vector<16xi32>], vector<16xf32>,
      %bitcast3A_1474 = vector.bitcast %gather3A_1473 : vector<16xf32> to vector<16xi32>
      %add3A_1475 = arith.constant 32767 : i32
      %add3A_1476 = vector.broadcast %add3A_1475 : i32 to vector<16xi32>
      %add3A_1477 = arith.addi %bitcast3A_1474, %add3A_1476 : vector<16xi32>
      %shift_right_logical3A_1478 = arith.constant 16 : i32
      %shift_right_logical3A_1479 = vector.broadcast %shift_right_logical3A_1478 : i32 to vector<16xi32>
      %shift_right_logical3A_1480 = arith.shrui %bitcast3A_1474, %shift_right_logical3A_1479 : vector<16xi32>
      %and3A_1481 = arith.constant 1 : i32
      %and3A_1482 = vector.broadcast %and3A_1481 : i32 to vector<16xi32>
      %and3A_1483 = arith.andi %shift_right_logical3A_1480, %and3A_1482 : vector<16xi32>
      %add3A_1484 = arith.addi %add3A_1477, %and3A_1483 : vector<16xi32>
      %and3A_1485 = arith.constant -65536 : i32
      %and3A_1486 = vector.broadcast %and3A_1485 : i32 to vector<16xi32>
      %and3A_1487 = arith.andi %add3A_1484, %and3A_1486 : vector<16xi32>
      %bitcast3A_1488 = vector.bitcast %and3A_1487 : vector<16xi32> to vector<16xf32>
      %gather3A_1489 = tpu.vector_load_idx %arg12[%broadcast_in_dim3A_1456, %add3A_471, %broadcast_in_dim3A_1454] : memref<13x64x128xf32, #tpu.memory_space<vmem>>[vector<16xi32>, vector<16xi32>, vector<16xi32>], vector<16xf32>,
      %bitcast3A_1490 = vector.bitcast %gather3A_1489 : vector<16xf32> to vector<16xi32>
      %add3A_1491 = arith.constant 32767 : i32
      %add3A_1492 = vector.broadcast %add3A_1491 : i32 to vector<16xi32>
      %add3A_1493 = arith.addi %bitcast3A_1490, %add3A_1492 : vector<16xi32>
      %shift_right_logical3A_1494 = arith.constant 16 : i32
      %shift_right_logical3A_1495 = vector.broadcast %shift_right_logical3A_1494 : i32 to vector<16xi32>
      %shift_right_logical3A_1496 = arith.shrui %bitcast3A_1490, %shift_right_logical3A_1495 : vector<16xi32>
      %and3A_1497 = arith.constant 1 : i32
      %and3A_1498 = vector.broadcast %and3A_1497 : i32 to vector<16xi32>
      %and3A_1499 = arith.andi %shift_right_logical3A_1496, %and3A_1498 : vector<16xi32>
      %add3A_1500 = arith.addi %add3A_1493, %and3A_1499 : vector<16xi32>
      %and3A_1501 = arith.constant -65536 : i32
      %and3A_1502 = vector.broadcast %and3A_1501 : i32 to vector<16xi32>
      %and3A_1503 = arith.andi %add3A_1500, %and3A_1502 : vector<16xi32>
      %bitcast3A_1504 = vector.bitcast %and3A_1503 : vector<16xi32> to vector<16xf32>
      %gather3A_1505 = tpu.vector_load_idx %arg12[%broadcast_in_dim3A_1456, %add3A_475, %broadcast_in_dim3A_1454] : memref<13x64x128xf32, #tpu.memory_space<vmem>>[vector<16xi32>, vector<16xi32>, vector<16xi32>], vector<16xf32>,
      %bitcast3A_1506 = vector.bitcast %gather3A_1505 : vector<16xf32> to vector<16xi32>
      %add3A_1507 = arith.constant 32767 : i32
      %add3A_1508 = vector.broadcast %add3A_1507 : i32 to vector<16xi32>
      %add3A_1509 = arith.addi %bitcast3A_1506, %add3A_1508 : vector<16xi32>
      %shift_right_logical3A_1510 = arith.constant 16 : i32
      %shift_right_logical3A_1511 = vector.broadcast %shift_right_logical3A_1510 : i32 to vector<16xi32>
      %shift_right_logical3A_1512 = arith.shrui %bitcast3A_1506, %shift_right_logical3A_1511 : vector<16xi32>
      %and3A_1513 = arith.constant 1 : i32
      %and3A_1514 = vector.broadcast %and3A_1513 : i32 to vector<16xi32>
      %and3A_1515 = arith.andi %shift_right_logical3A_1512, %and3A_1514 : vector<16xi32>
      %add3A_1516 = arith.addi %add3A_1509, %and3A_1515 : vector<16xi32>
      %and3A_1517 = arith.constant -65536 : i32
      %and3A_1518 = vector.broadcast %and3A_1517 : i32 to vector<16xi32>
      %and3A_1519 = arith.andi %add3A_1516, %and3A_1518 : vector<16xi32>
      %bitcast3A_1520 = vector.bitcast %and3A_1519 : vector<16xi32> to vector<16xf32>
      %mul3A_1521 = arith.mulf %bitcast3A_491, %bitcast3A_1472 : vector<16xf32>
      %mul3A_1522 = arith.mulf %bitcast3A_507, %bitcast3A_1488 : vector<16xf32>
      %add3A_1523 = arith.addf %mul3A_1521, %mul3A_1522 : vector<16xf32>
      %mul3A_1524 = arith.mulf %bitcast3A_523, %bitcast3A_1504 : vector<16xf32>
      %add3A_1525 = arith.addf %add3A_1523, %mul3A_1524 : vector<16xf32>
      %mul3A_1526 = arith.mulf %bitcast3A_539, %bitcast3A_1520 : vector<16xf32>
      %add3A_1527 = arith.addf %add3A_1525, %mul3A_1526 : vector<16xf32>
      %reduce_sum3A_1528 = arith.constant true
      %reduce_sum3A_1529 = vector.broadcast %reduce_sum3A_1528 : i1 to vector<16xi1>
      %reduce_sum3A_1530 = tpu.scan <sum>, %add3A_1527 masked %reduce_sum3A_1529 : vector<16xf32>, vector<16xi1> -> vector<16xf32>
      %reduce_sum3A_1531 = vector.extract %reduce_sum3A_1530[15] : f32 from vector<16xf32>
      %eq3A_1532 = arith.constant 3 : i32
      %eq3A_1533 = vector.broadcast %eq3A_1532 : i32 to vector<16xi32>
      %eq3A_1534 = arith.cmpi eq, %iota3A_476, %eq3A_1533 : vector<16xi32>
      %broadcast_in_dim3A_1535 = vector.broadcast %reduce_sum3A_1531 : f32 to vector<16xf32>
      %select_n3A_1536 = arith.select %eq3A_1534, %broadcast_in_dim3A_1535, %select_n3A_1453 : vector<16xi1>, vector<16xf32>
      %dma_wait3A_1537 = arith.constant 0 : i32
      %dma_wait3A_1538 = arith.constant 0 : i32
      %dma_wait3A_1539 = tpu.memref_slice %arg11[%dma_wait3A_1538] : memref<32xi32, #tpu.memory_space<vmem>> -> memref<20xi32, #tpu.memory_space<vmem>>
      %dma_wait3A_1540 = arith.constant 0 : i32
      %dma_wait3A_1541 = tpu.memref_slice %arg4[%dma_wait3A_1537, %dma_wait3A_1540] : memref<1x20xi32, #tpu.memory_space<hbm>> -> memref<1x20xi32, #tpu.memory_space<hbm>>
      %dma_wait3A_1542 = tpu.memref_squeeze %dma_wait3A_1541 : memref<1x20xi32, #tpu.memory_space<hbm>> -> memref<20xi32, #tpu.memory_space<hbm>>
      %dma_wait3A_1543 = arith.constant 0 : i32
      %dma_wait3A_1544 = tpu.memref_slice %arg11[%dma_wait3A_1543] : memref<32xi32, #tpu.memory_space<vmem>> -> memref<20xi32, #tpu.memory_space<vmem>>
      %dma_wait3A_1545 = arith.constant 0 : i32
      %dma_wait3A_1546 = tpu.memref_slice %arg4[%dma_wait3A_1537, %dma_wait3A_1545] : memref<1x20xi32, #tpu.memory_space<hbm>> -> memref<1x20xi32, #tpu.memory_space<hbm>>
      %dma_wait3A_1547 = tpu.memref_squeeze %dma_wait3A_1546 : memref<1x20xi32, #tpu.memory_space<hbm>> -> memref<20xi32, #tpu.memory_space<hbm>>
      tpu.wait_dma2 semaphore(%arg17 : memref<!tpu.dma_semaphore, #tpu.memory_space<semaphore_mem>>) src(%dma_wait3A_1547 : memref<20xi32, #tpu.memory_space<hbm>>) dst(%dma_wait3A_1544 : memref<20xi32, #tpu.memory_space<vmem>>)
      %neg3A = arith.constant 0.000000e+00 : f32
      %neg3A_1548 = vector.broadcast %neg3A : f32 to vector<16xf32>
      %neg3A_1549 = arith.subf %neg3A_1548, %select_n3A_1204 : vector<16xf32>
      %exp3A = math.exp %neg3A_1549 : vector<16xf32>
      %add3A_1550 = arith.constant 1.000000e+00 : f32
      %add3A_1551 = vector.broadcast %add3A_1550 : f32 to vector<16xf32>
      %add3A_1552 = arith.addf %add3A_1551, %exp3A : vector<16xf32>
      %div3A = arith.constant 1.000000e+00 : f32
      %div3A_1553 = vector.broadcast %div3A : f32 to vector<16xf32>
      %div3A_1554 = arith.divf %div3A_1553, %add3A_1552 : vector<16xf32>
      %ge3A = arith.constant 5.000000e-01 : f32
      %ge3A_1555 = vector.broadcast %ge3A : f32 to vector<16xf32>
      %ge3A_1556 = arith.cmpf oge, %div3A_1554, %ge3A_1555 : vector<16xf32>
      %jit3A = arith.constant 1 : i32
      %jit3A_1557 = arith.constant 0 : i32
      %broadcast_in_dim3A_1558 = vector.broadcast %jit3A : i32 to vector<16xi32>
      %broadcast_in_dim3A_1559 = vector.broadcast %jit3A_1557 : i32 to vector<16xi32>
      %select_n3A_1560 = arith.select %ge3A_1556, %broadcast_in_dim3A_1558, %broadcast_in_dim3A_1559 : vector<16xi1>, vector<16xi32>
      %get3A_1561 = arith.constant 0 : index
      %get3A_1562 = tpu.vector_load %arg11[%get3A_1561] {strides = array<i32>} : memref<32xi32, #tpu.memory_space<vmem>>, vector<16xi32>,
      %eq3A_1563 = arith.cmpi eq, %select_n3A_1560, %get3A_1562 : vector<16xi32>
      %jit3A_1564 = arith.constant 1 : i32
      %jit3A_1565 = arith.constant 0 : i32
      %broadcast_in_dim3A_1566 = vector.broadcast %jit3A_1564 : i32 to vector<16xi32>
      %broadcast_in_dim3A_1567 = vector.broadcast %jit3A_1565 : i32 to vector<16xi32>
      %select_n3A_1568 = arith.select %eq3A_1563, %broadcast_in_dim3A_1566, %broadcast_in_dim3A_1567 : vector<16xi1>, vector<16xi32>
      %swap3A = arith.constant 0 : index
      %swap3A_1569 = tpu.vector_load %arg13[%swap3A] {strides = array<i32>} : memref<32xf32, #tpu.memory_space<vmem>>, vector<16xf32>,
      tpu.vector_store %arg13[%swap3A], %div3A_1554 {strides = array<i32>} : memref<32xf32, #tpu.memory_space<vmem>>, vector<16xf32>,
      %swap3A_1570 = arith.constant 0 : index
      %swap3A_1571 = tpu.vector_load %arg14[%swap3A_1570] {strides = array<i32>} : memref<32xi32, #tpu.memory_space<vmem>>, vector<16xi32>,
      tpu.vector_store %arg14[%swap3A_1570], %select_n3A_1568 {strides = array<i32>} : memref<32xi32, #tpu.memory_space<vmem>>, vector<16xi32>,
      %neg3A_1572 = arith.constant 0.000000e+00 : f32
      %neg3A_1573 = vector.broadcast %neg3A_1572 : f32 to vector<16xf32>
      %neg3A_1574 = arith.subf %neg3A_1573, %select_n3A_1536 : vector<16xf32>
      %exp3A_1575 = math.exp %neg3A_1574 : vector<16xf32>
      %add3A_1576 = arith.constant 1.000000e+00 : f32
      %add3A_1577 = vector.broadcast %add3A_1576 : f32 to vector<16xf32>
      %add3A_1578 = arith.addf %add3A_1577, %exp3A_1575 : vector<16xf32>
      %div3A_1579 = arith.constant 1.000000e+00 : f32
      %div3A_1580 = vector.broadcast %div3A_1579 : f32 to vector<16xf32>
      %div3A_1581 = arith.divf %div3A_1580, %add3A_1578 : vector<16xf32>
      %ge3A_1582 = arith.constant 5.000000e-01 : f32
      %ge3A_1583 = vector.broadcast %ge3A_1582 : f32 to vector<16xf32>
      %ge3A_1584 = arith.cmpf oge, %div3A_1581, %ge3A_1583 : vector<16xf32>
      %jit3A_1585 = arith.constant 1 : i32
      %jit3A_1586 = arith.constant 0 : i32
      %broadcast_in_dim3A_1587 = vector.broadcast %jit3A_1585 : i32 to vector<16xi32>
      %broadcast_in_dim3A_1588 = vector.broadcast %jit3A_1586 : i32 to vector<16xi32>
      %select_n3A_1589 = arith.select %ge3A_1584, %broadcast_in_dim3A_1587, %broadcast_in_dim3A_1588 : vector<16xi1>, vector<16xi32>
      %get3A_1590 = arith.constant 16 : index
      %get3A_1591 = tpu.vector_load %arg11[%get3A_1590] {strides = array<i32>} : memref<32xi32, #tpu.memory_space<vmem>>, vector<16xi32>,
      %eq3A_1592 = arith.cmpi eq, %select_n3A_1589, %get3A_1591 : vector<16xi32>
      %jit3A_1593 = arith.constant 1 : i32
      %jit3A_1594 = arith.constant 0 : i32
      %broadcast_in_dim3A_1595 = vector.broadcast %jit3A_1593 : i32 to vector<16xi32>
      %broadcast_in_dim3A_1596 = vector.broadcast %jit3A_1594 : i32 to vector<16xi32>
      %select_n3A_1597 = arith.select %eq3A_1592, %broadcast_in_dim3A_1595, %broadcast_in_dim3A_1596 : vector<16xi1>, vector<16xi32>
      %swap3A_1598 = arith.constant 16 : index
      %swap3A_1599 = tpu.vector_load %arg13[%swap3A_1598] {strides = array<i32>} : memref<32xf32, #tpu.memory_space<vmem>>, vector<16xf32>,
      tpu.vector_store %arg13[%swap3A_1598], %div3A_1581 {strides = array<i32>} : memref<32xf32, #tpu.memory_space<vmem>>, vector<16xf32>,
      %swap3A_1600 = arith.constant 16 : index
      %swap3A_1601 = tpu.vector_load %arg14[%swap3A_1600] {strides = array<i32>} : memref<32xi32, #tpu.memory_space<vmem>>, vector<16xi32>,
      tpu.vector_store %arg14[%swap3A_1600], %select_n3A_1597 {strides = array<i32>} : memref<32xi32, #tpu.memory_space<vmem>>, vector<16xi32>,
      %dma_start3A_1602 = arith.constant 0 : i32
      %dma_start3A_1603 = arith.constant 8 : i32
      %dma_start3A_1604 = tpu.memref_slice %arg13[%dma_start3A_1603] : memref<32xf32, #tpu.memory_space<vmem>> -> memref<12xf32, #tpu.memory_space<vmem>>
      %dma_start3A_1605 = arith.constant 0 : i32
      %dma_start3A_1606 = tpu.memref_slice %arg7[%dma_start3A_1602, %dma_start3A_1605] : memref<1x20xf32, #tpu.memory_space<hbm>> -> memref<1x20xf32, #tpu.memory_space<hbm>>
      %dma_start3A_1607 = tpu.memref_squeeze %dma_start3A_1606 : memref<1x20xf32, #tpu.memory_space<hbm>> -> memref<20xf32, #tpu.memory_space<hbm>>
      %dma_start3A_1608 = arith.constant 8 : i32
      %dma_start3A_1609 = tpu.memref_slice %dma_start3A_1607[%dma_start3A_1608] : memref<20xf32, #tpu.memory_space<hbm>> -> memref<12xf32, #tpu.memory_space<hbm>>
      %dma_start3A_1610 = arith.constant 0 : i32
      %dma_start3A_1611 = tpu.memref_slice %arg7[%dma_start3A_1602, %dma_start3A_1610] : memref<1x20xf32, #tpu.memory_space<hbm>> -> memref<1x20xf32, #tpu.memory_space<hbm>>
      %dma_start3A_1612 = tpu.memref_squeeze %dma_start3A_1611 : memref<1x20xf32, #tpu.memory_space<hbm>> -> memref<20xf32, #tpu.memory_space<hbm>>
      %dma_start3A_1613 = arith.constant 8 : i32
      %dma_start3A_1614 = tpu.memref_slice %dma_start3A_1612[%dma_start3A_1613] : memref<20xf32, #tpu.memory_space<hbm>> -> memref<12xf32, #tpu.memory_space<hbm>>
      %dma_start3A_1615 = arith.constant 8 : i32
      %dma_start3A_1616 = tpu.memref_slice %arg13[%dma_start3A_1615] : memref<32xf32, #tpu.memory_space<vmem>> -> memref<12xf32, #tpu.memory_space<vmem>>
      tpu.enqueue_dma source(%dma_start3A_1616 : memref<12xf32, #tpu.memory_space<vmem>>) target(%dma_start3A_1614 : memref<12xf32, #tpu.memory_space<hbm>>) target_semaphore(%arg15 : memref<!tpu.dma_semaphore, #tpu.memory_space<semaphore_mem>>)
      %dma_start3A_1617 = arith.constant 0 : i32
      %dma_start3A_1618 = arith.constant 8 : i32
      %dma_start3A_1619 = tpu.memref_slice %arg14[%dma_start3A_1618] : memref<32xi32, #tpu.memory_space<vmem>> -> memref<12xi32, #tpu.memory_space<vmem>>
      %dma_start3A_1620 = arith.constant 0 : i32
      %dma_start3A_1621 = tpu.memref_slice %arg8[%dma_start3A_1617, %dma_start3A_1620] : memref<1x20xi32, #tpu.memory_space<hbm>> -> memref<1x20xi32, #tpu.memory_space<hbm>>
      %dma_start3A_1622 = tpu.memref_squeeze %dma_start3A_1621 : memref<1x20xi32, #tpu.memory_space<hbm>> -> memref<20xi32, #tpu.memory_space<hbm>>
      %dma_start3A_1623 = arith.constant 8 : i32
      %dma_start3A_1624 = tpu.memref_slice %dma_start3A_1622[%dma_start3A_1623] : memref<20xi32, #tpu.memory_space<hbm>> -> memref<12xi32, #tpu.memory_space<hbm>>
      %dma_start3A_1625 = arith.constant 0 : i32
      %dma_start3A_1626 = tpu.memref_slice %arg8[%dma_start3A_1617, %dma_start3A_1625] : memref<1x20xi32, #tpu.memory_space<hbm>> -> memref<1x20xi32, #tpu.memory_space<hbm>>
      %dma_start3A_1627 = tpu.memref_squeeze %dma_start3A_1626 : memref<1x20xi32, #tpu.memory_space<hbm>> -> memref<20xi32, #tpu.memory_space<hbm>>
      %dma_start3A_1628 = arith.constant 8 : i32
      %dma_start3A_1629 = tpu.memref_slice %dma_start3A_1627[%dma_start3A_1628] : memref<20xi32, #tpu.memory_space<hbm>> -> memref<12xi32, #tpu.memory_space<hbm>>
      %dma_start3A_1630 = arith.constant 8 : i32
      %dma_start3A_1631 = tpu.memref_slice %arg14[%dma_start3A_1630] : memref<32xi32, #tpu.memory_space<vmem>> -> memref<12xi32, #tpu.memory_space<vmem>>
      tpu.enqueue_dma source(%dma_start3A_1631 : memref<12xi32, #tpu.memory_space<vmem>>) target(%dma_start3A_1629 : memref<12xi32, #tpu.memory_space<hbm>>) target_semaphore(%arg17 : memref<!tpu.dma_semaphore, #tpu.memory_space<semaphore_mem>>)
      %dma_wait3A_1632 = arith.constant 0 : i32
      %dma_wait3A_1633 = arith.constant 8 : i32
      %dma_wait3A_1634 = tpu.memref_slice %arg13[%dma_wait3A_1633] : memref<32xf32, #tpu.memory_space<vmem>> -> memref<12xf32, #tpu.memory_space<vmem>>
      %dma_wait3A_1635 = arith.constant 0 : i32
      %dma_wait3A_1636 = tpu.memref_slice %arg7[%dma_wait3A_1632, %dma_wait3A_1635] : memref<1x20xf32, #tpu.memory_space<hbm>> -> memref<1x20xf32, #tpu.memory_space<hbm>>
      %dma_wait3A_1637 = tpu.memref_squeeze %dma_wait3A_1636 : memref<1x20xf32, #tpu.memory_space<hbm>> -> memref<20xf32, #tpu.memory_space<hbm>>
      %dma_wait3A_1638 = arith.constant 8 : i32
      %dma_wait3A_1639 = tpu.memref_slice %dma_wait3A_1637[%dma_wait3A_1638] : memref<20xf32, #tpu.memory_space<hbm>> -> memref<12xf32, #tpu.memory_space<hbm>>
      %dma_wait3A_1640 = arith.constant 0 : i32
      %dma_wait3A_1641 = tpu.memref_slice %arg7[%dma_wait3A_1632, %dma_wait3A_1640] : memref<1x20xf32, #tpu.memory_space<hbm>> -> memref<1x20xf32, #tpu.memory_space<hbm>>
      %dma_wait3A_1642 = tpu.memref_squeeze %dma_wait3A_1641 : memref<1x20xf32, #tpu.memory_space<hbm>> -> memref<20xf32, #tpu.memory_space<hbm>>
      %dma_wait3A_1643 = arith.constant 8 : i32
      %dma_wait3A_1644 = tpu.memref_slice %dma_wait3A_1642[%dma_wait3A_1643] : memref<20xf32, #tpu.memory_space<hbm>> -> memref<12xf32, #tpu.memory_space<hbm>>
      %dma_wait3A_1645 = arith.constant 8 : i32
      %dma_wait3A_1646 = tpu.memref_slice %arg13[%dma_wait3A_1645] : memref<32xf32, #tpu.memory_space<vmem>> -> memref<12xf32, #tpu.memory_space<vmem>>
      tpu.wait_dma2 semaphore(%arg15 : memref<!tpu.dma_semaphore, #tpu.memory_space<semaphore_mem>>) src(%dma_wait3A_1646 : memref<12xf32, #tpu.memory_space<vmem>>) dst(%dma_wait3A_1644 : memref<12xf32, #tpu.memory_space<hbm>>)
      %dma_wait3A_1647 = arith.constant 0 : i32
      %dma_wait3A_1648 = arith.constant 8 : i32
      %dma_wait3A_1649 = tpu.memref_slice %arg14[%dma_wait3A_1648] : memref<32xi32, #tpu.memory_space<vmem>> -> memref<12xi32, #tpu.memory_space<vmem>>
      %dma_wait3A_1650 = arith.constant 0 : i32
      %dma_wait3A_1651 = tpu.memref_slice %arg8[%dma_wait3A_1647, %dma_wait3A_1650] : memref<1x20xi32, #tpu.memory_space<hbm>> -> memref<1x20xi32, #tpu.memory_space<hbm>>
      %dma_wait3A_1652 = tpu.memref_squeeze %dma_wait3A_1651 : memref<1x20xi32, #tpu.memory_space<hbm>> -> memref<20xi32, #tpu.memory_space<hbm>>
      %dma_wait3A_1653 = arith.constant 8 : i32
      %dma_wait3A_1654 = tpu.memref_slice %dma_wait3A_1652[%dma_wait3A_1653] : memref<20xi32, #tpu.memory_space<hbm>> -> memref<12xi32, #tpu.memory_space<hbm>>
      %dma_wait3A_1655 = arith.constant 0 : i32
      %dma_wait3A_1656 = tpu.memref_slice %arg8[%dma_wait3A_1647, %dma_wait3A_1655] : memref<1x20xi32, #tpu.memory_space<hbm>> -> memref<1x20xi32, #tpu.memory_space<hbm>>
      %dma_wait3A_1657 = tpu.memref_squeeze %dma_wait3A_1656 : memref<1x20xi32, #tpu.memory_space<hbm>> -> memref<20xi32, #tpu.memory_space<hbm>>
      %dma_wait3A_1658 = arith.constant 8 : i32
      %dma_wait3A_1659 = tpu.memref_slice %dma_wait3A_1657[%dma_wait3A_1658] : memref<20xi32, #tpu.memory_space<hbm>> -> memref<12xi32, #tpu.memory_space<hbm>>
      %dma_wait3A_1660 = arith.constant 8 : i32
      %dma_wait3A_1661 = tpu.memref_slice %arg14[%dma_wait3A_1660] : memref<32xi32, #tpu.memory_space<vmem>> -> memref<12xi32, #tpu.memory_space<vmem>>
      tpu.wait_dma2 semaphore(%arg17 : memref<!tpu.dma_semaphore, #tpu.memory_space<semaphore_mem>>) src(%dma_wait3A_1661 : memref<12xi32, #tpu.memory_space<vmem>>) dst(%dma_wait3A_1659 : memref<12xi32, #tpu.memory_space<hbm>>)
    } else {
    }
    return
  }
}

</mosaic_0001>

<sc_bundles>
// kernel: kernel.3.cloned.1.call-start
scs
__scs_entry_jumppad:
0x0: {  	(pc) =	sbr.rel $0x88, $3  }
0x1: {  	(tag) =	ssettag $0x0;
	lr =	simm.s32 $0x1  }
0x2: {  	[smem:$0x3F9C] =	sst lr;
	_ =	strace $0xD0000000  }
0x3: {  	_ = 	snop  }
0x4: {  	_ = 	snop  }
0x5: {  	_ = 	snop  }
0x6: {  	_ = 	snop  }
0x7: {  	_ = 	snop  }
__scs_overlays_trampoline_lowered:
0x8: {  	[smem:$0x3FAB] =	sst s0  }
0x9: {  	[smem:$0x3FAC] =	sst s1  }
0xa: {  	[smem:$0x3FAD] =	sst s2  }
0xb: {  	[smem:$0x3FAE] =	sst s3  }
0xc: {  	[smem:$0x3FAF] =	sst s4  }
0xd: {  	[smem:$0x3FB0] =	sst s5  }
0xe: {  	[smem:$0x3FB1] =	sst s6  }
0xf: {  	[smem:$0x3FB2] =	sst s7  }
0x10: {  	[smem:$0x3FB3] =	sst s8  }
0x11: {  	[smem:$0x3FB4] =	sst s9;
	s0 =	simm.s32 @!p0 $0x0  }
0x12: {  	s1 =	sld [smem:$0x3F9A];
	s0 =	simm.s32 @p0 $0x1  }
0x13: {  	[smem:$0x3FB5] =	sst s0;
	s0 =	simm.s32 @!p1 $0x0  }
0x14: {  	s2 =	sld [smem:$0x3F99];
	s0 =	simm.s32 @p1 $0x1  }
0x15: {  	[smem:$0x3FB6] =	sst s0;
	s0 =	simm.s32 @!p2 $0x0  }
0x16: {  	s3 =	sld [smem:$0x3FDB];
	s0 =	simm.s32 @p2 $0x1  }
0x17: {  	s4 =	simm.s32 $0x1BF5;
	[smem:$0x3FB8] =	sst s0  }
0x18: {  	s0 =	sld [smem:$0x3F9B];
	_ =	swait.ge [sflag:s4], $0x0  }
0x19: {  	s7 =	sld [smem:$0x3F9C]  }
0x1a: {  	s8 =	sadd.s32 $0xFFFFE003, lr  }
0x1b: {  	s9 =	sadd.s32 $0xFFFFFEF7, lr;
	s5 =	simm.s32 $0xFFFFFFFF;
	p2 =	slt.u32 s8, $0xFFFFF086  }
0x1c: {  	p1 =	slt.u32 s9, $0xF7A;
	s5 =	simm.s32 @!p2 $0x0  }
0x1d: {  	s5 =	simm.s32 @p1 $0x1;
	p0 =	seq.s32 s7, s2  }
0x1e: {  	s7 =	smul.u32 @!p0 $0xF7A, s2;
	p2 =	seq.s32 @!p0 s5, $0x0  }
0x1f: {  	s9 =	smul.u32 $0xF7A, s1;
	s8 =	simm.s32 @!p0 $0x1BF5;
	p2 =	por !p2, p0  }
0x20: {  	[sflag:s8] =	ssyncset.s32 @!p0 $0xFFFFF086;
	s6 =	sadd.s32 @!p0 s3, s7;
	s7 =	simm.s32 @!p0 $0x108  }
0x21: {  	s3 =	sadd.s32 s3, s9;
	s6 =	sadd.s32 @!p0 $0x88, s6;
	s7 =	simm.s32 @p2 $0x1082  }
0x22: {  	[simem:s7], [sflag:s8] =	dma.local @!p0 [hbm:s6], $0xF7A  }
0x23: {  	s9 =	sor.u32 $0xD0000000, s2;
	s6 =	simm.s32 $0x108;
	_ =	swait.ge @!p0 [sflag:s8], $0x0  }
0x24: {  	s3 =	sadd.s32 $0x88, s3;
	s6 =	simm.s32 @!p1 $0x1082;
	[sflag:s4] =	ssyncset.s32 $0xFFFFF086  }
0x25: {  	[simem:s6], [sflag:s4] =	dma.local [hbm:s3], $0xF7A  }
0x26: {  	[smem:$0x3F9C] =	sst s1;
	(tag) =	ssettag s2;
	_ =	strace s9  }
0x27: {  	s1 =	sld [smem:$0x3FAC]  }
0x28: {  	s2 =	sld [smem:$0x3FAD]  }
0x29: {  	s4 =	sld [smem:$0x3FAF]  }
0x2a: {  	p0 =	seq.s32 s5, $0x0;
	s5 =	sld [smem:$0x3FB0]  }
0x2b: {  	s6 =	sld [smem:$0x3FB1]  }
0x2c: {  	s7 =	sld [smem:$0x3FB2]  }
0x2d: {  	s3 =	simm.s32 $0x108;
	s8 =	sld [smem:$0x3FB3]  }
0x2e: {  	s3 =	simm.s32 @!p0 $0x1082;
	s9 =	sld [smem:$0x3FB4]  }
0x2f: {  	lr =	sadd.s32 s0, s3;
	s0 =	sld [smem:$0x3FAB]  }
0x30: {  	s3 =	sld [smem:$0x3FAE]  }
0x31: {  	[smem:$0x3FB7] =	sst s10  }
0x32: {  	s10 =	sld [smem:$0x3FB5];
	_ =	sdelay $0x3  }
0x33: {  	p0 =	seq.s32 s10, $0x1;
	s10 =	sld [smem:$0x3FB7];
	_ =	sdelay $0x3  }
0x34: {  	[smem:$0x3FB7] =	sst s10  }
0x35: {  	s10 =	sld [smem:$0x3FB6];
	_ =	sdelay $0x3  }
0x36: {  	p1 =	seq.s32 s10, $0x1;
	s10 =	sld [smem:$0x3FB7];
	_ =	sdelay $0x3  }
0x37: {  	[smem:$0x3FB7] =	sst s10  }
0x38: {  	s10 =	sld [smem:$0x3FB8]  }
0x39: {  	_ = 	snop;
	(pc) =	sbr.ind lr, $3  }
0x3a: {  	_ = 	snop  }
0x3b: {  	_ = 	snop  }
0x3c: {  	p2 =	seq.s32 s10, $0x1;
	s10 =	sld [smem:$0x3FB7]  }
0x3d: {  	_ =	shalt  }
0x3e: {  	_ =	shalt  }
0x3f: {  	_ =	shalt  }
0x40: {  	_ =	shalt  }
0x41: {  	_ =	shalt  }
0x42: {  	_ =	shalt  }
0x43: {  	_ =	shalt  }
0x44: {  	_ =	shalt  }
0x45: {  	_ =	shalt  }
0x46: {  	_ =	shalt  }
0x47: {  	_ =	shalt  }
0x48: {  	_ =	shalt  }
0x49: {  	_ =	shalt  }
0x4a: {  	_ =	shalt  }
0x4b: {  	_ =	shalt  }
0x4c: {  	_ =	shalt  }
0x4d: {  	_ =	shalt  }
0x4e: {  	_ =	shalt  }
0x4f: {  	_ =	shalt  }
0x50: {  	_ =	shalt  }
0x51: {  	_ =	shalt  }
0x52: {  	_ =	shalt  }
0x53: {  	_ =	shalt  }
0x54: {  	_ =	shalt  }
0x55: {  	_ =	shalt  }
0x56: {  	_ =	shalt  }
0x57: {  	_ =	shalt  }
0x58: {  	_ =	shalt  }
0x59: {  	_ =	shalt  }
0x5a: {  	_ =	shalt  }
0x5b: {  	_ =	shalt  }
0x5c: {  	_ =	shalt  }
0x5d: {  	_ =	shalt  }
0x5e: {  	_ =	shalt  }
0x5f: {  	_ =	shalt  }
0x60: {  	_ =	shalt  }
0x61: {  	_ =	shalt  }
0x62: {  	_ =	shalt  }
0x63: {  	_ =	shalt  }
0x64: {  	_ =	shalt  }
0x65: {  	_ =	shalt  }
0x66: {  	_ =	shalt  }
0x67: {  	_ =	shalt  }
0x68: {  	_ =	shalt  }
0x69: {  	_ =	shalt  }
0x6a: {  	_ =	shalt  }
0x6b: {  	_ =	shalt  }
0x6c: {  	_ =	shalt  }
0x6d: {  	_ =	shalt  }
0x6e: {  	_ =	shalt  }
0x6f: {  	_ =	shalt  }
0x70: {  	_ =	shalt  }
0x71: {  	_ =	shalt  }
0x72: {  	_ =	shalt  }
0x73: {  	_ =	shalt  }
0x74: {  	_ =	shalt  }
0x75: {  	_ =	shalt  }
0x76: {  	_ =	shalt  }
0x77: {  	_ =	shalt  }
0x78: {  	_ =	shalt  }
0x79: {  	_ =	shalt  }
0x7a: {  	_ =	shalt  }
0x7b: {  	_ =	shalt  }
0x7c: {  	_ =	shalt  }
0x7d: {  	_ =	shalt  }
0x7e: {  	_ =	shalt  }
0x7f: {  	_ =	shalt  }
0x80: {  	_ =	shalt  }
0x81: {  	_ =	shalt  }
0x82: {  	_ =	shalt  }
0x83: {  	_ =	shalt  }
0x84: {  	_ =	shalt  }
0x85: {  	_ =	shalt  }
0x86: {  	_ =	shalt  }
0x87: {  	_ =	shalt  }
.Lfunc_end0:
.L_simem_size_0:
called_computation_lowered:
.L_overlay_start_0:
0x88: {  	s2 =	sld [smem:$0x3FD9]  }
0x89: {  	s3 =	sld [smem:$0x3FFE];
	_ =	sdelay $0x1  }
0x8a: {  	s1 =	srdreg.scid  }
0x8b: {  	s0 =	sand.u32 $0x1, s1  }
0x8c: {  	s15 =	sshll.u32 s0, $0xA;
	s2 =	sadd.s32 s3, s2  }
0x8d: {  	s2 =	sadd.s32 s2, s15  }
0x8e: {  	[smem:$0x3FC3] =	sst s2  }
0x8f: {  	_ = 	snop  }
0x90: {  	s2 =	sld [smem:$0x3FC9]  }
0x91: {  	s16 =	sld [smem:$0x3FC8]  }
0x92: {  	s4 =	sld [smem:$0x3FD0]  }
0x93: {  	s5 =	sld [smem:$0x3FC7]  }
0x94: {  	s6 =	sld [smem:$0x3FC6]  }
0x95: {  	s8 =	simm.s32 $0xA;
	s9 =	simm.s32 $0x10;
	s7 =	sld [smem:$0x3FC5]  }
0x96: {  	[smem:s9], [sflag:s8] =	dma.local [hbm:s4], $0x1  }
0x97: {  	_ =	swait.eq [sflag:s8], $0x1  }
0x98: {  	[sflag:s8] =	ssyncset.done $0x0  }
0x99: {  	s17 =	sld [smem:$0x10];
	[sflag:s8] =	ssyncadd.s32 $0xFFFFFFFF  }
0x9a: {  	s18 =	sld [smem:$0x11];
	(tm) =	ssettm $0x1  }
0x9b: {  	s19 =	sld [smem:$0x3FFB];
	_ =	sdelay $0x3  }
0x9c: {  	_ =	strace s19  }
0x9d: {  	s9 =	sld [smem:$0x3FFC];
	_ =	sdelay $0x3  }
0x9e: {  	_ =	strace s9  }
0x9f: {  	s9 =	sld [smem:$0x3FFD];
	_ =	sdelay $0x3  }
0xa0: {  	_ =	strace s9  }
0xa1: {  	_ =	strace $0x8FFFFFFF  }
0xa2: {  	s20 =	sld [smem:$0x3FDB];
	_ =	sdelay $0x1  }
0xa3: {  	s10 =	simm.s32 $_scs_section_size  }
0xa4: {  	s11 =	simm.s32 $_size__tile_overlayer_lowered;
	s12 =	simm.s32 $_tile_overlayer_lowered  }
0xa5: {  	s23 =	simm.s32 $0x1BFF;
	s22 =	sshll.u32 s12, $0x1;
	s9 =	sadd.s32 s10, s20  }
0xa6: {  	s13 =	simm.s32 $0x0;
	s21 =	sshll.u32 s11, $0x1;
	s11 =	sadd.s32 s22, s9  }
0xa7: {  	[timem:s13], [sflag:s23] =	dma.local [hbm:s11], s21  }
0xa8: {  	_ =	swait.ge [sflag:s23], s21  }
0xa9: {  	s10 =	ssub.s32 $0x0, s21;
	[sflag:s23] =	ssyncset.done $0x0  }
0xaa: {  	[sflag:s23] =	ssyncadd.s32 s10;
	_ =	sdelay $0x1  }
0xab: {  	s24 =	simm.s32 $0x1B8B  }
0xac: {  	_ =	swait.ge [sflag:s24], $0x1  }
0xad: {  	[sflag:s24] =	ssyncset.done $0x0  }
0xae: {  	s25 =	simm.s32 $0x1B8E;
	[sflag:s24] =	ssyncadd.s32 $0xFFFFFFFF  }
0xaf: {  	s26 =	simm.s32 $execute0_lowered;
	[smem:$0x3FD2] =	sst s25  }
0xb0: {  	s10 =	sshll.u32 s26, $0x1;
	_ =	strace $0x80000046;
	[dreg:$0x1] =	wrdreg $0xFFFFFFFF  }
0xb1: {  	s28 =	simm.s32 $_size_execute0_lowered;
	s9 =	sadd.s32 s9, s10;
	[dreg:$0x0] =	wrdreg $0x0  }
0xb2: {  	s10 =	sshll.u32 s28, $0x1;
	[dreg:$0x2] =	wrdreg s9  }
0xb3: {  	[dreg:$0x3] =	wrdreg s10  }
0xb4: {  	[dreg:$0x4] =	wrdreg $0xC0  }
0xb5: {  	_ =	task [dreg:s13], $0x5FFFF  }
0xb6: {  	[dreg:$0x1] =	wrdreg $0xFFFFFFFF  }
0xb7: {  	[dreg:$0x0] =	wrdreg $0x60  }
0xb8: {  	[dreg:$0x2] =	wrdreg s2  }
0xb9: {  	[dreg:$0x3] =	wrdreg s16  }
0xba: {  	[dreg:$0x4] =	wrdreg s5  }
0xbb: {  	[dreg:$0x5] =	wrdreg s6  }
0xbc: {  	[dreg:$0x6] =	wrdreg s7  }
0xbd: {  	[dreg:$0x7] =	wrdreg s17  }
0xbe: {  	[dreg:$0x8] =	wrdreg s18  }
0xbf: {  	[dreg:$0x9] =	wrdreg $0x9  }
0xc0: {  	_ =	task.clear_ibuf [dreg:s13], $0xAFFFF;
	_ =	strace $0x90000046  }
0xc1: {  	s29 =	simm.s32 $0x9;
	_ =	strace $0x80000048  }
0xc2: {  	_ =	swait.ge [sflag:s29], $0x1  }
0xc3: {  	[sflag:s29] =	ssyncadd.s32 $0xFFFFFFFF  }
0xc4: {  	_ =	strace $0x90000048  }
0xc5: {  	_ =	sfence  }
0xc6: {  	s30 =	sld [smem:$0x0];
	_ =	sdelay $0x2  }
0xc7: {  	s31 =	sshll.u32 s1, $0xD;
	s1 =	sshrl.u32 s1, $0x2  }
0xc8: {  	s3 =	sand.u32 $0x4000, s31;
	s1 =	sadd.s32 s1, s30  }
0xc9: {  	s0 =	sor.u32 s3, s0;
	s1 =	sshll.u32 s1, $0x11  }
0xca: {  	s0 =	sor.u32 s1, s0  }
0xcb: {  	s0 =	sadd.s32 $0x8F2B, s0  }
0xcc: {  	[sflag:s0] =	ssyncadd.remote.s32 $0x1  }
0xcd: {  	_ =	sfence.sel $0xFFFF  }
0xce: {  	[dreg:$0x0] =	wrdreg $0xFFFFFFFF;
	(pc) =	sbr.abs _section_cstart, $3  }
0xcf: {  	[dreg:$0x1] =	wrdreg $0xFFFFFFFF  }
0xd0: {  	_ =	task.clear_ibuf [dreg:s13], $0x2FFFF;
	_ =	strace $0x9FFFFFFF  }
0xd1: {  	(tm) =	ssettm $0x7FFFFFFF  }
tec
execute0_lowered:
.L_overlay_start_1:
0x0: {  	(tag) =	ssettag $0x1  }
0x1: {  	s0 =	rddreg [dreg:$0x0]  }
0x2: {  	v0 =	vlaneseq.u32;
	s1 =	rddreg [dreg:$0x1];
	vm0 =	vmmov $0x1;
	vm6 =	vcmask $0x1720  }
0x3: {  	s2 =	rddreg [dreg:$0x2];
	vm7 =	vcmask $0x1B20;
	v36 =	vimm.s32 $0x0;
	vm8 =	vcmask $0x2320  }
0x4: {  	s3 =	rddreg [dreg:$0x3];
	vm9 =	vmmov $0x1ff;
	vm10 =	vmmov $0x3ff;
	vm11 =	vmmov $0x7ff  }
0x5: {  	s4 =	rddreg [dreg:$0x4];
	vm12 =	vmmov $0xfff;
	vm13 =	vmmov $0x1fff;
	v0 =	vmul.u32 $0x80, v0  }
0x6: {  	s9 =	rddreg [dreg:$0x5];
	vm14 =	vmmov $0x3fff;
	vm15 =	vmmov $0x7fff;
	vm1 =	vcmask $0x310  }
0x7: {  	s11 =	rddreg [dreg:$0x6];
	s5 =	srdreg.scid;
	s8 =	simm.s32 $0x0;
	vm2 =	vcmask $0x710;
	vm3 =	vcmask $0xB10;
	v1 =	vor.u32 $0x800, v0  }
0x8: {  	s10 =	stileid.u32;
	s13 =	simm.s32 $0x80;
	s14 =	simm.s32 $0x100;
	v2 =	vor.u32 $0x1000, v0;
	v3 =	vor.u32 $0x1800, v0;
	v4 =	vor.u32 $0x2000, v0  }
0x9: {  	s15 =	simm.s32 $0x1;
	s16 =	simm.s32 $0x2;
	s18 =	simm.s32 $0x7A1400;
	v5 =	vor.u32 $0x2800, v0;
	v6 =	vor.u32 $0x3000, v0;
	v7 =	vor.u32 $0x3800, v0  }
0xa: {  	s17 =	simm.s32 $0x400;
	s19 =	simm.s32 $0x180;
	s20 =	simm.s32 $0x2180;
	v8 =	vor.u32 $0x4000, v0;
	v9 =	vor.u32 $0x4800, v0;
	v10 =	vor.u32 $0x5000, v0  }
0xb: {  	s21 =	simm.s32 $0x4180;
	s22 =	simm.s32 $0x6180;
	s23 =	simm.s32 $0x8180;
	v11 =	vor.u32 $0x5800, v0;
	v12 =	vor.u32 $0x6000, v0;
	v13 =	vor.u32 $0x6800, v0  }
0xc: {  	s24 =	simm.s32 $0xA180;
	s25 =	simm.s32 $0xC180;
	s26 =	simm.s32 $0xE180;
	v14 =	vor.u32 $0x7000, v0;
	v15 =	vor.u32 $0x7800, v0;
	v16 =	vor.u32 $0x8000, v0  }
0xd: {  	s28 =	simm.s32 $0x10180;
	s29 =	simm.s32 $0x3;
	s31 =	simm.s32 $0x18180;
	v17 =	vor.u32 $0x8800, v0;
	v18 =	vor.u32 $0x9000, v0;
	v19 =	vor.u32 $0x9800, v0  }
0xe: {  	s5 =	sand.u32 $0x1, s5;
	[smem:$0x7FF] =	sst s8;
	p0 =	seq.s32 s10, $0x0;
	v20 =	vor.u32 $0xA000, v0;
	v21 =	vor.u32 $0xA800, v0;
	v22 =	vor.u32 $0xB000, v0  }
.Ltmp0:
0xf: {  	s11 =	sadd.s32 $0x1, s11;
	s6 =	ssub.s32 $0x2, s5;
	v23 =	vor.u32 $0xB800, v0;
	v24 =	vor.u32 $0xC000, v0;
	v25 =	vor.u32 $0xC800, v0;
	(pc) =	sbr.rel .LBB2_1-.Ltmp0, $4  }
0x10: {  	p1 =	seq.s32 s5, $0x1;
	_ =	strace $0x80000047;
	s5 =	sor.u32 s10, s5;
	v26 =	vor.u32 $0xD000, v0;
	v27 =	vor.u32 $0xD800, v0;
	v28 =	vor.u32 $0xE000, v0  }
0x11: {  	s10 =	sadd.s32 $0x1, s9;
	s7 =	sshrl.u32 s6, $0x1;
	p0 =	por !p0, !p1;
	v29 =	vor.u32 $0xE800, v0;
	v30 =	vor.u32 $0xF000, v0;
	v31 =	vor.u32 $0xF800, v0  }
0x12: {  	p1 =	sne.s32 s5, $0x0;
	v32 =	vor.u32 $0x10000, v0;
	v33 =	vor.u32 $0x10800, v0;
	v37 =	vor.u32 $0x12000, v0;
	s5 =	simm.s32 $0x1A188;
	s6 =	ssub.s32 s6, s7  }
0x13: {  	v34 =	vor.u32 $0x11000, v0;
	v35 =	vor.u32 $0x11800, v0;
	v38 =	vor.u32 $0x12800, v0;
	p0 =	por !p0, !p0;
	[tilespmem:$0x1FFF0] =	vst v37;
	s7 =	simm.s32 $0x1A208;
	s12 =	smax.u32 s6, $0x1  }
.LBB2_5:
0x14: {  	s12 =	sadd.s32 $0xFFFFFFFF, s12  }
0x15: {  	p2 =	sne.s32 s12, $0x0  }
.Ltmp1:
0x16: {  	_ = 	snop;
	(pc) =	sbr.rel @!p2 .LBB2_6-.Ltmp1, $1  }
0x17: {  	_ =	sdelay $0x3  }
.LBB2_1:
.Ltmp2:
0x18: {  	(pc) =	sbr.rel @p1 .LBB2_3-.Ltmp2, $1  }
0x19: {  	_ =	sdelay $0x3  }
0x1a: {  	[tilespmem:s8], [sflag:$0x1] =	stream.linear.gather [hbm4b:s0+s8], $0x1, $0x38;
	[tilespmem:$0x1A280] =	vst v63  }
0x1b: {  	_ = 	snop  }
0x1c: {  	[tilespmem:s13], [sflag:$0x2] =	stream.linear.gather [hbm4b:s1+s8], $0x14, $0x38;
	[tilespmem:$0x1A280] =	vst v63  }
0x1d: {  	_ = 	snop  }
0x1e: {  	[tilespmem:s14], [sflag:$0x3] =	stream.linear.gather [hbm4b:s2+s8], $0x14, $0x38;
	[tilespmem:$0x1A280] =	vst v63  }
0x1f: {  	_ =	swait.ge [sflag:s15], $0x1  }
0x20: {  	[sflag:s15] =	ssyncset.done $0x0  }
0x21: {  	[sflag:s15] =	ssyncadd.s32 $0xFFFFFFFF  }
0x22: {  	_ =	swait.ge [sflag:s16], $0x14  }
0x23: {  	[sflag:s16] =	ssyncset.done $0x0  }
0x24: {  	[sflag:s16] =	ssyncadd.s32 $0xFFFFFFEC  }
0x25: {  	v39 =	vld [tilespmem:$0x0];
	_ =	sdelay $0x1  }
0x26: {  	v40 =	vld [tilespmem:$0x80];
	_ =	sdelay $0x2  }
0x27: {  	(v2sf) =	vpush v39, $0x0;
	_ =	sdelay $0x1  }
0x28: {  	v49 =	vand.u32 $0xFFFFFF80, v40  }
0x29: {  	v39 =	vadd.s32 s4, v49  }
0x2a: {  	(v2sf) =	vpush v39, $0x0;
	_ =	sdelay $0x1  }
0x2b: {  	(v2sf) =	vpush v39, $0x1;
	_ =	sdelay $0x1  }
0x2c: {  	(v2sf) =	vpush v39, $0x2;
	_ =	sdelay $0x1  }
0x2d: {  	(v2sf) =	vpush v39, $0x3;
	_ =	sdelay $0x1  }
0x2e: {  	(v2sf) =	vpush v39, $0x4;
	_ =	sdelay $0x1  }
0x2f: {  	(v2sf) =	vpush v39, $0x5  }
0x30: {  	s6 =	spop (v2sf)  }
0x31: {  	(v2sf) =	vpush v39, $0x6;
	s9 =	sand.u32 $0xFFFFF80, s6  }
0x32: {  	s9 =	sadd.s32 s3, s9  }
0x33: {  	(v2sf) =	vpush v39, $0x7;
	[tilespmem:s19], [sflag:$0x2] =	stream.strided.gather [hbm4b:s9+s17], $0x2000, s18, s17, $0x38;
	[tilespmem:$0x1A280] =	vst v63  }
0x34: {  	s30 =	spop (v2sf)  }
0x35: {  	[tilespmem:s20], [sflag:$0x2] =	stream.strided.gather [hbm4b:s30+s17], $0x2000, s18, s17, $0x38;
	[tilespmem:$0x1A280] =	vst v63  }
0x36: {  	s30 =	spop (v2sf)  }
0x37: {  	[tilespmem:s21], [sflag:$0x2] =	stream.strided.gather [hbm4b:s30+s17], $0x2000, s18, s17, $0x38;
	[tilespmem:$0x1A280] =	vst v63  }
0x38: {  	s30 =	spop (v2sf)  }
0x39: {  	[tilespmem:s22], [sflag:$0x2] =	stream.strided.gather [hbm4b:s30+s17], $0x2000, s18, s17, $0x38;
	[tilespmem:$0x1A280] =	vst v63  }
0x3a: {  	s30 =	spop (v2sf)  }
0x3b: {  	[tilespmem:s23], [sflag:$0x2] =	stream.strided.gather [hbm4b:s30+s17], $0x2000, s18, s17, $0x38;
	[tilespmem:$0x1A280] =	vst v63  }
0x3c: {  	s30 =	spop (v2sf)  }
0x3d: {  	[tilespmem:s24], [sflag:$0x2] =	stream.strided.gather [hbm4b:s30+s17], $0x2000, s18, s17, $0x38;
	[tilespmem:$0x1A280] =	vst v63  }
0x3e: {  	s30 =	spop (v2sf)  }
0x3f: {  	[tilespmem:s25], [sflag:$0x2] =	stream.strided.gather [hbm4b:s30+s17], $0x2000, s18, s17, $0x38;
	[tilespmem:$0x1A280] =	vst v63  }
0x40: {  	s30 =	spop (v2sf)  }
0x41: {  	[tilespmem:s26], [sflag:$0x2] =	stream.strided.gather [hbm4b:s30+s17], $0x2000, s18, s17, $0x38;
	[tilespmem:$0x1A280] =	vst v63  }
0x42: {  	s30 =	spop (v2sf)  }
0x43: {  	[tilespmem:s28], [sflag:$0x2] =	stream.strided.gather [hbm4b:s30+s17], $0x2000, s18, s17, $0x38;
	[tilespmem:$0x1A280] =	vst v63  }
0x44: {  	_ =	swait.ge [sflag:s16], $0x2000  }
0x45: {  	[sflag:s16] =	ssyncset.done $0x0  }
0x46: {  	[sflag:s16] =	ssyncadd.s32 $0xFFFFE000  }
0x47: {  	_ =	swait.ge [sflag:s16], $0x2000  }
0x48: {  	[sflag:s16] =	ssyncset.done $0x0  }
0x49: {  	[sflag:s16] =	ssyncadd.s32 $0xFFFFE000  }
0x4a: {  	_ =	swait.ge [sflag:s16], $0x2000  }
0x4b: {  	[sflag:s16] =	ssyncset.done $0x0  }
0x4c: {  	[sflag:s16] =	ssyncadd.s32 $0xFFFFE000  }
0x4d: {  	_ =	swait.ge [sflag:s16], $0x2000  }
0x4e: {  	[sflag:s16] =	ssyncset.done $0x0  }
0x4f: {  	[sflag:s16] =	ssyncadd.s32 $0xFFFFE000  }
0x50: {  	_ =	swait.ge [sflag:s16], $0x2000  }
0x51: {  	[sflag:s16] =	ssyncset.done $0x0  }
0x52: {  	[sflag:s16] =	ssyncadd.s32 $0xFFFFE000  }
0x53: {  	_ =	swait.ge [sflag:s16], $0x2000  }
0x54: {  	[sflag:s16] =	ssyncset.done $0x0  }
0x55: {  	[sflag:s16] =	ssyncadd.s32 $0xFFFFE000  }
0x56: {  	_ =	swait.ge [sflag:s16], $0x2000  }
0x57: {  	[sflag:s16] =	ssyncset.done $0x0  }
0x58: {  	[sflag:s16] =	ssyncadd.s32 $0xFFFFE000  }
0x59: {  	s6 =	sand.u32 $0x7F, s6;
	_ =	swait.ge [sflag:s16], $0x2000  }
0x5a: {  	v50 =	vor.u32 s6, v0;
	[sflag:s16] =	ssyncset.done $0x0  }
0x5b: {  	v43 =	vand.u32 $0x7F, v40;
	v41 =	vor.u32 s6, v1;
	[sflag:s16] =	ssyncadd.s32 $0xFFFFE000  }
0x5c: {  	v44 =	vbroadcast v43, $0x0;
	v42 =	vor.u32 s6, v2;
	_ =	swait.ge [sflag:s16], $0x2000  }
0x5d: {  	v51 =	vor.u32 s6, v3;
	[sflag:s16] =	ssyncset.done $0x0  }
0x5e: {  	v45 =	vor.u32 v4, v44;
	[sflag:s16] =	ssyncadd.s32 $0xFFFFE000  }
0x5f: {  	v47 =	vor.u32 v5, v44;
	v39 =	vld.idx.msk [tilespmem:v50+s19+$0x0], $0xffff  }
0x60: {  	v53 =	vor.u32 v6, v44;
	v41 =	vld.idx.msk [tilespmem:v41+s19+$0x0], $0xffff  }
0x61: {  	v44 =	vor.u32 v7, v44;
	v42 =	vld.idx.msk [tilespmem:v42+s19+$0x0], $0xffff  }
0x62: {  	v52 =	vld.idx.msk [tilespmem:v51+s19+$0x0], $0xffff  }
0x63: {  	v45 =	vld.idx.msk [tilespmem:v45+s19+$0x0], $0xffff  }
0x64: {  	v47 =	vld.idx.msk [tilespmem:v47+s19+$0x0], $0xffff  }
0x65: {  	v50 =	vld.idx.msk [tilespmem:v53+s19+$0x0], $0xffff  }
0x66: {  	v49 =	vbroadcast v43, $0x1;
	v44 =	vld.idx.msk [tilespmem:v44+s19+$0x0], $0xffff;
	_ =	sdelay $0x1  }
0x67: {  	v58 =	vor.u32 v8, v49  }
0x68: {  	v61 =	vor.u32 v9, v49;
	v46 =	vshrl.u32 v39, $0x10;
	v48 =	vshrl.u32 v41, $0x10  }
0x69: {  	v54 =	vshrl.u32 v42, $0x10;
	v55 =	vshrl.u32 v52, $0x10;
	v59 =	vshrl.u32 v45, $0x10  }
0x6a: {  	v51 =	vshrl.u32 v47, $0x10;
	v62 =	vshrl.u32 v50, $0x10;
	v63 =	vshrl.u32 v44, $0x10  }
0x6b: {  	v46 =	vand.u32 $0x1, v46;
	v48 =	vand.u32 $0x1, v48;
	v57 =	vand.u32 $0x1, v55  }
0x6c: {  	v60 =	vand.u32 $0x1, v51;
	v39 =	vadd.s32 v46, v39;
	v41 =	vadd.s32 v48, v41  }
0x6d: {  	v48 =	vand.u32 $0x1, v54;
	v46 =	vand.u32 $0x1, v59;
	v39 =	vadd.s32 $0x7FFF, v39  }
0x6e: {  	v41 =	vadd.s32 $0x7FFF, v41;
	v42 =	vadd.s32 v48, v42;
	v45 =	vadd.s32 v46, v45  }
0x6f: {  	v46 =	vadd.s32 v60, v47;
	v47 =	vand.u32 $0x1, v62;
	v48 =	vld.idx.msk [tilespmem:v58+s19+$0x0], $0xffff;
	v58 =	vbroadcast v43, $0x2  }
0x70: {  	v39 =	vand.u32 $0xFFFF0000, v39;
	v41 =	vand.u32 $0xFFFF0000, v41;
	v56 =	vadd.s32 $0x7FFF, v42  }
0x71: {  	v42 =	vadd.s32 v57, v52;
	v52 =	vor.u32 v10, v49;
	v45 =	vadd.s32 $0x7FFF, v45  }
0x72: {  	v51 =	vld.idx.msk [tilespmem:v61+s19+$0x0], $0xffff;
	v46 =	vadd.s32 $0x7FFF, v46;
	v47 =	vadd.s32 v47, v50;
	v49 =	vor.u32 v11, v49  }
0x73: {  	v50 =	vand.u32 $0x1, v63;
	v40 =	vand.u32 $0xFFFF0000, v56;
	v42 =	vadd.s32 $0x7FFF, v42  }
0x74: {  	v45 =	vand.u32 $0xFFFF0000, v45;
	v46 =	vand.u32 $0xFFFF0000, v46;
	v47 =	vadd.s32 $0x7FFF, v47  }
0x75: {  	v44 =	vadd.s32 v50, v44;
	v62 =	vor.u32 v12, v58;
	v54 =	vor.u32 v13, v58  }
0x76: {  	v45 =	vmul.f32 v45, v39;
	v46 =	vmul.f32 v46, v41;
	v42 =	vand.u32 $0xFFFF0000, v42  }
0x77: {  	v47 =	vand.u32 $0xFFFF0000, v47;
	v44 =	vadd.s32 $0x7FFF, v44;
	v61 =	vshrl.u32 v51, $0x10;
	v37 =	vld.idx.msk [tilespmem:v52+s19+$0x0], $0xffff  }
0x78: {  	v56 =	vmul.f32 v47, v40;
	v44 =	vand.u32 $0xFFFF0000, v44;
	v57 =	vshrl.u32 v48, $0x10;
	v60 =	vld.idx.msk [tilespmem:v49+s19+$0x0], $0xffff  }
0x79: {  	v45 =	vadd.f32 v46, v45;
	v44 =	vmul.f32 v44, v42;
	v47 =	vand.u32 $0x1, v57  }
0x7a: {  	v52 =	vor.u32 v15, v58;
	v59 =	vadd.s32 v47, v48;
	v48 =	vand.u32 $0x1, v61  }
0x7b: {  	v45 =	vadd.f32 v56, v45;
	v46 =	vadd.s32 $0x7FFF, v59;
	v48 =	vadd.s32 v48, v51  }
0x7c: {  	v49 =	vld.idx.msk [tilespmem:v62+s19+$0x0], $0xffff;
	v51 =	vbroadcast v43, $0x3;
	v46 =	vand.u32 $0xFFFF0000, v46;
	v48 =	vadd.s32 $0x7FFF, v48  }
0x7d: {  	v45 =	vadd.f32 v44, v45;
	v53 =	vshrl.u32 v37, $0x10;
	v56 =	vshrl.u32 v60, $0x10  }
0x7e: {  	v48 =	vand.u32 $0xFFFF0000, v48;
	v63 =	vand.u32 $0x1, v53;
	v53 =	vand.u32 $0x1, v56  }
0x7f: {  	v50 =	vadd.s32 v63, v37;
	v37 =	vor.u32 v14, v58;
	v47 =	vadd.s32 v53, v60;
	v53 =	vld.idx.msk [tilespmem:v54+s19+$0x0], $0xffff  }
0x80: {  	v46 =	vmul.f32 v46, v39;
	v48 =	vmul.f32 v48, v41;
	v63 =	vld.idx.msk [tilespmem:v52+s19+$0x0], $0xffff;
	v50 =	vadd.s32 $0x7FFF, v50  }
0x81: {  	v59 =	vshrl.u32 v49, $0x10;
	v47 =	vadd.s32 $0x7FFF, v47;
	v50 =	vand.u32 $0xFFFF0000, v50  }
0x82: {  	v46 =	vadd.f32 v48, v46;
	v47 =	vand.u32 $0xFFFF0000, v47;
	v57 =	vmul.f32 v50, v40  }
0x83: {  	v60 =	vor.u32 v16, v51;
	v61 =	vand.u32 $0x1, v59;
	v47 =	vmul.f32 v47, v42  }
0x84: {  	v58 =	vld.idx.msk [tilespmem:v37+s19+$0x0], $0xffff;
	v46 =	vadd.f32 v57, v46;
	v62 =	vshrl.u32 v53, $0x10;
	v37 =	vor.u32 v17, v51  }
0x85: {  	v57 =	vor.u32 v18, v51;
	v59 =	vshrl.u32 v63, $0x10;
	v51 =	vor.u32 v19, v51  }
0x86: {  	v54 =	vand.u32 $0x1, v59;
	v44 =	vadd.f32 v47, v46;
	v46 =	vadd.s32 v61, v49  }
0x87: {  	v47 =	vand.u32 $0x1, v62;
	v48 =	vadd.s32 v54, v63;
	v54 =	vbroadcast v43, $0x4  }
0x88: {  	v47 =	vadd.s32 v47, v53;
	v46 =	vadd.s32 $0x7FFF, v46;
	v48 =	vadd.s32 $0x7FFF, v48  }
0x89: {  	v47 =	vadd.s32 $0x7FFF, v47;
	v46 =	vand.u32 $0xFFFF0000, v46;
	v56 =	vshrl.u32 v58, $0x10;
	v49 =	vld.idx.msk [tilespmem:v37+s19+$0x0], $0xffff  }
0x8a: {  	v48 =	vand.u32 $0xFFFF0000, v48;
	v47 =	vand.u32 $0xFFFF0000, v47;
	v53 =	vld.idx.msk [tilespmem:v57+s19+$0x0], $0xffff;
	v52 =	vand.u32 $0x1, v56  }
0x8b: {  	v46 =	vmul.f32 v46, v39;
	v47 =	vmul.f32 v47, v41;
	v50 =	vadd.s32 v52, v58;
	v58 =	vld.idx.msk [tilespmem:v60+s19+$0x0], $0xffff  }
0x8c: {  	v55 =	vor.u32 v20, v54;
	v37 =	vor.u32 v21, v54;
	v57 =	vor.u32 v22, v54  }
0x8d: {  	v54 =	vor.u32 v23, v54;
	v50 =	vadd.s32 $0x7FFF, v50;
	v46 =	vadd.f32 v47, v46  }
0x8e: {  	v47 =	vmul.f32 v48, v42;
	v50 =	vand.u32 $0xFFFF0000, v50;
	v63 =	vshrl.u32 v49, $0x10  }
0x8f: {  	v60 =	vmul.f32 v50, v40;
	v50 =	vld.idx.msk [tilespmem:v51+s19+$0x0], $0xffff;
	v56 =	vshrl.u32 v53, $0x10;
	v51 =	vand.u32 $0x1, v63  }
0x90: {  	v59 =	vand.u32 $0x1, v56;
	v56 =	vbroadcast v43, $0x6;
	v61 =	vshrl.u32 v58, $0x10  }
0x91: {  	v52 =	vld.idx.msk [tilespmem:v37+s19+$0x0], $0xffff;
	v46 =	vadd.f32 v60, v46;
	v49 =	vadd.s32 v51, v49;
	v51 =	vadd.s32 v59, v53  }
0x92: {  	v37 =	vld.idx.msk [tilespmem:v57+s19+$0x0], $0xffff;
	v62 =	vand.u32 $0x1, v61;
	v49 =	vadd.s32 $0x7FFF, v49;
	v51 =	vadd.s32 $0x7FFF, v51  }
0x93: {  	v60 =	vld.idx.msk [tilespmem:v55+s19+$0x0], $0xffff;
	v48 =	vadd.s32 v62, v58;
	v49 =	vand.u32 $0xFFFF0000, v49;
	v46 =	vadd.f32 v47, v46  }
0x94: {  	v62 =	vand.u32 $0xFFFF0000, v51;
	v51 =	vbroadcast v43, $0x5;
	v43 =	vbroadcast v43, $0x7  }
0x95: {  	v48 =	vadd.s32 $0x7FFF, v48;
	v61 =	vshrl.u32 v50, $0x10;
	v49 =	vmul.f32 v49, v41  }
0x96: {  	v47 =	vmul.f32 v62, v40;
	v48 =	vand.u32 $0xFFFF0000, v48;
	v63 =	vand.u32 $0x1, v61  }
0x97: {  	v53 =	vld.idx.msk [tilespmem:v54+s19+$0x0], $0xffff;
	v54 =	vor.u32 v24, v51;
	v61 =	vshrl.u32 v37, $0x10;
	v48 =	vmul.f32 v48, v39  }
0x98: {  	v50 =	vadd.s32 v63, v50;
	v58 =	vshrl.u32 v60, $0x10;
	v62 =	vand.u32 $0x1, v61  }
0x99: {  	v63 =	vor.u32 v25, v51;
	v57 =	vadd.s32 $0x7FFF, v50;
	v48 =	vadd.f32 v49, v48  }
0x9a: {  	v59 =	vand.u32 $0x1, v58;
	v58 =	vor.u32 v30, v56;
	v49 =	vand.u32 $0xFFFF0000, v57  }
0x9b: {  	v47 =	vadd.f32 v47, v48;
	v48 =	vadd.s32 v59, v60;
	v60 =	vshrl.u32 v52, $0x10  }
0x9c: {  	v49 =	vmul.f32 v49, v42;
	v48 =	vadd.s32 $0x7FFF, v48;
	v50 =	vand.u32 $0x1, v60  }
0x9d: {  	v60 =	vshrl.u32 v53, $0x10;
	v50 =	vadd.s32 v50, v52;
	v52 =	vadd.s32 v62, v37  }
0x9e: {  	v54 =	vld.idx.msk [tilespmem:v54+s19+$0x0], $0xffff;
	v37 =	vor.u32 v26, v51;
	v48 =	vand.u32 $0xFFFF0000, v48;
	v57 =	vand.u32 $0x1, v60  }
0x9f: {  	v51 =	vor.u32 v27, v51;
	v47 =	vadd.f32 v49, v47;
	v52 =	vadd.s32 $0x7FFF, v52  }
0xa0: {  	v50 =	vadd.s32 $0x7FFF, v50;
	v53 =	vadd.s32 v57, v53;
	v52 =	vand.u32 $0xFFFF0000, v52  }
0xa1: {  	v50 =	vand.u32 $0xFFFF0000, v50;
	v53 =	vadd.s32 $0x7FFF, v53;
	v61 =	vmul.f32 v52, v40;
	v52 =	vld.idx.msk [tilespmem:v63+s19+$0x0], $0xffff  }
0xa2: {  	v48 =	vmul.f32 v48, v39;
	v50 =	vmul.f32 v50, v41;
	v62 =	vand.u32 $0xFFFF0000, v53  }
0xa3: {  	v63 =	vshrl.u32 v54, $0x10;
	v53 =	vor.u32 v28, v56;
	v49 =	vmul.f32 v62, v42;
	v55 =	vld.idx.msk [tilespmem:v37+s19+$0x0], $0xffff  }
0xa4: {  	v48 =	vadd.f32 v50, v48;
	v50 =	vand.u32 $0x1, v63;
	v37 =	vor.u32 v29, v56  }
0xa5: {  	v62 =	vor.u32 v33, v43;
	v51 =	vld.idx.msk [tilespmem:v51+s19+$0x0], $0xffff;
	v56 =	vor.u32 v31, v56;
	v50 =	vadd.s32 v50, v54  }
0xa6: {  	v48 =	vadd.f32 v61, v48;
	v50 =	vadd.s32 $0x7FFF, v50;
	v60 =	vshrl.u32 v52, $0x10  }
0xa7: {  	v50 =	vand.u32 $0xFFFF0000, v50;
	v54 =	vand.u32 $0x1, v60;
	v60 =	vor.u32 v32, v43  }
0xa8: {  	v53 =	vld.idx.msk [tilespmem:v53+s19+$0x0], $0xffff;
	v50 =	vmul.f32 v50, v39;
	v59 =	vshrl.u32 v55, $0x10;
	v52 =	vadd.s32 v54, v52  }
0xa9: {  	v48 =	vadd.f32 v49, v48;
	v57 =	vld.idx.msk [tilespmem:v37+s19+$0x0], $0xffff;
	v61 =	vand.u32 $0x1, v59;
	v52 =	vadd.s32 $0x7FFF, v52  }
0xaa: {  	v58 =	vld.idx.msk [tilespmem:v58+s19+$0x0], $0xffff;
	v37 =	vshrl.u32 v51, $0x10;
	v54 =	vadd.s32 v61, v55;
	v52 =	vand.u32 $0xFFFF0000, v52  }
0xab: {  	v55 =	vor.u32 v34, v43;
	v54 =	vadd.s32 $0x7FFF, v54;
	v52 =	vmul.f32 v52, v41  }
0xac: {  	v43 =	vor.u32 v35, v43;
	v63 =	vand.u32 $0xFFFF0000, v54;
	v54 =	vand.u32 $0x1, v37  }
0xad: {  	v59 =	vld.idx.msk [tilespmem:v60+s19+$0x0], $0xffff;
	v60 =	vshrl.u32 v53, $0x10;
	v50 =	vadd.f32 v52, v50;
	v49 =	vmul.f32 v63, v40  }
0xae: {  	v51 =	vadd.s32 v54, v51;
	v54 =	vld.idx.msk [tilespmem:v62+s19+$0x0], $0xffff;
	v61 =	vand.u32 $0x1, v60;
	v62 =	vshrl.u32 v57, $0x10  }
0xaf: {  	v63 =	vshrl.u32 v58, $0x10;
	v52 =	vand.u32 $0x1, v62;
	v51 =	vadd.s32 $0x7FFF, v51  }
0xb0: {  	v56 =	vld.idx.msk [tilespmem:v56+s19+$0x0], $0xffff;
	v49 =	vadd.f32 v49, v50;
	v50 =	vadd.s32 v61, v53;
	v53 =	vand.u32 $0x1, v63  }
0xb1: {  	v52 =	vadd.s32 v52, v57;
	v55 =	vld.idx.msk [tilespmem:v55+s19+$0x0], $0xffff;
	v53 =	vadd.s32 v53, v58;
	v50 =	vadd.s32 $0x7FFF, v50  }
0xb2: {  	v43 =	vld.idx.msk [tilespmem:v43+s19+$0x0], $0xffff;
	v52 =	vadd.s32 $0x7FFF, v52;
	v60 =	vshrl.u32 v59, $0x10;
	v50 =	vand.u32 $0xFFFF0000, v50  }
0xb3: {  	v52 =	vand.u32 $0xFFFF0000, v52;
	v37 =	vand.u32 $0x1, v60;
	v60 =	vshrl.u32 v54, $0x10  }
0xb4: {  	v50 =	vmul.f32 v50, v39;
	v52 =	vmul.f32 v52, v41;
	v58 =	vand.u32 $0x1, v60  }
0xb5: {  	v61 =	vshrl.u32 v56, $0x10;
	v57 =	vadd.s32 v37, v59;
	v54 =	vadd.s32 v58, v54  }
0xb6: {  	v58 =	vand.u32 $0x1, v61;
	v57 =	vadd.s32 $0x7FFF, v57;
	v50 =	vadd.f32 v52, v50  }
0xb7: {  	v63 =	vshrl.u32 v55, $0x10;
	v37 =	vshrl.u32 v43, $0x10;
	v61 =	vand.u32 $0xFFFF0000, v51  }
0xb8: {  	v56 =	vadd.s32 v58, v56;
	v54 =	vadd.s32 $0x7FFF, v54;
	v62 =	vand.u32 $0xFFFF0000, v57  }
0xb9: {  	v57 =	vand.u32 $0x1, v63;
	v52 =	vand.u32 $0x1, v37;
	v58 =	vadd.s32 $0x7FFF, v53  }
0xba: {  	v63 =	vmul.f32 v61, v42;
	v54 =	vand.u32 $0xFFFF0000, v54;
	v39 =	vmul.f32 v62, v39  }
0xbb: {  	v43 =	vadd.s32 v52, v43;
	v41 =	vmul.f32 v54, v41;
	v54 =	vadd.s32 v57, v55  }
0xbc: {  	v59 =	vand.u32 $0xFFFF0000, v58;
	v62 =	vadd.s32 $0x7FFF, v56;
	v60 =	vadd.s32 $0x7FFF, v54  }
0xbd: {  	(xrf2) =	vadd.scan.msk.f32 $0xffff, v45;
	v39 =	vadd.f32 v41, v39;
	v41 =	vmul.f32 v59, v40;
	v52 =	vand.u32 $0xFFFF0000, v60  }
0xbe: {  	(xrf2) =	vadd.scan.msk.f32 $0xffff, v44;
	v37 =	vand.u32 $0xFFFF0000, v62;
	v43 =	vadd.s32 $0x7FFF, v43;
	v40 =	vmul.f32 v52, v40  }
0xbf: {  	(xrf2) =	vadd.scan.msk.f32 $0xffff, v46;
	v45 =	vmul.f32 v37, v42;
	v43 =	vand.u32 $0xFFFF0000, v43;
	v41 =	vadd.f32 v41, v50  }
0xc0: {  	(xrf2) =	vadd.scan.msk.f32 $0xffff, v47;
	v44 =	vadd.f32 v63, v49;
	v47 =	vmul.f32 v43, v42;
	v39 =	vadd.f32 v40, v39  }
0xc1: {  	(xrf2) =	vadd.scan.msk.f32 $0xffff, v48;
	v41 =	vadd.f32 v45, v41  }
0xc2: {  	(xrf2) =	vadd.scan.msk.f32 $0xffff, v44;
	v39 =	vadd.f32 v47, v39  }
0xc3: {  	(xrf2) =	vadd.scan.msk.f32 $0xffff, v41  }
0xc4: {  	(xrf2) =	vadd.scan.msk.f32 $0xffff, v39;
	_ =	sdelay $0x2  }
0xc5: {  	v48, _, _ =	vpop (xrf2)  }
0xc6: {  	v49, _, _ =	vpop (xrf2);
	v39 =	vbroadcast v48, $0xF  }
0xc7: {  	v50, _, _ =	vpop (xrf2);
	v40 =	vbroadcast v49, $0xF  }
0xc8: {  	vm4 =	vcmask $0x320;
	v51, _, _ =	vpop (xrf2);
	v41 =	vbroadcast v50, $0xF;
	v39 =	vnsel vm0, $0x0, v39  }
0xc9: {  	v52, _, _ =	vpop (xrf2);
	v53 =	vbroadcast v51, $0xF;
	v39 =	vsel vm4, v39, v40;
	vm4 =	vcmask $0x720  }
0xca: {  	v55 =	vbroadcast v52, $0xF;
	v54, _, _ =	vpop (xrf2);
	v39 =	vsel vm4, v39, v41;
	vm4 =	vcmask $0xB20  }
0xcb: {  	v57 =	vbroadcast v54, $0xF;
	v39 =	vsel vm4, v39, v53;
	vm4 =	vcmask $0xF20;
	v56, _, _ =	vpop (xrf2)  }
0xcc: {  	v39 =	vsel vm4, v39, v55;
	vm4 =	vcmask $0x1320;
	v58 =	vbroadcast v56, $0xF;
	v59, _, _ =	vpop (xrf2)  }
0xcd: {  	v39 =	vsel vm4, v39, v57;
	v60 =	vbroadcast v59, $0xF  }
0xce: {  	v39 =	vsel vm6, v39, v58  }
0xcf: {  	v39 =	vsel vm7, v39, v60  }
0xd0: {  	v39 =	vsub.f32 $0.0e+00, v39;
	_ =	sdelay $0x1  }
0xd1: {  	v39 =	vmul.f32 $1.442695020e+00, v39  }
0xd2: {  	_ =	swait.ge [sflag:s29], $0x14  }
0xd3: {  	(erf) = vpow2.f32 v39;
	_ =	sdelay $0x8  }
0xd4: {  	v39 =	vpop (erf)  }
0xd5: {  	v39 =	vadd.f32 $1.000000000e+00, v39;
	_ =	sdelay $0x1  }
0xd6: {  	(erf) = vrcp.f32 v39;
	_ =	sdelay $0x4  }
0xd7: {  	[sflag:s29] =	ssyncset.done $0x0  }
0xd8: {  	[sflag:s29] =	ssyncadd.s32 $0xFFFFFFEC  }
0xd9: {  	v61 =	vld [tilespmem:$0x100];
	_ =	sdelay $0x1  }
0xda: {  	v62 =	vpop (erf)  }
0xdb: {  	vm4 =	vge.f32 v62, $5.000000000e-01  }
0xdc: {  	v63 =	vsel vm4, $0x1, v36  }
0xdd: {  	vm4 =	veq.s32 v61, v63  }
0xde: {  	[tilespmem:$0x1A180] =	vst v62;
	v39 =	vsel vm4, $0x1, v36  }
0xdf: {  	s30 =	simm.s32 $0x1A180;
	s9 =	rddreg [dreg:$0x5];
	[tilespmem:$0x1A200] =	vst v39  }
0xe0: {  	[hbm4b:s9+s8] =	stream.linear.scatter [tilespmem:s30], [sflag:$0x1], $0x8, $0x38;
	[tilespmem:$0x1A280] =	vst v63  }
0xe1: {  	s9 =	rddreg [dreg:$0x6];
	s30 =	simm.s32 $0x1A200  }
0xe2: {  	[hbm4b:s9+s8] =	stream.linear.scatter [tilespmem:s30], [sflag:$0x3], $0x8, $0x38;
	[tilespmem:$0x1A280] =	vst v63  }
0xe3: {  	_ =	swait.ge [sflag:s15], $0x8  }
0xe4: {  	[sflag:s15] =	ssyncset.done $0x0  }
0xe5: {  	[sflag:s15] =	ssyncadd.s32 $0xFFFFFFF8  }
0xe6: {  	_ =	swait.ge [sflag:s29], $0x8  }
0xe7: {  	[sflag:s29] =	ssyncset.done $0x0  }
0xe8: {  	[sflag:s29] =	ssyncadd.s32 $0xFFFFFFF8  }
.LBB2_3:
.Ltmp3:
0xe9: {  	(pc) =	sbr.rel @!p0 .LBB2_5-.Ltmp3, $1  }
0xea: {  	_ =	sdelay $0x3  }
0xeb: {  	[tilespmem:s8], [sflag:$0x1] =	stream.linear.gather [hbm4b:s0+s8], $0x1, $0x38;
	[tilespmem:$0x1A280] =	vst v63  }
0xec: {  	_ = 	snop  }
0xed: {  	[tilespmem:s13], [sflag:$0x2] =	stream.linear.gather [hbm4b:s1+s8], $0x14, $0x38;
	[tilespmem:$0x1A280] =	vst v63  }
0xee: {  	_ = 	snop  }
0xef: {  	[tilespmem:s14], [sflag:$0x3] =	stream.linear.gather [hbm4b:s2+s8], $0x14, $0x38;
	[tilespmem:$0x1A280] =	vst v63  }
0xf0: {  	_ =	swait.ge [sflag:s15], $0x1  }
0xf1: {  	[sflag:s15] =	ssyncset.done $0x0  }
0xf2: {  	[sflag:s15] =	ssyncadd.s32 $0xFFFFFFFF  }
0xf3: {  	_ =	swait.ge [sflag:s16], $0x14  }
0xf4: {  	[sflag:s16] =	ssyncset.done $0x0  }
0xf5: {  	[sflag:s16] =	ssyncadd.s32 $0xFFFFFFEC  }
0xf6: {  	v39 =	vld [tilespmem:$0x0];
	_ =	sdelay $0x1  }
0xf7: {  	v40 =	vld [tilespmem:$0x80];
	_ =	sdelay $0x2  }
0xf8: {  	(v2sf) =	vpush v39, $0x0;
	_ =	sdelay $0x1  }
0xf9: {  	v52 =	vand.u32 $0xFFFFFF80, v40  }
0xfa: {  	v39 =	vadd.s32 s4, v52  }
0xfb: {  	(v2sf) =	vpush v39, $0x8;
	_ =	sdelay $0x1  }
0xfc: {  	(v2sf) =	vpush v39, $0x9;
	_ =	sdelay $0x1  }
0xfd: {  	(v2sf) =	vpush v39, $0xA;
	_ =	sdelay $0x1  }
0xfe: {  	(v2sf) =	vpush v39, $0xB;
	_ =	sdelay $0x1  }
0xff: {  	(v2sf) =	vpush v39, $0xC  }
0x100: {  	v41 =	vld [tilespmem:$0x90]  }
0x101: {  	(v2sf) =	vpush v39, $0xD  }
0x102: {  	s6 =	spop (v2sf)  }
0x103: {  	(v2sf) =	vpush v39, $0xE;
	s9 =	sand.u32 $0xFFFFF80, s6  }
0x104: {  	s9 =	sadd.s32 s3, s9  }
0x105: {  	v42 =	vand.u32 $0xFFFFFF80, v41;
	(v2sf) =	vpush v39, $0xF;
	[tilespmem:s19], [sflag:$0x2] =	stream.strided.gather [hbm4b:s9+s17], $0x2000, s18, s17, $0x38;
	[tilespmem:$0x1A280] =	vst v63  }
0x106: {  	v53 =	vadd.s32 s4, v42;
	s30 =	spop (v2sf)  }
0x107: {  	(v2sf) =	vpush v53, $0x0;
	[tilespmem:s20], [sflag:$0x2] =	stream.strided.gather [hbm4b:s30+s17], $0x2000, s18, s17, $0x38;
	[tilespmem:$0x1A280] =	vst v63  }
0x108: {  	s30 =	spop (v2sf)  }
0x109: {  	(v2sf) =	vpush v53, $0x1;
	[tilespmem:s21], [sflag:$0x2] =	stream.strided.gather [hbm4b:s30+s17], $0x2000, s18, s17, $0x38;
	[tilespmem:$0x1A280] =	vst v63  }
0x10a: {  	s30 =	spop (v2sf)  }
0x10b: {  	(v2sf) =	vpush v53, $0x2;
	[tilespmem:s22], [sflag:$0x2] =	stream.strided.gather [hbm4b:s30+s17], $0x2000, s18, s17, $0x38;
	[tilespmem:$0x1A280] =	vst v63  }
0x10c: {  	s30 =	spop (v2sf)  }
0x10d: {  	(v2sf) =	vpush v53, $0x3;
	[tilespmem:s23], [sflag:$0x2] =	stream.strided.gather [hbm4b:s30+s17], $0x2000, s18, s17, $0x38;
	[tilespmem:$0x1A280] =	vst v63  }
0x10e: {  	s30 =	spop (v2sf)  }
0x10f: {  	[tilespmem:s24], [sflag:$0x2] =	stream.strided.gather [hbm4b:s30+s17], $0x2000, s18, s17, $0x38;
	[tilespmem:$0x1A280] =	vst v63  }
0x110: {  	s30 =	spop (v2sf)  }
0x111: {  	[tilespmem:s25], [sflag:$0x2] =	stream.strided.gather [hbm4b:s30+s17], $0x2000, s18, s17, $0x38;
	[tilespmem:$0x1A280] =	vst v63  }
0x112: {  	s30 =	spop (v2sf)  }
0x113: {  	[tilespmem:s26], [sflag:$0x2] =	stream.strided.gather [hbm4b:s30+s17], $0x2000, s18, s17, $0x38;
	[tilespmem:$0x1A280] =	vst v63  }
0x114: {  	s30 =	spop (v2sf)  }
0x115: {  	[tilespmem:s28], [sflag:$0x2] =	stream.strided.gather [hbm4b:s30+s17], $0x2000, s18, s17, $0x38;
	[tilespmem:$0x1A280] =	vst v63  }
0x116: {  	s9 =	spop (v2sf);
	s30 =	simm.s32 $0x12180  }
0x117: {  	[tilespmem:s30], [sflag:$0x2] =	stream.strided.gather [hbm4b:s9+s17], $0x2000, s18, s17, $0x38;
	[tilespmem:$0x1A280] =	vst v63  }
0x118: {  	s9 =	spop (v2sf);
	s30 =	simm.s32 $0x14180  }
0x119: {  	[tilespmem:s30], [sflag:$0x2] =	stream.strided.gather [hbm4b:s9+s17], $0x2000, s18, s17, $0x38;
	[tilespmem:$0x1A280] =	vst v63  }
0x11a: {  	s9 =	spop (v2sf);
	s30 =	simm.s32 $0x16180  }
0x11b: {  	[tilespmem:s30], [sflag:$0x2] =	stream.strided.gather [hbm4b:s9+s17], $0x2000, s18, s17, $0x38;
	[tilespmem:$0x1A280] =	vst v63  }
0x11c: {  	s30 =	spop (v2sf)  }
0x11d: {  	[tilespmem:s31], [sflag:$0x2] =	stream.strided.gather [hbm4b:s30+s17], $0x2000, s18, s17, $0x38;
	[tilespmem:$0x1A280] =	vst v63  }
0x11e: {  	_ =	swait.ge [sflag:s16], $0x2000  }
0x11f: {  	[sflag:s16] =	ssyncset.done $0x0  }
0x120: {  	[sflag:s16] =	ssyncadd.s32 $0xFFFFE000  }
0x121: {  	_ =	swait.ge [sflag:s16], $0x2000  }
0x122: {  	[sflag:s16] =	ssyncset.done $0x0  }
0x123: {  	[sflag:s16] =	ssyncadd.s32 $0xFFFFE000  }
0x124: {  	_ =	swait.ge [sflag:s16], $0x2000  }
0x125: {  	[sflag:s16] =	ssyncset.done $0x0  }
0x126: {  	[sflag:s16] =	ssyncadd.s32 $0xFFFFE000  }
0x127: {  	_ =	swait.ge [sflag:s16], $0x2000  }
0x128: {  	[sflag:s16] =	ssyncset.done $0x0  }
0x129: {  	[sflag:s16] =	ssyncadd.s32 $0xFFFFE000  }
0x12a: {  	_ =	swait.ge [sflag:s16], $0x2000  }
0x12b: {  	[sflag:s16] =	ssyncset.done $0x0  }
0x12c: {  	[sflag:s16] =	ssyncadd.s32 $0xFFFFE000  }
0x12d: {  	_ =	swait.ge [sflag:s16], $0x2000  }
0x12e: {  	[sflag:s16] =	ssyncset.done $0x0  }
0x12f: {  	[sflag:s16] =	ssyncadd.s32 $0xFFFFE000  }
0x130: {  	_ =	swait.ge [sflag:s16], $0x2000  }
0x131: {  	[sflag:s16] =	ssyncset.done $0x0  }
0x132: {  	[sflag:s16] =	ssyncadd.s32 $0xFFFFE000  }
0x133: {  	_ =	swait.ge [sflag:s16], $0x2000  }
0x134: {  	[sflag:s16] =	ssyncset.done $0x0  }
0x135: {  	[sflag:s16] =	ssyncadd.s32 $0xFFFFE000  }
0x136: {  	_ =	swait.ge [sflag:s16], $0x2000  }
0x137: {  	[sflag:s16] =	ssyncset.done $0x0  }
0x138: {  	[sflag:s16] =	ssyncadd.s32 $0xFFFFE000  }
0x139: {  	_ =	swait.ge [sflag:s16], $0x2000  }
0x13a: {  	[sflag:s16] =	ssyncset.done $0x0  }
0x13b: {  	[sflag:s16] =	ssyncadd.s32 $0xFFFFE000  }
0x13c: {  	_ =	swait.ge [sflag:s16], $0x2000  }
0x13d: {  	[sflag:s16] =	ssyncset.done $0x0  }
0x13e: {  	[sflag:s16] =	ssyncadd.s32 $0xFFFFE000  }
0x13f: {  	s6 =	sand.u32 $0x7F, s6;
	_ =	swait.ge [sflag:s16], $0x2000  }
0x140: {  	v54 =	vor.u32 s6, v0;
	[sflag:s16] =	ssyncset.done $0x0  }
0x141: {  	v48 =	vand.u32 $0x7F, v40;
	v55 =	vor.u32 s6, v1;
	[sflag:s16] =	ssyncadd.s32 $0xFFFFE000  }
0x142: {  	v40 =	vbroadcast v48, $0x8;
	v43 =	vor.u32 s6, v2;
	_ =	swait.ge [sflag:s16], $0x2000  }
0x143: {  	v44 =	vor.u32 s6, v3;
	[sflag:s16] =	ssyncset.done $0x0  }
0x144: {  	v45 =	vor.u32 v4, v40;
	[sflag:s16] =	ssyncadd.s32 $0xFFFFE000  }
0x145: {  	v47 =	vor.u32 v5, v40;
	v39 =	vld.idx.msk [tilespmem:v54+s19+$0x0], $0xffff  }
0x146: {  	v63 =	vbroadcast v48, $0x9;
	v42 =	vld.idx.msk [tilespmem:v55+s19+$0x0], $0xffff  }
0x147: {  	v50 =	vor.u32 v6, v40;
	v46 =	vld.idx.msk [tilespmem:v43+s19+$0x0], $0xffff  }
0x148: {  	v52 =	vor.u32 v8, v63;
	v44 =	vld.idx.msk [tilespmem:v44+s19+$0x0], $0xffff  }
0x149: {  	v45 =	vld.idx.msk [tilespmem:v45+s19+$0x0], $0xffff  }
0x14a: {  	v47 =	vld.idx.msk [tilespmem:v47+s19+$0x0], $0xffff  }
0x14b: {  	v51 =	vor.u32 v7, v40  }
0x14c: {  	v53 =	vor.u32 v10, v63;
	v43 =	vand.u32 $0x7F, v41;
	v62 =	vld.idx.msk [tilespmem:v50+s19+$0x0], $0xffff;
	v56 =	vshrl.u32 v39, $0x10  }
0x14d: {  	v52 =	vld.idx.msk [tilespmem:v52+s19+$0x0], $0xffff;
	v57 =	vshrl.u32 v42, $0x10;
	v58 =	vshrl.u32 v46, $0x10;
	v55 =	vshrl.u32 v44, $0x10  }
0x14e: {  	v49 =	vand.u32 $0x1, v56;
	v41 =	vand.u32 $0x1, v57;
	v59 =	vand.u32 $0x1, v58  }
0x14f: {  	v56 =	vshrl.u32 v45, $0x10;
	v57 =	vshrl.u32 v47, $0x10;
	v58 =	vor.u32 v9, v63  }
0x150: {  	v39 =	vadd.s32 v49, v39;
	v41 =	vadd.s32 v41, v42;
	v42 =	vadd.s32 v59, v46  }
0x151: {  	v49 =	vand.u32 $0x1, v55;
	v50 =	vand.u32 $0x1, v56;
	v59 =	vshrl.u32 v62, $0x10  }
0x152: {  	v51 =	vld.idx.msk [tilespmem:v51+s19+$0x0], $0xffff;
	v46 =	vor.u32 v11, v63;
	v63 =	vbroadcast v48, $0xA;
	v55 =	vshrl.u32 v52, $0x10  }
0x153: {  	v39 =	vadd.s32 $0x7FFF, v39;
	v60 =	vadd.s32 $0x7FFF, v41;
	v61 =	vadd.s32 $0x7FFF, v42  }
0x154: {  	v44 =	vadd.s32 v49, v44;
	v45 =	vadd.s32 v50, v45;
	v49 =	vand.u32 $0x1, v57  }
0x155: {  	v56 =	vand.u32 $0x1, v55;
	v40 =	vand.u32 $0xFFFF0000, v39;
	v41 =	vand.u32 $0xFFFF0000, v60  }
0x156: {  	v39 =	vand.u32 $0xFFFF0000, v61;
	v45 =	vadd.s32 $0x7FFF, v45;
	v47 =	vadd.s32 v49, v47  }
0x157: {  	v49 =	vand.u32 $0x1, v59;
	v60 =	vshrl.u32 v51, $0x10;
	v44 =	vadd.s32 $0x7FFF, v44  }
0x158: {  	v61 =	vld.idx.msk [tilespmem:v53+s19+$0x0], $0xffff;
	v57 =	vor.u32 v12, v63;
	v54 =	vor.u32 v13, v63;
	v53 =	vor.u32 v15, v63  }
0x159: {  	v45 =	vand.u32 $0xFFFF0000, v45;
	v47 =	vadd.s32 $0x7FFF, v47;
	v42 =	vadd.s32 v49, v62  }
0x15a: {  	v49 =	vand.u32 $0x1, v60;
	v60 =	vor.u32 v14, v63;
	v47 =	vand.u32 $0xFFFF0000, v47  }
0x15b: {  	v42 =	vadd.s32 $0x7FFF, v42;
	v49 =	vadd.s32 v49, v51;
	v45 =	vmul.f32 v45, v40;
	v50 =	vld.idx.msk [tilespmem:v58+s19+$0x0], $0xffff  }
0x15c: {  	v47 =	vmul.f32 v47, v41;
	v42 =	vand.u32 $0xFFFF0000, v42;
	v49 =	vadd.s32 $0x7FFF, v49  }
0x15d: {  	v46 =	vld.idx.msk [tilespmem:v46+s19+$0x0], $0xffff;
	v62 =	vmul.f32 v42, v39;
	v42 =	vand.u32 $0xFFFF0000, v44;
	v37 =	vand.u32 $0xFFFF0000, v49  }
0x15e: {  	v45 =	vadd.f32 v47, v45;
	v47 =	vadd.s32 v56, v52;
	v55 =	vshrl.u32 v61, $0x10  }
0x15f: {  	v49 =	vld.idx.msk [tilespmem:v57+s19+$0x0], $0xffff;
	v44 =	vmul.f32 v37, v42;
	v47 =	vadd.s32 $0x7FFF, v47;
	v59 =	vand.u32 $0x1, v55  }
0x160: {  	v54 =	vld.idx.msk [tilespmem:v54+s19+$0x0], $0xffff;
	v45 =	vadd.f32 v62, v45;
	v58 =	vshrl.u32 v50, $0x10;
	v51 =	vadd.s32 v59, v61  }
0x161: {  	v47 =	vand.u32 $0xFFFF0000, v47;
	v52 =	vand.u32 $0x1, v58;
	v51 =	vadd.s32 $0x7FFF, v51  }
0x162: {  	v55 =	vld.idx.msk [tilespmem:v60+s19+$0x0], $0xffff;
	v61 =	vshrl.u32 v46, $0x10;
	v47 =	vmul.f32 v47, v40;
	v50 =	vadd.s32 v52, v50  }
0x163: {  	v52 =	vand.u32 $0x1, v61;
	v51 =	vand.u32 $0xFFFF0000, v51;
	v44 =	vadd.f32 v44, v45  }
0x164: {  	v50 =	vadd.s32 $0x7FFF, v50;
	v46 =	vadd.s32 v52, v46;
	v52 =	vbroadcast v48, $0xB  }
0x165: {  	v62 =	vmul.f32 v51, v39;
	v57 =	vshrl.u32 v49, $0x10;
	v58 =	vshrl.u32 v54, $0x10  }
0x166: {  	v50 =	vand.u32 $0xFFFF0000, v50;
	v46 =	vadd.s32 $0x7FFF, v46;
	v63 =	vor.u32 v16, v52  }
0x167: {  	v59 =	vand.u32 $0x1, v58;
	v61 =	vshrl.u32 v55, $0x10;
	v60 =	vor.u32 v17, v52  }
0x168: {  	v53 =	vld.idx.msk [tilespmem:v53+s19+$0x0], $0xffff;
	v37 =	vand.u32 $0xFFFF0000, v46;
	v46 =	vand.u32 $0x1, v57;
	v56 =	vor.u32 v18, v52  }
0x169: {  	v50 =	vmul.f32 v50, v41;
	v52 =	vor.u32 v19, v52;
	v46 =	vadd.s32 v46, v49  }
0x16a: {  	v49 =	vadd.s32 v59, v54;
	v54 =	vand.u32 $0x1, v61;
	v45 =	vmul.f32 v37, v42  }
0x16b: {  	v47 =	vadd.f32 v50, v47;
	v46 =	vadd.s32 $0x7FFF, v46;
	v49 =	vadd.s32 $0x7FFF, v49;
	v51 =	vld.idx.msk [tilespmem:v63+s19+$0x0], $0xffff  }
0x16c: {  	v54 =	vadd.s32 v54, v55;
	v46 =	vand.u32 $0xFFFF0000, v46;
	v49 =	vand.u32 $0xFFFF0000, v49;
	v50 =	vld.idx.msk [tilespmem:v60+s19+$0x0], $0xffff  }
0x16d: {  	v54 =	vadd.s32 $0x7FFF, v54;
	v47 =	vadd.f32 v62, v47;
	v62 =	vshrl.u32 v53, $0x10;
	v63 =	vld.idx.msk [tilespmem:v56+s19+$0x0], $0xffff  }
0x16e: {  	v46 =	vmul.f32 v46, v40;
	v49 =	vmul.f32 v49, v41;
	v54 =	vand.u32 $0xFFFF0000, v54  }
0x16f: {  	v55 =	vand.u32 $0x1, v62;
	v37 =	vmul.f32 v54, v39;
	v56 =	vbroadcast v48, $0xC  }
0x170: {  	v53 =	vadd.s32 v55, v53;
	v46 =	vadd.f32 v49, v46;
	v55 =	vbroadcast v48, $0xD  }
0x171: {  	v53 =	vadd.s32 $0x7FFF, v53;
	v61 =	vor.u32 v20, v56;
	v58 =	vshrl.u32 v51, $0x10  }
0x172: {  	v60 =	vshrl.u32 v50, $0x10;
	v57 =	vshrl.u32 v63, $0x10;
	v54 =	vand.u32 $0x1, v58  }
0x173: {  	v62 =	vand.u32 $0x1, v57;
	v59 =	vadd.s32 v54, v51;
	v51 =	vld.idx.msk [tilespmem:v52+s19+$0x0], $0xffff;
	v52 =	vand.u32 $0x1, v60  }
0x174: {  	v50 =	vadd.s32 v52, v50;
	v52 =	vadd.s32 v62, v63;
	v63 =	vor.u32 v22, v56  }
0x175: {  	v53 =	vand.u32 $0xFFFF0000, v53;
	v58 =	vor.u32 v21, v56;
	v56 =	vor.u32 v23, v56  }
0x176: {  	v46 =	vadd.f32 v37, v46;
	v54 =	vld.idx.msk [tilespmem:v61+s19+$0x0], $0xffff;
	v60 =	vmul.f32 v53, v42;
	v49 =	vadd.s32 $0x7FFF, v59  }
0x177: {  	v49 =	vand.u32 $0xFFFF0000, v49;
	v50 =	vadd.s32 $0x7FFF, v50;
	v52 =	vadd.s32 $0x7FFF, v52  }
0x178: {  	v46 =	vadd.f32 v60, v46;
	v50 =	vand.u32 $0xFFFF0000, v50;
	v49 =	vmul.f32 v49, v40  }
0x179: {  	v52 =	vand.u32 $0xFFFF0000, v52;
	v50 =	vmul.f32 v50, v41;
	v37 =	vshrl.u32 v51, $0x10;
	v53 =	vld.idx.msk [tilespmem:v63+s19+$0x0], $0xffff  }
0x17a: {  	v59 =	vmul.f32 v52, v39;
	v57 =	vand.u32 $0x1, v37;
	v37 =	vor.u32 v24, v55;
	v60 =	vld.idx.msk [tilespmem:v56+s19+$0x0], $0xffff  }
0x17b: {  	v49 =	vadd.f32 v50, v49;
	v63 =	vshrl.u32 v54, $0x10;
	v51 =	vadd.s32 v57, v51;
	v57 =	vld.idx.msk [tilespmem:v58+s19+$0x0], $0xffff  }
0x17c: {  	v58 =	vand.u32 $0x1, v63;
	v51 =	vadd.s32 $0x7FFF, v51  }
0x17d: {  	v61 =	vadd.f32 v59, v49;
	v49 =	vadd.s32 v58, v54;
	v51 =	vand.u32 $0xFFFF0000, v51  }
0x17e: {  	v47 =	vadd.f32 v45, v47;
	v49 =	vadd.s32 $0x7FFF, v49;
	v62 =	vmul.f32 v51, v42  }
0x17f: {  	v63 =	vor.u32 v26, v55;
	v49 =	vand.u32 $0xFFFF0000, v49;
	v51 =	vld.idx.msk [tilespmem:v37+s19+$0x0], $0xffff;
	v37 =	vshrl.u32 v60, $0x10  }
0x180: {  	v49 =	vmul.f32 v49, v40;
	v45 =	vadd.f32 v62, v61;
	v59 =	vshrl.u32 v57, $0x10  }
0x181: {  	v61 =	vor.u32 v25, v55;
	v62 =	vshrl.u32 v53, $0x10;
	v50 =	vand.u32 $0x1, v59  }
0x182: {  	v55 =	vor.u32 v27, v55;
	v56 =	vand.u32 $0x1, v62;
	v50 =	vadd.s32 v50, v57  }
0x183: {  	v53 =	vadd.s32 v56, v53;
	v56 =	vand.u32 $0x1, v37;
	v50 =	vadd.s32 $0x7FFF, v50  }
0x184: {  	v53 =	vadd.s32 $0x7FFF, v53;
	v52 =	vadd.s32 v56, v60;
	v56 =	vbroadcast v48, $0xE  }
0x185: {  	v48 =	vbroadcast v48, $0xF;
	v50 =	vand.u32 $0xFFFF0000, v50;
	v53 =	vand.u32 $0xFFFF0000, v53  }
0x186: {  	v52 =	vadd.s32 $0x7FFF, v52;
	v50 =	vmul.f32 v50, v41;
	v54 =	vld.idx.msk [tilespmem:v61+s19+$0x0], $0xffff;
	v58 =	vor.u32 v28, v56  }
0x187: {  	v60 =	vmul.f32 v53, v39;
	v53 =	vld.idx.msk [tilespmem:v63+s19+$0x0], $0xffff;
	v61 =	vshrl.u32 v51, $0x10;
	v57 =	vor.u32 v29, v56  }
0x188: {  	v52 =	vand.u32 $0xFFFF0000, v52;
	v55 =	vld.idx.msk [tilespmem:v55+s19+$0x0], $0xffff;
	v63 =	vand.u32 $0x1, v61;
	v49 =	vadd.f32 v50, v49  }
0x189: {  	v59 =	vor.u32 v32, v48;
	v62 =	vmul.f32 v52, v42;
	v51 =	vadd.s32 v63, v51  }
0x18a: {  	v63 =	vor.u32 v30, v56;
	v49 =	vadd.f32 v60, v49;
	v60 =	vadd.s32 $0x7FFF, v51  }
0x18b: {  	v56 =	vor.u32 v31, v56;
	v37 =	vshrl.u32 v54, $0x10;
	v50 =	vand.u32 $0xFFFF0000, v60;
	v58 =	vld.idx.msk [tilespmem:v58+s19+$0x0], $0xffff  }
0x18c: {  	v57 =	vld.idx.msk [tilespmem:v57+s19+$0x0], $0xffff;
	v49 =	vadd.f32 v62, v49;
	v61 =	vand.u32 $0x1, v37;
	v62 =	vshrl.u32 v53, $0x10  }
0x18d: {  	v37 =	vshrl.u32 v55, $0x10;
	v51 =	vadd.s32 v61, v54;
	v52 =	vand.u32 $0x1, v62  }
0x18e: {  	v50 =	vmul.f32 v50, v40;
	v51 =	vadd.s32 $0x7FFF, v51;
	v52 =	vadd.s32 v52, v53  }
0x18f: {  	v53 =	vand.u32 $0x1, v37;
	v51 =	vand.u32 $0xFFFF0000, v51;
	v52 =	vadd.s32 $0x7FFF, v52  }
0x190: {  	v54 =	vld.idx.msk [tilespmem:v63+s19+$0x0], $0xffff;
	v53 =	vadd.s32 v53, v55;
	v52 =	vand.u32 $0xFFFF0000, v52;
	v51 =	vmul.f32 v51, v41  }
0x191: {  	v55 =	vld.idx.msk [tilespmem:v56+s19+$0x0], $0xffff;
	v60 =	vshrl.u32 v58, $0x10;
	v63 =	vshrl.u32 v57, $0x10;
	v61 =	vmul.f32 v52, v39  }
0x192: {  	v62 =	vand.u32 $0x1, v60;
	v60 =	vand.u32 $0x1, v63;
	v50 =	vadd.f32 v51, v50  }
0x193: {  	v52 =	vadd.s32 v62, v58;
	v58 =	vor.u32 v33, v48;
	v62 =	vor.u32 v34, v48  }
0x194: {  	v48 =	vor.u32 v35, v48;
	v37 =	vadd.s32 $0x7FFF, v52;
	v52 =	vadd.s32 v60, v57  }
0x195: {  	v59 =	vld.idx.msk [tilespmem:v59+s19+$0x0], $0xffff;
	v50 =	vadd.f32 v61, v50;
	v61 =	vshrl.u32 v54, $0x10;
	v51 =	vand.u32 $0xFFFF0000, v37  }
0x196: {  	v52 =	vadd.s32 $0x7FFF, v52;
	v63 =	vshrl.u32 v55, $0x10;
	v56 =	vand.u32 $0x1, v61  }
0x197: {  	v52 =	vand.u32 $0xFFFF0000, v52;
	v51 =	vmul.f32 v51, v40;
	v54 =	vadd.s32 v56, v54  }
0x198: {  	v56 =	vand.u32 $0x1, v63;
	v52 =	vmul.f32 v52, v41;
	v54 =	vadd.s32 $0x7FFF, v54;
	v58 =	vld.idx.msk [tilespmem:v58+s19+$0x0], $0xffff  }
0x199: {  	v53 =	vadd.s32 $0x7FFF, v53;
	v55 =	vadd.s32 v56, v55;
	v56 =	vld.idx.msk [tilespmem:v62+s19+$0x0], $0xffff;
	v54 =	vand.u32 $0xFFFF0000, v54  }
0x19a: {  	v60 =	vshrl.u32 v59, $0x10;
	v48 =	vld.idx.msk [tilespmem:v48+s19+$0x0], $0xffff;
	v51 =	vadd.f32 v52, v51;
	v37 =	vmul.f32 v54, v39  }
0x19b: {  	v53 =	vand.u32 $0xFFFF0000, v53;
	v57 =	vbroadcast v43, $0x0;
	v54 =	vand.u32 $0x1, v60  }
0x19c: {  	v53 =	vmul.f32 v53, v42;
	v61 =	vadd.s32 v54, v59;
	v52 =	vadd.f32 v37, v51;
	v37 =	vld [tilespmem:$0x1FFF0]  }
0x19d: {  	v60 =	vor.u32 v38, v57;
	v51 =	vadd.s32 $0x7FFF, v61;
	v62 =	vshrl.u32 v58, $0x10  }
0x19e: {  	v51 =	vand.u32 $0xFFFF0000, v51;
	v63 =	vshrl.u32 v56, $0x10;
	v54 =	vand.u32 $0x1, v62  }
0x19f: {  	v61 =	vshrl.u32 v48, $0x10;
	v51 =	vmul.f32 v51, v40;
	v54 =	vadd.s32 v54, v58  }
0x1a0: {  	v62 =	vor.u32 $0x13800, v0;
	v58 =	vand.u32 $0x1, v63;
	v54 =	vadd.s32 $0x7FFF, v54  }
0x1a1: {  	v56 =	vadd.s32 v58, v56;
	v59 =	vor.u32 v37, v57;
	v37 =	vor.u32 $0x13000, v0  }
0x1a2: {  	v54 =	vand.u32 $0xFFFF0000, v54;
	v56 =	vadd.s32 $0x7FFF, v56;
	v58 =	vor.u32 v37, v57  }
0x1a3: {  	v54 =	vmul.f32 v54, v41;
	v56 =	vand.u32 $0xFFFF0000, v56;
	v57 =	vor.u32 v62, v57  }
0x1a4: {  	v55 =	vadd.s32 $0x7FFF, v55;
	v61 =	vand.u32 $0x1, v61;
	v37 =	vmul.f32 v56, v39;
	v56 =	vld.idx.msk [tilespmem:v60+s19+$0x0], $0xffff  }
0x1a5: {  	v55 =	vand.u32 $0xFFFF0000, v55;
	v48 =	vadd.s32 v61, v48;
	v51 =	vadd.f32 v54, v51  }
0x1a6: {  	v55 =	vmul.f32 v55, v42;
	v48 =	vadd.s32 $0x7FFF, v48;
	v60 =	vbroadcast v43, $0x1;
	v59 =	vld.idx.msk [tilespmem:v59+s19+$0x0], $0xffff  }
0x1a7: {  	v48 =	vand.u32 $0xFFFF0000, v48;
	v54 =	vadd.f32 v37, v51;
	v51 =	vor.u32 $0x14000, v0  }
0x1a8: {  	v48 =	vmul.f32 v48, v42;
	v62 =	vor.u32 v51, v60;
	v51 =	vadd.f32 v53, v50;
	v53 =	vld.idx.msk [tilespmem:v57+s19+$0x0], $0xffff  }
0x1a9: {  	v58 =	vld.idx.msk [tilespmem:v58+s19+$0x0], $0xffff;
	v63 =	vshrl.u32 v56, $0x10  }
0x1aa: {  	v50 =	vadd.f32 v55, v52;
	v48 =	vadd.f32 v48, v54;
	v54 =	vand.u32 $0x1, v63  }
0x1ab: {  	v63 =	vor.u32 $0x15000, v0;
	v54 =	vadd.s32 v54, v56;
	v37 =	vshrl.u32 v59, $0x10  }
0x1ac: {  	v54 =	vadd.s32 $0x7FFF, v54;
	v61 =	vand.u32 $0x1, v37;
	v37 =	vor.u32 $0x14800, v0  }
0x1ad: {  	v57 =	vld.idx.msk [tilespmem:v62+s19+$0x0], $0xffff;
	v54 =	vand.u32 $0xFFFF0000, v54;
	v62 =	vshrl.u32 v53, $0x10;
	v52 =	vadd.s32 v61, v59  }
0x1ae: {  	v61 =	vshrl.u32 v58, $0x10;
	v55 =	vor.u32 v37, v60;
	v54 =	vmul.f32 v54, v41  }
0x1af: {  	v59 =	vor.u32 v63, v60;
	v52 =	vadd.s32 $0x7FFF, v52;
	v56 =	vand.u32 $0x1, v61  }
0x1b0: {  	v52 =	vand.u32 $0xFFFF0000, v52;
	v56 =	vadd.s32 v56, v58;
	v58 =	vand.u32 $0x1, v62  }
0x1b1: {  	v62 =	vor.u32 $0x15800, v0;
	v52 =	vmul.f32 v52, v40;
	v56 =	vadd.s32 $0x7FFF, v56  }
0x1b2: {  	v53 =	vadd.s32 v58, v53;
	v58 =	vor.u32 v62, v60;
	v56 =	vand.u32 $0xFFFF0000, v56  }
0x1b3: {  	v61 =	vshrl.u32 v57, $0x10;
	v53 =	vadd.s32 $0x7FFF, v53;
	v52 =	vadd.f32 v54, v52;
	v54 =	vld.idx.msk [tilespmem:v55+s19+$0x0], $0xffff  }
0x1b4: {  	v37 =	vmul.f32 v56, v39;
	v56 =	vand.u32 $0x1, v61;
	v53 =	vand.u32 $0xFFFF0000, v53  }
0x1b5: {  	v63 =	vadd.s32 v56, v57;
	v53 =	vmul.f32 v53, v42;
	v56 =	vld.idx.msk [tilespmem:v59+s19+$0x0], $0xffff  }
0x1b6: {  	v57 =	vbroadcast v43, $0x2;
	v43 =	vbroadcast v43, $0x3;
	v55 =	vadd.s32 $0x7FFF, v63  }
0x1b7: {  	v52 =	vadd.f32 v37, v52;
	v37 =	vor.u32 $0x16000, v0;
	v55 =	vand.u32 $0xFFFF0000, v55  }
0x1b8: {  	v60 =	vor.u32 v37, v57;
	v37 =	vor.u32 $0x16800, v0;
	v59 =	vshrl.u32 v54, $0x10  }
0x1b9: {  	v58 =	vld.idx.msk [tilespmem:v58+s19+$0x0], $0xffff;
	v61 =	vor.u32 v37, v57;
	v37 =	vor.u32 $0x17000, v0;
	v59 =	vand.u32 $0x1, v59  }
0x1ba: {  	v55 =	vmul.f32 v55, v40;
	v63 =	vshrl.u32 v56, $0x10;
	v54 =	vadd.s32 v59, v54  }
0x1bb: {  	v59 =	vor.u32 v37, v57;
	v37 =	vor.u32 $0x18000, v0;
	v63 =	vand.u32 $0x1, v63  }
0x1bc: {  	v54 =	vadd.s32 $0x7FFF, v54;
	v62 =	vor.u32 v37, v43;
	v37 =	vor.u32 $0x18800, v0  }
0x1bd: {  	v56 =	vadd.s32 v63, v56;
	v60 =	vld.idx.msk [tilespmem:v60+s19+$0x0], $0xffff;
	v63 =	vor.u32 $0x17800, v0;
	v54 =	vand.u32 $0xFFFF0000, v54  }
0x1be: {  	v37 =	vor.u32 v37, v43;
	v57 =	vor.u32 v63, v57;
	v63 =	vshrl.u32 v58, $0x10  }
0x1bf: {  	v56 =	vadd.s32 $0x7FFF, v56;
	v61 =	vld.idx.msk [tilespmem:v61+s19+$0x0], $0xffff;
	v63 =	vand.u32 $0x1, v63;
	v54 =	vmul.f32 v54, v41  }
0x1c0: {  	v52 =	vadd.f32 v53, v52;
	v53 =	vand.u32 $0xFFFF0000, v56;
	v56 =	vadd.s32 v63, v58  }
0x1c1: {  	v53 =	vmul.f32 v53, v39;
	v59 =	vld.idx.msk [tilespmem:v59+s19+$0x0], $0xffff;
	v54 =	vadd.f32 v54, v55;
	v55 =	vor.u32 $0x19000, v0  }
0x1c2: {  	v63 =	vor.u32 $0x19800, v0;
	v58 =	vld.idx.msk [tilespmem:v62+s19+$0x0], $0xffff;
	v62 =	vshrl.u32 v60, $0x10;
	v55 =	vor.u32 v55, v43  }
0x1c3: {  	v43 =	vor.u32 v63, v43;
	v62 =	vand.u32 $0x1, v62  }
0x1c4: {  	v37 =	vld.idx.msk [tilespmem:v37+s19+$0x0], $0xffff;
	v53 =	vadd.f32 v53, v54;
	v54 =	vadd.s32 v62, v60;
	v60 =	vshrl.u32 v61, $0x10  }
0x1c5: {  	v60 =	vand.u32 $0x1, v60  }
0x1c6: {  	v57 =	vld.idx.msk [tilespmem:v57+s19+$0x0], $0xffff;
	v54 =	vadd.s32 $0x7FFF, v54;
	v62 =	vshrl.u32 v59, $0x10;
	v60 =	vadd.s32 v60, v61  }
0x1c7: {  	v54 =	vand.u32 $0xFFFF0000, v54;
	v62 =	vand.u32 $0x1, v62;
	v63 =	vshrl.u32 v58, $0x10;
	v55 =	vld.idx.msk [tilespmem:v55+s19+$0x0], $0xffff  }
0x1c8: {  	v60 =	vadd.s32 $0x7FFF, v60;
	v43 =	vld.idx.msk [tilespmem:v43+s19+$0x0], $0xffff;
	v54 =	vmul.f32 v54, v40;
	v61 =	vand.u32 $0x1, v63  }
0x1c9: {  	v60 =	vand.u32 $0xFFFF0000, v60;
	v58 =	vadd.s32 v61, v58;
	v61 =	vshrl.u32 v37, $0x10  }
0x1ca: {  	v59 =	vadd.s32 v62, v59;
	v60 =	vmul.f32 v60, v41;
	v61 =	vand.u32 $0x1, v61  }
0x1cb: {  	v58 =	vadd.s32 $0x7FFF, v58;
	v37 =	vadd.s32 v61, v37;
	v61 =	vshrl.u32 v57, $0x10  }
0x1cc: {  	(xrf2) =	vadd.scan.msk.f32 $0xffff, v44;
	v44 =	vadd.f32 v60, v54;
	v61 =	vand.u32 $0x1, v61;
	v37 =	vadd.s32 $0x7FFF, v37  }
0x1cd: {  	v62 =	vshrl.u32 v55, $0x10;
	v63 =	vshrl.u32 v43, $0x10;
	v57 =	vadd.s32 v61, v57  }
0x1ce: {  	(xrf2) =	vadd.scan.msk.f32 $0xffff, v47;
	v61 =	vand.u32 $0xFFFF0000, v58;
	v37 =	vand.u32 $0xFFFF0000, v37;
	v58 =	vand.u32 $0x1, v62  }
0x1cf: {  	(xrf2) =	vadd.scan.msk.f32 $0xffff, v46;
	v60 =	vand.u32 $0x1, v63;
	v63 =	vadd.s32 $0x7FFF, v59;
	v40 =	vmul.f32 v61, v40  }
0x1d0: {  	(xrf2) =	vadd.scan.msk.f32 $0xffff, v45;
	v37 =	vmul.f32 v37, v41;
	v41 =	vadd.s32 v58, v55;
	v43 =	vadd.s32 v60, v43  }
0x1d1: {  	(xrf2) =	vadd.scan.msk.f32 $0xffff, v49;
	v61 =	vadd.s32 $0x7FFF, v56;
	v45 =	vand.u32 $0xFFFF0000, v63;
	v49 =	vadd.s32 $0x7FFF, v57  }
0x1d2: {  	(xrf2) =	vadd.scan.msk.f32 $0xffff, v51;
	v62 =	vand.u32 $0xFFFF0000, v61;
	v41 =	vadd.s32 $0x7FFF, v41;
	v45 =	vmul.f32 v45, v39  }
0x1d3: {  	(xrf2) =	vadd.scan.msk.f32 $0xffff, v50;
	v46 =	vand.u32 $0xFFFF0000, v49;
	v43 =	vadd.s32 $0x7FFF, v43;
	v41 =	vand.u32 $0xFFFF0000, v41  }
0x1d4: {  	v37 =	vadd.f32 v37, v40;
	v40 =	vmul.f32 v62, v42;
	v39 =	vmul.f32 v41, v39  }
0x1d5: {  	v51 =	vmul.f32 v46, v42;
	v43 =	vand.u32 $0xFFFF0000, v43;
	v50 =	vadd.f32 v45, v44  }
0x1d6: {  	(xrf2) =	vadd.scan.msk.f32 $0xffff, v48;
	v54 =	vmul.f32 v43, v42;
	v40 =	vadd.f32 v40, v53;
	v37 =	vadd.f32 v39, v37  }
0x1d7: {  	v55, _, _ =	vpop (xrf2);
	(xrf2) =	vadd.scan.msk.f32 $0xffff, v52;
	v41 =	vadd.f32 v51, v50  }
0x1d8: {  	v56, _, _ =	vpop (xrf2);
	v42 =	vbroadcast v55, $0xF;
	(xrf2) =	vadd.scan.msk.f32 $0xffff, v40;
	v37 =	vadd.f32 v54, v37  }
0x1d9: {  	v57 =	vbroadcast v56, $0xF;
	v58, _, _ =	vpop (xrf2);
	(xrf2) =	vadd.scan.msk.f32 $0xffff, v41  }
0x1da: {  	v60, _, _ =	vpop (xrf2);
	v59 =	vnsel vm8, $0x0, v42;
	v40 =	vbroadcast v58, $0xF;
	(xrf2) =	vadd.scan.msk.f32 $0xffff, v37  }
0x1db: {  	v61, _, _ =	vpop (xrf2);
	v62 =	vbroadcast v60, $0xF;
	v39 =	vsel vm9, v59, v57  }
0x1dc: {  	v63, _, _ =	vpop (xrf2);
	v39 =	vsel vm10, v39, v40;
	v37 =	vbroadcast v61, $0xF  }
0x1dd: {  	v44, _, _ =	vpop (xrf2);
	v45 =	vbroadcast v63, $0xF;
	v39 =	vsel vm11, v39, v62  }
0x1de: {  	v46 =	vbroadcast v44, $0xF;
	v37 =	vsel vm12, v39, v37  }
0x1df: {  	v37 =	vsel vm13, v37, v45  }
0x1e0: {  	v47, _, _ =	vpop (xrf2);
	v37 =	vsel vm14, v37, v46  }
0x1e1: {  	v48, _, _ =	vpop (xrf2);
	v37 =	vsel vm15, v37, v47  }
0x1e2: {  	v37 =	vsub.f32 $0.0e+00, v37;
	v49, _, _ =	vpop (xrf2)  }
0x1e3: {  	v50, _, _ =	vpop (xrf2)  }
0x1e4: {  	v37 =	vmul.f32 $1.442695020e+00, v37;
	v51, _, _ =	vpop (xrf2)  }
0x1e5: {  	_ =	swait.ge [sflag:s29], $0x14  }
0x1e6: {  	(erf) = vpow2.f32 v37;
	_ =	sdelay $0x2  }
0x1e7: {  	v52 =	vbroadcast v48, $0xF  }
0x1e8: {  	v53 =	vbroadcast v49, $0xF  }
0x1e9: {  	v54 =	vbroadcast v50, $0xF;
	v37 =	vnsel vm0, $0x0, v52  }
0x1ea: {  	v55 =	vbroadcast v51, $0xF;
	v37 =	vsel vm1, v37, v53  }
0x1eb: {  	v37 =	vsel vm2, v37, v54  }
0x1ec: {  	v37 =	vsel vm3, v37, v55  }
0x1ed: {  	v37 =	vsub.f32 $0.0e+00, v37;
	v56 =	vpop (erf)  }
0x1ee: {  	v39 =	vadd.f32 $1.000000000e+00, v56  }
0x1ef: {  	v37 =	vmul.f32 $1.442695020e+00, v37  }
0x1f0: {  	(erf) = vrcp.f32 v39  }
0x1f1: {  	(erf) = vpow2.f32 v37;
	_ =	sdelay $0x7  }
0x1f2: {  	v57 =	vpop (erf)  }
0x1f3: {  	v58 =	vpop (erf)  }
0x1f4: {  	v39 =	vadd.f32 $1.000000000e+00, v58;
	_ =	sdelay $0x1  }
0x1f5: {  	(erf) = vrcp.f32 v39;
	_ =	sdelay $0x2  }
0x1f6: {  	[sflag:s29] =	ssyncset.done $0x0  }
0x1f7: {  	[sflag:s29] =	ssyncadd.s32 $0xFFFFFFEC  }
0x1f8: {  	v59 =	vld [tilespmem:$0x100];
	_ =	sdelay $0x1  }
0x1f9: {  	v60 =	vld [tilespmem:$0x110]  }
0x1fa: {  	vm4 =	vge.f32 v57, $5.000000000e-01  }
0x1fb: {  	v61 =	vsel vm4, $0x1, v36;
	v62 =	vpop (erf)  }
0x1fc: {  	vm4 =	veq.s32 v59, v61;
	vm5 =	vge.f32 v62, $5.000000000e-01  }
0x1fd: {  	[tilespmem:$0x1A180] =	vst v57;
	v39 =	vsel vm4, $0x1, v36;
	v63 =	vsel vm5, $0x1, v36  }
0x1fe: {  	[tilespmem:$0x1A200] =	vst v39;
	vm4 =	veq.s32 v60, v63  }
0x1ff: {  	[tilespmem:$0x1A190] =	vst v62;
	v37 =	vsel vm4, $0x1, v36  }
0x200: {  	[tilespmem:$0x1A210] =	vst v37  }
0x201: {  	[hbm4b:s10+s8] =	stream.linear.scatter [tilespmem:s5], [sflag:$0x1], $0xC, $0x38;
	[tilespmem:$0x1A280] =	vst v63  }
0x202: {  	_ = 	snop  }
0x203: {  	[hbm4b:s11+s8] =	stream.linear.scatter [tilespmem:s7], [sflag:$0x3], $0xC, $0x38;
	[tilespmem:$0x1A280] =	vst v63  }
0x204: {  	_ =	swait.ge [sflag:s15], $0xC  }
.Ltmp4:
0x205: {  	[sflag:s15] =	ssyncset.done $0x0;
	(pc) =	sbr.rel .LBB2_5-.Ltmp4, $4  }
0x206: {  	[sflag:s15] =	ssyncadd.s32 $0xFFFFFFF4  }
0x207: {  	_ =	swait.ge [sflag:s29], $0xC  }
0x208: {  	[sflag:s29] =	ssyncset.done $0x0  }
0x209: {  	[sflag:s29] =	ssyncadd.s32 $0xFFFFFFF4  }
.LBB2_6:
0x20a: {  	_ =	sfence.sel $0x180000  }
0x20b: {  	[bflag:$0x0] =	sbarrier.arrive $0xFFFF  }
0x20c: {  	_ =	strace $0x90000047  }
0x20d: {  	s0 =	stileid.u32;
	[bflag:$0x2] =	sbarrier.arrive $0xFFFF  }
0x20e: {  	p0 =	sne.s32 s0, $0x0;
	s0 =	rddreg [dreg:$0x7]  }
0x20f: {  	s0 =	sadd.s32 @!p0 $0x100000, s0  }
0x210: {  	[sflag:s0] =	ssyncadd.tile.s32 @!p0 $0x1;
	_ =	shalt  }
.Lfunc_end2:
_tile_overlayer_lowered:
.L_overlay_start_2:
0x211: {  	(tag) =	ssettag $0x2  }
0x212: {  	s0 =	rddreg [dreg:$0x0];
	s2 =	stileid.u32  }
0x213: {  	s1 =	rddreg [dreg:$0x1];
	p0 =	sne.s32 s2, $0x0  }
0x214: {  	s3 =	rddreg [dreg:$0x2];
	[bflag:$0x3] =	sbarrier.arrive $0xFFFF;
	s2 =	simm.s32 @!p0 $0x1C04  }
0x215: {  	[timem:s3], [sflag:s2] =	dma.local @!p0 [hbm:s0], s1  }
0x216: {  	s0 =	simm.s32 @!p0 $0x4  }
0x217: {  	_ =	swait.ge @!p0 [sflag:s0], s1  }
0x218: {  	s1 =	ssub.s32 @!p0 $0x0, s1;
	[sflag:s0] =	ssyncset.done @!p0 $0x0  }
0x219: {  	[sflag:s0] =	ssyncadd.s32 @!p0 s1  }
0x21a: {  	[bflag:$0x3] =	sbarrier.arrive $0xFFFF  }
0x21b: {  	_ =	shalt  }

</sc_bundles>
